<compile_context>
chip_gen: v7x
topology: tpu7x:2x2x1
jax: 0.10.2.dev20260603
libtpu: 0.0.44.dev20260713+nightly
codegen_flags: <defaults>
</compile_context>

<pallas_src>
import jax
import jax.numpy as jnp
from jax import lax
from jax.experimental import pallas as pl
from jax.experimental.pallas import tpu as pltpu
from jax.experimental.pallas import tpu_sc as plsc

N = 10000
NP = 10240
E = 320000
D_IN = 128
HID = 128
NCLS = 64

ROWB = 1024
NCORES = 2
NSUB = 16
CH1 = 80
CH2 = 80
E_PER_TILE_S1 = E // NSUB
E_PER_TILE_S2 = E // (NCORES * NSUB)
ZR = NP // NSUB


def _leaky(v):
    return jnp.where(v > 0, v, 0.2 * v)


def _tc_feats_body(x_ref, w_ref, aa_ref, h_ref, asad_ref, mm_ref):
    i = pl.program_id(0)
    h = jnp.dot(x_ref[...], w_ref[...], preferred_element_type=jnp.float32)
    h_ref[...] = h
    asad = lax.dot_general(aa_ref[...], h, (((1,), (1,)), ((), ())),
                           preferred_element_type=jnp.float32)
    asad_ref[...] = asad

    @pl.when(i == 0)
    def _():
        mm_ref[...] = jnp.full((2, 128), -jnp.inf, jnp.float32)

    cur = jnp.max(asad, axis=1, keepdims=True)
    mm_ref[...] = jnp.maximum(mm_ref[...], jnp.broadcast_to(cur, (2, 128)))


def _tc_feats(x, w, aa, d_out):
    n, d_in = x.shape
    grid = n // ROWB
    return pl.pallas_call(
        _tc_feats_body,
        grid=(grid,),
        in_specs=[
            pl.BlockSpec((ROWB, d_in), lambda i: (i, 0)),
            pl.BlockSpec((d_in, d_out), lambda i: (0, 0)),
            pl.BlockSpec((2, d_out), lambda i: (0, 0)),
        ],
        out_specs=[
            pl.BlockSpec((ROWB, d_out), lambda i: (i, 0)),
            pl.BlockSpec((2, ROWB), lambda i: (0, i)),
            pl.BlockSpec((2, 128), lambda i: (0, 0)),
        ],
        out_shape=[
            jax.ShapeDtypeStruct((n, d_out), jnp.float32),
            jax.ShapeDtypeStruct((2, n), jnp.float32),
            jax.ShapeDtypeStruct((2, 128), jnp.float32),
        ],
    )(x, w, aa)


def _tc_mid_body(pa_ref, pb_ref, da_ref, db_ref, b_ref, w_ref, aa_ref,
                 h_ref, asad_ref, mm_ref):
    i = pl.program_id(0)
    den = da_ref[...] + db_ref[...] + 1e-16
    hin = jnp.maximum((pa_ref[...] + pb_ref[...]) / den + b_ref[...], 0.0)
    h = jnp.dot(hin, w_ref[...], preferred_element_type=jnp.float32)
    h_ref[...] = h
    asad = lax.dot_general(aa_ref[...], h, (((1,), (1,)), ((), ())),
                           preferred_element_type=jnp.float32)
    asad_ref[...] = asad

    @pl.when(i == 0)
    def _():
        mm_ref[...] = jnp.full((2, 128), -jnp.inf, jnp.float32)

    cur = jnp.max(asad, axis=1, keepdims=True)
    mm_ref[...] = jnp.maximum(mm_ref[...], jnp.broadcast_to(cur, (2, 128)))


def _tc_mid(pa, pb, da, db, b, w, aa, d_out):
    n, d_in = pa.shape
    grid = n // ROWB
    return pl.pallas_call(
        _tc_mid_body,
        grid=(grid,),
        in_specs=[
            pl.BlockSpec((ROWB, d_in), lambda i: (i, 0)),
            pl.BlockSpec((ROWB, d_in), lambda i: (i, 0)),
            pl.BlockSpec((ROWB, 1), lambda i: (i, 0)),
            pl.BlockSpec((ROWB, 1), lambda i: (i, 0)),
            pl.BlockSpec((1, d_in), lambda i: (0, 0)),
            pl.BlockSpec((d_in, d_out), lambda i: (0, 0)),
            pl.BlockSpec((2, d_out), lambda i: (0, 0)),
        ],
        out_specs=[
            pl.BlockSpec((ROWB, d_out), lambda i: (i, 0)),
            pl.BlockSpec((2, ROWB), lambda i: (0, i)),
            pl.BlockSpec((2, 128), lambda i: (0, 0)),
        ],
        out_shape=[
            jax.ShapeDtypeStruct((n, d_out), jnp.float32),
            jax.ShapeDtypeStruct((2, n), jnp.float32),
            jax.ShapeDtypeStruct((2, 128), jnp.float32),
        ],
    )(pa, pb, da, db, b, w, aa)


def _tc_fin_body(pa_ref, pb_ref, da_ref, db_ref, b_ref, o_ref):
    d = o_ref.shape[1]
    den = da_ref[...] + db_ref[...] + 1e-16
    o_ref[...] = (pa_ref[:, :d] + pb_ref[:, :d]) / den + b_ref[...]


def _tc_fin(pa, pb, da, db, b):
    n, din = pa.shape
    d = b.shape[1]
    grid = n // ROWB
    return pl.pallas_call(
        _tc_fin_body,
        grid=(grid,),
        in_specs=[
            pl.BlockSpec((ROWB, din), lambda i: (i, 0)),
            pl.BlockSpec((ROWB, din), lambda i: (i, 0)),
            pl.BlockSpec((ROWB, 1), lambda i: (i, 0)),
            pl.BlockSpec((ROWB, 1), lambda i: (i, 0)),
            pl.BlockSpec((1, d), lambda i: (0, 0)),
        ],
        out_specs=pl.BlockSpec((ROWB, d), lambda i: (i, 0)),
        out_shape=jax.ShapeDtypeStruct((n, d), jnp.float32),
    )(pa, pb, da, db, b)


EPT = E // (NCORES * NSUB)
CH = 80
NCH = EPT // CH
BLK = 5
SLABE = BLK * CH
NBLK = NCH // BLK


def _make_sc_layer(d_feat, d_active):
    mesh = plsc.VectorSubcoreMesh(core_axis_name="c", subcore_axis_name="s")

    def body(h_hbm, as_hbm, ad_hbm, mm_hbm, src_hbm, dst_hbm, ew_hbm,
             zrow_hbm, z1_hbm, pa_hbm, pb_hbm, da_hbm, db_hbm,
             as_v, ad_v, mm_v, sidx_v, didx_v, ew_v, ee_v, wv_v,
             rows_v, acc_s, den_s, sem_g, sem_s, sem_i):
        c = lax.axis_index("c")
        s = lax.axis_index("s")
        w = c * NSUB + s
        base_e = w * EPT

        base_c = w * NCH

        def load_slab(o, a):
            off = base_c + o * BLK
            pltpu.async_copy(src_hbm.at[pl.ds(off, BLK)],
                             sidx_v.at[pl.ds(a * BLK, BLK)], sem_i)
            pltpu.async_copy(dst_hbm.at[pl.ds(off, BLK)],
                             didx_v.at[pl.ds(a * BLK, BLK)], sem_i)
            pltpu.async_copy(ew_hbm.at[pl.ds(off, BLK)],
                             ew_v.at[pl.ds(a * BLK, BLK)], sem_i)

        def wait_slab(a):
            pltpu.make_async_copy(src_hbm.at[pl.ds(0, BLK)],
                                  sidx_v.at[pl.ds(a * BLK, BLK)],
                                  sem_i).wait()
            pltpu.make_async_copy(dst_hbm.at[pl.ds(0, BLK)],
                                  didx_v.at[pl.ds(a * BLK, BLK)],
                                  sem_i).wait()
            pltpu.make_async_copy(ew_hbm.at[pl.ds(0, BLK)],
                                  ew_v.at[pl.ds(a * BLK, BLK)],
                                  sem_i).wait()

        def fire_gather(row, b):
            pltpu.async_copy(h_hbm.at[sidx_v.at[row, 0]], rows_v.at[b],
                             sem_g)

        def wait_gather(b):
            pltpu.make_async_copy(h_hbm.at[sidx_v.at[0, 0]], rows_v.at[b],
                                  sem_g).wait()

        pltpu.sync_copy(zrow_hbm, acc_s.at[pl.ds(s * ZR, ZR)])
        pltpu.sync_copy(z1_hbm, den_s.at[pl.ds(s * ZR, ZR)])
        pltpu.sync_copy(as_hbm, as_v)
        pltpu.sync_copy(ad_hbm, ad_v)
        pltpu.sync_copy(mm_hbm, mm_v)
        plsc.subcore_barrier()

        msum = mm_v[0, pl.ds(0, 16)][0] + mm_v[1, pl.ds(0, 16)][0]
        shift = jnp.where(msum > 0, msum, 0.2 * msum)

        load_slab(0, 0)
        wait_slab(0)
        fire_gather(0, 0)
        fire_gather(1, 1)

        def one_chunk(k, buf):
            blk = lax.div(k, BLK)
            pos = lax.rem(k, BLK)
            slab = lax.rem(blk, 2)
            row = slab * BLK + pos

            @pl.when(jnp.logical_and(pos == 0, blk + 1 < NBLK))
            def _():
                load_slab(blk + 1, 1 - slab)

            wait_gather(buf)

            def grp_body(g, cy2):
                off = g * 16
                si = sidx_v[row, 0, pl.ds(off, 16)]
                di = didx_v[row, 0, pl.ds(off, 16)]
                e = plsc.load_gather(as_v, [si]) + plsc.load_gather(ad_v, [di])
                e = _leaky(e)
                ex = jnp.exp(e - shift)
                ee_v[0, pl.ds(off, 16)] = ex
                wv = ex * ew_v[row, 0, pl.ds(off, 16)]

                def row_body(rh, cy):
                    dn = lax.GatherDimensionNumbers(
                        offset_dims=(), collapsed_slice_dims=(0,),
                        start_index_map=(0,))
                    pb = lax.GatherScatterMode.PROMISE_IN_BOUNDS
                    r0 = 2 * rh
                    a0 = lax.gather(wv, jnp.zeros((16, 1), jnp.int32) + r0,
                                    dn, (1,), mode=pb)
                    r1 = r0 + 1
                    a1 = lax.gather(wv, jnp.zeros((16, 1), jnp.int32) + r1,
                                    dn, (1,), mode=pb)
                    rr = g * 16 + r0
                    for j in range(d_active // 16):
                        sl = pl.ds(j * 16, 16)
                        rows_v[buf, rr, sl] = rows_v[buf, rr, sl] * a0
                        rows_v[buf, rr + 1, sl] = rows_v[buf, rr + 1, sl] * a1
                    return cy

                lax.fori_loop(0, 8, row_body, 0)
                return cy2

            lax.fori_loop(0, CH // 16, grp_body, 0)
            d1 = pltpu.async_copy(rows_v.at[buf], acc_s.at[didx_v.at[row, 0]],
                                  sem_s, add=True)
            d2 = pltpu.async_copy(ee_v.at[0], den_s.at[didx_v.at[row, 0]],
                                  sem_s, add=True)
            d1.wait()
            d2.wait()

            @pl.when(jnp.logical_and(pos == 3, blk + 1 < NBLK))
            def _():
                wait_slab(1 - slab)

            nxt = k + 2

            @pl.when(nxt < NCH)
            def _():
                nrow = lax.rem(lax.div(nxt, BLK), 2) * BLK + lax.rem(nxt, BLK)
                fire_gather(nrow, buf)

        def pair_step(m, carry):
            one_chunk(2 * m, 0)
            one_chunk(2 * m + 1, 1)
            return carry

        lax.fori_loop(0, NCH // 2, pair_step, 0)
        one_chunk(NCH - 1, 0)
        plsc.subcore_barrier()

        @pl.when(c == 0)
        def _():
            pltpu.sync_copy(acc_s.at[pl.ds(s * ZR, ZR)],
                            pa_hbm.at[pl.ds(s * ZR, ZR)])
            pltpu.sync_copy(den_s.at[pl.ds(s * ZR, ZR)],
                            da_hbm.at[pl.ds(s * ZR, ZR)])

        @pl.when(c == 1)
        def _():
            pltpu.sync_copy(acc_s.at[pl.ds(s * ZR, ZR)],
                            pb_hbm.at[pl.ds(s * ZR, ZR)])
            pltpu.sync_copy(den_s.at[pl.ds(s * ZR, ZR)],
                            db_hbm.at[pl.ds(s * ZR, ZR)])

    return pl.kernel(
        body,
        out_type=[
            jax.ShapeDtypeStruct((NP, d_feat), jnp.float32),
            jax.ShapeDtypeStruct((NP, d_feat), jnp.float32),
            jax.ShapeDtypeStruct((NP,), jnp.float32),
            jax.ShapeDtypeStruct((NP,), jnp.float32),
        ],
        mesh=mesh,
        compiler_params=pltpu.CompilerParams(needs_layout_passes=False),
        scratch_types=[
            pltpu.VMEM((NP,), jnp.float32),
            pltpu.VMEM((NP,), jnp.float32),
            pltpu.VMEM((2, 128), jnp.float32),
            pltpu.VMEM((2 * BLK, 1, CH), jnp.int32),
            pltpu.VMEM((2 * BLK, 1, CH), jnp.int32),
            pltpu.VMEM((2 * BLK, 1, CH), jnp.float32),
            pltpu.VMEM((1, CH), jnp.float32),
            pltpu.VMEM((16,), jnp.float32),
            pltpu.VMEM((2, CH, d_feat), jnp.float32),
            pltpu.VMEM_SHARED((NP, d_feat), jnp.float32),
            pltpu.VMEM_SHARED((NP,), jnp.float32),
            pltpu.SemaphoreType.DMA,
            pltpu.SemaphoreType.DMA,
            pltpu.SemaphoreType.DMA,
        ],
    )


_sc_layer1 = _make_sc_layer(HID, HID)
_sc_layer2 = _make_sc_layer(128, NCLS)


@jax.jit
def kernel(x, edge_index, edge_weight, W1, a_src1, a_dst1, b1,
           W2, a_src2, a_dst2, b2):
    esrc = edge_index[0].astype(jnp.int32).reshape(E // CH, 1, CH)
    edst = edge_index[1].astype(jnp.int32).reshape(E // CH, 1, CH)
    ew3 = edge_weight.reshape(E // CH, 1, CH)
    aa1 = jnp.concatenate([a_src1, a_dst1], axis=0)
    aa2 = jnp.pad(jnp.concatenate([a_src2, a_dst2], axis=0),
                  ((0, 0), (0, 128 - NCLS)))
    W2p = jnp.pad(W2, ((0, 0), (0, 128 - NCLS)))
    zrow1 = jnp.zeros((ZR, HID), jnp.float32)
    zrow2 = jnp.zeros((ZR, 128), jnp.float32)
    z1 = jnp.zeros((ZR,), jnp.float32)
    xp = jnp.pad(x, ((0, NP - N), (0, 0)))

    h1, asad1, mm1 = _tc_feats(xp, W1, aa1, HID)
    pa1, pb1, da1, db1 = _sc_layer1(h1, asad1[0], asad1[1], mm1, esrc, edst,
                                    ew3, zrow1, z1)
    h2, asad2, mm2 = _tc_mid(pa1, pb1, da1.reshape(NP, 1), db1.reshape(NP, 1),
                             b1.reshape(1, HID), W2p, aa2, 128)
    pa2, pb2, da2, db2 = _sc_layer2(h2, asad2[0], asad2[1], mm2, esrc, edst,
                                    ew3, zrow2, z1)
    out = _tc_fin(pa2, pb2, da2.reshape(NP, 1), db2.reshape(NP, 1),
                  b2.reshape(1, NCLS))
    return out[:N]

# --- scband reference (transcript-rebuilt; emitter-appended) ---
"""Pipeline reference for scband-gat-2362232013429 (READ-ONLY COPY).

The authoritative reference and input builder live on the scoring server;
editing this copy changes nothing except your own understanding.
"""

import jax, jax.numpy as jnp
import numpy as np

N = 10000
E = 320000
D_IN = 128
HID = 128
NCLS = 64

def setup_inputs(seed: int = 0):
    key = jax.random.key(seed)
    ks = jax.random.split(key, 12)
    x = jax.random.normal(ks[0], (N, D_IN), dtype=jnp.float32)
    edge_index = jax.random.randint(ks[1], (2, E), 0, N)
    edge_weight = jax.random.uniform(ks[2], (E,), dtype=jnp.float32)
    W1 = jax.random.normal(ks[3], (D_IN, HID), dtype=jnp.float32) * (1.0 / np.sqrt(D_IN))
    a_src1 = jax.random.normal(ks[4], (1, HID), dtype=jnp.float32) * 0.1
    a_dst1 = jax.random.normal(ks[5], (1, HID), dtype=jnp.float32) * 0.1
    b1 = jnp.zeros((HID,), dtype=jnp.float32)
    W2 = jax.random.normal(ks[6], (HID, NCLS), dtype=jnp.float32) * (1.0 / np.sqrt(HID))
    a_src2 = jax.random.normal(ks[7], (1, NCLS), dtype=jnp.float32) * 0.1
    a_dst2 = jax.random.normal(ks[8], (1, NCLS), dtype=jnp.float32) * 0.1
    b2 = jnp.zeros((NCLS,), dtype=jnp.float32)
    return {"x": x, "edge_index": edge_index, "edge_weight": edge_weight,
            "W1": W1, "a_src1": a_src1, "a_dst1": a_dst1, "b1": b1,
            "W2": W2, "a_src2": a_src2, "a_dst2": a_dst2, "b2": b2}

def _gat_layer(x, edge_index, edge_weight, W, a_src, a_dst, b, heads, out_dim, concat):
    n = x.shape[0]
    h = (x @ W).reshape(n, heads, out_dim)
    src = edge_index[0]
    dst = edge_index[1]
    alpha_src = jnp.sum(h * a_src[None, :, :], axis=-1)
    alpha_dst = jnp.sum(h * a_dst[None, :, :], axis=-1)
    e = jax.nn.leaky_relu(alpha_src[src] + alpha_dst[dst], negative_slope=0.2)
    e_max = jax.lax.stop_gradient(jax.ops.segment_max(e, dst, num_segments=n))
    e_max = jnp.where(jnp.isfinite(e_max), e_max, 0.0)
    e_exp = jnp.exp(e - e_max[dst])
    denom = jax.ops.segment_sum(e_exp, dst, num_segments=n)
    alpha = e_exp / (denom[dst] + 1e-16)
    alpha = alpha * edge_weight[:, None]
    msg = h[src] * alpha[:, :, None]
    out = jax.ops.segment_sum(msg, dst, num_segments=n)
    if concat:
        out = out.reshape(n, heads * out_dim)
    else:
        out = jnp.mean(out, axis=1)
    return out + b

def reference(x, edge_index, edge_weight, W1, a_src1, a_dst1, b1, W2, a_src2, a_dst2, b2):
    h = _gat_layer(x, edge_index, edge_weight, W1, a_src1, a_dst1, b1, 1, HID, True)
    h = jax.nn.relu(h)
    out = _gat_layer(h, edge_index, edge_weight, W2, a_src2, a_dst2, b2, 1, NCLS, False)
    return out

if __name__ == "__main__":
    import jax
    _d = setup_inputs()
    print(jax.jit(kernel)(*tuple(_d.values())))

</pallas_src>

<mosaic_0001>
#map = affine_map<(d0, d1) -> (0, 0)>
#map1 = affine_map<(d0, d1) -> (0)>
#map2 = affine_map<(d0, d1) -> (0, 0, 0)>
module attributes {stable_mosaic.version = 14 : i64} {
  func.func @body(%arg0: i32, %arg1: i32, %arg2: memref<10240x128xf32, #tpu.memory_space<hbm>>, %arg3: memref<10240xf32, #tpu.memory_space<hbm>>, %arg4: memref<10240xf32, #tpu.memory_space<hbm>>, %arg5: memref<2x128xf32, #tpu.memory_space<hbm>>, %arg6: memref<4000x1x80xi32, #tpu.memory_space<hbm>>, %arg7: memref<4000x1x80xi32, #tpu.memory_space<hbm>>, %arg8: memref<4000x1x80xf32, #tpu.memory_space<hbm>>, %arg9: memref<640x128xf32, #tpu.memory_space<hbm>>, %arg10: memref<640xf32, #tpu.memory_space<hbm>>, %arg11: memref<10240x128xf32, #tpu.memory_space<hbm>>, %arg12: memref<10240x128xf32, #tpu.memory_space<hbm>>, %arg13: memref<10240xf32, #tpu.memory_space<hbm>>, %arg14: memref<10240xf32, #tpu.memory_space<hbm>>, %arg15: memref<10240xf32, #tpu.memory_space<vmem>>, %arg16: memref<10240xf32, #tpu.memory_space<vmem>>, %arg17: memref<2x128xf32, #tpu.memory_space<vmem>>, %arg18: memref<10x1x80xi32, #tpu.memory_space<vmem>>, %arg19: memref<10x1x80xi32, #tpu.memory_space<vmem>>, %arg20: memref<10x1x80xf32, #tpu.memory_space<vmem>>, %arg21: memref<1x80xf32, #tpu.memory_space<vmem>>, %arg22: memref<16xf32, #tpu.memory_space<vmem>>, %arg23: memref<2x80x128xf32, #tpu.memory_space<vmem>>, %arg24: memref<10240x128xf32, #tpu.memory_space<vmem_shared>>, %arg25: memref<10240xf32, #tpu.memory_space<vmem_shared>>, %arg26: memref<!tpu.dma_semaphore, #tpu.memory_space<semaphore_mem>>, %arg27: memref<!tpu.dma_semaphore, #tpu.memory_space<semaphore_mem>>, %arg28: memref<!tpu.dma_semaphore, #tpu.memory_space<semaphore_mem>>) attributes {dimension_semantics = [#tpu.dimension_semantics<core_parallel>, #tpu.dimension_semantics<subcore_parallel>], iteration_bounds = array<i64: 2, 16>, scalar_prefetch = 0 : i64, scratch_operands = 14 : i64, tpu.core_type = #tpu.core_type<sc_vector_subcore>, window_params = [{transform_indices = #map}, {transform_indices = #map1}, {transform_indices = #map1}, {transform_indices = #map}, {transform_indices = #map2}, {transform_indices = #map2}, {transform_indices = #map2}, {transform_indices = #map}, {transform_indices = #map1}, {transform_indices = #map}, {transform_indices = #map}, {transform_indices = #map1}, {transform_indices = #map1}]} {
    %mul3A = arith.constant 16 : i32
    %mul3A_0 = arith.muli %arg0, %mul3A : i32
    %add3A = arith.addi %mul3A_0, %arg1 : i32
    %mul3A_1 = arith.constant 10000 : i32
    %mul3A_2 = arith.muli %add3A, %mul3A_1 : i32
    %mul3A_3 = arith.constant 125 : i32
    %mul3A_4 = arith.muli %add3A, %mul3A_3 : i32
    %mul3A_5 = arith.constant 640 : i32
    %mul3A_6 = arith.muli %arg1, %mul3A_5 : i32
    "tpu.region"() ({
      %run_scoped3A = tpu.sem_alloc : memref<!tpu.dma_semaphore, #tpu.memory_space<semaphore_mem>>
      %dma_start3A_241 = arith.constant 0 : i32
      %dma_start3A_242 = tpu.memref_slice %arg24[%mul3A_6, %dma_start3A_241] : memref<10240x128xf32, #tpu.memory_space<vmem_shared>> -> memref<640x128xf32, #tpu.memory_space<vmem_shared>>
      tpu.enqueue_dma source(%arg9 : memref<640x128xf32, #tpu.memory_space<hbm>>) target(%dma_start3A_242 : memref<640x128xf32, #tpu.memory_space<vmem_shared>>) target_semaphore(%run_scoped3A : memref<!tpu.dma_semaphore, #tpu.memory_space<semaphore_mem>>)
      %dma_wait3A_243 = arith.constant 0 : i32
      %dma_wait3A_244 = tpu.memref_slice %arg24[%mul3A_6, %dma_wait3A_243] : memref<10240x128xf32, #tpu.memory_space<vmem_shared>> -> memref<640x128xf32, #tpu.memory_space<vmem_shared>>
      tpu.wait_dma2 semaphore(%run_scoped3A : memref<!tpu.dma_semaphore, #tpu.memory_space<semaphore_mem>>) src(%arg9 : memref<640x128xf32, #tpu.memory_space<hbm>>) dst(%dma_wait3A_244 : memref<640x128xf32, #tpu.memory_space<vmem_shared>>)
      tpu.yield
    }) : () -> ()
    %mul3A_7 = arith.constant 640 : i32
    %mul3A_8 = arith.muli %arg1, %mul3A_7 : i32
    "tpu.region"() ({
      %run_scoped3A = tpu.sem_alloc : memref<!tpu.dma_semaphore, #tpu.memory_space<semaphore_mem>>
      %dma_start3A_241 = tpu.memref_slice %arg25[%mul3A_8] : memref<10240xf32, #tpu.memory_space<vmem_shared>> -> memref<640xf32, #tpu.memory_space<vmem_shared>>
      tpu.enqueue_dma source(%arg10 : memref<640xf32, #tpu.memory_space<hbm>>) target(%dma_start3A_241 : memref<640xf32, #tpu.memory_space<vmem_shared>>) target_semaphore(%run_scoped3A : memref<!tpu.dma_semaphore, #tpu.memory_space<semaphore_mem>>)
      %dma_wait3A_242 = tpu.memref_slice %arg25[%mul3A_8] : memref<10240xf32, #tpu.memory_space<vmem_shared>> -> memref<640xf32, #tpu.memory_space<vmem_shared>>
      tpu.wait_dma2 semaphore(%run_scoped3A : memref<!tpu.dma_semaphore, #tpu.memory_space<semaphore_mem>>) src(%arg10 : memref<640xf32, #tpu.memory_space<hbm>>) dst(%dma_wait3A_242 : memref<640xf32, #tpu.memory_space<vmem_shared>>)
      tpu.yield
    }) : () -> ()
    "tpu.region"() ({
      %run_scoped3A = tpu.sem_alloc : memref<!tpu.dma_semaphore, #tpu.memory_space<semaphore_mem>>
      tpu.enqueue_dma source(%arg3 : memref<10240xf32, #tpu.memory_space<hbm>>) target(%arg15 : memref<10240xf32, #tpu.memory_space<vmem>>) target_semaphore(%run_scoped3A : memref<!tpu.dma_semaphore, #tpu.memory_space<semaphore_mem>>)
      tpu.wait_dma2 semaphore(%run_scoped3A : memref<!tpu.dma_semaphore, #tpu.memory_space<semaphore_mem>>) src(%arg3 : memref<10240xf32, #tpu.memory_space<hbm>>) dst(%arg15 : memref<10240xf32, #tpu.memory_space<vmem>>)
      tpu.yield
    }) : () -> ()
    "tpu.region"() ({
      %run_scoped3A = tpu.sem_alloc : memref<!tpu.dma_semaphore, #tpu.memory_space<semaphore_mem>>
      tpu.enqueue_dma source(%arg4 : memref<10240xf32, #tpu.memory_space<hbm>>) target(%arg16 : memref<10240xf32, #tpu.memory_space<vmem>>) target_semaphore(%run_scoped3A : memref<!tpu.dma_semaphore, #tpu.memory_space<semaphore_mem>>)
      tpu.wait_dma2 semaphore(%run_scoped3A : memref<!tpu.dma_semaphore, #tpu.memory_space<semaphore_mem>>) src(%arg4 : memref<10240xf32, #tpu.memory_space<hbm>>) dst(%arg16 : memref<10240xf32, #tpu.memory_space<vmem>>)
      tpu.yield
    }) : () -> ()
    "tpu.region"() ({
      %run_scoped3A = tpu.sem_alloc : memref<!tpu.dma_semaphore, #tpu.memory_space<semaphore_mem>>
      tpu.enqueue_dma source(%arg5 : memref<2x128xf32, #tpu.memory_space<hbm>>) target(%arg17 : memref<2x128xf32, #tpu.memory_space<vmem>>) target_semaphore(%run_scoped3A : memref<!tpu.dma_semaphore, #tpu.memory_space<semaphore_mem>>)
      tpu.wait_dma2 semaphore(%run_scoped3A : memref<!tpu.dma_semaphore, #tpu.memory_space<semaphore_mem>>) src(%arg5 : memref<2x128xf32, #tpu.memory_space<hbm>>) dst(%arg17 : memref<2x128xf32, #tpu.memory_space<vmem>>)
      tpu.yield
    }) : () -> ()
    %barrier3A = arith.constant 0 : index
    tpu.barrier barrier_id(%barrier3A)
    %get3A = arith.constant 0 : i32
    %get3A_9 = arith.index_cast %get3A : i32 to index
    %get3A_10 = arith.constant 0 : index
    %get3A_11 = tpu.vector_load %arg17[%get3A_9, %get3A_10] {strides = array<i32>} : memref<2x128xf32, #tpu.memory_space<vmem>>, vector<16xf32>,
    %slice3A = vector.extract_strided_slice %get3A_11 {offsets = [0], sizes = [1], strides = [1]} : vector<16xf32> to vector<1xf32>
    %squeeze3A = vector.extract %slice3A[0] : f32 from vector<1xf32>
    %get3A_12 = arith.constant 1 : i32
    %get3A_13 = arith.index_cast %get3A_12 : i32 to index
    %get3A_14 = arith.constant 0 : index
    %get3A_15 = tpu.vector_load %arg17[%get3A_13, %get3A_14] {strides = array<i32>} : memref<2x128xf32, #tpu.memory_space<vmem>>, vector<16xf32>,
    %slice3A_16 = vector.extract_strided_slice %get3A_15 {offsets = [0], sizes = [1], strides = [1]} : vector<16xf32> to vector<1xf32>
    %squeeze3A_17 = vector.extract %slice3A_16[0] : f32 from vector<1xf32>
    %add3A_18 = arith.addf %squeeze3A, %squeeze3A_17 : f32
    %gt3A = arith.constant 0.000000e+00 : f32
    %gt3A_19 = arith.cmpf ogt, %add3A_18, %gt3A : f32
    %mul3A_20 = arith.constant 2.000000e-01 : f32
    %mul3A_21 = arith.mulf %mul3A_20, %add3A_18 : f32
    %select_n3A = arith.select %gt3A_19, %add3A_18, %mul3A_21 : f32
    %add3A_22 = arith.constant 0 : i32
    %add3A_23 = arith.addi %mul3A_4, %add3A_22 : i32
    %dma_start3A = arith.constant 0 : i32
    %dma_start3A_24 = arith.constant 0 : i32
    %dma_start3A_25 = arith.constant 0 : i32
    %dma_start3A_26 = tpu.memref_slice %arg18[%dma_start3A, %dma_start3A_24, %dma_start3A_25] : memref<10x1x80xi32, #tpu.memory_space<vmem>> -> memref<5x1x80xi32, #tpu.memory_space<vmem>>
    %dma_start3A_27 = arith.constant 0 : i32
    %dma_start3A_28 = arith.constant 0 : i32
    %dma_start3A_29 = tpu.memref_slice %arg6[%add3A_23, %dma_start3A_27, %dma_start3A_28] : memref<4000x1x80xi32, #tpu.memory_space<hbm>> -> memref<5x1x80xi32, #tpu.memory_space<hbm>>
    %dma_start3A_30 = arith.constant 0 : i32
    %dma_start3A_31 = arith.constant 0 : i32
    %dma_start3A_32 = arith.constant 0 : i32
    %dma_start3A_33 = tpu.memref_slice %arg18[%dma_start3A_30, %dma_start3A_31, %dma_start3A_32] : memref<10x1x80xi32, #tpu.memory_space<vmem>> -> memref<5x1x80xi32, #tpu.memory_space<vmem>>
    %dma_start3A_34 = arith.constant 0 : i32
    %dma_start3A_35 = arith.constant 0 : i32
    %dma_start3A_36 = tpu.memref_slice %arg6[%add3A_23, %dma_start3A_34, %dma_start3A_35] : memref<4000x1x80xi32, #tpu.memory_space<hbm>> -> memref<5x1x80xi32, #tpu.memory_space<hbm>>
    tpu.enqueue_dma source(%dma_start3A_36 : memref<5x1x80xi32, #tpu.memory_space<hbm>>) target(%dma_start3A_33 : memref<5x1x80xi32, #tpu.memory_space<vmem>>) target_semaphore(%arg28 : memref<!tpu.dma_semaphore, #tpu.memory_space<semaphore_mem>>)
    %dma_start3A_37 = arith.constant 0 : i32
    %dma_start3A_38 = arith.constant 0 : i32
    %dma_start3A_39 = arith.constant 0 : i32
    %dma_start3A_40 = tpu.memref_slice %arg19[%dma_start3A_37, %dma_start3A_38, %dma_start3A_39] : memref<10x1x80xi32, #tpu.memory_space<vmem>> -> memref<5x1x80xi32, #tpu.memory_space<vmem>>
    %dma_start3A_41 = arith.constant 0 : i32
    %dma_start3A_42 = arith.constant 0 : i32
    %dma_start3A_43 = tpu.memref_slice %arg7[%add3A_23, %dma_start3A_41, %dma_start3A_42] : memref<4000x1x80xi32, #tpu.memory_space<hbm>> -> memref<5x1x80xi32, #tpu.memory_space<hbm>>
    %dma_start3A_44 = arith.constant 0 : i32
    %dma_start3A_45 = arith.constant 0 : i32
    %dma_start3A_46 = arith.constant 0 : i32
    %dma_start3A_47 = tpu.memref_slice %arg19[%dma_start3A_44, %dma_start3A_45, %dma_start3A_46] : memref<10x1x80xi32, #tpu.memory_space<vmem>> -> memref<5x1x80xi32, #tpu.memory_space<vmem>>
    %dma_start3A_48 = arith.constant 0 : i32
    %dma_start3A_49 = arith.constant 0 : i32
    %dma_start3A_50 = tpu.memref_slice %arg7[%add3A_23, %dma_start3A_48, %dma_start3A_49] : memref<4000x1x80xi32, #tpu.memory_space<hbm>> -> memref<5x1x80xi32, #tpu.memory_space<hbm>>
    tpu.enqueue_dma source(%dma_start3A_50 : memref<5x1x80xi32, #tpu.memory_space<hbm>>) target(%dma_start3A_47 : memref<5x1x80xi32, #tpu.memory_space<vmem>>) target_semaphore(%arg28 : memref<!tpu.dma_semaphore, #tpu.memory_space<semaphore_mem>>)
    %dma_start3A_51 = arith.constant 0 : i32
    %dma_start3A_52 = arith.constant 0 : i32
    %dma_start3A_53 = arith.constant 0 : i32
    %dma_start3A_54 = tpu.memref_slice %arg20[%dma_start3A_51, %dma_start3A_52, %dma_start3A_53] : memref<10x1x80xf32, #tpu.memory_space<vmem>> -> memref<5x1x80xf32, #tpu.memory_space<vmem>>
    %dma_start3A_55 = arith.constant 0 : i32
    %dma_start3A_56 = arith.constant 0 : i32
    %dma_start3A_57 = tpu.memref_slice %arg8[%add3A_23, %dma_start3A_55, %dma_start3A_56] : memref<4000x1x80xf32, #tpu.memory_space<hbm>> -> memref<5x1x80xf32, #tpu.memory_space<hbm>>
    %dma_start3A_58 = arith.constant 0 : i32
    %dma_start3A_59 = arith.constant 0 : i32
    %dma_start3A_60 = arith.constant 0 : i32
    %dma_start3A_61 = tpu.memref_slice %arg20[%dma_start3A_58, %dma_start3A_59, %dma_start3A_60] : memref<10x1x80xf32, #tpu.memory_space<vmem>> -> memref<5x1x80xf32, #tpu.memory_space<vmem>>
    %dma_start3A_62 = arith.constant 0 : i32
    %dma_start3A_63 = arith.constant 0 : i32
    %dma_start3A_64 = tpu.memref_slice %arg8[%add3A_23, %dma_start3A_62, %dma_start3A_63] : memref<4000x1x80xf32, #tpu.memory_space<hbm>> -> memref<5x1x80xf32, #tpu.memory_space<hbm>>
    tpu.enqueue_dma source(%dma_start3A_64 : memref<5x1x80xf32, #tpu.memory_space<hbm>>) target(%dma_start3A_61 : memref<5x1x80xf32, #tpu.memory_space<vmem>>) target_semaphore(%arg28 : memref<!tpu.dma_semaphore, #tpu.memory_space<semaphore_mem>>)
    %dma_wait3A = arith.constant 0 : i32
    %dma_wait3A_65 = arith.constant 0 : i32
    %dma_wait3A_66 = arith.constant 0 : i32
    %dma_wait3A_67 = tpu.memref_slice %arg18[%dma_wait3A, %dma_wait3A_65, %dma_wait3A_66] : memref<10x1x80xi32, #tpu.memory_space<vmem>> -> memref<5x1x80xi32, #tpu.memory_space<vmem>>
    %dma_wait3A_68 = arith.constant 0 : i32
    %dma_wait3A_69 = arith.constant 0 : i32
    %dma_wait3A_70 = arith.constant 0 : i32
    %dma_wait3A_71 = tpu.memref_slice %arg6[%dma_wait3A_68, %dma_wait3A_69, %dma_wait3A_70] : memref<4000x1x80xi32, #tpu.memory_space<hbm>> -> memref<5x1x80xi32, #tpu.memory_space<hbm>>
    %dma_wait3A_72 = arith.constant 0 : i32
    %dma_wait3A_73 = arith.constant 0 : i32
    %dma_wait3A_74 = arith.constant 0 : i32
    %dma_wait3A_75 = tpu.memref_slice %arg18[%dma_wait3A_72, %dma_wait3A_73, %dma_wait3A_74] : memref<10x1x80xi32, #tpu.memory_space<vmem>> -> memref<5x1x80xi32, #tpu.memory_space<vmem>>
    %dma_wait3A_76 = arith.constant 0 : i32
    %dma_wait3A_77 = arith.constant 0 : i32
    %dma_wait3A_78 = arith.constant 0 : i32
    %dma_wait3A_79 = tpu.memref_slice %arg6[%dma_wait3A_76, %dma_wait3A_77, %dma_wait3A_78] : memref<4000x1x80xi32, #tpu.memory_space<hbm>> -> memref<5x1x80xi32, #tpu.memory_space<hbm>>
    tpu.wait_dma2 semaphore(%arg28 : memref<!tpu.dma_semaphore, #tpu.memory_space<semaphore_mem>>) src(%dma_wait3A_79 : memref<5x1x80xi32, #tpu.memory_space<hbm>>) dst(%dma_wait3A_75 : memref<5x1x80xi32, #tpu.memory_space<vmem>>)
    %dma_wait3A_80 = arith.constant 0 : i32
    %dma_wait3A_81 = arith.constant 0 : i32
    %dma_wait3A_82 = arith.constant 0 : i32
    %dma_wait3A_83 = tpu.memref_slice %arg19[%dma_wait3A_80, %dma_wait3A_81, %dma_wait3A_82] : memref<10x1x80xi32, #tpu.memory_space<vmem>> -> memref<5x1x80xi32, #tpu.memory_space<vmem>>
    %dma_wait3A_84 = arith.constant 0 : i32
    %dma_wait3A_85 = arith.constant 0 : i32
    %dma_wait3A_86 = arith.constant 0 : i32
    %dma_wait3A_87 = tpu.memref_slice %arg7[%dma_wait3A_84, %dma_wait3A_85, %dma_wait3A_86] : memref<4000x1x80xi32, #tpu.memory_space<hbm>> -> memref<5x1x80xi32, #tpu.memory_space<hbm>>
    %dma_wait3A_88 = arith.constant 0 : i32
    %dma_wait3A_89 = arith.constant 0 : i32
    %dma_wait3A_90 = arith.constant 0 : i32
    %dma_wait3A_91 = tpu.memref_slice %arg19[%dma_wait3A_88, %dma_wait3A_89, %dma_wait3A_90] : memref<10x1x80xi32, #tpu.memory_space<vmem>> -> memref<5x1x80xi32, #tpu.memory_space<vmem>>
    %dma_wait3A_92 = arith.constant 0 : i32
    %dma_wait3A_93 = arith.constant 0 : i32
    %dma_wait3A_94 = arith.constant 0 : i32
    %dma_wait3A_95 = tpu.memref_slice %arg7[%dma_wait3A_92, %dma_wait3A_93, %dma_wait3A_94] : memref<4000x1x80xi32, #tpu.memory_space<hbm>> -> memref<5x1x80xi32, #tpu.memory_space<hbm>>
    tpu.wait_dma2 semaphore(%arg28 : memref<!tpu.dma_semaphore, #tpu.memory_space<semaphore_mem>>) src(%dma_wait3A_95 : memref<5x1x80xi32, #tpu.memory_space<hbm>>) dst(%dma_wait3A_91 : memref<5x1x80xi32, #tpu.memory_space<vmem>>)
    %dma_wait3A_96 = arith.constant 0 : i32
    %dma_wait3A_97 = arith.constant 0 : i32
    %dma_wait3A_98 = arith.constant 0 : i32
    %dma_wait3A_99 = tpu.memref_slice %arg20[%dma_wait3A_96, %dma_wait3A_97, %dma_wait3A_98] : memref<10x1x80xf32, #tpu.memory_space<vmem>> -> memref<5x1x80xf32, #tpu.memory_space<vmem>>
    %dma_wait3A_100 = arith.constant 0 : i32
    %dma_wait3A_101 = arith.constant 0 : i32
    %dma_wait3A_102 = arith.constant 0 : i32
    %dma_wait3A_103 = tpu.memref_slice %arg8[%dma_wait3A_100, %dma_wait3A_101, %dma_wait3A_102] : memref<4000x1x80xf32, #tpu.memory_space<hbm>> -> memref<5x1x80xf32, #tpu.memory_space<hbm>>
    %dma_wait3A_104 = arith.constant 0 : i32
    %dma_wait3A_105 = arith.constant 0 : i32
    %dma_wait3A_106 = arith.constant 0 : i32
    %dma_wait3A_107 = tpu.memref_slice %arg20[%dma_wait3A_104, %dma_wait3A_105, %dma_wait3A_106] : memref<10x1x80xf32, #tpu.memory_space<vmem>> -> memref<5x1x80xf32, #tpu.memory_space<vmem>>
    %dma_wait3A_108 = arith.constant 0 : i32
    %dma_wait3A_109 = arith.constant 0 : i32
    %dma_wait3A_110 = arith.constant 0 : i32
    %dma_wait3A_111 = tpu.memref_slice %arg8[%dma_wait3A_108, %dma_wait3A_109, %dma_wait3A_110] : memref<4000x1x80xf32, #tpu.memory_space<hbm>> -> memref<5x1x80xf32, #tpu.memory_space<hbm>>
    tpu.wait_dma2 semaphore(%arg28 : memref<!tpu.dma_semaphore, #tpu.memory_space<semaphore_mem>>) src(%dma_wait3A_111 : memref<5x1x80xf32, #tpu.memory_space<hbm>>) dst(%dma_wait3A_107 : memref<5x1x80xf32, #tpu.memory_space<vmem>>)
    %dma_start3A_112 = arith.constant 0 : i32
    %dma_start3A_113 = arith.constant 0 : i32
    %dma_start3A_114 = arith.constant 0 : i32
    %dma_start3A_115 = arith.constant 0 : i32
    %dma_start3A_116 = arith.constant 0 : i32
    %dma_start3A_117 = tpu.memref_slice %arg23[%dma_start3A_114, %dma_start3A_115, %dma_start3A_116] : memref<2x80x128xf32, #tpu.memory_space<vmem>> -> memref<1x80x128xf32, #tpu.memory_space<vmem>>
    %dma_start3A_118 = tpu.memref_squeeze %dma_start3A_117 : memref<1x80x128xf32, #tpu.memory_space<vmem>> -> memref<80x128xf32, #tpu.memory_space<vmem>>
    %dma_start3A_119 = arith.constant 0 : i32
    %dma_start3A_120 = tpu.memref_slice %arg18[%dma_start3A_112, %dma_start3A_113, %dma_start3A_119] : memref<10x1x80xi32, #tpu.memory_space<vmem>> -> memref<1x1x80xi32, #tpu.memory_space<vmem>>
    %dma_start3A_121 = tpu.memref_squeeze %dma_start3A_120 : memref<1x1x80xi32, #tpu.memory_space<vmem>> -> memref<80xi32, #tpu.memory_space<vmem>>
    %dma_start3A_122 = arith.constant 0 : i32
    %dma_start3A_123 = arith.constant 0 : i32
    %dma_start3A_124 = tpu.memref_slice %arg2[%dma_start3A_122, %dma_start3A_123] : memref<10240x128xf32, #tpu.memory_space<hbm>> -> memref<10240x128xf32, #tpu.memory_space<hbm>>
    tpu.enqueue_indirect_dma source(%dma_start3A_124 : memref<10240x128xf32, #tpu.memory_space<hbm>>) target(%dma_start3A_118 : memref<80x128xf32, #tpu.memory_space<vmem>>) offsets(%dma_start3A_121 : memref<80xi32, #tpu.memory_space<vmem>>) semaphore(%arg26 : memref<!tpu.dma_semaphore, #tpu.memory_space<semaphore_mem>>)
    %dma_start3A_125 = arith.constant 1 : i32
    %dma_start3A_126 = arith.constant 0 : i32
    %dma_start3A_127 = arith.constant 1 : i32
    %dma_start3A_128 = arith.constant 0 : i32
    %dma_start3A_129 = arith.constant 0 : i32
    %dma_start3A_130 = tpu.memref_slice %arg23[%dma_start3A_127, %dma_start3A_128, %dma_start3A_129] : memref<2x80x128xf32, #tpu.memory_space<vmem>> -> memref<1x80x128xf32, #tpu.memory_space<vmem>>
    %dma_start3A_131 = tpu.memref_squeeze %dma_start3A_130 : memref<1x80x128xf32, #tpu.memory_space<vmem>> -> memref<80x128xf32, #tpu.memory_space<vmem>>
    %dma_start3A_132 = arith.constant 0 : i32
    %dma_start3A_133 = tpu.memref_slice %arg18[%dma_start3A_125, %dma_start3A_126, %dma_start3A_132] : memref<10x1x80xi32, #tpu.memory_space<vmem>> -> memref<1x1x80xi32, #tpu.memory_space<vmem>>
    %dma_start3A_134 = tpu.memref_squeeze %dma_start3A_133 : memref<1x1x80xi32, #tpu.memory_space<vmem>> -> memref<80xi32, #tpu.memory_space<vmem>>
    %dma_start3A_135 = arith.constant 0 : i32
    %dma_start3A_136 = arith.constant 0 : i32
    %dma_start3A_137 = tpu.memref_slice %arg2[%dma_start3A_135, %dma_start3A_136] : memref<10240x128xf32, #tpu.memory_space<hbm>> -> memref<10240x128xf32, #tpu.memory_space<hbm>>
    tpu.enqueue_indirect_dma source(%dma_start3A_137 : memref<10240x128xf32, #tpu.memory_space<hbm>>) target(%dma_start3A_131 : memref<80x128xf32, #tpu.memory_space<vmem>>) offsets(%dma_start3A_134 : memref<80xi32, #tpu.memory_space<vmem>>) semaphore(%arg26 : memref<!tpu.dma_semaphore, #tpu.memory_space<semaphore_mem>>)
    %scan3A = arith.constant 0 : i32
    %scan3A_138 = arith.constant 0 : i32
    %scan3A_139 = arith.constant 62 : i32
    %scan3A_140 = arith.addi %scan3A_138, %scan3A_139 : i32
    %scan3A_141 = arith.constant 1 : i32
    scf.for %scan3A_241 = %scan3A_138 to %scan3A_140 step %scan3A_141  : i32 {
      %mul3A_242 = arith.constant 2 : i32
      %mul3A_243 = arith.muli %mul3A_242, %scan3A_241 : i32
      %div3A_244 = arith.constant 5 : i32
      %div3A_245 = arith.divsi %mul3A_243, %div3A_244 : i32
      %rem3A_246 = arith.constant 5 : i32
      %rem3A_247 = arith.remsi %mul3A_243, %rem3A_246 : i32
      %rem3A_248 = arith.constant 2 : i32
      %rem3A_249 = arith.remsi %div3A_245, %rem3A_248 : i32
      %mul3A_250 = arith.constant 5 : i32
      %mul3A_251 = arith.muli %rem3A_249, %mul3A_250 : i32
      %add3A_252 = arith.addi %mul3A_251, %rem3A_247 : i32
      %eq3A_253 = arith.constant 0 : i32
      %eq3A_254 = arith.cmpi eq, %rem3A_247, %eq3A_253 : i32
      %add3A_255 = arith.constant 1 : i32
      %add3A_256 = arith.addi %div3A_245, %add3A_255 : i32
      %lt3A_257 = arith.constant 25 : i32
      %lt3A_258 = arith.cmpi slt, %add3A_256, %lt3A_257 : i32
      %and3A_259 = arith.andi %eq3A_254, %lt3A_258 : i1
      %convert_element_type3A_260 = arith.extui %and3A_259 : i1 to i32
      %cond3A_261 = arith.constant 0 : i32
      %cond3A_262 = arith.cmpi ne, %convert_element_type3A_260, %cond3A_261 : i32
      scf.if %cond3A_262 {
        %add3A_446 = arith.constant 1 : i32
        %add3A_447 = arith.addi %div3A_245, %add3A_446 : i32
        %sub3A = arith.constant 1 : i32
        %sub3A_448 = arith.subi %sub3A, %rem3A_249 : i32
        %mul3A_449 = arith.constant 5 : i32
        %mul3A_450 = arith.muli %add3A_447, %mul3A_449 : i32
        %add3A_451 = arith.addi %mul3A_4, %mul3A_450 : i32
        %mul3A_452 = arith.constant 5 : i32
        %mul3A_453 = arith.muli %sub3A_448, %mul3A_452 : i32
        %dma_start3A_454 = arith.constant 0 : i32
        %dma_start3A_455 = arith.constant 0 : i32
        %dma_start3A_456 = tpu.memref_slice %arg18[%mul3A_453, %dma_start3A_454, %dma_start3A_455] : memref<10x1x80xi32, #tpu.memory_space<vmem>> -> memref<5x1x80xi32, #tpu.memory_space<vmem>>
        %dma_start3A_457 = arith.constant 0 : i32
        %dma_start3A_458 = arith.constant 0 : i32
        %dma_start3A_459 = tpu.memref_slice %arg6[%add3A_451, %dma_start3A_457, %dma_start3A_458] : memref<4000x1x80xi32, #tpu.memory_space<hbm>> -> memref<5x1x80xi32, #tpu.memory_space<hbm>>
        %dma_start3A_460 = arith.constant 0 : i32
        %dma_start3A_461 = arith.constant 0 : i32
        %dma_start3A_462 = tpu.memref_slice %arg18[%mul3A_453, %dma_start3A_460, %dma_start3A_461] : memref<10x1x80xi32, #tpu.memory_space<vmem>> -> memref<5x1x80xi32, #tpu.memory_space<vmem>>
        %dma_start3A_463 = arith.constant 0 : i32
        %dma_start3A_464 = arith.constant 0 : i32
        %dma_start3A_465 = tpu.memref_slice %arg6[%add3A_451, %dma_start3A_463, %dma_start3A_464] : memref<4000x1x80xi32, #tpu.memory_space<hbm>> -> memref<5x1x80xi32, #tpu.memory_space<hbm>>
        tpu.enqueue_dma source(%dma_start3A_465 : memref<5x1x80xi32, #tpu.memory_space<hbm>>) target(%dma_start3A_462 : memref<5x1x80xi32, #tpu.memory_space<vmem>>) target_semaphore(%arg28 : memref<!tpu.dma_semaphore, #tpu.memory_space<semaphore_mem>>)
        %mul3A_466 = arith.constant 5 : i32
        %mul3A_467 = arith.muli %sub3A_448, %mul3A_466 : i32
        %dma_start3A_468 = arith.constant 0 : i32
        %dma_start3A_469 = arith.constant 0 : i32
        %dma_start3A_470 = tpu.memref_slice %arg19[%mul3A_467, %dma_start3A_468, %dma_start3A_469] : memref<10x1x80xi32, #tpu.memory_space<vmem>> -> memref<5x1x80xi32, #tpu.memory_space<vmem>>
        %dma_start3A_471 = arith.constant 0 : i32
        %dma_start3A_472 = arith.constant 0 : i32
        %dma_start3A_473 = tpu.memref_slice %arg7[%add3A_451, %dma_start3A_471, %dma_start3A_472] : memref<4000x1x80xi32, #tpu.memory_space<hbm>> -> memref<5x1x80xi32, #tpu.memory_space<hbm>>
        %dma_start3A_474 = arith.constant 0 : i32
        %dma_start3A_475 = arith.constant 0 : i32
        %dma_start3A_476 = tpu.memref_slice %arg19[%mul3A_467, %dma_start3A_474, %dma_start3A_475] : memref<10x1x80xi32, #tpu.memory_space<vmem>> -> memref<5x1x80xi32, #tpu.memory_space<vmem>>
        %dma_start3A_477 = arith.constant 0 : i32
        %dma_start3A_478 = arith.constant 0 : i32
        %dma_start3A_479 = tpu.memref_slice %arg7[%add3A_451, %dma_start3A_477, %dma_start3A_478] : memref<4000x1x80xi32, #tpu.memory_space<hbm>> -> memref<5x1x80xi32, #tpu.memory_space<hbm>>
        tpu.enqueue_dma source(%dma_start3A_479 : memref<5x1x80xi32, #tpu.memory_space<hbm>>) target(%dma_start3A_476 : memref<5x1x80xi32, #tpu.memory_space<vmem>>) target_semaphore(%arg28 : memref<!tpu.dma_semaphore, #tpu.memory_space<semaphore_mem>>)
        %mul3A_480 = arith.constant 5 : i32
        %mul3A_481 = arith.muli %sub3A_448, %mul3A_480 : i32
        %dma_start3A_482 = arith.constant 0 : i32
        %dma_start3A_483 = arith.constant 0 : i32
        %dma_start3A_484 = tpu.memref_slice %arg20[%mul3A_481, %dma_start3A_482, %dma_start3A_483] : memref<10x1x80xf32, #tpu.memory_space<vmem>> -> memref<5x1x80xf32, #tpu.memory_space<vmem>>
        %dma_start3A_485 = arith.constant 0 : i32
        %dma_start3A_486 = arith.constant 0 : i32
        %dma_start3A_487 = tpu.memref_slice %arg8[%add3A_451, %dma_start3A_485, %dma_start3A_486] : memref<4000x1x80xf32, #tpu.memory_space<hbm>> -> memref<5x1x80xf32, #tpu.memory_space<hbm>>
        %dma_start3A_488 = arith.constant 0 : i32
        %dma_start3A_489 = arith.constant 0 : i32
        %dma_start3A_490 = tpu.memref_slice %arg20[%mul3A_481, %dma_start3A_488, %dma_start3A_489] : memref<10x1x80xf32, #tpu.memory_space<vmem>> -> memref<5x1x80xf32, #tpu.memory_space<vmem>>
        %dma_start3A_491 = arith.constant 0 : i32
        %dma_start3A_492 = arith.constant 0 : i32
        %dma_start3A_493 = tpu.memref_slice %arg8[%add3A_451, %dma_start3A_491, %dma_start3A_492] : memref<4000x1x80xf32, #tpu.memory_space<hbm>> -> memref<5x1x80xf32, #tpu.memory_space<hbm>>
        tpu.enqueue_dma source(%dma_start3A_493 : memref<5x1x80xf32, #tpu.memory_space<hbm>>) target(%dma_start3A_490 : memref<5x1x80xf32, #tpu.memory_space<vmem>>) target_semaphore(%arg28 : memref<!tpu.dma_semaphore, #tpu.memory_space<semaphore_mem>>)
      } else {
      }
      %dma_wait3A_263 = arith.constant 0 : i32
      %dma_wait3A_264 = arith.constant 0 : i32
      %dma_wait3A_265 = arith.constant 0 : i32
      %dma_wait3A_266 = arith.constant 0 : i32
      %dma_wait3A_267 = arith.constant 0 : i32
      %dma_wait3A_268 = tpu.memref_slice %arg23[%dma_wait3A_265, %dma_wait3A_266, %dma_wait3A_267] : memref<2x80x128xf32, #tpu.memory_space<vmem>> -> memref<1x80x128xf32, #tpu.memory_space<vmem>>
      %dma_wait3A_269 = tpu.memref_squeeze %dma_wait3A_268 : memref<1x80x128xf32, #tpu.memory_space<vmem>> -> memref<80x128xf32, #tpu.memory_space<vmem>>
      %dma_wait3A_270 = arith.constant 0 : i32
      %dma_wait3A_271 = tpu.memref_slice %arg18[%dma_wait3A_263, %dma_wait3A_264, %dma_wait3A_270] : memref<10x1x80xi32, #tpu.memory_space<vmem>> -> memref<1x1x80xi32, #tpu.memory_space<vmem>>
      %dma_wait3A_272 = tpu.memref_squeeze %dma_wait3A_271 : memref<1x1x80xi32, #tpu.memory_space<vmem>> -> memref<80xi32, #tpu.memory_space<vmem>>
      %dma_wait3A_273 = arith.constant 0 : i32
      %dma_wait3A_274 = arith.constant 0 : i32
      %dma_wait3A_275 = tpu.memref_slice %arg2[%dma_wait3A_273, %dma_wait3A_274] : memref<10240x128xf32, #tpu.memory_space<hbm>> -> memref<10240x128xf32, #tpu.memory_space<hbm>>
      tpu.wait_indirect_dma semaphore(%arg26 : memref<!tpu.dma_semaphore, #tpu.memory_space<semaphore_mem>>) src(%dma_wait3A_275 : memref<10240x128xf32, #tpu.memory_space<hbm>>) dst(%dma_wait3A_269 : memref<80x128xf32, #tpu.memory_space<vmem>>)
      %scan3A_276 = arith.constant 0 : i32
      %scan3A_277 = arith.constant 0 : i32
      %scan3A_278 = arith.constant 5 : i32
      %scan3A_279 = arith.addi %scan3A_277, %scan3A_278 : i32
      %scan3A_280 = arith.constant 1 : i32
      scf.for %scan3A_446 = %scan3A_277 to %scan3A_279 step %scan3A_280  : i32 {
        %mul3A_447 = arith.constant 16 : i32
        %mul3A_448 = arith.muli %scan3A_446, %mul3A_447 : i32
        %get3A_449 = arith.constant 0 : i32
        %get3A_450 = arith.index_cast %add3A_252 : i32 to index
        %get3A_451 = arith.index_cast %get3A_449 : i32 to index
        %get3A_452 = arith.index_cast %mul3A_448 : i32 to index
        %get3A_453 = tpu.vector_load %arg18[%get3A_450, %get3A_451, %get3A_452] {strides = array<i32>} : memref<10x1x80xi32, #tpu.memory_space<vmem>>, vector<16xi32>,
        %get3A_454 = arith.constant 0 : i32
        %get3A_455 = arith.index_cast %add3A_252 : i32 to index
        %get3A_456 = arith.index_cast %get3A_454 : i32 to index
        %get3A_457 = arith.index_cast %mul3A_448 : i32 to index
        %get3A_458 = tpu.vector_load %arg19[%get3A_455, %get3A_456, %get3A_457] {strides = array<i32>} : memref<10x1x80xi32, #tpu.memory_space<vmem>>, vector<16xi32>,
        %gather3A = tpu.vector_load_idx %arg15[%get3A_453] : memref<10240xf32, #tpu.memory_space<vmem>>[vector<16xi32>], vector<16xf32>,
        %gather3A_459 = tpu.vector_load_idx %arg16[%get3A_458] : memref<10240xf32, #tpu.memory_space<vmem>>[vector<16xi32>], vector<16xf32>,
        %add3A_460 = arith.addf %gather3A, %gather3A_459 : vector<16xf32>
        %gt3A_461 = arith.constant 0.000000e+00 : f32
        %gt3A_462 = vector.broadcast %gt3A_461 : f32 to vector<16xf32>
        %gt3A_463 = arith.cmpf ogt, %add3A_460, %gt3A_462 : vector<16xf32>
        %mul3A_464 = arith.constant 2.000000e-01 : f32
        %mul3A_465 = vector.broadcast %mul3A_464 : f32 to vector<16xf32>
        %mul3A_466 = arith.mulf %mul3A_465, %add3A_460 : vector<16xf32>
        %select_n3A_467 = arith.select %gt3A_463, %add3A_460, %mul3A_466 : vector<16xi1>, vector<16xf32>
        %sub3A = vector.broadcast %select_n3A : f32 to vector<16xf32>
        %sub3A_468 = arith.subf %select_n3A_467, %sub3A : vector<16xf32>
        %exp3A = math.exp %sub3A_468 : vector<16xf32>
        %swap3A = arith.constant 0 : i32
        %swap3A_469 = arith.index_cast %swap3A : i32 to index
        %swap3A_470 = arith.index_cast %mul3A_448 : i32 to index
        %swap3A_471 = tpu.vector_load %arg21[%swap3A_469, %swap3A_470] {strides = array<i32>} : memref<1x80xf32, #tpu.memory_space<vmem>>, vector<16xf32>,
        tpu.vector_store %arg21[%swap3A_469, %swap3A_470], %exp3A {strides = array<i32>} : memref<1x80xf32, #tpu.memory_space<vmem>>, vector<16xf32>,
        %get3A_472 = arith.constant 0 : i32
        %get3A_473 = arith.index_cast %add3A_252 : i32 to index
        %get3A_474 = arith.index_cast %get3A_472 : i32 to index
        %get3A_475 = arith.index_cast %mul3A_448 : i32 to index
        %get3A_476 = tpu.vector_load %arg20[%get3A_473, %get3A_474, %get3A_475] {strides = array<i32>} : memref<10x1x80xf32, #tpu.memory_space<vmem>>, vector<16xf32>,
        %mul3A_477 = arith.mulf %exp3A, %get3A_476 : vector<16xf32>
        %scan3A_478 = arith.constant 0 : i32
        %scan3A_479 = arith.constant 0 : i32
        %scan3A_480 = arith.constant 8 : i32
        %scan3A_481 = arith.addi %scan3A_479, %scan3A_480 : i32
        %scan3A_482 = arith.constant 1 : i32
        scf.for %scan3A_484 = %scan3A_479 to %scan3A_481 step %scan3A_482  : i32 {
          %mul3A_485 = arith.constant 2 : i32
          %mul3A_486 = arith.muli %mul3A_485, %scan3A_484 : i32
          %broadcast_in_dim3A = arith.constant 0 : i32
          %broadcast_in_dim3A_487 = vector.broadcast %broadcast_in_dim3A : i32 to vector<16x1xi32>
          %add3A_488 = vector.broadcast %mul3A_486 : i32 to vector<16x1xi32>
          %add3A_489 = arith.addi %broadcast_in_dim3A_487, %add3A_488 : vector<16x1xi32>
          %gather3A_490 = vector.shape_cast %add3A_489 : vector<16x1xi32> to vector<16xi32>
          %gather3A_491 = tpu.dynamic_gather %mul3A_477[%gather3A_490] in [0] : vector<16xf32>, vector<16xi32> -> vector<16xf32>
          %add3A_492 = arith.constant 1 : i32
          %add3A_493 = arith.addi %mul3A_486, %add3A_492 : i32
          %broadcast_in_dim3A_494 = arith.constant 0 : i32
          %broadcast_in_dim3A_495 = vector.broadcast %broadcast_in_dim3A_494 : i32 to vector<16x1xi32>
          %add3A_496 = vector.broadcast %add3A_493 : i32 to vector<16x1xi32>
          %add3A_497 = arith.addi %broadcast_in_dim3A_495, %add3A_496 : vector<16x1xi32>
          %gather3A_498 = vector.shape_cast %add3A_497 : vector<16x1xi32> to vector<16xi32>
          %gather3A_499 = tpu.dynamic_gather %mul3A_477[%gather3A_498] in [0] : vector<16xf32>, vector<16xi32> -> vector<16xf32>
          %mul3A_500 = arith.constant 16 : i32
          %mul3A_501 = arith.muli %scan3A_446, %mul3A_500 : i32
          %add3A_502 = arith.addi %mul3A_501, %mul3A_486 : i32
          %get3A_503 = arith.constant 0 : i32
          %get3A_504 = arith.index_cast %get3A_503 : i32 to index
          %get3A_505 = arith.index_cast %add3A_502 : i32 to index
          %get3A_506 = arith.constant 0 : index
          %get3A_507 = tpu.vector_load %arg23[%get3A_504, %get3A_505, %get3A_506] {strides = array<i32>} : memref<2x80x128xf32, #tpu.memory_space<vmem>>, vector<16xf32>,
          %mul3A_508 = arith.mulf %get3A_507, %gather3A_491 : vector<16xf32>
          %swap3A_509 = arith.constant 0 : i32
          %swap3A_510 = arith.index_cast %swap3A_509 : i32 to index
          %swap3A_511 = arith.index_cast %add3A_502 : i32 to index
          %swap3A_512 = arith.constant 0 : index
          %swap3A_513 = tpu.vector_load %arg23[%swap3A_510, %swap3A_511, %swap3A_512] {strides = array<i32>} : memref<2x80x128xf32, #tpu.memory_space<vmem>>, vector<16xf32>,
          tpu.vector_store %arg23[%swap3A_510, %swap3A_511, %swap3A_512], %mul3A_508 {strides = array<i32>} : memref<2x80x128xf32, #tpu.memory_space<vmem>>, vector<16xf32>,
          %add3A_514 = arith.constant 1 : i32
          %add3A_515 = arith.addi %add3A_502, %add3A_514 : i32
          %get3A_516 = arith.constant 0 : i32
          %get3A_517 = arith.index_cast %get3A_516 : i32 to index
          %get3A_518 = arith.index_cast %add3A_515 : i32 to index
          %get3A_519 = arith.constant 0 : index
          %get3A_520 = tpu.vector_load %arg23[%get3A_517, %get3A_518, %get3A_519] {strides = array<i32>} : memref<2x80x128xf32, #tpu.memory_space<vmem>>, vector<16xf32>,
          %mul3A_521 = arith.mulf %get3A_520, %gather3A_499 : vector<16xf32>
          %add3A_522 = arith.constant 1 : i32
          %add3A_523 = arith.addi %add3A_502, %add3A_522 : i32
          %swap3A_524 = arith.constant 0 : i32
          %swap3A_525 = arith.index_cast %swap3A_524 : i32 to index
          %swap3A_526 = arith.index_cast %add3A_523 : i32 to index
          %swap3A_527 = arith.constant 0 : index
          %swap3A_528 = tpu.vector_load %arg23[%swap3A_525, %swap3A_526, %swap3A_527] {strides = array<i32>} : memref<2x80x128xf32, #tpu.memory_space<vmem>>, vector<16xf32>,
          tpu.vector_store %arg23[%swap3A_525, %swap3A_526, %swap3A_527], %mul3A_521 {strides = array<i32>} : memref<2x80x128xf32, #tpu.memory_space<vmem>>, vector<16xf32>,
          %get3A_529 = arith.constant 0 : i32
          %get3A_530 = arith.index_cast %get3A_529 : i32 to index
          %get3A_531 = arith.index_cast %add3A_502 : i32 to index
          %get3A_532 = arith.constant 16 : index
          %get3A_533 = tpu.vector_load %arg23[%get3A_530, %get3A_531, %get3A_532] {strides = array<i32>} : memref<2x80x128xf32, #tpu.memory_space<vmem>>, vector<16xf32>,
          %mul3A_534 = arith.mulf %get3A_533, %gather3A_491 : vector<16xf32>
          %swap3A_535 = arith.constant 0 : i32
          %swap3A_536 = arith.index_cast %swap3A_535 : i32 to index
          %swap3A_537 = arith.index_cast %add3A_502 : i32 to index
          %swap3A_538 = arith.constant 16 : index
          %swap3A_539 = tpu.vector_load %arg23[%swap3A_536, %swap3A_537, %swap3A_538] {strides = array<i32>} : memref<2x80x128xf32, #tpu.memory_space<vmem>>, vector<16xf32>,
          tpu.vector_store %arg23[%swap3A_536, %swap3A_537, %swap3A_538], %mul3A_534 {strides = array<i32>} : memref<2x80x128xf32, #tpu.memory_space<vmem>>, vector<16xf32>,
          %add3A_540 = arith.constant 1 : i32
          %add3A_541 = arith.addi %add3A_502, %add3A_540 : i32
          %get3A_542 = arith.constant 0 : i32
          %get3A_543 = arith.index_cast %get3A_542 : i32 to index
          %get3A_544 = arith.index_cast %add3A_541 : i32 to index
          %get3A_545 = arith.constant 16 : index
          %get3A_546 = tpu.vector_load %arg23[%get3A_543, %get3A_544, %get3A_545] {strides = array<i32>} : memref<2x80x128xf32, #tpu.memory_space<vmem>>, vector<16xf32>,
          %mul3A_547 = arith.mulf %get3A_546, %gather3A_499 : vector<16xf32>
          %add3A_548 = arith.constant 1 : i32
          %add3A_549 = arith.addi %add3A_502, %add3A_548 : i32
          %swap3A_550 = arith.constant 0 : i32
          %swap3A_551 = arith.index_cast %swap3A_550 : i32 to index
          %swap3A_552 = arith.index_cast %add3A_549 : i32 to index
          %swap3A_553 = arith.constant 16 : index
          %swap3A_554 = tpu.vector_load %arg23[%swap3A_551, %swap3A_552, %swap3A_553] {strides = array<i32>} : memref<2x80x128xf32, #tpu.memory_space<vmem>>, vector<16xf32>,
          tpu.vector_store %arg23[%swap3A_551, %swap3A_552, %swap3A_553], %mul3A_547 {strides = array<i32>} : memref<2x80x128xf32, #tpu.memory_space<vmem>>, vector<16xf32>,
          %get3A_555 = arith.constant 0 : i32
          %get3A_556 = arith.index_cast %get3A_555 : i32 to index
          %get3A_557 = arith.index_cast %add3A_502 : i32 to index
          %get3A_558 = arith.constant 32 : index
          %get3A_559 = tpu.vector_load %arg23[%get3A_556, %get3A_557, %get3A_558] {strides = array<i32>} : memref<2x80x128xf32, #tpu.memory_space<vmem>>, vector<16xf32>,
          %mul3A_560 = arith.mulf %get3A_559, %gather3A_491 : vector<16xf32>
          %swap3A_561 = arith.constant 0 : i32
          %swap3A_562 = arith.index_cast %swap3A_561 : i32 to index
          %swap3A_563 = arith.index_cast %add3A_502 : i32 to index
          %swap3A_564 = arith.constant 32 : index
          %swap3A_565 = tpu.vector_load %arg23[%swap3A_562, %swap3A_563, %swap3A_564] {strides = array<i32>} : memref<2x80x128xf32, #tpu.memory_space<vmem>>, vector<16xf32>,
          tpu.vector_store %arg23[%swap3A_562, %swap3A_563, %swap3A_564], %mul3A_560 {strides = array<i32>} : memref<2x80x128xf32, #tpu.memory_space<vmem>>, vector<16xf32>,
          %add3A_566 = arith.constant 1 : i32
          %add3A_567 = arith.addi %add3A_502, %add3A_566 : i32
          %get3A_568 = arith.constant 0 : i32
          %get3A_569 = arith.index_cast %get3A_568 : i32 to index
          %get3A_570 = arith.index_cast %add3A_567 : i32 to index
          %get3A_571 = arith.constant 32 : index
          %get3A_572 = tpu.vector_load %arg23[%get3A_569, %get3A_570, %get3A_571] {strides = array<i32>} : memref<2x80x128xf32, #tpu.memory_space<vmem>>, vector<16xf32>,
          %mul3A_573 = arith.mulf %get3A_572, %gather3A_499 : vector<16xf32>
          %add3A_574 = arith.constant 1 : i32
          %add3A_575 = arith.addi %add3A_502, %add3A_574 : i32
          %swap3A_576 = arith.constant 0 : i32
          %swap3A_577 = arith.index_cast %swap3A_576 : i32 to index
          %swap3A_578 = arith.index_cast %add3A_575 : i32 to index
          %swap3A_579 = arith.constant 32 : index
          %swap3A_580 = tpu.vector_load %arg23[%swap3A_577, %swap3A_578, %swap3A_579] {strides = array<i32>} : memref<2x80x128xf32, #tpu.memory_space<vmem>>, vector<16xf32>,
          tpu.vector_store %arg23[%swap3A_577, %swap3A_578, %swap3A_579], %mul3A_573 {strides = array<i32>} : memref<2x80x128xf32, #tpu.memory_space<vmem>>, vector<16xf32>,
          %get3A_581 = arith.constant 0 : i32
          %get3A_582 = arith.index_cast %get3A_581 : i32 to index
          %get3A_583 = arith.index_cast %add3A_502 : i32 to index
          %get3A_584 = arith.constant 48 : index
          %get3A_585 = tpu.vector_load %arg23[%get3A_582, %get3A_583, %get3A_584] {strides = array<i32>} : memref<2x80x128xf32, #tpu.memory_space<vmem>>, vector<16xf32>,
          %mul3A_586 = arith.mulf %get3A_585, %gather3A_491 : vector<16xf32>
          %swap3A_587 = arith.constant 0 : i32
          %swap3A_588 = arith.index_cast %swap3A_587 : i32 to index
          %swap3A_589 = arith.index_cast %add3A_502 : i32 to index
          %swap3A_590 = arith.constant 48 : index
          %swap3A_591 = tpu.vector_load %arg23[%swap3A_588, %swap3A_589, %swap3A_590] {strides = array<i32>} : memref<2x80x128xf32, #tpu.memory_space<vmem>>, vector<16xf32>,
          tpu.vector_store %arg23[%swap3A_588, %swap3A_589, %swap3A_590], %mul3A_586 {strides = array<i32>} : memref<2x80x128xf32, #tpu.memory_space<vmem>>, vector<16xf32>,
          %add3A_592 = arith.constant 1 : i32
          %add3A_593 = arith.addi %add3A_502, %add3A_592 : i32
          %get3A_594 = arith.constant 0 : i32
          %get3A_595 = arith.index_cast %get3A_594 : i32 to index
          %get3A_596 = arith.index_cast %add3A_593 : i32 to index
          %get3A_597 = arith.constant 48 : index
          %get3A_598 = tpu.vector_load %arg23[%get3A_595, %get3A_596, %get3A_597] {strides = array<i32>} : memref<2x80x128xf32, #tpu.memory_space<vmem>>, vector<16xf32>,
          %mul3A_599 = arith.mulf %get3A_598, %gather3A_499 : vector<16xf32>
          %add3A_600 = arith.constant 1 : i32
          %add3A_601 = arith.addi %add3A_502, %add3A_600 : i32
          %swap3A_602 = arith.constant 0 : i32
          %swap3A_603 = arith.index_cast %swap3A_602 : i32 to index
          %swap3A_604 = arith.index_cast %add3A_601 : i32 to index
          %swap3A_605 = arith.constant 48 : index
          %swap3A_606 = tpu.vector_load %arg23[%swap3A_603, %swap3A_604, %swap3A_605] {strides = array<i32>} : memref<2x80x128xf32, #tpu.memory_space<vmem>>, vector<16xf32>,
          tpu.vector_store %arg23[%swap3A_603, %swap3A_604, %swap3A_605], %mul3A_599 {strides = array<i32>} : memref<2x80x128xf32, #tpu.memory_space<vmem>>, vector<16xf32>,
        }
        %scan3A_483 = arith.constant 8 : i32
      }
      %scan3A_281 = arith.constant 5 : i32
      %dma_start3A_282 = arith.constant 0 : i32
      %dma_start3A_283 = arith.constant 0 : i32
      %dma_start3A_284 = arith.constant 0 : i32
      %dma_start3A_285 = arith.constant 0 : i32
      %dma_start3A_286 = tpu.memref_slice %arg23[%dma_start3A_282, %dma_start3A_284, %dma_start3A_285] : memref<2x80x128xf32, #tpu.memory_space<vmem>> -> memref<1x80x128xf32, #tpu.memory_space<vmem>>
      %dma_start3A_287 = tpu.memref_squeeze %dma_start3A_286 : memref<1x80x128xf32, #tpu.memory_space<vmem>> -> memref<80x128xf32, #tpu.memory_space<vmem>>
      %dma_start3A_288 = arith.constant 0 : i32
      %dma_start3A_289 = tpu.memref_slice %arg19[%add3A_252, %dma_start3A_283, %dma_start3A_288] : memref<10x1x80xi32, #tpu.memory_space<vmem>> -> memref<1x1x80xi32, #tpu.memory_space<vmem>>
      %dma_start3A_290 = tpu.memref_squeeze %dma_start3A_289 : memref<1x1x80xi32, #tpu.memory_space<vmem>> -> memref<80xi32, #tpu.memory_space<vmem>>
      %dma_start3A_291 = arith.constant 0 : i32
      %dma_start3A_292 = arith.constant 0 : i32
      %dma_start3A_293 = tpu.memref_slice %arg24[%dma_start3A_291, %dma_start3A_292] : memref<10240x128xf32, #tpu.memory_space<vmem_shared>> -> memref<10240x128xf32, #tpu.memory_space<vmem_shared>>
      tpu.enqueue_indirect_dma source(%dma_start3A_287 : memref<80x128xf32, #tpu.memory_space<vmem>>) target(%dma_start3A_293 : memref<10240x128xf32, #tpu.memory_space<vmem_shared>>) offsets(%dma_start3A_290 : memref<80xi32, #tpu.memory_space<vmem>>) semaphore(%arg27 : memref<!tpu.dma_semaphore, #tpu.memory_space<semaphore_mem>>) {add = true}
      %dma_start3A_294 = arith.constant 0 : i32
      %dma_start3A_295 = arith.constant 0 : i32
      %dma_start3A_296 = arith.constant 0 : i32
      %dma_start3A_297 = tpu.memref_slice %arg21[%dma_start3A_294, %dma_start3A_296] : memref<1x80xf32, #tpu.memory_space<vmem>> -> memref<1x80xf32, #tpu.memory_space<vmem>>
      %dma_start3A_298 = tpu.memref_squeeze %dma_start3A_297 : memref<1x80xf32, #tpu.memory_space<vmem>> -> memref<80xf32, #tpu.memory_space<vmem>>
      %dma_start3A_299 = arith.constant 0 : i32
      %dma_start3A_300 = tpu.memref_slice %arg19[%add3A_252, %dma_start3A_295, %dma_start3A_299] : memref<10x1x80xi32, #tpu.memory_space<vmem>> -> memref<1x1x80xi32, #tpu.memory_space<vmem>>
      %dma_start3A_301 = tpu.memref_squeeze %dma_start3A_300 : memref<1x1x80xi32, #tpu.memory_space<vmem>> -> memref<80xi32, #tpu.memory_space<vmem>>
      %dma_start3A_302 = arith.constant 0 : i32
      %dma_start3A_303 = tpu.memref_slice %arg25[%dma_start3A_302] : memref<10240xf32, #tpu.memory_space<vmem_shared>> -> memref<10240xf32, #tpu.memory_space<vmem_shared>>
      tpu.enqueue_indirect_dma source(%dma_start3A_298 : memref<80xf32, #tpu.memory_space<vmem>>) target(%dma_start3A_303 : memref<10240xf32, #tpu.memory_space<vmem_shared>>) offsets(%dma_start3A_301 : memref<80xi32, #tpu.memory_space<vmem>>) semaphore(%arg27 : memref<!tpu.dma_semaphore, #tpu.memory_space<semaphore_mem>>) {add = true}
      %dma_wait3A_304 = arith.constant 0 : i32
      %dma_wait3A_305 = arith.constant 0 : i32
      %dma_wait3A_306 = arith.constant 0 : i32
      %dma_wait3A_307 = arith.constant 0 : i32
      %dma_wait3A_308 = tpu.memref_slice %arg23[%dma_wait3A_304, %dma_wait3A_306, %dma_wait3A_307] : memref<2x80x128xf32, #tpu.memory_space<vmem>> -> memref<1x80x128xf32, #tpu.memory_space<vmem>>
      %dma_wait3A_309 = tpu.memref_squeeze %dma_wait3A_308 : memref<1x80x128xf32, #tpu.memory_space<vmem>> -> memref<80x128xf32, #tpu.memory_space<vmem>>
      %dma_wait3A_310 = arith.constant 0 : i32
      %dma_wait3A_311 = tpu.memref_slice %arg19[%add3A_252, %dma_wait3A_305, %dma_wait3A_310] : memref<10x1x80xi32, #tpu.memory_space<vmem>> -> memref<1x1x80xi32, #tpu.memory_space<vmem>>
      %dma_wait3A_312 = tpu.memref_squeeze %dma_wait3A_311 : memref<1x1x80xi32, #tpu.memory_space<vmem>> -> memref<80xi32, #tpu.memory_space<vmem>>
      %dma_wait3A_313 = arith.constant 0 : i32
      %dma_wait3A_314 = arith.constant 0 : i32
      %dma_wait3A_315 = tpu.memref_slice %arg24[%dma_wait3A_313, %dma_wait3A_314] : memref<10240x128xf32, #tpu.memory_space<vmem_shared>> -> memref<10240x128xf32, #tpu.memory_space<vmem_shared>>
      tpu.wait_indirect_dma semaphore(%arg27 : memref<!tpu.dma_semaphore, #tpu.memory_space<semaphore_mem>>) src(%dma_wait3A_309 : memref<80x128xf32, #tpu.memory_space<vmem>>) dst(%dma_wait3A_315 : memref<10240x128xf32, #tpu.memory_space<vmem_shared>>)
      %dma_wait3A_316 = arith.constant 0 : i32
      %dma_wait3A_317 = arith.constant 0 : i32
      %dma_wait3A_318 = arith.constant 0 : i32
      %dma_wait3A_319 = tpu.memref_slice %arg21[%dma_wait3A_316, %dma_wait3A_318] : memref<1x80xf32, #tpu.memory_space<vmem>> -> memref<1x80xf32, #tpu.memory_space<vmem>>
      %dma_wait3A_320 = tpu.memref_squeeze %dma_wait3A_319 : memref<1x80xf32, #tpu.memory_space<vmem>> -> memref<80xf32, #tpu.memory_space<vmem>>
      %dma_wait3A_321 = arith.constant 0 : i32
      %dma_wait3A_322 = tpu.memref_slice %arg19[%add3A_252, %dma_wait3A_317, %dma_wait3A_321] : memref<10x1x80xi32, #tpu.memory_space<vmem>> -> memref<1x1x80xi32, #tpu.memory_space<vmem>>
      %dma_wait3A_323 = tpu.memref_squeeze %dma_wait3A_322 : memref<1x1x80xi32, #tpu.memory_space<vmem>> -> memref<80xi32, #tpu.memory_space<vmem>>
      %dma_wait3A_324 = arith.constant 0 : i32
      %dma_wait3A_325 = tpu.memref_slice %arg25[%dma_wait3A_324] : memref<10240xf32, #tpu.memory_space<vmem_shared>> -> memref<10240xf32, #tpu.memory_space<vmem_shared>>
      tpu.wait_indirect_dma semaphore(%arg27 : memref<!tpu.dma_semaphore, #tpu.memory_space<semaphore_mem>>) src(%dma_wait3A_320 : memref<80xf32, #tpu.memory_space<vmem>>) dst(%dma_wait3A_325 : memref<10240xf32, #tpu.memory_space<vmem_shared>>)
      %eq3A_326 = arith.constant 3 : i32
      %eq3A_327 = arith.cmpi eq, %rem3A_247, %eq3A_326 : i32
      %add3A_328 = arith.constant 1 : i32
      %add3A_329 = arith.addi %div3A_245, %add3A_328 : i32
      %lt3A_330 = arith.constant 25 : i32
      %lt3A_331 = arith.cmpi slt, %add3A_329, %lt3A_330 : i32
      %and3A_332 = arith.andi %eq3A_327, %lt3A_331 : i1
      %convert_element_type3A_333 = arith.extui %and3A_332 : i1 to i32
      %cond3A_334 = arith.constant 0 : i32
      %cond3A_335 = arith.cmpi ne, %convert_element_type3A_333, %cond3A_334 : i32
      scf.if %cond3A_335 {
        %sub3A = arith.constant 1 : i32
        %sub3A_446 = arith.subi %sub3A, %rem3A_249 : i32
        %mul3A_447 = arith.constant 5 : i32
        %mul3A_448 = arith.muli %sub3A_446, %mul3A_447 : i32
        %dma_wait3A_449 = arith.constant 0 : i32
        %dma_wait3A_450 = arith.constant 0 : i32
        %dma_wait3A_451 = tpu.memref_slice %arg18[%mul3A_448, %dma_wait3A_449, %dma_wait3A_450] : memref<10x1x80xi32, #tpu.memory_space<vmem>> -> memref<5x1x80xi32, #tpu.memory_space<vmem>>
        %dma_wait3A_452 = arith.constant 0 : i32
        %dma_wait3A_453 = arith.constant 0 : i32
        %dma_wait3A_454 = arith.constant 0 : i32
        %dma_wait3A_455 = tpu.memref_slice %arg6[%dma_wait3A_452, %dma_wait3A_453, %dma_wait3A_454] : memref<4000x1x80xi32, #tpu.memory_space<hbm>> -> memref<5x1x80xi32, #tpu.memory_space<hbm>>
        %dma_wait3A_456 = arith.constant 0 : i32
        %dma_wait3A_457 = arith.constant 0 : i32
        %dma_wait3A_458 = tpu.memref_slice %arg18[%mul3A_448, %dma_wait3A_456, %dma_wait3A_457] : memref<10x1x80xi32, #tpu.memory_space<vmem>> -> memref<5x1x80xi32, #tpu.memory_space<vmem>>
        %dma_wait3A_459 = arith.constant 0 : i32
        %dma_wait3A_460 = arith.constant 0 : i32
        %dma_wait3A_461 = arith.constant 0 : i32
        %dma_wait3A_462 = tpu.memref_slice %arg6[%dma_wait3A_459, %dma_wait3A_460, %dma_wait3A_461] : memref<4000x1x80xi32, #tpu.memory_space<hbm>> -> memref<5x1x80xi32, #tpu.memory_space<hbm>>
        tpu.wait_dma2 semaphore(%arg28 : memref<!tpu.dma_semaphore, #tpu.memory_space<semaphore_mem>>) src(%dma_wait3A_462 : memref<5x1x80xi32, #tpu.memory_space<hbm>>) dst(%dma_wait3A_458 : memref<5x1x80xi32, #tpu.memory_space<vmem>>)
        %mul3A_463 = arith.constant 5 : i32
        %mul3A_464 = arith.muli %sub3A_446, %mul3A_463 : i32
        %dma_wait3A_465 = arith.constant 0 : i32
        %dma_wait3A_466 = arith.constant 0 : i32
        %dma_wait3A_467 = tpu.memref_slice %arg19[%mul3A_464, %dma_wait3A_465, %dma_wait3A_466] : memref<10x1x80xi32, #tpu.memory_space<vmem>> -> memref<5x1x80xi32, #tpu.memory_space<vmem>>
        %dma_wait3A_468 = arith.constant 0 : i32
        %dma_wait3A_469 = arith.constant 0 : i32
        %dma_wait3A_470 = arith.constant 0 : i32
        %dma_wait3A_471 = tpu.memref_slice %arg7[%dma_wait3A_468, %dma_wait3A_469, %dma_wait3A_470] : memref<4000x1x80xi32, #tpu.memory_space<hbm>> -> memref<5x1x80xi32, #tpu.memory_space<hbm>>
        %dma_wait3A_472 = arith.constant 0 : i32
        %dma_wait3A_473 = arith.constant 0 : i32
        %dma_wait3A_474 = tpu.memref_slice %arg19[%mul3A_464, %dma_wait3A_472, %dma_wait3A_473] : memref<10x1x80xi32, #tpu.memory_space<vmem>> -> memref<5x1x80xi32, #tpu.memory_space<vmem>>
        %dma_wait3A_475 = arith.constant 0 : i32
        %dma_wait3A_476 = arith.constant 0 : i32
        %dma_wait3A_477 = arith.constant 0 : i32
        %dma_wait3A_478 = tpu.memref_slice %arg7[%dma_wait3A_475, %dma_wait3A_476, %dma_wait3A_477] : memref<4000x1x80xi32, #tpu.memory_space<hbm>> -> memref<5x1x80xi32, #tpu.memory_space<hbm>>
        tpu.wait_dma2 semaphore(%arg28 : memref<!tpu.dma_semaphore, #tpu.memory_space<semaphore_mem>>) src(%dma_wait3A_478 : memref<5x1x80xi32, #tpu.memory_space<hbm>>) dst(%dma_wait3A_474 : memref<5x1x80xi32, #tpu.memory_space<vmem>>)
        %mul3A_479 = arith.constant 5 : i32
        %mul3A_480 = arith.muli %sub3A_446, %mul3A_479 : i32
        %dma_wait3A_481 = arith.constant 0 : i32
        %dma_wait3A_482 = arith.constant 0 : i32
        %dma_wait3A_483 = tpu.memref_slice %arg20[%mul3A_480, %dma_wait3A_481, %dma_wait3A_482] : memref<10x1x80xf32, #tpu.memory_space<vmem>> -> memref<5x1x80xf32, #tpu.memory_space<vmem>>
        %dma_wait3A_484 = arith.constant 0 : i32
        %dma_wait3A_485 = arith.constant 0 : i32
        %dma_wait3A_486 = arith.constant 0 : i32
        %dma_wait3A_487 = tpu.memref_slice %arg8[%dma_wait3A_484, %dma_wait3A_485, %dma_wait3A_486] : memref<4000x1x80xf32, #tpu.memory_space<hbm>> -> memref<5x1x80xf32, #tpu.memory_space<hbm>>
        %dma_wait3A_488 = arith.constant 0 : i32
        %dma_wait3A_489 = arith.constant 0 : i32
        %dma_wait3A_490 = tpu.memref_slice %arg20[%mul3A_480, %dma_wait3A_488, %dma_wait3A_489] : memref<10x1x80xf32, #tpu.memory_space<vmem>> -> memref<5x1x80xf32, #tpu.memory_space<vmem>>
        %dma_wait3A_491 = arith.constant 0 : i32
        %dma_wait3A_492 = arith.constant 0 : i32
        %dma_wait3A_493 = arith.constant 0 : i32
        %dma_wait3A_494 = tpu.memref_slice %arg8[%dma_wait3A_491, %dma_wait3A_492, %dma_wait3A_493] : memref<4000x1x80xf32, #tpu.memory_space<hbm>> -> memref<5x1x80xf32, #tpu.memory_space<hbm>>
        tpu.wait_dma2 semaphore(%arg28 : memref<!tpu.dma_semaphore, #tpu.memory_space<semaphore_mem>>) src(%dma_wait3A_494 : memref<5x1x80xf32, #tpu.memory_space<hbm>>) dst(%dma_wait3A_490 : memref<5x1x80xf32, #tpu.memory_space<vmem>>)
      } else {
      }
      %add3A_336 = arith.constant 2 : i32
      %add3A_337 = arith.addi %mul3A_243, %add3A_336 : i32
      %lt3A_338 = arith.constant 125 : i32
      %lt3A_339 = arith.cmpi slt, %add3A_337, %lt3A_338 : i32
      %convert_element_type3A_340 = arith.extui %lt3A_339 : i1 to i32
      %cond3A_341 = arith.constant 0 : i32
      %cond3A_342 = arith.cmpi ne, %convert_element_type3A_340, %cond3A_341 : i32
      scf.if %cond3A_342 {
        %div3A_446 = arith.constant 5 : i32
        %div3A_447 = arith.divsi %add3A_337, %div3A_446 : i32
        %rem3A_448 = arith.constant 2 : i32
        %rem3A_449 = arith.remsi %div3A_447, %rem3A_448 : i32
        %mul3A_450 = arith.constant 5 : i32
        %mul3A_451 = arith.muli %rem3A_449, %mul3A_450 : i32
        %rem3A_452 = arith.constant 5 : i32
        %rem3A_453 = arith.remsi %add3A_337, %rem3A_452 : i32
        %add3A_454 = arith.addi %mul3A_451, %rem3A_453 : i32
        %dma_start3A_455 = arith.constant 0 : i32
        %dma_start3A_456 = arith.constant 0 : i32
        %dma_start3A_457 = arith.constant 0 : i32
        %dma_start3A_458 = arith.constant 0 : i32
        %dma_start3A_459 = tpu.memref_slice %arg23[%dma_start3A_456, %dma_start3A_457, %dma_start3A_458] : memref<2x80x128xf32, #tpu.memory_space<vmem>> -> memref<1x80x128xf32, #tpu.memory_space<vmem>>
        %dma_start3A_460 = tpu.memref_squeeze %dma_start3A_459 : memref<1x80x128xf32, #tpu.memory_space<vmem>> -> memref<80x128xf32, #tpu.memory_space<vmem>>
        %dma_start3A_461 = arith.constant 0 : i32
        %dma_start3A_462 = tpu.memref_slice %arg18[%add3A_454, %dma_start3A_455, %dma_start3A_461] : memref<10x1x80xi32, #tpu.memory_space<vmem>> -> memref<1x1x80xi32, #tpu.memory_space<vmem>>
        %dma_start3A_463 = tpu.memref_squeeze %dma_start3A_462 : memref<1x1x80xi32, #tpu.memory_space<vmem>> -> memref<80xi32, #tpu.memory_space<vmem>>
        %dma_start3A_464 = arith.constant 0 : i32
        %dma_start3A_465 = arith.constant 0 : i32
        %dma_start3A_466 = tpu.memref_slice %arg2[%dma_start3A_464, %dma_start3A_465] : memref<10240x128xf32, #tpu.memory_space<hbm>> -> memref<10240x128xf32, #tpu.memory_space<hbm>>
        tpu.enqueue_indirect_dma source(%dma_start3A_466 : memref<10240x128xf32, #tpu.memory_space<hbm>>) target(%dma_start3A_460 : memref<80x128xf32, #tpu.memory_space<vmem>>) offsets(%dma_start3A_463 : memref<80xi32, #tpu.memory_space<vmem>>) semaphore(%arg26 : memref<!tpu.dma_semaphore, #tpu.memory_space<semaphore_mem>>)
      } else {
      }
      %mul3A_343 = arith.constant 2 : i32
      %mul3A_344 = arith.muli %mul3A_343, %scan3A_241 : i32
      %add3A_345 = arith.constant 1 : i32
      %add3A_346 = arith.addi %mul3A_344, %add3A_345 : i32
      %div3A_347 = arith.constant 5 : i32
      %div3A_348 = arith.divsi %add3A_346, %div3A_347 : i32
      %rem3A_349 = arith.constant 5 : i32
      %rem3A_350 = arith.remsi %add3A_346, %rem3A_349 : i32
      %rem3A_351 = arith.constant 2 : i32
      %rem3A_352 = arith.remsi %div3A_348, %rem3A_351 : i32
      %mul3A_353 = arith.constant 5 : i32
      %mul3A_354 = arith.muli %rem3A_352, %mul3A_353 : i32
      %add3A_355 = arith.addi %mul3A_354, %rem3A_350 : i32
      %eq3A_356 = arith.constant 0 : i32
      %eq3A_357 = arith.cmpi eq, %rem3A_350, %eq3A_356 : i32
      %add3A_358 = arith.constant 1 : i32
      %add3A_359 = arith.addi %div3A_348, %add3A_358 : i32
      %lt3A_360 = arith.constant 25 : i32
      %lt3A_361 = arith.cmpi slt, %add3A_359, %lt3A_360 : i32
      %and3A_362 = arith.andi %eq3A_357, %lt3A_361 : i1
      %convert_element_type3A_363 = arith.extui %and3A_362 : i1 to i32
      %cond3A_364 = arith.constant 0 : i32
      %cond3A_365 = arith.cmpi ne, %convert_element_type3A_363, %cond3A_364 : i32
      scf.if %cond3A_365 {
        %add3A_446 = arith.constant 1 : i32
        %add3A_447 = arith.addi %div3A_348, %add3A_446 : i32
        %sub3A = arith.constant 1 : i32
        %sub3A_448 = arith.subi %sub3A, %rem3A_352 : i32
        %mul3A_449 = arith.constant 5 : i32
        %mul3A_450 = arith.muli %add3A_447, %mul3A_449 : i32
        %add3A_451 = arith.addi %mul3A_4, %mul3A_450 : i32
        %mul3A_452 = arith.constant 5 : i32
        %mul3A_453 = arith.muli %sub3A_448, %mul3A_452 : i32
        %dma_start3A_454 = arith.constant 0 : i32
        %dma_start3A_455 = arith.constant 0 : i32
        %dma_start3A_456 = tpu.memref_slice %arg18[%mul3A_453, %dma_start3A_454, %dma_start3A_455] : memref<10x1x80xi32, #tpu.memory_space<vmem>> -> memref<5x1x80xi32, #tpu.memory_space<vmem>>
        %dma_start3A_457 = arith.constant 0 : i32
        %dma_start3A_458 = arith.constant 0 : i32
        %dma_start3A_459 = tpu.memref_slice %arg6[%add3A_451, %dma_start3A_457, %dma_start3A_458] : memref<4000x1x80xi32, #tpu.memory_space<hbm>> -> memref<5x1x80xi32, #tpu.memory_space<hbm>>
        %dma_start3A_460 = arith.constant 0 : i32
        %dma_start3A_461 = arith.constant 0 : i32
        %dma_start3A_462 = tpu.memref_slice %arg18[%mul3A_453, %dma_start3A_460, %dma_start3A_461] : memref<10x1x80xi32, #tpu.memory_space<vmem>> -> memref<5x1x80xi32, #tpu.memory_space<vmem>>
        %dma_start3A_463 = arith.constant 0 : i32
        %dma_start3A_464 = arith.constant 0 : i32
        %dma_start3A_465 = tpu.memref_slice %arg6[%add3A_451, %dma_start3A_463, %dma_start3A_464] : memref<4000x1x80xi32, #tpu.memory_space<hbm>> -> memref<5x1x80xi32, #tpu.memory_space<hbm>>
        tpu.enqueue_dma source(%dma_start3A_465 : memref<5x1x80xi32, #tpu.memory_space<hbm>>) target(%dma_start3A_462 : memref<5x1x80xi32, #tpu.memory_space<vmem>>) target_semaphore(%arg28 : memref<!tpu.dma_semaphore, #tpu.memory_space<semaphore_mem>>)
        %mul3A_466 = arith.constant 5 : i32
        %mul3A_467 = arith.muli %sub3A_448, %mul3A_466 : i32
        %dma_start3A_468 = arith.constant 0 : i32
        %dma_start3A_469 = arith.constant 0 : i32
        %dma_start3A_470 = tpu.memref_slice %arg19[%mul3A_467, %dma_start3A_468, %dma_start3A_469] : memref<10x1x80xi32, #tpu.memory_space<vmem>> -> memref<5x1x80xi32, #tpu.memory_space<vmem>>
        %dma_start3A_471 = arith.constant 0 : i32
        %dma_start3A_472 = arith.constant 0 : i32
        %dma_start3A_473 = tpu.memref_slice %arg7[%add3A_451, %dma_start3A_471, %dma_start3A_472] : memref<4000x1x80xi32, #tpu.memory_space<hbm>> -> memref<5x1x80xi32, #tpu.memory_space<hbm>>
        %dma_start3A_474 = arith.constant 0 : i32
        %dma_start3A_475 = arith.constant 0 : i32
        %dma_start3A_476 = tpu.memref_slice %arg19[%mul3A_467, %dma_start3A_474, %dma_start3A_475] : memref<10x1x80xi32, #tpu.memory_space<vmem>> -> memref<5x1x80xi32, #tpu.memory_space<vmem>>
        %dma_start3A_477 = arith.constant 0 : i32
        %dma_start3A_478 = arith.constant 0 : i32
        %dma_start3A_479 = tpu.memref_slice %arg7[%add3A_451, %dma_start3A_477, %dma_start3A_478] : memref<4000x1x80xi32, #tpu.memory_space<hbm>> -> memref<5x1x80xi32, #tpu.memory_space<hbm>>
        tpu.enqueue_dma source(%dma_start3A_479 : memref<5x1x80xi32, #tpu.memory_space<hbm>>) target(%dma_start3A_476 : memref<5x1x80xi32, #tpu.memory_space<vmem>>) target_semaphore(%arg28 : memref<!tpu.dma_semaphore, #tpu.memory_space<semaphore_mem>>)
        %mul3A_480 = arith.constant 5 : i32
        %mul3A_481 = arith.muli %sub3A_448, %mul3A_480 : i32
        %dma_start3A_482 = arith.constant 0 : i32
        %dma_start3A_483 = arith.constant 0 : i32
        %dma_start3A_484 = tpu.memref_slice %arg20[%mul3A_481, %dma_start3A_482, %dma_start3A_483] : memref<10x1x80xf32, #tpu.memory_space<vmem>> -> memref<5x1x80xf32, #tpu.memory_space<vmem>>
        %dma_start3A_485 = arith.constant 0 : i32
        %dma_start3A_486 = arith.constant 0 : i32
        %dma_start3A_487 = tpu.memref_slice %arg8[%add3A_451, %dma_start3A_485, %dma_start3A_486] : memref<4000x1x80xf32, #tpu.memory_space<hbm>> -> memref<5x1x80xf32, #tpu.memory_space<hbm>>
        %dma_start3A_488 = arith.constant 0 : i32
        %dma_start3A_489 = arith.constant 0 : i32
        %dma_start3A_490 = tpu.memref_slice %arg20[%mul3A_481, %dma_start3A_488, %dma_start3A_489] : memref<10x1x80xf32, #tpu.memory_space<vmem>> -> memref<5x1x80xf32, #tpu.memory_space<vmem>>
        %dma_start3A_491 = arith.constant 0 : i32
        %dma_start3A_492 = arith.constant 0 : i32
        %dma_start3A_493 = tpu.memref_slice %arg8[%add3A_451, %dma_start3A_491, %dma_start3A_492] : memref<4000x1x80xf32, #tpu.memory_space<hbm>> -> memref<5x1x80xf32, #tpu.memory_space<hbm>>
        tpu.enqueue_dma source(%dma_start3A_493 : memref<5x1x80xf32, #tpu.memory_space<hbm>>) target(%dma_start3A_490 : memref<5x1x80xf32, #tpu.memory_space<vmem>>) target_semaphore(%arg28 : memref<!tpu.dma_semaphore, #tpu.memory_space<semaphore_mem>>)
      } else {
      }
      %dma_wait3A_366 = arith.constant 0 : i32
      %dma_wait3A_367 = arith.constant 0 : i32
      %dma_wait3A_368 = arith.constant 1 : i32
      %dma_wait3A_369 = arith.constant 0 : i32
      %dma_wait3A_370 = arith.constant 0 : i32
      %dma_wait3A_371 = tpu.memref_slice %arg23[%dma_wait3A_368, %dma_wait3A_369, %dma_wait3A_370] : memref<2x80x128xf32, #tpu.memory_space<vmem>> -> memref<1x80x128xf32, #tpu.memory_space<vmem>>
      %dma_wait3A_372 = tpu.memref_squeeze %dma_wait3A_371 : memref<1x80x128xf32, #tpu.memory_space<vmem>> -> memref<80x128xf32, #tpu.memory_space<vmem>>
      %dma_wait3A_373 = arith.constant 0 : i32
      %dma_wait3A_374 = tpu.memref_slice %arg18[%dma_wait3A_366, %dma_wait3A_367, %dma_wait3A_373] : memref<10x1x80xi32, #tpu.memory_space<vmem>> -> memref<1x1x80xi32, #tpu.memory_space<vmem>>
      %dma_wait3A_375 = tpu.memref_squeeze %dma_wait3A_374 : memref<1x1x80xi32, #tpu.memory_space<vmem>> -> memref<80xi32, #tpu.memory_space<vmem>>
      %dma_wait3A_376 = arith.constant 0 : i32
      %dma_wait3A_377 = arith.constant 0 : i32
      %dma_wait3A_378 = tpu.memref_slice %arg2[%dma_wait3A_376, %dma_wait3A_377] : memref<10240x128xf32, #tpu.memory_space<hbm>> -> memref<10240x128xf32, #tpu.memory_space<hbm>>
      tpu.wait_indirect_dma semaphore(%arg26 : memref<!tpu.dma_semaphore, #tpu.memory_space<semaphore_mem>>) src(%dma_wait3A_378 : memref<10240x128xf32, #tpu.memory_space<hbm>>) dst(%dma_wait3A_372 : memref<80x128xf32, #tpu.memory_space<vmem>>)
      %scan3A_379 = arith.constant 0 : i32
      %scan3A_380 = arith.constant 0 : i32
      %scan3A_381 = arith.constant 5 : i32
      %scan3A_382 = arith.addi %scan3A_380, %scan3A_381 : i32
      %scan3A_383 = arith.constant 1 : i32
      scf.for %scan3A_446 = %scan3A_380 to %scan3A_382 step %scan3A_383  : i32 {
        %mul3A_447 = arith.constant 16 : i32
        %mul3A_448 = arith.muli %scan3A_446, %mul3A_447 : i32
        %get3A_449 = arith.constant 0 : i32
        %get3A_450 = arith.index_cast %add3A_355 : i32 to index
        %get3A_451 = arith.index_cast %get3A_449 : i32 to index
        %get3A_452 = arith.index_cast %mul3A_448 : i32 to index
        %get3A_453 = tpu.vector_load %arg18[%get3A_450, %get3A_451, %get3A_452] {strides = array<i32>} : memref<10x1x80xi32, #tpu.memory_space<vmem>>, vector<16xi32>,
        %get3A_454 = arith.constant 0 : i32
        %get3A_455 = arith.index_cast %add3A_355 : i32 to index
        %get3A_456 = arith.index_cast %get3A_454 : i32 to index
        %get3A_457 = arith.index_cast %mul3A_448 : i32 to index
        %get3A_458 = tpu.vector_load %arg19[%get3A_455, %get3A_456, %get3A_457] {strides = array<i32>} : memref<10x1x80xi32, #tpu.memory_space<vmem>>, vector<16xi32>,
        %gather3A = tpu.vector_load_idx %arg15[%get3A_453] : memref<10240xf32, #tpu.memory_space<vmem>>[vector<16xi32>], vector<16xf32>,
        %gather3A_459 = tpu.vector_load_idx %arg16[%get3A_458] : memref<10240xf32, #tpu.memory_space<vmem>>[vector<16xi32>], vector<16xf32>,
        %add3A_460 = arith.addf %gather3A, %gather3A_459 : vector<16xf32>
        %gt3A_461 = arith.constant 0.000000e+00 : f32
        %gt3A_462 = vector.broadcast %gt3A_461 : f32 to vector<16xf32>
        %gt3A_463 = arith.cmpf ogt, %add3A_460, %gt3A_462 : vector<16xf32>
        %mul3A_464 = arith.constant 2.000000e-01 : f32
        %mul3A_465 = vector.broadcast %mul3A_464 : f32 to vector<16xf32>
        %mul3A_466 = arith.mulf %mul3A_465, %add3A_460 : vector<16xf32>
        %select_n3A_467 = arith.select %gt3A_463, %add3A_460, %mul3A_466 : vector<16xi1>, vector<16xf32>
        %sub3A = vector.broadcast %select_n3A : f32 to vector<16xf32>
        %sub3A_468 = arith.subf %select_n3A_467, %sub3A : vector<16xf32>
        %exp3A = math.exp %sub3A_468 : vector<16xf32>
        %swap3A = arith.constant 0 : i32
        %swap3A_469 = arith.index_cast %swap3A : i32 to index
        %swap3A_470 = arith.index_cast %mul3A_448 : i32 to index
        %swap3A_471 = tpu.vector_load %arg21[%swap3A_469, %swap3A_470] {strides = array<i32>} : memref<1x80xf32, #tpu.memory_space<vmem>>, vector<16xf32>,
        tpu.vector_store %arg21[%swap3A_469, %swap3A_470], %exp3A {strides = array<i32>} : memref<1x80xf32, #tpu.memory_space<vmem>>, vector<16xf32>,
        %get3A_472 = arith.constant 0 : i32
        %get3A_473 = arith.index_cast %add3A_355 : i32 to index
        %get3A_474 = arith.index_cast %get3A_472 : i32 to index
        %get3A_475 = arith.index_cast %mul3A_448 : i32 to index
        %get3A_476 = tpu.vector_load %arg20[%get3A_473, %get3A_474, %get3A_475] {strides = array<i32>} : memref<10x1x80xf32, #tpu.memory_space<vmem>>, vector<16xf32>,
        %mul3A_477 = arith.mulf %exp3A, %get3A_476 : vector<16xf32>
        %scan3A_478 = arith.constant 0 : i32
        %scan3A_479 = arith.constant 0 : i32
        %scan3A_480 = arith.constant 8 : i32
        %scan3A_481 = arith.addi %scan3A_479, %scan3A_480 : i32
        %scan3A_482 = arith.constant 1 : i32
        scf.for %scan3A_484 = %scan3A_479 to %scan3A_481 step %scan3A_482  : i32 {
          %mul3A_485 = arith.constant 2 : i32
          %mul3A_486 = arith.muli %mul3A_485, %scan3A_484 : i32
          %broadcast_in_dim3A = arith.constant 0 : i32
          %broadcast_in_dim3A_487 = vector.broadcast %broadcast_in_dim3A : i32 to vector<16x1xi32>
          %add3A_488 = vector.broadcast %mul3A_486 : i32 to vector<16x1xi32>
          %add3A_489 = arith.addi %broadcast_in_dim3A_487, %add3A_488 : vector<16x1xi32>
          %gather3A_490 = vector.shape_cast %add3A_489 : vector<16x1xi32> to vector<16xi32>
          %gather3A_491 = tpu.dynamic_gather %mul3A_477[%gather3A_490] in [0] : vector<16xf32>, vector<16xi32> -> vector<16xf32>
          %add3A_492 = arith.constant 1 : i32
          %add3A_493 = arith.addi %mul3A_486, %add3A_492 : i32
          %broadcast_in_dim3A_494 = arith.constant 0 : i32
          %broadcast_in_dim3A_495 = vector.broadcast %broadcast_in_dim3A_494 : i32 to vector<16x1xi32>
          %add3A_496 = vector.broadcast %add3A_493 : i32 to vector<16x1xi32>
          %add3A_497 = arith.addi %broadcast_in_dim3A_495, %add3A_496 : vector<16x1xi32>
          %gather3A_498 = vector.shape_cast %add3A_497 : vector<16x1xi32> to vector<16xi32>
          %gather3A_499 = tpu.dynamic_gather %mul3A_477[%gather3A_498] in [0] : vector<16xf32>, vector<16xi32> -> vector<16xf32>
          %mul3A_500 = arith.constant 16 : i32
          %mul3A_501 = arith.muli %scan3A_446, %mul3A_500 : i32
          %add3A_502 = arith.addi %mul3A_501, %mul3A_486 : i32
          %get3A_503 = arith.constant 1 : i32
          %get3A_504 = arith.index_cast %get3A_503 : i32 to index
          %get3A_505 = arith.index_cast %add3A_502 : i32 to index
          %get3A_506 = arith.constant 0 : index
          %get3A_507 = tpu.vector_load %arg23[%get3A_504, %get3A_505, %get3A_506] {strides = array<i32>} : memref<2x80x128xf32, #tpu.memory_space<vmem>>, vector<16xf32>,
          %mul3A_508 = arith.mulf %get3A_507, %gather3A_491 : vector<16xf32>
          %swap3A_509 = arith.constant 1 : i32
          %swap3A_510 = arith.index_cast %swap3A_509 : i32 to index
          %swap3A_511 = arith.index_cast %add3A_502 : i32 to index
          %swap3A_512 = arith.constant 0 : index
          %swap3A_513 = tpu.vector_load %arg23[%swap3A_510, %swap3A_511, %swap3A_512] {strides = array<i32>} : memref<2x80x128xf32, #tpu.memory_space<vmem>>, vector<16xf32>,
          tpu.vector_store %arg23[%swap3A_510, %swap3A_511, %swap3A_512], %mul3A_508 {strides = array<i32>} : memref<2x80x128xf32, #tpu.memory_space<vmem>>, vector<16xf32>,
          %add3A_514 = arith.constant 1 : i32
          %add3A_515 = arith.addi %add3A_502, %add3A_514 : i32
          %get3A_516 = arith.constant 1 : i32
          %get3A_517 = arith.index_cast %get3A_516 : i32 to index
          %get3A_518 = arith.index_cast %add3A_515 : i32 to index
          %get3A_519 = arith.constant 0 : index
          %get3A_520 = tpu.vector_load %arg23[%get3A_517, %get3A_518, %get3A_519] {strides = array<i32>} : memref<2x80x128xf32, #tpu.memory_space<vmem>>, vector<16xf32>,
          %mul3A_521 = arith.mulf %get3A_520, %gather3A_499 : vector<16xf32>
          %add3A_522 = arith.constant 1 : i32
          %add3A_523 = arith.addi %add3A_502, %add3A_522 : i32
          %swap3A_524 = arith.constant 1 : i32
          %swap3A_525 = arith.index_cast %swap3A_524 : i32 to index
          %swap3A_526 = arith.index_cast %add3A_523 : i32 to index
          %swap3A_527 = arith.constant 0 : index
          %swap3A_528 = tpu.vector_load %arg23[%swap3A_525, %swap3A_526, %swap3A_527] {strides = array<i32>} : memref<2x80x128xf32, #tpu.memory_space<vmem>>, vector<16xf32>,
          tpu.vector_store %arg23[%swap3A_525, %swap3A_526, %swap3A_527], %mul3A_521 {strides = array<i32>} : memref<2x80x128xf32, #tpu.memory_space<vmem>>, vector<16xf32>,
          %get3A_529 = arith.constant 1 : i32
          %get3A_530 = arith.index_cast %get3A_529 : i32 to index
          %get3A_531 = arith.index_cast %add3A_502 : i32 to index
          %get3A_532 = arith.constant 16 : index
          %get3A_533 = tpu.vector_load %arg23[%get3A_530, %get3A_531, %get3A_532] {strides = array<i32>} : memref<2x80x128xf32, #tpu.memory_space<vmem>>, vector<16xf32>,
          %mul3A_534 = arith.mulf %get3A_533, %gather3A_491 : vector<16xf32>
          %swap3A_535 = arith.constant 1 : i32
          %swap3A_536 = arith.index_cast %swap3A_535 : i32 to index
          %swap3A_537 = arith.index_cast %add3A_502 : i32 to index
          %swap3A_538 = arith.constant 16 : index
          %swap3A_539 = tpu.vector_load %arg23[%swap3A_536, %swap3A_537, %swap3A_538] {strides = array<i32>} : memref<2x80x128xf32, #tpu.memory_space<vmem>>, vector<16xf32>,
          tpu.vector_store %arg23[%swap3A_536, %swap3A_537, %swap3A_538], %mul3A_534 {strides = array<i32>} : memref<2x80x128xf32, #tpu.memory_space<vmem>>, vector<16xf32>,
          %add3A_540 = arith.constant 1 : i32
          %add3A_541 = arith.addi %add3A_502, %add3A_540 : i32
          %get3A_542 = arith.constant 1 : i32
          %get3A_543 = arith.index_cast %get3A_542 : i32 to index
          %get3A_544 = arith.index_cast %add3A_541 : i32 to index
          %get3A_545 = arith.constant 16 : index
          %get3A_546 = tpu.vector_load %arg23[%get3A_543, %get3A_544, %get3A_545] {strides = array<i32>} : memref<2x80x128xf32, #tpu.memory_space<vmem>>, vector<16xf32>,
          %mul3A_547 = arith.mulf %get3A_546, %gather3A_499 : vector<16xf32>
          %add3A_548 = arith.constant 1 : i32
          %add3A_549 = arith.addi %add3A_502, %add3A_548 : i32
          %swap3A_550 = arith.constant 1 : i32
          %swap3A_551 = arith.index_cast %swap3A_550 : i32 to index
          %swap3A_552 = arith.index_cast %add3A_549 : i32 to index
          %swap3A_553 = arith.constant 16 : index
          %swap3A_554 = tpu.vector_load %arg23[%swap3A_551, %swap3A_552, %swap3A_553] {strides = array<i32>} : memref<2x80x128xf32, #tpu.memory_space<vmem>>, vector<16xf32>,
          tpu.vector_store %arg23[%swap3A_551, %swap3A_552, %swap3A_553], %mul3A_547 {strides = array<i32>} : memref<2x80x128xf32, #tpu.memory_space<vmem>>, vector<16xf32>,
          %get3A_555 = arith.constant 1 : i32
          %get3A_556 = arith.index_cast %get3A_555 : i32 to index
          %get3A_557 = arith.index_cast %add3A_502 : i32 to index
          %get3A_558 = arith.constant 32 : index
          %get3A_559 = tpu.vector_load %arg23[%get3A_556, %get3A_557, %get3A_558] {strides = array<i32>} : memref<2x80x128xf32, #tpu.memory_space<vmem>>, vector<16xf32>,
          %mul3A_560 = arith.mulf %get3A_559, %gather3A_491 : vector<16xf32>
          %swap3A_561 = arith.constant 1 : i32
          %swap3A_562 = arith.index_cast %swap3A_561 : i32 to index
          %swap3A_563 = arith.index_cast %add3A_502 : i32 to index
          %swap3A_564 = arith.constant 32 : index
          %swap3A_565 = tpu.vector_load %arg23[%swap3A_562, %swap3A_563, %swap3A_564] {strides = array<i32>} : memref<2x80x128xf32, #tpu.memory_space<vmem>>, vector<16xf32>,
          tpu.vector_store %arg23[%swap3A_562, %swap3A_563, %swap3A_564], %mul3A_560 {strides = array<i32>} : memref<2x80x128xf32, #tpu.memory_space<vmem>>, vector<16xf32>,
          %add3A_566 = arith.constant 1 : i32
          %add3A_567 = arith.addi %add3A_502, %add3A_566 : i32
          %get3A_568 = arith.constant 1 : i32
          %get3A_569 = arith.index_cast %get3A_568 : i32 to index
          %get3A_570 = arith.index_cast %add3A_567 : i32 to index
          %get3A_571 = arith.constant 32 : index
          %get3A_572 = tpu.vector_load %arg23[%get3A_569, %get3A_570, %get3A_571] {strides = array<i32>} : memref<2x80x128xf32, #tpu.memory_space<vmem>>, vector<16xf32>,
          %mul3A_573 = arith.mulf %get3A_572, %gather3A_499 : vector<16xf32>
          %add3A_574 = arith.constant 1 : i32
          %add3A_575 = arith.addi %add3A_502, %add3A_574 : i32
          %swap3A_576 = arith.constant 1 : i32
          %swap3A_577 = arith.index_cast %swap3A_576 : i32 to index
          %swap3A_578 = arith.index_cast %add3A_575 : i32 to index
          %swap3A_579 = arith.constant 32 : index
          %swap3A_580 = tpu.vector_load %arg23[%swap3A_577, %swap3A_578, %swap3A_579] {strides = array<i32>} : memref<2x80x128xf32, #tpu.memory_space<vmem>>, vector<16xf32>,
          tpu.vector_store %arg23[%swap3A_577, %swap3A_578, %swap3A_579], %mul3A_573 {strides = array<i32>} : memref<2x80x128xf32, #tpu.memory_space<vmem>>, vector<16xf32>,
          %get3A_581 = arith.constant 1 : i32
          %get3A_582 = arith.index_cast %get3A_581 : i32 to index
          %get3A_583 = arith.index_cast %add3A_502 : i32 to index
          %get3A_584 = arith.constant 48 : index
          %get3A_585 = tpu.vector_load %arg23[%get3A_582, %get3A_583, %get3A_584] {strides = array<i32>} : memref<2x80x128xf32, #tpu.memory_space<vmem>>, vector<16xf32>,
          %mul3A_586 = arith.mulf %get3A_585, %gather3A_491 : vector<16xf32>
          %swap3A_587 = arith.constant 1 : i32
          %swap3A_588 = arith.index_cast %swap3A_587 : i32 to index
          %swap3A_589 = arith.index_cast %add3A_502 : i32 to index
          %swap3A_590 = arith.constant 48 : index
          %swap3A_591 = tpu.vector_load %arg23[%swap3A_588, %swap3A_589, %swap3A_590] {strides = array<i32>} : memref<2x80x128xf32, #tpu.memory_space<vmem>>, vector<16xf32>,
          tpu.vector_store %arg23[%swap3A_588, %swap3A_589, %swap3A_590], %mul3A_586 {strides = array<i32>} : memref<2x80x128xf32, #tpu.memory_space<vmem>>, vector<16xf32>,
          %add3A_592 = arith.constant 1 : i32
          %add3A_593 = arith.addi %add3A_502, %add3A_592 : i32
          %get3A_594 = arith.constant 1 : i32
          %get3A_595 = arith.index_cast %get3A_594 : i32 to index
          %get3A_596 = arith.index_cast %add3A_593 : i32 to index
          %get3A_597 = arith.constant 48 : index
          %get3A_598 = tpu.vector_load %arg23[%get3A_595, %get3A_596, %get3A_597] {strides = array<i32>} : memref<2x80x128xf32, #tpu.memory_space<vmem>>, vector<16xf32>,
          %mul3A_599 = arith.mulf %get3A_598, %gather3A_499 : vector<16xf32>
          %add3A_600 = arith.constant 1 : i32
          %add3A_601 = arith.addi %add3A_502, %add3A_600 : i32
          %swap3A_602 = arith.constant 1 : i32
          %swap3A_603 = arith.index_cast %swap3A_602 : i32 to index
          %swap3A_604 = arith.index_cast %add3A_601 : i32 to index
          %swap3A_605 = arith.constant 48 : index
          %swap3A_606 = tpu.vector_load %arg23[%swap3A_603, %swap3A_604, %swap3A_605] {strides = array<i32>} : memref<2x80x128xf32, #tpu.memory_space<vmem>>, vector<16xf32>,
          tpu.vector_store %arg23[%swap3A_603, %swap3A_604, %swap3A_605], %mul3A_599 {strides = array<i32>} : memref<2x80x128xf32, #tpu.memory_space<vmem>>, vector<16xf32>,
        }
        %scan3A_483 = arith.constant 8 : i32
      }
      %scan3A_384 = arith.constant 5 : i32
      %dma_start3A_385 = arith.constant 1 : i32
      %dma_start3A_386 = arith.constant 0 : i32
      %dma_start3A_387 = arith.constant 0 : i32
      %dma_start3A_388 = arith.constant 0 : i32
      %dma_start3A_389 = tpu.memref_slice %arg23[%dma_start3A_385, %dma_start3A_387, %dma_start3A_388] : memref<2x80x128xf32, #tpu.memory_space<vmem>> -> memref<1x80x128xf32, #tpu.memory_space<vmem>>
      %dma_start3A_390 = tpu.memref_squeeze %dma_start3A_389 : memref<1x80x128xf32, #tpu.memory_space<vmem>> -> memref<80x128xf32, #tpu.memory_space<vmem>>
      %dma_start3A_391 = arith.constant 0 : i32
      %dma_start3A_392 = tpu.memref_slice %arg19[%add3A_355, %dma_start3A_386, %dma_start3A_391] : memref<10x1x80xi32, #tpu.memory_space<vmem>> -> memref<1x1x80xi32, #tpu.memory_space<vmem>>
      %dma_start3A_393 = tpu.memref_squeeze %dma_start3A_392 : memref<1x1x80xi32, #tpu.memory_space<vmem>> -> memref<80xi32, #tpu.memory_space<vmem>>
      %dma_start3A_394 = arith.constant 0 : i32
      %dma_start3A_395 = arith.constant 0 : i32
      %dma_start3A_396 = tpu.memref_slice %arg24[%dma_start3A_394, %dma_start3A_395] : memref<10240x128xf32, #tpu.memory_space<vmem_shared>> -> memref<10240x128xf32, #tpu.memory_space<vmem_shared>>
      tpu.enqueue_indirect_dma source(%dma_start3A_390 : memref<80x128xf32, #tpu.memory_space<vmem>>) target(%dma_start3A_396 : memref<10240x128xf32, #tpu.memory_space<vmem_shared>>) offsets(%dma_start3A_393 : memref<80xi32, #tpu.memory_space<vmem>>) semaphore(%arg27 : memref<!tpu.dma_semaphore, #tpu.memory_space<semaphore_mem>>) {add = true}
      %dma_start3A_397 = arith.constant 0 : i32
      %dma_start3A_398 = arith.constant 0 : i32
      %dma_start3A_399 = arith.constant 0 : i32
      %dma_start3A_400 = tpu.memref_slice %arg21[%dma_start3A_397, %dma_start3A_399] : memref<1x80xf32, #tpu.memory_space<vmem>> -> memref<1x80xf32, #tpu.memory_space<vmem>>
      %dma_start3A_401 = tpu.memref_squeeze %dma_start3A_400 : memref<1x80xf32, #tpu.memory_space<vmem>> -> memref<80xf32, #tpu.memory_space<vmem>>
      %dma_start3A_402 = arith.constant 0 : i32
      %dma_start3A_403 = tpu.memref_slice %arg19[%add3A_355, %dma_start3A_398, %dma_start3A_402] : memref<10x1x80xi32, #tpu.memory_space<vmem>> -> memref<1x1x80xi32, #tpu.memory_space<vmem>>
      %dma_start3A_404 = tpu.memref_squeeze %dma_start3A_403 : memref<1x1x80xi32, #tpu.memory_space<vmem>> -> memref<80xi32, #tpu.memory_space<vmem>>
      %dma_start3A_405 = arith.constant 0 : i32
      %dma_start3A_406 = tpu.memref_slice %arg25[%dma_start3A_405] : memref<10240xf32, #tpu.memory_space<vmem_shared>> -> memref<10240xf32, #tpu.memory_space<vmem_shared>>
      tpu.enqueue_indirect_dma source(%dma_start3A_401 : memref<80xf32, #tpu.memory_space<vmem>>) target(%dma_start3A_406 : memref<10240xf32, #tpu.memory_space<vmem_shared>>) offsets(%dma_start3A_404 : memref<80xi32, #tpu.memory_space<vmem>>) semaphore(%arg27 : memref<!tpu.dma_semaphore, #tpu.memory_space<semaphore_mem>>) {add = true}
      %dma_wait3A_407 = arith.constant 1 : i32
      %dma_wait3A_408 = arith.constant 0 : i32
      %dma_wait3A_409 = arith.constant 0 : i32
      %dma_wait3A_410 = arith.constant 0 : i32
      %dma_wait3A_411 = tpu.memref_slice %arg23[%dma_wait3A_407, %dma_wait3A_409, %dma_wait3A_410] : memref<2x80x128xf32, #tpu.memory_space<vmem>> -> memref<1x80x128xf32, #tpu.memory_space<vmem>>
      %dma_wait3A_412 = tpu.memref_squeeze %dma_wait3A_411 : memref<1x80x128xf32, #tpu.memory_space<vmem>> -> memref<80x128xf32, #tpu.memory_space<vmem>>
      %dma_wait3A_413 = arith.constant 0 : i32
      %dma_wait3A_414 = tpu.memref_slice %arg19[%add3A_355, %dma_wait3A_408, %dma_wait3A_413] : memref<10x1x80xi32, #tpu.memory_space<vmem>> -> memref<1x1x80xi32, #tpu.memory_space<vmem>>
      %dma_wait3A_415 = tpu.memref_squeeze %dma_wait3A_414 : memref<1x1x80xi32, #tpu.memory_space<vmem>> -> memref<80xi32, #tpu.memory_space<vmem>>
      %dma_wait3A_416 = arith.constant 0 : i32
      %dma_wait3A_417 = arith.constant 0 : i32
      %dma_wait3A_418 = tpu.memref_slice %arg24[%dma_wait3A_416, %dma_wait3A_417] : memref<10240x128xf32, #tpu.memory_space<vmem_shared>> -> memref<10240x128xf32, #tpu.memory_space<vmem_shared>>
      tpu.wait_indirect_dma semaphore(%arg27 : memref<!tpu.dma_semaphore, #tpu.memory_space<semaphore_mem>>) src(%dma_wait3A_412 : memref<80x128xf32, #tpu.memory_space<vmem>>) dst(%dma_wait3A_418 : memref<10240x128xf32, #tpu.memory_space<vmem_shared>>)
      %dma_wait3A_419 = arith.constant 0 : i32
      %dma_wait3A_420 = arith.constant 0 : i32
      %dma_wait3A_421 = arith.constant 0 : i32
      %dma_wait3A_422 = tpu.memref_slice %arg21[%dma_wait3A_419, %dma_wait3A_421] : memref<1x80xf32, #tpu.memory_space<vmem>> -> memref<1x80xf32, #tpu.memory_space<vmem>>
      %dma_wait3A_423 = tpu.memref_squeeze %dma_wait3A_422 : memref<1x80xf32, #tpu.memory_space<vmem>> -> memref<80xf32, #tpu.memory_space<vmem>>
      %dma_wait3A_424 = arith.constant 0 : i32
      %dma_wait3A_425 = tpu.memref_slice %arg19[%add3A_355, %dma_wait3A_420, %dma_wait3A_424] : memref<10x1x80xi32, #tpu.memory_space<vmem>> -> memref<1x1x80xi32, #tpu.memory_space<vmem>>
      %dma_wait3A_426 = tpu.memref_squeeze %dma_wait3A_425 : memref<1x1x80xi32, #tpu.memory_space<vmem>> -> memref<80xi32, #tpu.memory_space<vmem>>
      %dma_wait3A_427 = arith.constant 0 : i32
      %dma_wait3A_428 = tpu.memref_slice %arg25[%dma_wait3A_427] : memref<10240xf32, #tpu.memory_space<vmem_shared>> -> memref<10240xf32, #tpu.memory_space<vmem_shared>>
      tpu.wait_indirect_dma semaphore(%arg27 : memref<!tpu.dma_semaphore, #tpu.memory_space<semaphore_mem>>) src(%dma_wait3A_423 : memref<80xf32, #tpu.memory_space<vmem>>) dst(%dma_wait3A_428 : memref<10240xf32, #tpu.memory_space<vmem_shared>>)
      %eq3A_429 = arith.constant 3 : i32
      %eq3A_430 = arith.cmpi eq, %rem3A_350, %eq3A_429 : i32
      %add3A_431 = arith.constant 1 : i32
      %add3A_432 = arith.addi %div3A_348, %add3A_431 : i32
      %lt3A_433 = arith.constant 25 : i32
      %lt3A_434 = arith.cmpi slt, %add3A_432, %lt3A_433 : i32
      %and3A_435 = arith.andi %eq3A_430, %lt3A_434 : i1
      %convert_element_type3A_436 = arith.extui %and3A_435 : i1 to i32
      %cond3A_437 = arith.constant 0 : i32
      %cond3A_438 = arith.cmpi ne, %convert_element_type3A_436, %cond3A_437 : i32
      scf.if %cond3A_438 {
        %sub3A = arith.constant 1 : i32
        %sub3A_446 = arith.subi %sub3A, %rem3A_352 : i32
        %mul3A_447 = arith.constant 5 : i32
        %mul3A_448 = arith.muli %sub3A_446, %mul3A_447 : i32
        %dma_wait3A_449 = arith.constant 0 : i32
        %dma_wait3A_450 = arith.constant 0 : i32
        %dma_wait3A_451 = tpu.memref_slice %arg18[%mul3A_448, %dma_wait3A_449, %dma_wait3A_450] : memref<10x1x80xi32, #tpu.memory_space<vmem>> -> memref<5x1x80xi32, #tpu.memory_space<vmem>>
        %dma_wait3A_452 = arith.constant 0 : i32
        %dma_wait3A_453 = arith.constant 0 : i32
        %dma_wait3A_454 = arith.constant 0 : i32
        %dma_wait3A_455 = tpu.memref_slice %arg6[%dma_wait3A_452, %dma_wait3A_453, %dma_wait3A_454] : memref<4000x1x80xi32, #tpu.memory_space<hbm>> -> memref<5x1x80xi32, #tpu.memory_space<hbm>>
        %dma_wait3A_456 = arith.constant 0 : i32
        %dma_wait3A_457 = arith.constant 0 : i32
        %dma_wait3A_458 = tpu.memref_slice %arg18[%mul3A_448, %dma_wait3A_456, %dma_wait3A_457] : memref<10x1x80xi32, #tpu.memory_space<vmem>> -> memref<5x1x80xi32, #tpu.memory_space<vmem>>
        %dma_wait3A_459 = arith.constant 0 : i32
        %dma_wait3A_460 = arith.constant 0 : i32
        %dma_wait3A_461 = arith.constant 0 : i32
        %dma_wait3A_462 = tpu.memref_slice %arg6[%dma_wait3A_459, %dma_wait3A_460, %dma_wait3A_461] : memref<4000x1x80xi32, #tpu.memory_space<hbm>> -> memref<5x1x80xi32, #tpu.memory_space<hbm>>
        tpu.wait_dma2 semaphore(%arg28 : memref<!tpu.dma_semaphore, #tpu.memory_space<semaphore_mem>>) src(%dma_wait3A_462 : memref<5x1x80xi32, #tpu.memory_space<hbm>>) dst(%dma_wait3A_458 : memref<5x1x80xi32, #tpu.memory_space<vmem>>)
        %mul3A_463 = arith.constant 5 : i32
        %mul3A_464 = arith.muli %sub3A_446, %mul3A_463 : i32
        %dma_wait3A_465 = arith.constant 0 : i32
        %dma_wait3A_466 = arith.constant 0 : i32
        %dma_wait3A_467 = tpu.memref_slice %arg19[%mul3A_464, %dma_wait3A_465, %dma_wait3A_466] : memref<10x1x80xi32, #tpu.memory_space<vmem>> -> memref<5x1x80xi32, #tpu.memory_space<vmem>>
        %dma_wait3A_468 = arith.constant 0 : i32
        %dma_wait3A_469 = arith.constant 0 : i32
        %dma_wait3A_470 = arith.constant 0 : i32
        %dma_wait3A_471 = tpu.memref_slice %arg7[%dma_wait3A_468, %dma_wait3A_469, %dma_wait3A_470] : memref<4000x1x80xi32, #tpu.memory_space<hbm>> -> memref<5x1x80xi32, #tpu.memory_space<hbm>>
        %dma_wait3A_472 = arith.constant 0 : i32
        %dma_wait3A_473 = arith.constant 0 : i32
        %dma_wait3A_474 = tpu.memref_slice %arg19[%mul3A_464, %dma_wait3A_472, %dma_wait3A_473] : memref<10x1x80xi32, #tpu.memory_space<vmem>> -> memref<5x1x80xi32, #tpu.memory_space<vmem>>
        %dma_wait3A_475 = arith.constant 0 : i32
        %dma_wait3A_476 = arith.constant 0 : i32
        %dma_wait3A_477 = arith.constant 0 : i32
        %dma_wait3A_478 = tpu.memref_slice %arg7[%dma_wait3A_475, %dma_wait3A_476, %dma_wait3A_477] : memref<4000x1x80xi32, #tpu.memory_space<hbm>> -> memref<5x1x80xi32, #tpu.memory_space<hbm>>
        tpu.wait_dma2 semaphore(%arg28 : memref<!tpu.dma_semaphore, #tpu.memory_space<semaphore_mem>>) src(%dma_wait3A_478 : memref<5x1x80xi32, #tpu.memory_space<hbm>>) dst(%dma_wait3A_474 : memref<5x1x80xi32, #tpu.memory_space<vmem>>)
        %mul3A_479 = arith.constant 5 : i32
        %mul3A_480 = arith.muli %sub3A_446, %mul3A_479 : i32
        %dma_wait3A_481 = arith.constant 0 : i32
        %dma_wait3A_482 = arith.constant 0 : i32
        %dma_wait3A_483 = tpu.memref_slice %arg20[%mul3A_480, %dma_wait3A_481, %dma_wait3A_482] : memref<10x1x80xf32, #tpu.memory_space<vmem>> -> memref<5x1x80xf32, #tpu.memory_space<vmem>>
        %dma_wait3A_484 = arith.constant 0 : i32
        %dma_wait3A_485 = arith.constant 0 : i32
        %dma_wait3A_486 = arith.constant 0 : i32
        %dma_wait3A_487 = tpu.memref_slice %arg8[%dma_wait3A_484, %dma_wait3A_485, %dma_wait3A_486] : memref<4000x1x80xf32, #tpu.memory_space<hbm>> -> memref<5x1x80xf32, #tpu.memory_space<hbm>>
        %dma_wait3A_488 = arith.constant 0 : i32
        %dma_wait3A_489 = arith.constant 0 : i32
        %dma_wait3A_490 = tpu.memref_slice %arg20[%mul3A_480, %dma_wait3A_488, %dma_wait3A_489] : memref<10x1x80xf32, #tpu.memory_space<vmem>> -> memref<5x1x80xf32, #tpu.memory_space<vmem>>
        %dma_wait3A_491 = arith.constant 0 : i32
        %dma_wait3A_492 = arith.constant 0 : i32
        %dma_wait3A_493 = arith.constant 0 : i32
        %dma_wait3A_494 = tpu.memref_slice %arg8[%dma_wait3A_491, %dma_wait3A_492, %dma_wait3A_493] : memref<4000x1x80xf32, #tpu.memory_space<hbm>> -> memref<5x1x80xf32, #tpu.memory_space<hbm>>
        tpu.wait_dma2 semaphore(%arg28 : memref<!tpu.dma_semaphore, #tpu.memory_space<semaphore_mem>>) src(%dma_wait3A_494 : memref<5x1x80xf32, #tpu.memory_space<hbm>>) dst(%dma_wait3A_490 : memref<5x1x80xf32, #tpu.memory_space<vmem>>)
      } else {
      }
      %add3A_439 = arith.constant 2 : i32
      %add3A_440 = arith.addi %add3A_346, %add3A_439 : i32
      %lt3A_441 = arith.constant 125 : i32
      %lt3A_442 = arith.cmpi slt, %add3A_440, %lt3A_441 : i32
      %convert_element_type3A_443 = arith.extui %lt3A_442 : i1 to i32
      %cond3A_444 = arith.constant 0 : i32
      %cond3A_445 = arith.cmpi ne, %convert_element_type3A_443, %cond3A_444 : i32
      scf.if %cond3A_445 {
        %div3A_446 = arith.constant 5 : i32
        %div3A_447 = arith.divsi %add3A_440, %div3A_446 : i32
        %rem3A_448 = arith.constant 2 : i32
        %rem3A_449 = arith.remsi %div3A_447, %rem3A_448 : i32
        %mul3A_450 = arith.constant 5 : i32
        %mul3A_451 = arith.muli %rem3A_449, %mul3A_450 : i32
        %rem3A_452 = arith.constant 5 : i32
        %rem3A_453 = arith.remsi %add3A_440, %rem3A_452 : i32
        %add3A_454 = arith.addi %mul3A_451, %rem3A_453 : i32
        %dma_start3A_455 = arith.constant 0 : i32
        %dma_start3A_456 = arith.constant 1 : i32
        %dma_start3A_457 = arith.constant 0 : i32
        %dma_start3A_458 = arith.constant 0 : i32
        %dma_start3A_459 = tpu.memref_slice %arg23[%dma_start3A_456, %dma_start3A_457, %dma_start3A_458] : memref<2x80x128xf32, #tpu.memory_space<vmem>> -> memref<1x80x128xf32, #tpu.memory_space<vmem>>
        %dma_start3A_460 = tpu.memref_squeeze %dma_start3A_459 : memref<1x80x128xf32, #tpu.memory_space<vmem>> -> memref<80x128xf32, #tpu.memory_space<vmem>>
        %dma_start3A_461 = arith.constant 0 : i32
        %dma_start3A_462 = tpu.memref_slice %arg18[%add3A_454, %dma_start3A_455, %dma_start3A_461] : memref<10x1x80xi32, #tpu.memory_space<vmem>> -> memref<1x1x80xi32, #tpu.memory_space<vmem>>
        %dma_start3A_463 = tpu.memref_squeeze %dma_start3A_462 : memref<1x1x80xi32, #tpu.memory_space<vmem>> -> memref<80xi32, #tpu.memory_space<vmem>>
        %dma_start3A_464 = arith.constant 0 : i32
        %dma_start3A_465 = arith.constant 0 : i32
        %dma_start3A_466 = tpu.memref_slice %arg2[%dma_start3A_464, %dma_start3A_465] : memref<10240x128xf32, #tpu.memory_space<hbm>> -> memref<10240x128xf32, #tpu.memory_space<hbm>>
        tpu.enqueue_indirect_dma source(%dma_start3A_466 : memref<10240x128xf32, #tpu.memory_space<hbm>>) target(%dma_start3A_460 : memref<80x128xf32, #tpu.memory_space<vmem>>) offsets(%dma_start3A_463 : memref<80xi32, #tpu.memory_space<vmem>>) semaphore(%arg26 : memref<!tpu.dma_semaphore, #tpu.memory_space<semaphore_mem>>)
      } else {
      }
    }
    %scan3A_142 = arith.constant 62 : i32
    %div3A = arith.constant 124 : i32
    %div3A_143 = arith.constant 5 : i32
    %div3A_144 = arith.divsi %div3A, %div3A_143 : i32
    %rem3A = arith.constant 124 : i32
    %rem3A_145 = arith.constant 5 : i32
    %rem3A_146 = arith.remsi %rem3A, %rem3A_145 : i32
    %rem3A_147 = arith.constant 2 : i32
    %rem3A_148 = arith.remsi %div3A_144, %rem3A_147 : i32
    %mul3A_149 = arith.constant 5 : i32
    %mul3A_150 = arith.muli %rem3A_148, %mul3A_149 : i32
    %add3A_151 = arith.addi %mul3A_150, %rem3A_146 : i32
    %eq3A = arith.constant 0 : i32
    %eq3A_152 = arith.cmpi eq, %rem3A_146, %eq3A : i32
    %add3A_153 = arith.constant 1 : i32
    %add3A_154 = arith.addi %div3A_144, %add3A_153 : i32
    %lt3A = arith.constant 25 : i32
    %lt3A_155 = arith.cmpi slt, %add3A_154, %lt3A : i32
    %and3A = arith.andi %eq3A_152, %lt3A_155 : i1
    %convert_element_type3A = arith.extui %and3A : i1 to i32
    %cond3A = arith.constant 0 : i32
    %cond3A_156 = arith.cmpi ne, %convert_element_type3A, %cond3A : i32
    scf.if %cond3A_156 {
      %add3A_241 = arith.constant 1 : i32
      %add3A_242 = arith.addi %div3A_144, %add3A_241 : i32
      %sub3A = arith.constant 1 : i32
      %sub3A_243 = arith.subi %sub3A, %rem3A_148 : i32
      %mul3A_244 = arith.constant 5 : i32
      %mul3A_245 = arith.muli %add3A_242, %mul3A_244 : i32
      %add3A_246 = arith.addi %mul3A_4, %mul3A_245 : i32
      %mul3A_247 = arith.constant 5 : i32
      %mul3A_248 = arith.muli %sub3A_243, %mul3A_247 : i32
      %dma_start3A_249 = arith.constant 0 : i32
      %dma_start3A_250 = arith.constant 0 : i32
      %dma_start3A_251 = tpu.memref_slice %arg18[%mul3A_248, %dma_start3A_249, %dma_start3A_250] : memref<10x1x80xi32, #tpu.memory_space<vmem>> -> memref<5x1x80xi32, #tpu.memory_space<vmem>>
      %dma_start3A_252 = arith.constant 0 : i32
      %dma_start3A_253 = arith.constant 0 : i32
      %dma_start3A_254 = tpu.memref_slice %arg6[%add3A_246, %dma_start3A_252, %dma_start3A_253] : memref<4000x1x80xi32, #tpu.memory_space<hbm>> -> memref<5x1x80xi32, #tpu.memory_space<hbm>>
      %dma_start3A_255 = arith.constant 0 : i32
      %dma_start3A_256 = arith.constant 0 : i32
      %dma_start3A_257 = tpu.memref_slice %arg18[%mul3A_248, %dma_start3A_255, %dma_start3A_256] : memref<10x1x80xi32, #tpu.memory_space<vmem>> -> memref<5x1x80xi32, #tpu.memory_space<vmem>>
      %dma_start3A_258 = arith.constant 0 : i32
      %dma_start3A_259 = arith.constant 0 : i32
      %dma_start3A_260 = tpu.memref_slice %arg6[%add3A_246, %dma_start3A_258, %dma_start3A_259] : memref<4000x1x80xi32, #tpu.memory_space<hbm>> -> memref<5x1x80xi32, #tpu.memory_space<hbm>>
      tpu.enqueue_dma source(%dma_start3A_260 : memref<5x1x80xi32, #tpu.memory_space<hbm>>) target(%dma_start3A_257 : memref<5x1x80xi32, #tpu.memory_space<vmem>>) target_semaphore(%arg28 : memref<!tpu.dma_semaphore, #tpu.memory_space<semaphore_mem>>)
      %mul3A_261 = arith.constant 5 : i32
      %mul3A_262 = arith.muli %sub3A_243, %mul3A_261 : i32
      %dma_start3A_263 = arith.constant 0 : i32
      %dma_start3A_264 = arith.constant 0 : i32
      %dma_start3A_265 = tpu.memref_slice %arg19[%mul3A_262, %dma_start3A_263, %dma_start3A_264] : memref<10x1x80xi32, #tpu.memory_space<vmem>> -> memref<5x1x80xi32, #tpu.memory_space<vmem>>
      %dma_start3A_266 = arith.constant 0 : i32
      %dma_start3A_267 = arith.constant 0 : i32
      %dma_start3A_268 = tpu.memref_slice %arg7[%add3A_246, %dma_start3A_266, %dma_start3A_267] : memref<4000x1x80xi32, #tpu.memory_space<hbm>> -> memref<5x1x80xi32, #tpu.memory_space<hbm>>
      %dma_start3A_269 = arith.constant 0 : i32
      %dma_start3A_270 = arith.constant 0 : i32
      %dma_start3A_271 = tpu.memref_slice %arg19[%mul3A_262, %dma_start3A_269, %dma_start3A_270] : memref<10x1x80xi32, #tpu.memory_space<vmem>> -> memref<5x1x80xi32, #tpu.memory_space<vmem>>
      %dma_start3A_272 = arith.constant 0 : i32
      %dma_start3A_273 = arith.constant 0 : i32
      %dma_start3A_274 = tpu.memref_slice %arg7[%add3A_246, %dma_start3A_272, %dma_start3A_273] : memref<4000x1x80xi32, #tpu.memory_space<hbm>> -> memref<5x1x80xi32, #tpu.memory_space<hbm>>
      tpu.enqueue_dma source(%dma_start3A_274 : memref<5x1x80xi32, #tpu.memory_space<hbm>>) target(%dma_start3A_271 : memref<5x1x80xi32, #tpu.memory_space<vmem>>) target_semaphore(%arg28 : memref<!tpu.dma_semaphore, #tpu.memory_space<semaphore_mem>>)
      %mul3A_275 = arith.constant 5 : i32
      %mul3A_276 = arith.muli %sub3A_243, %mul3A_275 : i32
      %dma_start3A_277 = arith.constant 0 : i32
      %dma_start3A_278 = arith.constant 0 : i32
      %dma_start3A_279 = tpu.memref_slice %arg20[%mul3A_276, %dma_start3A_277, %dma_start3A_278] : memref<10x1x80xf32, #tpu.memory_space<vmem>> -> memref<5x1x80xf32, #tpu.memory_space<vmem>>
      %dma_start3A_280 = arith.constant 0 : i32
      %dma_start3A_281 = arith.constant 0 : i32
      %dma_start3A_282 = tpu.memref_slice %arg8[%add3A_246, %dma_start3A_280, %dma_start3A_281] : memref<4000x1x80xf32, #tpu.memory_space<hbm>> -> memref<5x1x80xf32, #tpu.memory_space<hbm>>
      %dma_start3A_283 = arith.constant 0 : i32
      %dma_start3A_284 = arith.constant 0 : i32
      %dma_start3A_285 = tpu.memref_slice %arg20[%mul3A_276, %dma_start3A_283, %dma_start3A_284] : memref<10x1x80xf32, #tpu.memory_space<vmem>> -> memref<5x1x80xf32, #tpu.memory_space<vmem>>
      %dma_start3A_286 = arith.constant 0 : i32
      %dma_start3A_287 = arith.constant 0 : i32
      %dma_start3A_288 = tpu.memref_slice %arg8[%add3A_246, %dma_start3A_286, %dma_start3A_287] : memref<4000x1x80xf32, #tpu.memory_space<hbm>> -> memref<5x1x80xf32, #tpu.memory_space<hbm>>
      tpu.enqueue_dma source(%dma_start3A_288 : memref<5x1x80xf32, #tpu.memory_space<hbm>>) target(%dma_start3A_285 : memref<5x1x80xf32, #tpu.memory_space<vmem>>) target_semaphore(%arg28 : memref<!tpu.dma_semaphore, #tpu.memory_space<semaphore_mem>>)
    } else {
    }
    %dma_wait3A_157 = arith.constant 0 : i32
    %dma_wait3A_158 = arith.constant 0 : i32
    %dma_wait3A_159 = arith.constant 0 : i32
    %dma_wait3A_160 = arith.constant 0 : i32
    %dma_wait3A_161 = arith.constant 0 : i32
    %dma_wait3A_162 = tpu.memref_slice %arg23[%dma_wait3A_159, %dma_wait3A_160, %dma_wait3A_161] : memref<2x80x128xf32, #tpu.memory_space<vmem>> -> memref<1x80x128xf32, #tpu.memory_space<vmem>>
    %dma_wait3A_163 = tpu.memref_squeeze %dma_wait3A_162 : memref<1x80x128xf32, #tpu.memory_space<vmem>> -> memref<80x128xf32, #tpu.memory_space<vmem>>
    %dma_wait3A_164 = arith.constant 0 : i32
    %dma_wait3A_165 = tpu.memref_slice %arg18[%dma_wait3A_157, %dma_wait3A_158, %dma_wait3A_164] : memref<10x1x80xi32, #tpu.memory_space<vmem>> -> memref<1x1x80xi32, #tpu.memory_space<vmem>>
    %dma_wait3A_166 = tpu.memref_squeeze %dma_wait3A_165 : memref<1x1x80xi32, #tpu.memory_space<vmem>> -> memref<80xi32, #tpu.memory_space<vmem>>
    %dma_wait3A_167 = arith.constant 0 : i32
    %dma_wait3A_168 = arith.constant 0 : i32
    %dma_wait3A_169 = tpu.memref_slice %arg2[%dma_wait3A_167, %dma_wait3A_168] : memref<10240x128xf32, #tpu.memory_space<hbm>> -> memref<10240x128xf32, #tpu.memory_space<hbm>>
    tpu.wait_indirect_dma semaphore(%arg26 : memref<!tpu.dma_semaphore, #tpu.memory_space<semaphore_mem>>) src(%dma_wait3A_169 : memref<10240x128xf32, #tpu.memory_space<hbm>>) dst(%dma_wait3A_163 : memref<80x128xf32, #tpu.memory_space<vmem>>)
    %scan3A_170 = arith.constant 0 : i32
    %scan3A_171 = arith.constant 0 : i32
    %scan3A_172 = arith.constant 5 : i32
    %scan3A_173 = arith.addi %scan3A_171, %scan3A_172 : i32
    %scan3A_174 = arith.constant 1 : i32
    scf.for %scan3A_241 = %scan3A_171 to %scan3A_173 step %scan3A_174  : i32 {
      %mul3A_242 = arith.constant 16 : i32
      %mul3A_243 = arith.muli %scan3A_241, %mul3A_242 : i32
      %get3A_244 = arith.constant 0 : i32
      %get3A_245 = arith.index_cast %add3A_151 : i32 to index
      %get3A_246 = arith.index_cast %get3A_244 : i32 to index
      %get3A_247 = arith.index_cast %mul3A_243 : i32 to index
      %get3A_248 = tpu.vector_load %arg18[%get3A_245, %get3A_246, %get3A_247] {strides = array<i32>} : memref<10x1x80xi32, #tpu.memory_space<vmem>>, vector<16xi32>,
      %get3A_249 = arith.constant 0 : i32
      %get3A_250 = arith.index_cast %add3A_151 : i32 to index
      %get3A_251 = arith.index_cast %get3A_249 : i32 to index
      %get3A_252 = arith.index_cast %mul3A_243 : i32 to index
      %get3A_253 = tpu.vector_load %arg19[%get3A_250, %get3A_251, %get3A_252] {strides = array<i32>} : memref<10x1x80xi32, #tpu.memory_space<vmem>>, vector<16xi32>,
      %gather3A = tpu.vector_load_idx %arg15[%get3A_248] : memref<10240xf32, #tpu.memory_space<vmem>>[vector<16xi32>], vector<16xf32>,
      %gather3A_254 = tpu.vector_load_idx %arg16[%get3A_253] : memref<10240xf32, #tpu.memory_space<vmem>>[vector<16xi32>], vector<16xf32>,
      %add3A_255 = arith.addf %gather3A, %gather3A_254 : vector<16xf32>
      %gt3A_256 = arith.constant 0.000000e+00 : f32
      %gt3A_257 = vector.broadcast %gt3A_256 : f32 to vector<16xf32>
      %gt3A_258 = arith.cmpf ogt, %add3A_255, %gt3A_257 : vector<16xf32>
      %mul3A_259 = arith.constant 2.000000e-01 : f32
      %mul3A_260 = vector.broadcast %mul3A_259 : f32 to vector<16xf32>
      %mul3A_261 = arith.mulf %mul3A_260, %add3A_255 : vector<16xf32>
      %select_n3A_262 = arith.select %gt3A_258, %add3A_255, %mul3A_261 : vector<16xi1>, vector<16xf32>
      %sub3A = vector.broadcast %select_n3A : f32 to vector<16xf32>
      %sub3A_263 = arith.subf %select_n3A_262, %sub3A : vector<16xf32>
      %exp3A = math.exp %sub3A_263 : vector<16xf32>
      %swap3A = arith.constant 0 : i32
      %swap3A_264 = arith.index_cast %swap3A : i32 to index
      %swap3A_265 = arith.index_cast %mul3A_243 : i32 to index
      %swap3A_266 = tpu.vector_load %arg21[%swap3A_264, %swap3A_265] {strides = array<i32>} : memref<1x80xf32, #tpu.memory_space<vmem>>, vector<16xf32>,
      tpu.vector_store %arg21[%swap3A_264, %swap3A_265], %exp3A {strides = array<i32>} : memref<1x80xf32, #tpu.memory_space<vmem>>, vector<16xf32>,
      %get3A_267 = arith.constant 0 : i32
      %get3A_268 = arith.index_cast %add3A_151 : i32 to index
      %get3A_269 = arith.index_cast %get3A_267 : i32 to index
      %get3A_270 = arith.index_cast %mul3A_243 : i32 to index
      %get3A_271 = tpu.vector_load %arg20[%get3A_268, %get3A_269, %get3A_270] {strides = array<i32>} : memref<10x1x80xf32, #tpu.memory_space<vmem>>, vector<16xf32>,
      %mul3A_272 = arith.mulf %exp3A, %get3A_271 : vector<16xf32>
      %scan3A_273 = arith.constant 0 : i32
      %scan3A_274 = arith.constant 0 : i32
      %scan3A_275 = arith.constant 8 : i32
      %scan3A_276 = arith.addi %scan3A_274, %scan3A_275 : i32
      %scan3A_277 = arith.constant 1 : i32
      scf.for %scan3A_279 = %scan3A_274 to %scan3A_276 step %scan3A_277  : i32 {
        %mul3A_280 = arith.constant 2 : i32
        %mul3A_281 = arith.muli %mul3A_280, %scan3A_279 : i32
        %broadcast_in_dim3A = arith.constant 0 : i32
        %broadcast_in_dim3A_282 = vector.broadcast %broadcast_in_dim3A : i32 to vector<16x1xi32>
        %add3A_283 = vector.broadcast %mul3A_281 : i32 to vector<16x1xi32>
        %add3A_284 = arith.addi %broadcast_in_dim3A_282, %add3A_283 : vector<16x1xi32>
        %gather3A_285 = vector.shape_cast %add3A_284 : vector<16x1xi32> to vector<16xi32>
        %gather3A_286 = tpu.dynamic_gather %mul3A_272[%gather3A_285] in [0] : vector<16xf32>, vector<16xi32> -> vector<16xf32>
        %add3A_287 = arith.constant 1 : i32
        %add3A_288 = arith.addi %mul3A_281, %add3A_287 : i32
        %broadcast_in_dim3A_289 = arith.constant 0 : i32
        %broadcast_in_dim3A_290 = vector.broadcast %broadcast_in_dim3A_289 : i32 to vector<16x1xi32>
        %add3A_291 = vector.broadcast %add3A_288 : i32 to vector<16x1xi32>
        %add3A_292 = arith.addi %broadcast_in_dim3A_290, %add3A_291 : vector<16x1xi32>
        %gather3A_293 = vector.shape_cast %add3A_292 : vector<16x1xi32> to vector<16xi32>
        %gather3A_294 = tpu.dynamic_gather %mul3A_272[%gather3A_293] in [0] : vector<16xf32>, vector<16xi32> -> vector<16xf32>
        %mul3A_295 = arith.constant 16 : i32
        %mul3A_296 = arith.muli %scan3A_241, %mul3A_295 : i32
        %add3A_297 = arith.addi %mul3A_296, %mul3A_281 : i32
        %get3A_298 = arith.constant 0 : i32
        %get3A_299 = arith.index_cast %get3A_298 : i32 to index
        %get3A_300 = arith.index_cast %add3A_297 : i32 to index
        %get3A_301 = arith.constant 0 : index
        %get3A_302 = tpu.vector_load %arg23[%get3A_299, %get3A_300, %get3A_301] {strides = array<i32>} : memref<2x80x128xf32, #tpu.memory_space<vmem>>, vector<16xf32>,
        %mul3A_303 = arith.mulf %get3A_302, %gather3A_286 : vector<16xf32>
        %swap3A_304 = arith.constant 0 : i32
        %swap3A_305 = arith.index_cast %swap3A_304 : i32 to index
        %swap3A_306 = arith.index_cast %add3A_297 : i32 to index
        %swap3A_307 = arith.constant 0 : index
        %swap3A_308 = tpu.vector_load %arg23[%swap3A_305, %swap3A_306, %swap3A_307] {strides = array<i32>} : memref<2x80x128xf32, #tpu.memory_space<vmem>>, vector<16xf32>,
        tpu.vector_store %arg23[%swap3A_305, %swap3A_306, %swap3A_307], %mul3A_303 {strides = array<i32>} : memref<2x80x128xf32, #tpu.memory_space<vmem>>, vector<16xf32>,
        %add3A_309 = arith.constant 1 : i32
        %add3A_310 = arith.addi %add3A_297, %add3A_309 : i32
        %get3A_311 = arith.constant 0 : i32
        %get3A_312 = arith.index_cast %get3A_311 : i32 to index
        %get3A_313 = arith.index_cast %add3A_310 : i32 to index
        %get3A_314 = arith.constant 0 : index
        %get3A_315 = tpu.vector_load %arg23[%get3A_312, %get3A_313, %get3A_314] {strides = array<i32>} : memref<2x80x128xf32, #tpu.memory_space<vmem>>, vector<16xf32>,
        %mul3A_316 = arith.mulf %get3A_315, %gather3A_294 : vector<16xf32>
        %add3A_317 = arith.constant 1 : i32
        %add3A_318 = arith.addi %add3A_297, %add3A_317 : i32
        %swap3A_319 = arith.constant 0 : i32
        %swap3A_320 = arith.index_cast %swap3A_319 : i32 to index
        %swap3A_321 = arith.index_cast %add3A_318 : i32 to index
        %swap3A_322 = arith.constant 0 : index
        %swap3A_323 = tpu.vector_load %arg23[%swap3A_320, %swap3A_321, %swap3A_322] {strides = array<i32>} : memref<2x80x128xf32, #tpu.memory_space<vmem>>, vector<16xf32>,
        tpu.vector_store %arg23[%swap3A_320, %swap3A_321, %swap3A_322], %mul3A_316 {strides = array<i32>} : memref<2x80x128xf32, #tpu.memory_space<vmem>>, vector<16xf32>,
        %get3A_324 = arith.constant 0 : i32
        %get3A_325 = arith.index_cast %get3A_324 : i32 to index
        %get3A_326 = arith.index_cast %add3A_297 : i32 to index
        %get3A_327 = arith.constant 16 : index
        %get3A_328 = tpu.vector_load %arg23[%get3A_325, %get3A_326, %get3A_327] {strides = array<i32>} : memref<2x80x128xf32, #tpu.memory_space<vmem>>, vector<16xf32>,
        %mul3A_329 = arith.mulf %get3A_328, %gather3A_286 : vector<16xf32>
        %swap3A_330 = arith.constant 0 : i32
        %swap3A_331 = arith.index_cast %swap3A_330 : i32 to index
        %swap3A_332 = arith.index_cast %add3A_297 : i32 to index
        %swap3A_333 = arith.constant 16 : index
        %swap3A_334 = tpu.vector_load %arg23[%swap3A_331, %swap3A_332, %swap3A_333] {strides = array<i32>} : memref<2x80x128xf32, #tpu.memory_space<vmem>>, vector<16xf32>,
        tpu.vector_store %arg23[%swap3A_331, %swap3A_332, %swap3A_333], %mul3A_329 {strides = array<i32>} : memref<2x80x128xf32, #tpu.memory_space<vmem>>, vector<16xf32>,
        %add3A_335 = arith.constant 1 : i32
        %add3A_336 = arith.addi %add3A_297, %add3A_335 : i32
        %get3A_337 = arith.constant 0 : i32
        %get3A_338 = arith.index_cast %get3A_337 : i32 to index
        %get3A_339 = arith.index_cast %add3A_336 : i32 to index
        %get3A_340 = arith.constant 16 : index
        %get3A_341 = tpu.vector_load %arg23[%get3A_338, %get3A_339, %get3A_340] {strides = array<i32>} : memref<2x80x128xf32, #tpu.memory_space<vmem>>, vector<16xf32>,
        %mul3A_342 = arith.mulf %get3A_341, %gather3A_294 : vector<16xf32>
        %add3A_343 = arith.constant 1 : i32
        %add3A_344 = arith.addi %add3A_297, %add3A_343 : i32
        %swap3A_345 = arith.constant 0 : i32
        %swap3A_346 = arith.index_cast %swap3A_345 : i32 to index
        %swap3A_347 = arith.index_cast %add3A_344 : i32 to index
        %swap3A_348 = arith.constant 16 : index
        %swap3A_349 = tpu.vector_load %arg23[%swap3A_346, %swap3A_347, %swap3A_348] {strides = array<i32>} : memref<2x80x128xf32, #tpu.memory_space<vmem>>, vector<16xf32>,
        tpu.vector_store %arg23[%swap3A_346, %swap3A_347, %swap3A_348], %mul3A_342 {strides = array<i32>} : memref<2x80x128xf32, #tpu.memory_space<vmem>>, vector<16xf32>,
        %get3A_350 = arith.constant 0 : i32
        %get3A_351 = arith.index_cast %get3A_350 : i32 to index
        %get3A_352 = arith.index_cast %add3A_297 : i32 to index
        %get3A_353 = arith.constant 32 : index
        %get3A_354 = tpu.vector_load %arg23[%get3A_351, %get3A_352, %get3A_353] {strides = array<i32>} : memref<2x80x128xf32, #tpu.memory_space<vmem>>, vector<16xf32>,
        %mul3A_355 = arith.mulf %get3A_354, %gather3A_286 : vector<16xf32>
        %swap3A_356 = arith.constant 0 : i32
        %swap3A_357 = arith.index_cast %swap3A_356 : i32 to index
        %swap3A_358 = arith.index_cast %add3A_297 : i32 to index
        %swap3A_359 = arith.constant 32 : index
        %swap3A_360 = tpu.vector_load %arg23[%swap3A_357, %swap3A_358, %swap3A_359] {strides = array<i32>} : memref<2x80x128xf32, #tpu.memory_space<vmem>>, vector<16xf32>,
        tpu.vector_store %arg23[%swap3A_357, %swap3A_358, %swap3A_359], %mul3A_355 {strides = array<i32>} : memref<2x80x128xf32, #tpu.memory_space<vmem>>, vector<16xf32>,
        %add3A_361 = arith.constant 1 : i32
        %add3A_362 = arith.addi %add3A_297, %add3A_361 : i32
        %get3A_363 = arith.constant 0 : i32
        %get3A_364 = arith.index_cast %get3A_363 : i32 to index
        %get3A_365 = arith.index_cast %add3A_362 : i32 to index
        %get3A_366 = arith.constant 32 : index
        %get3A_367 = tpu.vector_load %arg23[%get3A_364, %get3A_365, %get3A_366] {strides = array<i32>} : memref<2x80x128xf32, #tpu.memory_space<vmem>>, vector<16xf32>,
        %mul3A_368 = arith.mulf %get3A_367, %gather3A_294 : vector<16xf32>
        %add3A_369 = arith.constant 1 : i32
        %add3A_370 = arith.addi %add3A_297, %add3A_369 : i32
        %swap3A_371 = arith.constant 0 : i32
        %swap3A_372 = arith.index_cast %swap3A_371 : i32 to index
        %swap3A_373 = arith.index_cast %add3A_370 : i32 to index
        %swap3A_374 = arith.constant 32 : index
        %swap3A_375 = tpu.vector_load %arg23[%swap3A_372, %swap3A_373, %swap3A_374] {strides = array<i32>} : memref<2x80x128xf32, #tpu.memory_space<vmem>>, vector<16xf32>,
        tpu.vector_store %arg23[%swap3A_372, %swap3A_373, %swap3A_374], %mul3A_368 {strides = array<i32>} : memref<2x80x128xf32, #tpu.memory_space<vmem>>, vector<16xf32>,
        %get3A_376 = arith.constant 0 : i32
        %get3A_377 = arith.index_cast %get3A_376 : i32 to index
        %get3A_378 = arith.index_cast %add3A_297 : i32 to index
        %get3A_379 = arith.constant 48 : index
        %get3A_380 = tpu.vector_load %arg23[%get3A_377, %get3A_378, %get3A_379] {strides = array<i32>} : memref<2x80x128xf32, #tpu.memory_space<vmem>>, vector<16xf32>,
        %mul3A_381 = arith.mulf %get3A_380, %gather3A_286 : vector<16xf32>
        %swap3A_382 = arith.constant 0 : i32
        %swap3A_383 = arith.index_cast %swap3A_382 : i32 to index
        %swap3A_384 = arith.index_cast %add3A_297 : i32 to index
        %swap3A_385 = arith.constant 48 : index
        %swap3A_386 = tpu.vector_load %arg23[%swap3A_383, %swap3A_384, %swap3A_385] {strides = array<i32>} : memref<2x80x128xf32, #tpu.memory_space<vmem>>, vector<16xf32>,
        tpu.vector_store %arg23[%swap3A_383, %swap3A_384, %swap3A_385], %mul3A_381 {strides = array<i32>} : memref<2x80x128xf32, #tpu.memory_space<vmem>>, vector<16xf32>,
        %add3A_387 = arith.constant 1 : i32
        %add3A_388 = arith.addi %add3A_297, %add3A_387 : i32
        %get3A_389 = arith.constant 0 : i32
        %get3A_390 = arith.index_cast %get3A_389 : i32 to index
        %get3A_391 = arith.index_cast %add3A_388 : i32 to index
        %get3A_392 = arith.constant 48 : index
        %get3A_393 = tpu.vector_load %arg23[%get3A_390, %get3A_391, %get3A_392] {strides = array<i32>} : memref<2x80x128xf32, #tpu.memory_space<vmem>>, vector<16xf32>,
        %mul3A_394 = arith.mulf %get3A_393, %gather3A_294 : vector<16xf32>
        %add3A_395 = arith.constant 1 : i32
        %add3A_396 = arith.addi %add3A_297, %add3A_395 : i32
        %swap3A_397 = arith.constant 0 : i32
        %swap3A_398 = arith.index_cast %swap3A_397 : i32 to index
        %swap3A_399 = arith.index_cast %add3A_396 : i32 to index
        %swap3A_400 = arith.constant 48 : index
        %swap3A_401 = tpu.vector_load %arg23[%swap3A_398, %swap3A_399, %swap3A_400] {strides = array<i32>} : memref<2x80x128xf32, #tpu.memory_space<vmem>>, vector<16xf32>,
        tpu.vector_store %arg23[%swap3A_398, %swap3A_399, %swap3A_400], %mul3A_394 {strides = array<i32>} : memref<2x80x128xf32, #tpu.memory_space<vmem>>, vector<16xf32>,
      }
      %scan3A_278 = arith.constant 8 : i32
    }
    %scan3A_175 = arith.constant 5 : i32
    %dma_start3A_176 = arith.constant 0 : i32
    %dma_start3A_177 = arith.constant 0 : i32
    %dma_start3A_178 = arith.constant 0 : i32
    %dma_start3A_179 = arith.constant 0 : i32
    %dma_start3A_180 = tpu.memref_slice %arg23[%dma_start3A_176, %dma_start3A_178, %dma_start3A_179] : memref<2x80x128xf32, #tpu.memory_space<vmem>> -> memref<1x80x128xf32, #tpu.memory_space<vmem>>
    %dma_start3A_181 = tpu.memref_squeeze %dma_start3A_180 : memref<1x80x128xf32, #tpu.memory_space<vmem>> -> memref<80x128xf32, #tpu.memory_space<vmem>>
    %dma_start3A_182 = arith.constant 0 : i32
    %dma_start3A_183 = tpu.memref_slice %arg19[%add3A_151, %dma_start3A_177, %dma_start3A_182] : memref<10x1x80xi32, #tpu.memory_space<vmem>> -> memref<1x1x80xi32, #tpu.memory_space<vmem>>
    %dma_start3A_184 = tpu.memref_squeeze %dma_start3A_183 : memref<1x1x80xi32, #tpu.memory_space<vmem>> -> memref<80xi32, #tpu.memory_space<vmem>>
    %dma_start3A_185 = arith.constant 0 : i32
    %dma_start3A_186 = arith.constant 0 : i32
    %dma_start3A_187 = tpu.memref_slice %arg24[%dma_start3A_185, %dma_start3A_186] : memref<10240x128xf32, #tpu.memory_space<vmem_shared>> -> memref<10240x128xf32, #tpu.memory_space<vmem_shared>>
    tpu.enqueue_indirect_dma source(%dma_start3A_181 : memref<80x128xf32, #tpu.memory_space<vmem>>) target(%dma_start3A_187 : memref<10240x128xf32, #tpu.memory_space<vmem_shared>>) offsets(%dma_start3A_184 : memref<80xi32, #tpu.memory_space<vmem>>) semaphore(%arg27 : memref<!tpu.dma_semaphore, #tpu.memory_space<semaphore_mem>>) {add = true}
    %dma_start3A_188 = arith.constant 0 : i32
    %dma_start3A_189 = arith.constant 0 : i32
    %dma_start3A_190 = arith.constant 0 : i32
    %dma_start3A_191 = tpu.memref_slice %arg21[%dma_start3A_188, %dma_start3A_190] : memref<1x80xf32, #tpu.memory_space<vmem>> -> memref<1x80xf32, #tpu.memory_space<vmem>>
    %dma_start3A_192 = tpu.memref_squeeze %dma_start3A_191 : memref<1x80xf32, #tpu.memory_space<vmem>> -> memref<80xf32, #tpu.memory_space<vmem>>
    %dma_start3A_193 = arith.constant 0 : i32
    %dma_start3A_194 = tpu.memref_slice %arg19[%add3A_151, %dma_start3A_189, %dma_start3A_193] : memref<10x1x80xi32, #tpu.memory_space<vmem>> -> memref<1x1x80xi32, #tpu.memory_space<vmem>>
    %dma_start3A_195 = tpu.memref_squeeze %dma_start3A_194 : memref<1x1x80xi32, #tpu.memory_space<vmem>> -> memref<80xi32, #tpu.memory_space<vmem>>
    %dma_start3A_196 = arith.constant 0 : i32
    %dma_start3A_197 = tpu.memref_slice %arg25[%dma_start3A_196] : memref<10240xf32, #tpu.memory_space<vmem_shared>> -> memref<10240xf32, #tpu.memory_space<vmem_shared>>
    tpu.enqueue_indirect_dma source(%dma_start3A_192 : memref<80xf32, #tpu.memory_space<vmem>>) target(%dma_start3A_197 : memref<10240xf32, #tpu.memory_space<vmem_shared>>) offsets(%dma_start3A_195 : memref<80xi32, #tpu.memory_space<vmem>>) semaphore(%arg27 : memref<!tpu.dma_semaphore, #tpu.memory_space<semaphore_mem>>) {add = true}
    %dma_wait3A_198 = arith.constant 0 : i32
    %dma_wait3A_199 = arith.constant 0 : i32
    %dma_wait3A_200 = arith.constant 0 : i32
    %dma_wait3A_201 = arith.constant 0 : i32
    %dma_wait3A_202 = tpu.memref_slice %arg23[%dma_wait3A_198, %dma_wait3A_200, %dma_wait3A_201] : memref<2x80x128xf32, #tpu.memory_space<vmem>> -> memref<1x80x128xf32, #tpu.memory_space<vmem>>
    %dma_wait3A_203 = tpu.memref_squeeze %dma_wait3A_202 : memref<1x80x128xf32, #tpu.memory_space<vmem>> -> memref<80x128xf32, #tpu.memory_space<vmem>>
    %dma_wait3A_204 = arith.constant 0 : i32
    %dma_wait3A_205 = tpu.memref_slice %arg19[%add3A_151, %dma_wait3A_199, %dma_wait3A_204] : memref<10x1x80xi32, #tpu.memory_space<vmem>> -> memref<1x1x80xi32, #tpu.memory_space<vmem>>
    %dma_wait3A_206 = tpu.memref_squeeze %dma_wait3A_205 : memref<1x1x80xi32, #tpu.memory_space<vmem>> -> memref<80xi32, #tpu.memory_space<vmem>>
    %dma_wait3A_207 = arith.constant 0 : i32
    %dma_wait3A_208 = arith.constant 0 : i32
    %dma_wait3A_209 = tpu.memref_slice %arg24[%dma_wait3A_207, %dma_wait3A_208] : memref<10240x128xf32, #tpu.memory_space<vmem_shared>> -> memref<10240x128xf32, #tpu.memory_space<vmem_shared>>
    tpu.wait_indirect_dma semaphore(%arg27 : memref<!tpu.dma_semaphore, #tpu.memory_space<semaphore_mem>>) src(%dma_wait3A_203 : memref<80x128xf32, #tpu.memory_space<vmem>>) dst(%dma_wait3A_209 : memref<10240x128xf32, #tpu.memory_space<vmem_shared>>)
    %dma_wait3A_210 = arith.constant 0 : i32
    %dma_wait3A_211 = arith.constant 0 : i32
    %dma_wait3A_212 = arith.constant 0 : i32
    %dma_wait3A_213 = tpu.memref_slice %arg21[%dma_wait3A_210, %dma_wait3A_212] : memref<1x80xf32, #tpu.memory_space<vmem>> -> memref<1x80xf32, #tpu.memory_space<vmem>>
    %dma_wait3A_214 = tpu.memref_squeeze %dma_wait3A_213 : memref<1x80xf32, #tpu.memory_space<vmem>> -> memref<80xf32, #tpu.memory_space<vmem>>
    %dma_wait3A_215 = arith.constant 0 : i32
    %dma_wait3A_216 = tpu.memref_slice %arg19[%add3A_151, %dma_wait3A_211, %dma_wait3A_215] : memref<10x1x80xi32, #tpu.memory_space<vmem>> -> memref<1x1x80xi32, #tpu.memory_space<vmem>>
    %dma_wait3A_217 = tpu.memref_squeeze %dma_wait3A_216 : memref<1x1x80xi32, #tpu.memory_space<vmem>> -> memref<80xi32, #tpu.memory_space<vmem>>
    %dma_wait3A_218 = arith.constant 0 : i32
    %dma_wait3A_219 = tpu.memref_slice %arg25[%dma_wait3A_218] : memref<10240xf32, #tpu.memory_space<vmem_shared>> -> memref<10240xf32, #tpu.memory_space<vmem_shared>>
    tpu.wait_indirect_dma semaphore(%arg27 : memref<!tpu.dma_semaphore, #tpu.memory_space<semaphore_mem>>) src(%dma_wait3A_214 : memref<80xf32, #tpu.memory_space<vmem>>) dst(%dma_wait3A_219 : memref<10240xf32, #tpu.memory_space<vmem_shared>>)
    %eq3A_220 = arith.constant 3 : i32
    %eq3A_221 = arith.cmpi eq, %rem3A_146, %eq3A_220 : i32
    %add3A_222 = arith.constant 1 : i32
    %add3A_223 = arith.addi %div3A_144, %add3A_222 : i32
    %lt3A_224 = arith.constant 25 : i32
    %lt3A_225 = arith.cmpi slt, %add3A_223, %lt3A_224 : i32
    %and3A_226 = arith.andi %eq3A_221, %lt3A_225 : i1
    %convert_element_type3A_227 = arith.extui %and3A_226 : i1 to i32
    %cond3A_228 = arith.constant 0 : i32
    %cond3A_229 = arith.cmpi ne, %convert_element_type3A_227, %cond3A_228 : i32
    scf.if %cond3A_229 {
      %sub3A = arith.constant 1 : i32
      %sub3A_241 = arith.subi %sub3A, %rem3A_148 : i32
      %mul3A_242 = arith.constant 5 : i32
      %mul3A_243 = arith.muli %sub3A_241, %mul3A_242 : i32
      %dma_wait3A_244 = arith.constant 0 : i32
      %dma_wait3A_245 = arith.constant 0 : i32
      %dma_wait3A_246 = tpu.memref_slice %arg18[%mul3A_243, %dma_wait3A_244, %dma_wait3A_245] : memref<10x1x80xi32, #tpu.memory_space<vmem>> -> memref<5x1x80xi32, #tpu.memory_space<vmem>>
      %dma_wait3A_247 = arith.constant 0 : i32
      %dma_wait3A_248 = arith.constant 0 : i32
      %dma_wait3A_249 = arith.constant 0 : i32
      %dma_wait3A_250 = tpu.memref_slice %arg6[%dma_wait3A_247, %dma_wait3A_248, %dma_wait3A_249] : memref<4000x1x80xi32, #tpu.memory_space<hbm>> -> memref<5x1x80xi32, #tpu.memory_space<hbm>>
      %dma_wait3A_251 = arith.constant 0 : i32
      %dma_wait3A_252 = arith.constant 0 : i32
      %dma_wait3A_253 = tpu.memref_slice %arg18[%mul3A_243, %dma_wait3A_251, %dma_wait3A_252] : memref<10x1x80xi32, #tpu.memory_space<vmem>> -> memref<5x1x80xi32, #tpu.memory_space<vmem>>
      %dma_wait3A_254 = arith.constant 0 : i32
      %dma_wait3A_255 = arith.constant 0 : i32
      %dma_wait3A_256 = arith.constant 0 : i32
      %dma_wait3A_257 = tpu.memref_slice %arg6[%dma_wait3A_254, %dma_wait3A_255, %dma_wait3A_256] : memref<4000x1x80xi32, #tpu.memory_space<hbm>> -> memref<5x1x80xi32, #tpu.memory_space<hbm>>
      tpu.wait_dma2 semaphore(%arg28 : memref<!tpu.dma_semaphore, #tpu.memory_space<semaphore_mem>>) src(%dma_wait3A_257 : memref<5x1x80xi32, #tpu.memory_space<hbm>>) dst(%dma_wait3A_253 : memref<5x1x80xi32, #tpu.memory_space<vmem>>)
      %mul3A_258 = arith.constant 5 : i32
      %mul3A_259 = arith.muli %sub3A_241, %mul3A_258 : i32
      %dma_wait3A_260 = arith.constant 0 : i32
      %dma_wait3A_261 = arith.constant 0 : i32
      %dma_wait3A_262 = tpu.memref_slice %arg19[%mul3A_259, %dma_wait3A_260, %dma_wait3A_261] : memref<10x1x80xi32, #tpu.memory_space<vmem>> -> memref<5x1x80xi32, #tpu.memory_space<vmem>>
      %dma_wait3A_263 = arith.constant 0 : i32
      %dma_wait3A_264 = arith.constant 0 : i32
      %dma_wait3A_265 = arith.constant 0 : i32
      %dma_wait3A_266 = tpu.memref_slice %arg7[%dma_wait3A_263, %dma_wait3A_264, %dma_wait3A_265] : memref<4000x1x80xi32, #tpu.memory_space<hbm>> -> memref<5x1x80xi32, #tpu.memory_space<hbm>>
      %dma_wait3A_267 = arith.constant 0 : i32
      %dma_wait3A_268 = arith.constant 0 : i32
      %dma_wait3A_269 = tpu.memref_slice %arg19[%mul3A_259, %dma_wait3A_267, %dma_wait3A_268] : memref<10x1x80xi32, #tpu.memory_space<vmem>> -> memref<5x1x80xi32, #tpu.memory_space<vmem>>
      %dma_wait3A_270 = arith.constant 0 : i32
      %dma_wait3A_271 = arith.constant 0 : i32
      %dma_wait3A_272 = arith.constant 0 : i32
      %dma_wait3A_273 = tpu.memref_slice %arg7[%dma_wait3A_270, %dma_wait3A_271, %dma_wait3A_272] : memref<4000x1x80xi32, #tpu.memory_space<hbm>> -> memref<5x1x80xi32, #tpu.memory_space<hbm>>
      tpu.wait_dma2 semaphore(%arg28 : memref<!tpu.dma_semaphore, #tpu.memory_space<semaphore_mem>>) src(%dma_wait3A_273 : memref<5x1x80xi32, #tpu.memory_space<hbm>>) dst(%dma_wait3A_269 : memref<5x1x80xi32, #tpu.memory_space<vmem>>)
      %mul3A_274 = arith.constant 5 : i32
      %mul3A_275 = arith.muli %sub3A_241, %mul3A_274 : i32
      %dma_wait3A_276 = arith.constant 0 : i32
      %dma_wait3A_277 = arith.constant 0 : i32
      %dma_wait3A_278 = tpu.memref_slice %arg20[%mul3A_275, %dma_wait3A_276, %dma_wait3A_277] : memref<10x1x80xf32, #tpu.memory_space<vmem>> -> memref<5x1x80xf32, #tpu.memory_space<vmem>>
      %dma_wait3A_279 = arith.constant 0 : i32
      %dma_wait3A_280 = arith.constant 0 : i32
      %dma_wait3A_281 = arith.constant 0 : i32
      %dma_wait3A_282 = tpu.memref_slice %arg8[%dma_wait3A_279, %dma_wait3A_280, %dma_wait3A_281] : memref<4000x1x80xf32, #tpu.memory_space<hbm>> -> memref<5x1x80xf32, #tpu.memory_space<hbm>>
      %dma_wait3A_283 = arith.constant 0 : i32
      %dma_wait3A_284 = arith.constant 0 : i32
      %dma_wait3A_285 = tpu.memref_slice %arg20[%mul3A_275, %dma_wait3A_283, %dma_wait3A_284] : memref<10x1x80xf32, #tpu.memory_space<vmem>> -> memref<5x1x80xf32, #tpu.memory_space<vmem>>
      %dma_wait3A_286 = arith.constant 0 : i32
      %dma_wait3A_287 = arith.constant 0 : i32
      %dma_wait3A_288 = arith.constant 0 : i32
      %dma_wait3A_289 = tpu.memref_slice %arg8[%dma_wait3A_286, %dma_wait3A_287, %dma_wait3A_288] : memref<4000x1x80xf32, #tpu.memory_space<hbm>> -> memref<5x1x80xf32, #tpu.memory_space<hbm>>
      tpu.wait_dma2 semaphore(%arg28 : memref<!tpu.dma_semaphore, #tpu.memory_space<semaphore_mem>>) src(%dma_wait3A_289 : memref<5x1x80xf32, #tpu.memory_space<hbm>>) dst(%dma_wait3A_285 : memref<5x1x80xf32, #tpu.memory_space<vmem>>)
    } else {
    }
    %barrier3A_230 = arith.constant 0 : index
    tpu.barrier barrier_id(%barrier3A_230)
    %eq3A_231 = arith.constant 0 : i32
    %eq3A_232 = arith.cmpi eq, %arg0, %eq3A_231 : i32
    %convert_element_type3A_233 = arith.extui %eq3A_232 : i1 to i32
    %cond3A_234 = arith.constant 0 : i32
    %cond3A_235 = arith.cmpi ne, %convert_element_type3A_233, %cond3A_234 : i32
    scf.if %cond3A_235 {
      %mul3A_241 = arith.constant 640 : i32
      %mul3A_242 = arith.muli %arg1, %mul3A_241 : i32
      %mul3A_243 = arith.constant 640 : i32
      %mul3A_244 = arith.muli %arg1, %mul3A_243 : i32
      "tpu.region"() ({
        %run_scoped3A = tpu.sem_alloc : memref<!tpu.dma_semaphore, #tpu.memory_space<semaphore_mem>>
        %dma_start3A_249 = arith.constant 0 : i32
        %dma_start3A_250 = tpu.memref_slice %arg11[%mul3A_244, %dma_start3A_249] : memref<10240x128xf32, #tpu.memory_space<hbm>> -> memref<640x128xf32, #tpu.memory_space<hbm>>
        %dma_start3A_251 = arith.constant 0 : i32
        %dma_start3A_252 = tpu.memref_slice %arg24[%mul3A_242, %dma_start3A_251] : memref<10240x128xf32, #tpu.memory_space<vmem_shared>> -> memref<640x128xf32, #tpu.memory_space<vmem_shared>>
        tpu.enqueue_dma source(%dma_start3A_252 : memref<640x128xf32, #tpu.memory_space<vmem_shared>>) target(%dma_start3A_250 : memref<640x128xf32, #tpu.memory_space<hbm>>) target_semaphore(%run_scoped3A : memref<!tpu.dma_semaphore, #tpu.memory_space<semaphore_mem>>)
        %dma_wait3A_253 = arith.constant 0 : i32
        %dma_wait3A_254 = tpu.memref_slice %arg11[%mul3A_244, %dma_wait3A_253] : memref<10240x128xf32, #tpu.memory_space<hbm>> -> memref<640x128xf32, #tpu.memory_space<hbm>>
        %dma_wait3A_255 = arith.constant 0 : i32
        %dma_wait3A_256 = tpu.memref_slice %arg24[%mul3A_242, %dma_wait3A_255] : memref<10240x128xf32, #tpu.memory_space<vmem_shared>> -> memref<640x128xf32, #tpu.memory_space<vmem_shared>>
        tpu.wait_dma2 semaphore(%run_scoped3A : memref<!tpu.dma_semaphore, #tpu.memory_space<semaphore_mem>>) src(%dma_wait3A_256 : memref<640x128xf32, #tpu.memory_space<vmem_shared>>) dst(%dma_wait3A_254 : memref<640x128xf32, #tpu.memory_space<hbm>>)
        tpu.yield
      }) : () -> ()
      %mul3A_245 = arith.constant 640 : i32
      %mul3A_246 = arith.muli %arg1, %mul3A_245 : i32
      %mul3A_247 = arith.constant 640 : i32
      %mul3A_248 = arith.muli %arg1, %mul3A_247 : i32
      "tpu.region"() ({
        %run_scoped3A = tpu.sem_alloc : memref<!tpu.dma_semaphore, #tpu.memory_space<semaphore_mem>>
        %dma_start3A_249 = tpu.memref_slice %arg13[%mul3A_248] : memref<10240xf32, #tpu.memory_space<hbm>> -> memref<640xf32, #tpu.memory_space<hbm>>
        %dma_start3A_250 = tpu.memref_slice %arg25[%mul3A_246] : memref<10240xf32, #tpu.memory_space<vmem_shared>> -> memref<640xf32, #tpu.memory_space<vmem_shared>>
        tpu.enqueue_dma source(%dma_start3A_250 : memref<640xf32, #tpu.memory_space<vmem_shared>>) target(%dma_start3A_249 : memref<640xf32, #tpu.memory_space<hbm>>) target_semaphore(%run_scoped3A : memref<!tpu.dma_semaphore, #tpu.memory_space<semaphore_mem>>)
        %dma_wait3A_251 = tpu.memref_slice %arg13[%mul3A_248] : memref<10240xf32, #tpu.memory_space<hbm>> -> memref<640xf32, #tpu.memory_space<hbm>>
        %dma_wait3A_252 = tpu.memref_slice %arg25[%mul3A_246] : memref<10240xf32, #tpu.memory_space<vmem_shared>> -> memref<640xf32, #tpu.memory_space<vmem_shared>>
        tpu.wait_dma2 semaphore(%run_scoped3A : memref<!tpu.dma_semaphore, #tpu.memory_space<semaphore_mem>>) src(%dma_wait3A_252 : memref<640xf32, #tpu.memory_space<vmem_shared>>) dst(%dma_wait3A_251 : memref<640xf32, #tpu.memory_space<hbm>>)
        tpu.yield
      }) : () -> ()
    } else {
    }
    %eq3A_236 = arith.constant 1 : i32
    %eq3A_237 = arith.cmpi eq, %arg0, %eq3A_236 : i32
    %convert_element_type3A_238 = arith.extui %eq3A_237 : i1 to i32
    %cond3A_239 = arith.constant 0 : i32
    %cond3A_240 = arith.cmpi ne, %convert_element_type3A_238, %cond3A_239 : i32
    scf.if %cond3A_240 {
      %mul3A_241 = arith.constant 640 : i32
      %mul3A_242 = arith.muli %arg1, %mul3A_241 : i32
      %mul3A_243 = arith.constant 640 : i32
      %mul3A_244 = arith.muli %arg1, %mul3A_243 : i32
      "tpu.region"() ({
        %run_scoped3A = tpu.sem_alloc : memref<!tpu.dma_semaphore, #tpu.memory_space<semaphore_mem>>
        %dma_start3A_249 = arith.constant 0 : i32
        %dma_start3A_250 = tpu.memref_slice %arg12[%mul3A_244, %dma_start3A_249] : memref<10240x128xf32, #tpu.memory_space<hbm>> -> memref<640x128xf32, #tpu.memory_space<hbm>>
        %dma_start3A_251 = arith.constant 0 : i32
        %dma_start3A_252 = tpu.memref_slice %arg24[%mul3A_242, %dma_start3A_251] : memref<10240x128xf32, #tpu.memory_space<vmem_shared>> -> memref<640x128xf32, #tpu.memory_space<vmem_shared>>
        tpu.enqueue_dma source(%dma_start3A_252 : memref<640x128xf32, #tpu.memory_space<vmem_shared>>) target(%dma_start3A_250 : memref<640x128xf32, #tpu.memory_space<hbm>>) target_semaphore(%run_scoped3A : memref<!tpu.dma_semaphore, #tpu.memory_space<semaphore_mem>>)
        %dma_wait3A_253 = arith.constant 0 : i32
        %dma_wait3A_254 = tpu.memref_slice %arg12[%mul3A_244, %dma_wait3A_253] : memref<10240x128xf32, #tpu.memory_space<hbm>> -> memref<640x128xf32, #tpu.memory_space<hbm>>
        %dma_wait3A_255 = arith.constant 0 : i32
        %dma_wait3A_256 = tpu.memref_slice %arg24[%mul3A_242, %dma_wait3A_255] : memref<10240x128xf32, #tpu.memory_space<vmem_shared>> -> memref<640x128xf32, #tpu.memory_space<vmem_shared>>
        tpu.wait_dma2 semaphore(%run_scoped3A : memref<!tpu.dma_semaphore, #tpu.memory_space<semaphore_mem>>) src(%dma_wait3A_256 : memref<640x128xf32, #tpu.memory_space<vmem_shared>>) dst(%dma_wait3A_254 : memref<640x128xf32, #tpu.memory_space<hbm>>)
        tpu.yield
      }) : () -> ()
      %mul3A_245 = arith.constant 640 : i32
      %mul3A_246 = arith.muli %arg1, %mul3A_245 : i32
      %mul3A_247 = arith.constant 640 : i32
      %mul3A_248 = arith.muli %arg1, %mul3A_247 : i32
      "tpu.region"() ({
        %run_scoped3A = tpu.sem_alloc : memref<!tpu.dma_semaphore, #tpu.memory_space<semaphore_mem>>
        %dma_start3A_249 = tpu.memref_slice %arg14[%mul3A_248] : memref<10240xf32, #tpu.memory_space<hbm>> -> memref<640xf32, #tpu.memory_space<hbm>>
        %dma_start3A_250 = tpu.memref_slice %arg25[%mul3A_246] : memref<10240xf32, #tpu.memory_space<vmem_shared>> -> memref<640xf32, #tpu.memory_space<vmem_shared>>
        tpu.enqueue_dma source(%dma_start3A_250 : memref<640xf32, #tpu.memory_space<vmem_shared>>) target(%dma_start3A_249 : memref<640xf32, #tpu.memory_space<hbm>>) target_semaphore(%run_scoped3A : memref<!tpu.dma_semaphore, #tpu.memory_space<semaphore_mem>>)
        %dma_wait3A_251 = tpu.memref_slice %arg14[%mul3A_248] : memref<10240xf32, #tpu.memory_space<hbm>> -> memref<640xf32, #tpu.memory_space<hbm>>
        %dma_wait3A_252 = tpu.memref_slice %arg25[%mul3A_246] : memref<10240xf32, #tpu.memory_space<vmem_shared>> -> memref<640xf32, #tpu.memory_space<vmem_shared>>
        tpu.wait_dma2 semaphore(%run_scoped3A : memref<!tpu.dma_semaphore, #tpu.memory_space<semaphore_mem>>) src(%dma_wait3A_252 : memref<640xf32, #tpu.memory_space<vmem_shared>>) dst(%dma_wait3A_251 : memref<640xf32, #tpu.memory_space<hbm>>)
        tpu.yield
      }) : () -> ()
    } else {
    }
    return
  }
}

#map = affine_map<(d0, d1) -> (0, 0)>
#map1 = affine_map<(d0, d1) -> (0)>
#map2 = affine_map<(d0, d1) -> (0, 0, 0)>
module attributes {stable_mosaic.version = 14 : i64} {
  func.func @body(%arg0: i32, %arg1: i32, %arg2: memref<10240x128xf32, #tpu.memory_space<hbm>>, %arg3: memref<10240xf32, #tpu.memory_space<hbm>>, %arg4: memref<10240xf32, #tpu.memory_space<hbm>>, %arg5: memref<2x128xf32, #tpu.memory_space<hbm>>, %arg6: memref<4000x1x80xi32, #tpu.memory_space<hbm>>, %arg7: memref<4000x1x80xi32, #tpu.memory_space<hbm>>, %arg8: memref<4000x1x80xf32, #tpu.memory_space<hbm>>, %arg9: memref<640x128xf32, #tpu.memory_space<hbm>>, %arg10: memref<640xf32, #tpu.memory_space<hbm>>, %arg11: memref<10240x128xf32, #tpu.memory_space<hbm>>, %arg12: memref<10240x128xf32, #tpu.memory_space<hbm>>, %arg13: memref<10240xf32, #tpu.memory_space<hbm>>, %arg14: memref<10240xf32, #tpu.memory_space<hbm>>, %arg15: memref<10240xf32, #tpu.memory_space<vmem>>, %arg16: memref<10240xf32, #tpu.memory_space<vmem>>, %arg17: memref<2x128xf32, #tpu.memory_space<vmem>>, %arg18: memref<10x1x80xi32, #tpu.memory_space<vmem>>, %arg19: memref<10x1x80xi32, #tpu.memory_space<vmem>>, %arg20: memref<10x1x80xf32, #tpu.memory_space<vmem>>, %arg21: memref<1x80xf32, #tpu.memory_space<vmem>>, %arg22: memref<16xf32, #tpu.memory_space<vmem>>, %arg23: memref<2x80x128xf32, #tpu.memory_space<vmem>>, %arg24: memref<10240x128xf32, #tpu.memory_space<vmem_shared>>, %arg25: memref<10240xf32, #tpu.memory_space<vmem_shared>>, %arg26: memref<!tpu.dma_semaphore, #tpu.memory_space<semaphore_mem>>, %arg27: memref<!tpu.dma_semaphore, #tpu.memory_space<semaphore_mem>>, %arg28: memref<!tpu.dma_semaphore, #tpu.memory_space<semaphore_mem>>) attributes {dimension_semantics = [#tpu.dimension_semantics<core_parallel>, #tpu.dimension_semantics<subcore_parallel>], iteration_bounds = array<i64: 2, 16>, scalar_prefetch = 0 : i64, scratch_operands = 14 : i64, tpu.core_type = #tpu.core_type<sc_vector_subcore>, window_params = [{transform_indices = #map}, {transform_indices = #map1}, {transform_indices = #map1}, {transform_indices = #map}, {transform_indices = #map2}, {transform_indices = #map2}, {transform_indices = #map2}, {transform_indices = #map}, {transform_indices = #map1}, {transform_indices = #map}, {transform_indices = #map}, {transform_indices = #map1}, {transform_indices = #map1}]} {
    %mul3A = arith.constant 16 : i32
    %mul3A_0 = arith.muli %arg0, %mul3A : i32
    %add3A = arith.addi %mul3A_0, %arg1 : i32
    %mul3A_1 = arith.constant 10000 : i32
    %mul3A_2 = arith.muli %add3A, %mul3A_1 : i32
    %mul3A_3 = arith.constant 125 : i32
    %mul3A_4 = arith.muli %add3A, %mul3A_3 : i32
    %mul3A_5 = arith.constant 640 : i32
    %mul3A_6 = arith.muli %arg1, %mul3A_5 : i32
    "tpu.region"() ({
      %run_scoped3A = tpu.sem_alloc : memref<!tpu.dma_semaphore, #tpu.memory_space<semaphore_mem>>
      %dma_start3A_241 = arith.constant 0 : i32
      %dma_start3A_242 = tpu.memref_slice %arg24[%mul3A_6, %dma_start3A_241] : memref<10240x128xf32, #tpu.memory_space<vmem_shared>> -> memref<640x128xf32, #tpu.memory_space<vmem_shared>>
      tpu.enqueue_dma source(%arg9 : memref<640x128xf32, #tpu.memory_space<hbm>>) target(%dma_start3A_242 : memref<640x128xf32, #tpu.memory_space<vmem_shared>>) target_semaphore(%run_scoped3A : memref<!tpu.dma_semaphore, #tpu.memory_space<semaphore_mem>>)
      %dma_wait3A_243 = arith.constant 0 : i32
      %dma_wait3A_244 = tpu.memref_slice %arg24[%mul3A_6, %dma_wait3A_243] : memref<10240x128xf32, #tpu.memory_space<vmem_shared>> -> memref<640x128xf32, #tpu.memory_space<vmem_shared>>
      tpu.wait_dma2 semaphore(%run_scoped3A : memref<!tpu.dma_semaphore, #tpu.memory_space<semaphore_mem>>) src(%arg9 : memref<640x128xf32, #tpu.memory_space<hbm>>) dst(%dma_wait3A_244 : memref<640x128xf32, #tpu.memory_space<vmem_shared>>)
      tpu.yield
    }) : () -> ()
    %mul3A_7 = arith.constant 640 : i32
    %mul3A_8 = arith.muli %arg1, %mul3A_7 : i32
    "tpu.region"() ({
      %run_scoped3A = tpu.sem_alloc : memref<!tpu.dma_semaphore, #tpu.memory_space<semaphore_mem>>
      %dma_start3A_241 = tpu.memref_slice %arg25[%mul3A_8] : memref<10240xf32, #tpu.memory_space<vmem_shared>> -> memref<640xf32, #tpu.memory_space<vmem_shared>>
      tpu.enqueue_dma source(%arg10 : memref<640xf32, #tpu.memory_space<hbm>>) target(%dma_start3A_241 : memref<640xf32, #tpu.memory_space<vmem_shared>>) target_semaphore(%run_scoped3A : memref<!tpu.dma_semaphore, #tpu.memory_space<semaphore_mem>>)
      %dma_wait3A_242 = tpu.memref_slice %arg25[%mul3A_8] : memref<10240xf32, #tpu.memory_space<vmem_shared>> -> memref<640xf32, #tpu.memory_space<vmem_shared>>
      tpu.wait_dma2 semaphore(%run_scoped3A : memref<!tpu.dma_semaphore, #tpu.memory_space<semaphore_mem>>) src(%arg10 : memref<640xf32, #tpu.memory_space<hbm>>) dst(%dma_wait3A_242 : memref<640xf32, #tpu.memory_space<vmem_shared>>)
      tpu.yield
    }) : () -> ()
    "tpu.region"() ({
      %run_scoped3A = tpu.sem_alloc : memref<!tpu.dma_semaphore, #tpu.memory_space<semaphore_mem>>
      tpu.enqueue_dma source(%arg3 : memref<10240xf32, #tpu.memory_space<hbm>>) target(%arg15 : memref<10240xf32, #tpu.memory_space<vmem>>) target_semaphore(%run_scoped3A : memref<!tpu.dma_semaphore, #tpu.memory_space<semaphore_mem>>)
      tpu.wait_dma2 semaphore(%run_scoped3A : memref<!tpu.dma_semaphore, #tpu.memory_space<semaphore_mem>>) src(%arg3 : memref<10240xf32, #tpu.memory_space<hbm>>) dst(%arg15 : memref<10240xf32, #tpu.memory_space<vmem>>)
      tpu.yield
    }) : () -> ()
    "tpu.region"() ({
      %run_scoped3A = tpu.sem_alloc : memref<!tpu.dma_semaphore, #tpu.memory_space<semaphore_mem>>
      tpu.enqueue_dma source(%arg4 : memref<10240xf32, #tpu.memory_space<hbm>>) target(%arg16 : memref<10240xf32, #tpu.memory_space<vmem>>) target_semaphore(%run_scoped3A : memref<!tpu.dma_semaphore, #tpu.memory_space<semaphore_mem>>)
      tpu.wait_dma2 semaphore(%run_scoped3A : memref<!tpu.dma_semaphore, #tpu.memory_space<semaphore_mem>>) src(%arg4 : memref<10240xf32, #tpu.memory_space<hbm>>) dst(%arg16 : memref<10240xf32, #tpu.memory_space<vmem>>)
      tpu.yield
    }) : () -> ()
    "tpu.region"() ({
      %run_scoped3A = tpu.sem_alloc : memref<!tpu.dma_semaphore, #tpu.memory_space<semaphore_mem>>
      tpu.enqueue_dma source(%arg5 : memref<2x128xf32, #tpu.memory_space<hbm>>) target(%arg17 : memref<2x128xf32, #tpu.memory_space<vmem>>) target_semaphore(%run_scoped3A : memref<!tpu.dma_semaphore, #tpu.memory_space<semaphore_mem>>)
      tpu.wait_dma2 semaphore(%run_scoped3A : memref<!tpu.dma_semaphore, #tpu.memory_space<semaphore_mem>>) src(%arg5 : memref<2x128xf32, #tpu.memory_space<hbm>>) dst(%arg17 : memref<2x128xf32, #tpu.memory_space<vmem>>)
      tpu.yield
    }) : () -> ()
    %barrier3A = arith.constant 0 : index
    tpu.barrier barrier_id(%barrier3A)
    %get3A = arith.constant 0 : i32
    %get3A_9 = arith.index_cast %get3A : i32 to index
    %get3A_10 = arith.constant 0 : index
    %get3A_11 = tpu.vector_load %arg17[%get3A_9, %get3A_10] {strides = array<i32>} : memref<2x128xf32, #tpu.memory_space<vmem>>, vector<16xf32>,
    %slice3A = vector.extract_strided_slice %get3A_11 {offsets = [0], sizes = [1], strides = [1]} : vector<16xf32> to vector<1xf32>
    %squeeze3A = vector.extract %slice3A[0] : f32 from vector<1xf32>
    %get3A_12 = arith.constant 1 : i32
    %get3A_13 = arith.index_cast %get3A_12 : i32 to index
    %get3A_14 = arith.constant 0 : index
    %get3A_15 = tpu.vector_load %arg17[%get3A_13, %get3A_14] {strides = array<i32>} : memref<2x128xf32, #tpu.memory_space<vmem>>, vector<16xf32>,
    %slice3A_16 = vector.extract_strided_slice %get3A_15 {offsets = [0], sizes = [1], strides = [1]} : vector<16xf32> to vector<1xf32>
    %squeeze3A_17 = vector.extract %slice3A_16[0] : f32 from vector<1xf32>
    %add3A_18 = arith.addf %squeeze3A, %squeeze3A_17 : f32
    %gt3A = arith.constant 0.000000e+00 : f32
    %gt3A_19 = arith.cmpf ogt, %add3A_18, %gt3A : f32
    %mul3A_20 = arith.constant 2.000000e-01 : f32
    %mul3A_21 = arith.mulf %mul3A_20, %add3A_18 : f32
    %select_n3A = arith.select %gt3A_19, %add3A_18, %mul3A_21 : f32
    %add3A_22 = arith.constant 0 : i32
    %add3A_23 = arith.addi %mul3A_4, %add3A_22 : i32
    %dma_start3A = arith.constant 0 : i32
    %dma_start3A_24 = arith.constant 0 : i32
    %dma_start3A_25 = arith.constant 0 : i32
    %dma_start3A_26 = tpu.memref_slice %arg18[%dma_start3A, %dma_start3A_24, %dma_start3A_25] : memref<10x1x80xi32, #tpu.memory_space<vmem>> -> memref<5x1x80xi32, #tpu.memory_space<vmem>>
    %dma_start3A_27 = arith.constant 0 : i32
    %dma_start3A_28 = arith.constant 0 : i32
    %dma_start3A_29 = tpu.memref_slice %arg6[%add3A_23, %dma_start3A_27, %dma_start3A_28] : memref<4000x1x80xi32, #tpu.memory_space<hbm>> -> memref<5x1x80xi32, #tpu.memory_space<hbm>>
    %dma_start3A_30 = arith.constant 0 : i32
    %dma_start3A_31 = arith.constant 0 : i32
    %dma_start3A_32 = arith.constant 0 : i32
    %dma_start3A_33 = tpu.memref_slice %arg18[%dma_start3A_30, %dma_start3A_31, %dma_start3A_32] : memref<10x1x80xi32, #tpu.memory_space<vmem>> -> memref<5x1x80xi32, #tpu.memory_space<vmem>>
    %dma_start3A_34 = arith.constant 0 : i32
    %dma_start3A_35 = arith.constant 0 : i32
    %dma_start3A_36 = tpu.memref_slice %arg6[%add3A_23, %dma_start3A_34, %dma_start3A_35] : memref<4000x1x80xi32, #tpu.memory_space<hbm>> -> memref<5x1x80xi32, #tpu.memory_space<hbm>>
    tpu.enqueue_dma source(%dma_start3A_36 : memref<5x1x80xi32, #tpu.memory_space<hbm>>) target(%dma_start3A_33 : memref<5x1x80xi32, #tpu.memory_space<vmem>>) target_semaphore(%arg28 : memref<!tpu.dma_semaphore, #tpu.memory_space<semaphore_mem>>)
    %dma_start3A_37 = arith.constant 0 : i32
    %dma_start3A_38 = arith.constant 0 : i32
    %dma_start3A_39 = arith.constant 0 : i32
    %dma_start3A_40 = tpu.memref_slice %arg19[%dma_start3A_37, %dma_start3A_38, %dma_start3A_39] : memref<10x1x80xi32, #tpu.memory_space<vmem>> -> memref<5x1x80xi32, #tpu.memory_space<vmem>>
    %dma_start3A_41 = arith.constant 0 : i32
    %dma_start3A_42 = arith.constant 0 : i32
    %dma_start3A_43 = tpu.memref_slice %arg7[%add3A_23, %dma_start3A_41, %dma_start3A_42] : memref<4000x1x80xi32, #tpu.memory_space<hbm>> -> memref<5x1x80xi32, #tpu.memory_space<hbm>>
    %dma_start3A_44 = arith.constant 0 : i32
    %dma_start3A_45 = arith.constant 0 : i32
    %dma_start3A_46 = arith.constant 0 : i32
    %dma_start3A_47 = tpu.memref_slice %arg19[%dma_start3A_44, %dma_start3A_45, %dma_start3A_46] : memref<10x1x80xi32, #tpu.memory_space<vmem>> -> memref<5x1x80xi32, #tpu.memory_space<vmem>>
    %dma_start3A_48 = arith.constant 0 : i32
    %dma_start3A_49 = arith.constant 0 : i32
    %dma_start3A_50 = tpu.memref_slice %arg7[%add3A_23, %dma_start3A_48, %dma_start3A_49] : memref<4000x1x80xi32, #tpu.memory_space<hbm>> -> memref<5x1x80xi32, #tpu.memory_space<hbm>>
    tpu.enqueue_dma source(%dma_start3A_50 : memref<5x1x80xi32, #tpu.memory_space<hbm>>) target(%dma_start3A_47 : memref<5x1x80xi32, #tpu.memory_space<vmem>>) target_semaphore(%arg28 : memref<!tpu.dma_semaphore, #tpu.memory_space<semaphore_mem>>)
    %dma_start3A_51 = arith.constant 0 : i32
    %dma_start3A_52 = arith.constant 0 : i32
    %dma_start3A_53 = arith.constant 0 : i32
    %dma_start3A_54 = tpu.memref_slice %arg20[%dma_start3A_51, %dma_start3A_52, %dma_start3A_53] : memref<10x1x80xf32, #tpu.memory_space<vmem>> -> memref<5x1x80xf32, #tpu.memory_space<vmem>>
    %dma_start3A_55 = arith.constant 0 : i32
    %dma_start3A_56 = arith.constant 0 : i32
    %dma_start3A_57 = tpu.memref_slice %arg8[%add3A_23, %dma_start3A_55, %dma_start3A_56] : memref<4000x1x80xf32, #tpu.memory_space<hbm>> -> memref<5x1x80xf32, #tpu.memory_space<hbm>>
    %dma_start3A_58 = arith.constant 0 : i32
    %dma_start3A_59 = arith.constant 0 : i32
    %dma_start3A_60 = arith.constant 0 : i32
    %dma_start3A_61 = tpu.memref_slice %arg20[%dma_start3A_58, %dma_start3A_59, %dma_start3A_60] : memref<10x1x80xf32, #tpu.memory_space<vmem>> -> memref<5x1x80xf32, #tpu.memory_space<vmem>>
    %dma_start3A_62 = arith.constant 0 : i32
    %dma_start3A_63 = arith.constant 0 : i32
    %dma_start3A_64 = tpu.memref_slice %arg8[%add3A_23, %dma_start3A_62, %dma_start3A_63] : memref<4000x1x80xf32, #tpu.memory_space<hbm>> -> memref<5x1x80xf32, #tpu.memory_space<hbm>>
    tpu.enqueue_dma source(%dma_start3A_64 : memref<5x1x80xf32, #tpu.memory_space<hbm>>) target(%dma_start3A_61 : memref<5x1x80xf32, #tpu.memory_space<vmem>>) target_semaphore(%arg28 : memref<!tpu.dma_semaphore, #tpu.memory_space<semaphore_mem>>)
    %dma_wait3A = arith.constant 0 : i32
    %dma_wait3A_65 = arith.constant 0 : i32
    %dma_wait3A_66 = arith.constant 0 : i32
    %dma_wait3A_67 = tpu.memref_slice %arg18[%dma_wait3A, %dma_wait3A_65, %dma_wait3A_66] : memref<10x1x80xi32, #tpu.memory_space<vmem>> -> memref<5x1x80xi32, #tpu.memory_space<vmem>>
    %dma_wait3A_68 = arith.constant 0 : i32
    %dma_wait3A_69 = arith.constant 0 : i32
    %dma_wait3A_70 = arith.constant 0 : i32
    %dma_wait3A_71 = tpu.memref_slice %arg6[%dma_wait3A_68, %dma_wait3A_69, %dma_wait3A_70] : memref<4000x1x80xi32, #tpu.memory_space<hbm>> -> memref<5x1x80xi32, #tpu.memory_space<hbm>>
    %dma_wait3A_72 = arith.constant 0 : i32
    %dma_wait3A_73 = arith.constant 0 : i32
    %dma_wait3A_74 = arith.constant 0 : i32
    %dma_wait3A_75 = tpu.memref_slice %arg18[%dma_wait3A_72, %dma_wait3A_73, %dma_wait3A_74] : memref<10x1x80xi32, #tpu.memory_space<vmem>> -> memref<5x1x80xi32, #tpu.memory_space<vmem>>
    %dma_wait3A_76 = arith.constant 0 : i32
    %dma_wait3A_77 = arith.constant 0 : i32
    %dma_wait3A_78 = arith.constant 0 : i32
    %dma_wait3A_79 = tpu.memref_slice %arg6[%dma_wait3A_76, %dma_wait3A_77, %dma_wait3A_78] : memref<4000x1x80xi32, #tpu.memory_space<hbm>> -> memref<5x1x80xi32, #tpu.memory_space<hbm>>
    tpu.wait_dma2 semaphore(%arg28 : memref<!tpu.dma_semaphore, #tpu.memory_space<semaphore_mem>>) src(%dma_wait3A_79 : memref<5x1x80xi32, #tpu.memory_space<hbm>>) dst(%dma_wait3A_75 : memref<5x1x80xi32, #tpu.memory_space<vmem>>)
    %dma_wait3A_80 = arith.constant 0 : i32
    %dma_wait3A_81 = arith.constant 0 : i32
    %dma_wait3A_82 = arith.constant 0 : i32
    %dma_wait3A_83 = tpu.memref_slice %arg19[%dma_wait3A_80, %dma_wait3A_81, %dma_wait3A_82] : memref<10x1x80xi32, #tpu.memory_space<vmem>> -> memref<5x1x80xi32, #tpu.memory_space<vmem>>
    %dma_wait3A_84 = arith.constant 0 : i32
    %dma_wait3A_85 = arith.constant 0 : i32
    %dma_wait3A_86 = arith.constant 0 : i32
    %dma_wait3A_87 = tpu.memref_slice %arg7[%dma_wait3A_84, %dma_wait3A_85, %dma_wait3A_86] : memref<4000x1x80xi32, #tpu.memory_space<hbm>> -> memref<5x1x80xi32, #tpu.memory_space<hbm>>
    %dma_wait3A_88 = arith.constant 0 : i32
    %dma_wait3A_89 = arith.constant 0 : i32
    %dma_wait3A_90 = arith.constant 0 : i32
    %dma_wait3A_91 = tpu.memref_slice %arg19[%dma_wait3A_88, %dma_wait3A_89, %dma_wait3A_90] : memref<10x1x80xi32, #tpu.memory_space<vmem>> -> memref<5x1x80xi32, #tpu.memory_space<vmem>>
    %dma_wait3A_92 = arith.constant 0 : i32
    %dma_wait3A_93 = arith.constant 0 : i32
    %dma_wait3A_94 = arith.constant 0 : i32
    %dma_wait3A_95 = tpu.memref_slice %arg7[%dma_wait3A_92, %dma_wait3A_93, %dma_wait3A_94] : memref<4000x1x80xi32, #tpu.memory_space<hbm>> -> memref<5x1x80xi32, #tpu.memory_space<hbm>>
    tpu.wait_dma2 semaphore(%arg28 : memref<!tpu.dma_semaphore, #tpu.memory_space<semaphore_mem>>) src(%dma_wait3A_95 : memref<5x1x80xi32, #tpu.memory_space<hbm>>) dst(%dma_wait3A_91 : memref<5x1x80xi32, #tpu.memory_space<vmem>>)
    %dma_wait3A_96 = arith.constant 0 : i32
    %dma_wait3A_97 = arith.constant 0 : i32
    %dma_wait3A_98 = arith.constant 0 : i32
    %dma_wait3A_99 = tpu.memref_slice %arg20[%dma_wait3A_96, %dma_wait3A_97, %dma_wait3A_98] : memref<10x1x80xf32, #tpu.memory_space<vmem>> -> memref<5x1x80xf32, #tpu.memory_space<vmem>>
    %dma_wait3A_100 = arith.constant 0 : i32
    %dma_wait3A_101 = arith.constant 0 : i32
    %dma_wait3A_102 = arith.constant 0 : i32
    %dma_wait3A_103 = tpu.memref_slice %arg8[%dma_wait3A_100, %dma_wait3A_101, %dma_wait3A_102] : memref<4000x1x80xf32, #tpu.memory_space<hbm>> -> memref<5x1x80xf32, #tpu.memory_space<hbm>>
    %dma_wait3A_104 = arith.constant 0 : i32
    %dma_wait3A_105 = arith.constant 0 : i32
    %dma_wait3A_106 = arith.constant 0 : i32
    %dma_wait3A_107 = tpu.memref_slice %arg20[%dma_wait3A_104, %dma_wait3A_105, %dma_wait3A_106] : memref<10x1x80xf32, #tpu.memory_space<vmem>> -> memref<5x1x80xf32, #tpu.memory_space<vmem>>
    %dma_wait3A_108 = arith.constant 0 : i32
    %dma_wait3A_109 = arith.constant 0 : i32
    %dma_wait3A_110 = arith.constant 0 : i32
    %dma_wait3A_111 = tpu.memref_slice %arg8[%dma_wait3A_108, %dma_wait3A_109, %dma_wait3A_110] : memref<4000x1x80xf32, #tpu.memory_space<hbm>> -> memref<5x1x80xf32, #tpu.memory_space<hbm>>
    tpu.wait_dma2 semaphore(%arg28 : memref<!tpu.dma_semaphore, #tpu.memory_space<semaphore_mem>>) src(%dma_wait3A_111 : memref<5x1x80xf32, #tpu.memory_space<hbm>>) dst(%dma_wait3A_107 : memref<5x1x80xf32, #tpu.memory_space<vmem>>)
    %dma_start3A_112 = arith.constant 0 : i32
    %dma_start3A_113 = arith.constant 0 : i32
    %dma_start3A_114 = arith.constant 0 : i32
    %dma_start3A_115 = arith.constant 0 : i32
    %dma_start3A_116 = arith.constant 0 : i32
    %dma_start3A_117 = tpu.memref_slice %arg23[%dma_start3A_114, %dma_start3A_115, %dma_start3A_116] : memref<2x80x128xf32, #tpu.memory_space<vmem>> -> memref<1x80x128xf32, #tpu.memory_space<vmem>>
    %dma_start3A_118 = tpu.memref_squeeze %dma_start3A_117 : memref<1x80x128xf32, #tpu.memory_space<vmem>> -> memref<80x128xf32, #tpu.memory_space<vmem>>
    %dma_start3A_119 = arith.constant 0 : i32
    %dma_start3A_120 = tpu.memref_slice %arg18[%dma_start3A_112, %dma_start3A_113, %dma_start3A_119] : memref<10x1x80xi32, #tpu.memory_space<vmem>> -> memref<1x1x80xi32, #tpu.memory_space<vmem>>
    %dma_start3A_121 = tpu.memref_squeeze %dma_start3A_120 : memref<1x1x80xi32, #tpu.memory_space<vmem>> -> memref<80xi32, #tpu.memory_space<vmem>>
    %dma_start3A_122 = arith.constant 0 : i32
    %dma_start3A_123 = arith.constant 0 : i32
    %dma_start3A_124 = tpu.memref_slice %arg2[%dma_start3A_122, %dma_start3A_123] : memref<10240x128xf32, #tpu.memory_space<hbm>> -> memref<10240x128xf32, #tpu.memory_space<hbm>>
    tpu.enqueue_indirect_dma source(%dma_start3A_124 : memref<10240x128xf32, #tpu.memory_space<hbm>>) target(%dma_start3A_118 : memref<80x128xf32, #tpu.memory_space<vmem>>) offsets(%dma_start3A_121 : memref<80xi32, #tpu.memory_space<vmem>>) semaphore(%arg26 : memref<!tpu.dma_semaphore, #tpu.memory_space<semaphore_mem>>)
    %dma_start3A_125 = arith.constant 1 : i32
    %dma_start3A_126 = arith.constant 0 : i32
    %dma_start3A_127 = arith.constant 1 : i32
    %dma_start3A_128 = arith.constant 0 : i32
    %dma_start3A_129 = arith.constant 0 : i32
    %dma_start3A_130 = tpu.memref_slice %arg23[%dma_start3A_127, %dma_start3A_128, %dma_start3A_129] : memref<2x80x128xf32, #tpu.memory_space<vmem>> -> memref<1x80x128xf32, #tpu.memory_space<vmem>>
    %dma_start3A_131 = tpu.memref_squeeze %dma_start3A_130 : memref<1x80x128xf32, #tpu.memory_space<vmem>> -> memref<80x128xf32, #tpu.memory_space<vmem>>
    %dma_start3A_132 = arith.constant 0 : i32
    %dma_start3A_133 = tpu.memref_slice %arg18[%dma_start3A_125, %dma_start3A_126, %dma_start3A_132] : memref<10x1x80xi32, #tpu.memory_space<vmem>> -> memref<1x1x80xi32, #tpu.memory_space<vmem>>
    %dma_start3A_134 = tpu.memref_squeeze %dma_start3A_133 : memref<1x1x80xi32, #tpu.memory_space<vmem>> -> memref<80xi32, #tpu.memory_space<vmem>>
    %dma_start3A_135 = arith.constant 0 : i32
    %dma_start3A_136 = arith.constant 0 : i32
    %dma_start3A_137 = tpu.memref_slice %arg2[%dma_start3A_135, %dma_start3A_136] : memref<10240x128xf32, #tpu.memory_space<hbm>> -> memref<10240x128xf32, #tpu.memory_space<hbm>>
    tpu.enqueue_indirect_dma source(%dma_start3A_137 : memref<10240x128xf32, #tpu.memory_space<hbm>>) target(%dma_start3A_131 : memref<80x128xf32, #tpu.memory_space<vmem>>) offsets(%dma_start3A_134 : memref<80xi32, #tpu.memory_space<vmem>>) semaphore(%arg26 : memref<!tpu.dma_semaphore, #tpu.memory_space<semaphore_mem>>)
    %scan3A = arith.constant 0 : i32
    %scan3A_138 = arith.constant 0 : i32
    %scan3A_139 = arith.constant 62 : i32
    %scan3A_140 = arith.addi %scan3A_138, %scan3A_139 : i32
    %scan3A_141 = arith.constant 1 : i32
    scf.for %scan3A_241 = %scan3A_138 to %scan3A_140 step %scan3A_141  : i32 {
      %mul3A_242 = arith.constant 2 : i32
      %mul3A_243 = arith.muli %mul3A_242, %scan3A_241 : i32
      %div3A_244 = arith.constant 5 : i32
      %div3A_245 = arith.divsi %mul3A_243, %div3A_244 : i32
      %rem3A_246 = arith.constant 5 : i32
      %rem3A_247 = arith.remsi %mul3A_243, %rem3A_246 : i32
      %rem3A_248 = arith.constant 2 : i32
      %rem3A_249 = arith.remsi %div3A_245, %rem3A_248 : i32
      %mul3A_250 = arith.constant 5 : i32
      %mul3A_251 = arith.muli %rem3A_249, %mul3A_250 : i32
      %add3A_252 = arith.addi %mul3A_251, %rem3A_247 : i32
      %eq3A_253 = arith.constant 0 : i32
      %eq3A_254 = arith.cmpi eq, %rem3A_247, %eq3A_253 : i32
      %add3A_255 = arith.constant 1 : i32
      %add3A_256 = arith.addi %div3A_245, %add3A_255 : i32
      %lt3A_257 = arith.constant 25 : i32
      %lt3A_258 = arith.cmpi slt, %add3A_256, %lt3A_257 : i32
      %and3A_259 = arith.andi %eq3A_254, %lt3A_258 : i1
      %convert_element_type3A_260 = arith.extui %and3A_259 : i1 to i32
      %cond3A_261 = arith.constant 0 : i32
      %cond3A_262 = arith.cmpi ne, %convert_element_type3A_260, %cond3A_261 : i32
      scf.if %cond3A_262 {
        %add3A_446 = arith.constant 1 : i32
        %add3A_447 = arith.addi %div3A_245, %add3A_446 : i32
        %sub3A = arith.constant 1 : i32
        %sub3A_448 = arith.subi %sub3A, %rem3A_249 : i32
        %mul3A_449 = arith.constant 5 : i32
        %mul3A_450 = arith.muli %add3A_447, %mul3A_449 : i32
        %add3A_451 = arith.addi %mul3A_4, %mul3A_450 : i32
        %mul3A_452 = arith.constant 5 : i32
        %mul3A_453 = arith.muli %sub3A_448, %mul3A_452 : i32
        %dma_start3A_454 = arith.constant 0 : i32
        %dma_start3A_455 = arith.constant 0 : i32
        %dma_start3A_456 = tpu.memref_slice %arg18[%mul3A_453, %dma_start3A_454, %dma_start3A_455] : memref<10x1x80xi32, #tpu.memory_space<vmem>> -> memref<5x1x80xi32, #tpu.memory_space<vmem>>
        %dma_start3A_457 = arith.constant 0 : i32
        %dma_start3A_458 = arith.constant 0 : i32
        %dma_start3A_459 = tpu.memref_slice %arg6[%add3A_451, %dma_start3A_457, %dma_start3A_458] : memref<4000x1x80xi32, #tpu.memory_space<hbm>> -> memref<5x1x80xi32, #tpu.memory_space<hbm>>
        %dma_start3A_460 = arith.constant 0 : i32
        %dma_start3A_461 = arith.constant 0 : i32
        %dma_start3A_462 = tpu.memref_slice %arg18[%mul3A_453, %dma_start3A_460, %dma_start3A_461] : memref<10x1x80xi32, #tpu.memory_space<vmem>> -> memref<5x1x80xi32, #tpu.memory_space<vmem>>
        %dma_start3A_463 = arith.constant 0 : i32
        %dma_start3A_464 = arith.constant 0 : i32
        %dma_start3A_465 = tpu.memref_slice %arg6[%add3A_451, %dma_start3A_463, %dma_start3A_464] : memref<4000x1x80xi32, #tpu.memory_space<hbm>> -> memref<5x1x80xi32, #tpu.memory_space<hbm>>
        tpu.enqueue_dma source(%dma_start3A_465 : memref<5x1x80xi32, #tpu.memory_space<hbm>>) target(%dma_start3A_462 : memref<5x1x80xi32, #tpu.memory_space<vmem>>) target_semaphore(%arg28 : memref<!tpu.dma_semaphore, #tpu.memory_space<semaphore_mem>>)
        %mul3A_466 = arith.constant 5 : i32
        %mul3A_467 = arith.muli %sub3A_448, %mul3A_466 : i32
        %dma_start3A_468 = arith.constant 0 : i32
        %dma_start3A_469 = arith.constant 0 : i32
        %dma_start3A_470 = tpu.memref_slice %arg19[%mul3A_467, %dma_start3A_468, %dma_start3A_469] : memref<10x1x80xi32, #tpu.memory_space<vmem>> -> memref<5x1x80xi32, #tpu.memory_space<vmem>>
        %dma_start3A_471 = arith.constant 0 : i32
        %dma_start3A_472 = arith.constant 0 : i32
        %dma_start3A_473 = tpu.memref_slice %arg7[%add3A_451, %dma_start3A_471, %dma_start3A_472] : memref<4000x1x80xi32, #tpu.memory_space<hbm>> -> memref<5x1x80xi32, #tpu.memory_space<hbm>>
        %dma_start3A_474 = arith.constant 0 : i32
        %dma_start3A_475 = arith.constant 0 : i32
        %dma_start3A_476 = tpu.memref_slice %arg19[%mul3A_467, %dma_start3A_474, %dma_start3A_475] : memref<10x1x80xi32, #tpu.memory_space<vmem>> -> memref<5x1x80xi32, #tpu.memory_space<vmem>>
        %dma_start3A_477 = arith.constant 0 : i32
        %dma_start3A_478 = arith.constant 0 : i32
        %dma_start3A_479 = tpu.memref_slice %arg7[%add3A_451, %dma_start3A_477, %dma_start3A_478] : memref<4000x1x80xi32, #tpu.memory_space<hbm>> -> memref<5x1x80xi32, #tpu.memory_space<hbm>>
        tpu.enqueue_dma source(%dma_start3A_479 : memref<5x1x80xi32, #tpu.memory_space<hbm>>) target(%dma_start3A_476 : memref<5x1x80xi32, #tpu.memory_space<vmem>>) target_semaphore(%arg28 : memref<!tpu.dma_semaphore, #tpu.memory_space<semaphore_mem>>)
        %mul3A_480 = arith.constant 5 : i32
        %mul3A_481 = arith.muli %sub3A_448, %mul3A_480 : i32
        %dma_start3A_482 = arith.constant 0 : i32
        %dma_start3A_483 = arith.constant 0 : i32
        %dma_start3A_484 = tpu.memref_slice %arg20[%mul3A_481, %dma_start3A_482, %dma_start3A_483] : memref<10x1x80xf32, #tpu.memory_space<vmem>> -> memref<5x1x80xf32, #tpu.memory_space<vmem>>
        %dma_start3A_485 = arith.constant 0 : i32
        %dma_start3A_486 = arith.constant 0 : i32
        %dma_start3A_487 = tpu.memref_slice %arg8[%add3A_451, %dma_start3A_485, %dma_start3A_486] : memref<4000x1x80xf32, #tpu.memory_space<hbm>> -> memref<5x1x80xf32, #tpu.memory_space<hbm>>
        %dma_start3A_488 = arith.constant 0 : i32
        %dma_start3A_489 = arith.constant 0 : i32
        %dma_start3A_490 = tpu.memref_slice %arg20[%mul3A_481, %dma_start3A_488, %dma_start3A_489] : memref<10x1x80xf32, #tpu.memory_space<vmem>> -> memref<5x1x80xf32, #tpu.memory_space<vmem>>
        %dma_start3A_491 = arith.constant 0 : i32
        %dma_start3A_492 = arith.constant 0 : i32
        %dma_start3A_493 = tpu.memref_slice %arg8[%add3A_451, %dma_start3A_491, %dma_start3A_492] : memref<4000x1x80xf32, #tpu.memory_space<hbm>> -> memref<5x1x80xf32, #tpu.memory_space<hbm>>
        tpu.enqueue_dma source(%dma_start3A_493 : memref<5x1x80xf32, #tpu.memory_space<hbm>>) target(%dma_start3A_490 : memref<5x1x80xf32, #tpu.memory_space<vmem>>) target_semaphore(%arg28 : memref<!tpu.dma_semaphore, #tpu.memory_space<semaphore_mem>>)
      } else {
      }
      %dma_wait3A_263 = arith.constant 0 : i32
      %dma_wait3A_264 = arith.constant 0 : i32
      %dma_wait3A_265 = arith.constant 0 : i32
      %dma_wait3A_266 = arith.constant 0 : i32
      %dma_wait3A_267 = arith.constant 0 : i32
      %dma_wait3A_268 = tpu.memref_slice %arg23[%dma_wait3A_265, %dma_wait3A_266, %dma_wait3A_267] : memref<2x80x128xf32, #tpu.memory_space<vmem>> -> memref<1x80x128xf32, #tpu.memory_space<vmem>>
      %dma_wait3A_269 = tpu.memref_squeeze %dma_wait3A_268 : memref<1x80x128xf32, #tpu.memory_space<vmem>> -> memref<80x128xf32, #tpu.memory_space<vmem>>
      %dma_wait3A_270 = arith.constant 0 : i32
      %dma_wait3A_271 = tpu.memref_slice %arg18[%dma_wait3A_263, %dma_wait3A_264, %dma_wait3A_270] : memref<10x1x80xi32, #tpu.memory_space<vmem>> -> memref<1x1x80xi32, #tpu.memory_space<vmem>>
      %dma_wait3A_272 = tpu.memref_squeeze %dma_wait3A_271 : memref<1x1x80xi32, #tpu.memory_space<vmem>> -> memref<80xi32, #tpu.memory_space<vmem>>
      %dma_wait3A_273 = arith.constant 0 : i32
      %dma_wait3A_274 = arith.constant 0 : i32
      %dma_wait3A_275 = tpu.memref_slice %arg2[%dma_wait3A_273, %dma_wait3A_274] : memref<10240x128xf32, #tpu.memory_space<hbm>> -> memref<10240x128xf32, #tpu.memory_space<hbm>>
      tpu.wait_indirect_dma semaphore(%arg26 : memref<!tpu.dma_semaphore, #tpu.memory_space<semaphore_mem>>) src(%dma_wait3A_275 : memref<10240x128xf32, #tpu.memory_space<hbm>>) dst(%dma_wait3A_269 : memref<80x128xf32, #tpu.memory_space<vmem>>)
      %scan3A_276 = arith.constant 0 : i32
      %scan3A_277 = arith.constant 0 : i32
      %scan3A_278 = arith.constant 5 : i32
      %scan3A_279 = arith.addi %scan3A_277, %scan3A_278 : i32
      %scan3A_280 = arith.constant 1 : i32
      scf.for %scan3A_446 = %scan3A_277 to %scan3A_279 step %scan3A_280  : i32 {
        %mul3A_447 = arith.constant 16 : i32
        %mul3A_448 = arith.muli %scan3A_446, %mul3A_447 : i32
        %get3A_449 = arith.constant 0 : i32
        %get3A_450 = arith.index_cast %add3A_252 : i32 to index
        %get3A_451 = arith.index_cast %get3A_449 : i32 to index
        %get3A_452 = arith.index_cast %mul3A_448 : i32 to index
        %get3A_453 = tpu.vector_load %arg18[%get3A_450, %get3A_451, %get3A_452] {strides = array<i32>} : memref<10x1x80xi32, #tpu.memory_space<vmem>>, vector<16xi32>,
        %get3A_454 = arith.constant 0 : i32
        %get3A_455 = arith.index_cast %add3A_252 : i32 to index
        %get3A_456 = arith.index_cast %get3A_454 : i32 to index
        %get3A_457 = arith.index_cast %mul3A_448 : i32 to index
        %get3A_458 = tpu.vector_load %arg19[%get3A_455, %get3A_456, %get3A_457] {strides = array<i32>} : memref<10x1x80xi32, #tpu.memory_space<vmem>>, vector<16xi32>,
        %gather3A = tpu.vector_load_idx %arg15[%get3A_453] : memref<10240xf32, #tpu.memory_space<vmem>>[vector<16xi32>], vector<16xf32>,
        %gather3A_459 = tpu.vector_load_idx %arg16[%get3A_458] : memref<10240xf32, #tpu.memory_space<vmem>>[vector<16xi32>], vector<16xf32>,
        %add3A_460 = arith.addf %gather3A, %gather3A_459 : vector<16xf32>
        %gt3A_461 = arith.constant 0.000000e+00 : f32
        %gt3A_462 = vector.broadcast %gt3A_461 : f32 to vector<16xf32>
        %gt3A_463 = arith.cmpf ogt, %add3A_460, %gt3A_462 : vector<16xf32>
        %mul3A_464 = arith.constant 2.000000e-01 : f32
        %mul3A_465 = vector.broadcast %mul3A_464 : f32 to vector<16xf32>
        %mul3A_466 = arith.mulf %mul3A_465, %add3A_460 : vector<16xf32>
        %select_n3A_467 = arith.select %gt3A_463, %add3A_460, %mul3A_466 : vector<16xi1>, vector<16xf32>
        %sub3A = vector.broadcast %select_n3A : f32 to vector<16xf32>
        %sub3A_468 = arith.subf %select_n3A_467, %sub3A : vector<16xf32>
        %exp3A = math.exp %sub3A_468 : vector<16xf32>
        %swap3A = arith.constant 0 : i32
        %swap3A_469 = arith.index_cast %swap3A : i32 to index
        %swap3A_470 = arith.index_cast %mul3A_448 : i32 to index
        %swap3A_471 = tpu.vector_load %arg21[%swap3A_469, %swap3A_470] {strides = array<i32>} : memref<1x80xf32, #tpu.memory_space<vmem>>, vector<16xf32>,
        tpu.vector_store %arg21[%swap3A_469, %swap3A_470], %exp3A {strides = array<i32>} : memref<1x80xf32, #tpu.memory_space<vmem>>, vector<16xf32>,
        %get3A_472 = arith.constant 0 : i32
        %get3A_473 = arith.index_cast %add3A_252 : i32 to index
        %get3A_474 = arith.index_cast %get3A_472 : i32 to index
        %get3A_475 = arith.index_cast %mul3A_448 : i32 to index
        %get3A_476 = tpu.vector_load %arg20[%get3A_473, %get3A_474, %get3A_475] {strides = array<i32>} : memref<10x1x80xf32, #tpu.memory_space<vmem>>, vector<16xf32>,
        %mul3A_477 = arith.mulf %exp3A, %get3A_476 : vector<16xf32>
        %scan3A_478 = arith.constant 0 : i32
        %scan3A_479 = arith.constant 0 : i32
        %scan3A_480 = arith.constant 8 : i32
        %scan3A_481 = arith.addi %scan3A_479, %scan3A_480 : i32
        %scan3A_482 = arith.constant 1 : i32
        scf.for %scan3A_484 = %scan3A_479 to %scan3A_481 step %scan3A_482  : i32 {
          %mul3A_485 = arith.constant 2 : i32
          %mul3A_486 = arith.muli %mul3A_485, %scan3A_484 : i32
          %broadcast_in_dim3A = arith.constant 0 : i32
          %broadcast_in_dim3A_487 = vector.broadcast %broadcast_in_dim3A : i32 to vector<16x1xi32>
          %add3A_488 = vector.broadcast %mul3A_486 : i32 to vector<16x1xi32>
          %add3A_489 = arith.addi %broadcast_in_dim3A_487, %add3A_488 : vector<16x1xi32>
          %gather3A_490 = vector.shape_cast %add3A_489 : vector<16x1xi32> to vector<16xi32>
          %gather3A_491 = tpu.dynamic_gather %mul3A_477[%gather3A_490] in [0] : vector<16xf32>, vector<16xi32> -> vector<16xf32>
          %add3A_492 = arith.constant 1 : i32
          %add3A_493 = arith.addi %mul3A_486, %add3A_492 : i32
          %broadcast_in_dim3A_494 = arith.constant 0 : i32
          %broadcast_in_dim3A_495 = vector.broadcast %broadcast_in_dim3A_494 : i32 to vector<16x1xi32>
          %add3A_496 = vector.broadcast %add3A_493 : i32 to vector<16x1xi32>
          %add3A_497 = arith.addi %broadcast_in_dim3A_495, %add3A_496 : vector<16x1xi32>
          %gather3A_498 = vector.shape_cast %add3A_497 : vector<16x1xi32> to vector<16xi32>
          %gather3A_499 = tpu.dynamic_gather %mul3A_477[%gather3A_498] in [0] : vector<16xf32>, vector<16xi32> -> vector<16xf32>
          %mul3A_500 = arith.constant 16 : i32
          %mul3A_501 = arith.muli %scan3A_446, %mul3A_500 : i32
          %add3A_502 = arith.addi %mul3A_501, %mul3A_486 : i32
          %get3A_503 = arith.constant 0 : i32
          %get3A_504 = arith.index_cast %get3A_503 : i32 to index
          %get3A_505 = arith.index_cast %add3A_502 : i32 to index
          %get3A_506 = arith.constant 0 : index
          %get3A_507 = tpu.vector_load %arg23[%get3A_504, %get3A_505, %get3A_506] {strides = array<i32>} : memref<2x80x128xf32, #tpu.memory_space<vmem>>, vector<16xf32>,
          %mul3A_508 = arith.mulf %get3A_507, %gather3A_491 : vector<16xf32>
          %swap3A_509 = arith.constant 0 : i32
          %swap3A_510 = arith.index_cast %swap3A_509 : i32 to index
          %swap3A_511 = arith.index_cast %add3A_502 : i32 to index
          %swap3A_512 = arith.constant 0 : index
          %swap3A_513 = tpu.vector_load %arg23[%swap3A_510, %swap3A_511, %swap3A_512] {strides = array<i32>} : memref<2x80x128xf32, #tpu.memory_space<vmem>>, vector<16xf32>,
          tpu.vector_store %arg23[%swap3A_510, %swap3A_511, %swap3A_512], %mul3A_508 {strides = array<i32>} : memref<2x80x128xf32, #tpu.memory_space<vmem>>, vector<16xf32>,
          %add3A_514 = arith.constant 1 : i32
          %add3A_515 = arith.addi %add3A_502, %add3A_514 : i32
          %get3A_516 = arith.constant 0 : i32
          %get3A_517 = arith.index_cast %get3A_516 : i32 to index
          %get3A_518 = arith.index_cast %add3A_515 : i32 to index
          %get3A_519 = arith.constant 0 : index
          %get3A_520 = tpu.vector_load %arg23[%get3A_517, %get3A_518, %get3A_519] {strides = array<i32>} : memref<2x80x128xf32, #tpu.memory_space<vmem>>, vector<16xf32>,
          %mul3A_521 = arith.mulf %get3A_520, %gather3A_499 : vector<16xf32>
          %add3A_522 = arith.constant 1 : i32
          %add3A_523 = arith.addi %add3A_502, %add3A_522 : i32
          %swap3A_524 = arith.constant 0 : i32
          %swap3A_525 = arith.index_cast %swap3A_524 : i32 to index
          %swap3A_526 = arith.index_cast %add3A_523 : i32 to index
          %swap3A_527 = arith.constant 0 : index
          %swap3A_528 = tpu.vector_load %arg23[%swap3A_525, %swap3A_526, %swap3A_527] {strides = array<i32>} : memref<2x80x128xf32, #tpu.memory_space<vmem>>, vector<16xf32>,
          tpu.vector_store %arg23[%swap3A_525, %swap3A_526, %swap3A_527], %mul3A_521 {strides = array<i32>} : memref<2x80x128xf32, #tpu.memory_space<vmem>>, vector<16xf32>,
          %get3A_529 = arith.constant 0 : i32
          %get3A_530 = arith.index_cast %get3A_529 : i32 to index
          %get3A_531 = arith.index_cast %add3A_502 : i32 to index
          %get3A_532 = arith.constant 16 : index
          %get3A_533 = tpu.vector_load %arg23[%get3A_530, %get3A_531, %get3A_532] {strides = array<i32>} : memref<2x80x128xf32, #tpu.memory_space<vmem>>, vector<16xf32>,
          %mul3A_534 = arith.mulf %get3A_533, %gather3A_491 : vector<16xf32>
          %swap3A_535 = arith.constant 0 : i32
          %swap3A_536 = arith.index_cast %swap3A_535 : i32 to index
          %swap3A_537 = arith.index_cast %add3A_502 : i32 to index
          %swap3A_538 = arith.constant 16 : index
          %swap3A_539 = tpu.vector_load %arg23[%swap3A_536, %swap3A_537, %swap3A_538] {strides = array<i32>} : memref<2x80x128xf32, #tpu.memory_space<vmem>>, vector<16xf32>,
          tpu.vector_store %arg23[%swap3A_536, %swap3A_537, %swap3A_538], %mul3A_534 {strides = array<i32>} : memref<2x80x128xf32, #tpu.memory_space<vmem>>, vector<16xf32>,
          %add3A_540 = arith.constant 1 : i32
          %add3A_541 = arith.addi %add3A_502, %add3A_540 : i32
          %get3A_542 = arith.constant 0 : i32
          %get3A_543 = arith.index_cast %get3A_542 : i32 to index
          %get3A_544 = arith.index_cast %add3A_541 : i32 to index
          %get3A_545 = arith.constant 16 : index
          %get3A_546 = tpu.vector_load %arg23[%get3A_543, %get3A_544, %get3A_545] {strides = array<i32>} : memref<2x80x128xf32, #tpu.memory_space<vmem>>, vector<16xf32>,
          %mul3A_547 = arith.mulf %get3A_546, %gather3A_499 : vector<16xf32>
          %add3A_548 = arith.constant 1 : i32
          %add3A_549 = arith.addi %add3A_502, %add3A_548 : i32
          %swap3A_550 = arith.constant 0 : i32
          %swap3A_551 = arith.index_cast %swap3A_550 : i32 to index
          %swap3A_552 = arith.index_cast %add3A_549 : i32 to index
          %swap3A_553 = arith.constant 16 : index
          %swap3A_554 = tpu.vector_load %arg23[%swap3A_551, %swap3A_552, %swap3A_553] {strides = array<i32>} : memref<2x80x128xf32, #tpu.memory_space<vmem>>, vector<16xf32>,
          tpu.vector_store %arg23[%swap3A_551, %swap3A_552, %swap3A_553], %mul3A_547 {strides = array<i32>} : memref<2x80x128xf32, #tpu.memory_space<vmem>>, vector<16xf32>,
          %get3A_555 = arith.constant 0 : i32
          %get3A_556 = arith.index_cast %get3A_555 : i32 to index
          %get3A_557 = arith.index_cast %add3A_502 : i32 to index
          %get3A_558 = arith.constant 32 : index
          %get3A_559 = tpu.vector_load %arg23[%get3A_556, %get3A_557, %get3A_558] {strides = array<i32>} : memref<2x80x128xf32, #tpu.memory_space<vmem>>, vector<16xf32>,
          %mul3A_560 = arith.mulf %get3A_559, %gather3A_491 : vector<16xf32>
          %swap3A_561 = arith.constant 0 : i32
          %swap3A_562 = arith.index_cast %swap3A_561 : i32 to index
          %swap3A_563 = arith.index_cast %add3A_502 : i32 to index
          %swap3A_564 = arith.constant 32 : index
          %swap3A_565 = tpu.vector_load %arg23[%swap3A_562, %swap3A_563, %swap3A_564] {strides = array<i32>} : memref<2x80x128xf32, #tpu.memory_space<vmem>>, vector<16xf32>,
          tpu.vector_store %arg23[%swap3A_562, %swap3A_563, %swap3A_564], %mul3A_560 {strides = array<i32>} : memref<2x80x128xf32, #tpu.memory_space<vmem>>, vector<16xf32>,
          %add3A_566 = arith.constant 1 : i32
          %add3A_567 = arith.addi %add3A_502, %add3A_566 : i32
          %get3A_568 = arith.constant 0 : i32
          %get3A_569 = arith.index_cast %get3A_568 : i32 to index
          %get3A_570 = arith.index_cast %add3A_567 : i32 to index
          %get3A_571 = arith.constant 32 : index
          %get3A_572 = tpu.vector_load %arg23[%get3A_569, %get3A_570, %get3A_571] {strides = array<i32>} : memref<2x80x128xf32, #tpu.memory_space<vmem>>, vector<16xf32>,
          %mul3A_573 = arith.mulf %get3A_572, %gather3A_499 : vector<16xf32>
          %add3A_574 = arith.constant 1 : i32
          %add3A_575 = arith.addi %add3A_502, %add3A_574 : i32
          %swap3A_576 = arith.constant 0 : i32
          %swap3A_577 = arith.index_cast %swap3A_576 : i32 to index
          %swap3A_578 = arith.index_cast %add3A_575 : i32 to index
          %swap3A_579 = arith.constant 32 : index
          %swap3A_580 = tpu.vector_load %arg23[%swap3A_577, %swap3A_578, %swap3A_579] {strides = array<i32>} : memref<2x80x128xf32, #tpu.memory_space<vmem>>, vector<16xf32>,
          tpu.vector_store %arg23[%swap3A_577, %swap3A_578, %swap3A_579], %mul3A_573 {strides = array<i32>} : memref<2x80x128xf32, #tpu.memory_space<vmem>>, vector<16xf32>,
          %get3A_581 = arith.constant 0 : i32
          %get3A_582 = arith.index_cast %get3A_581 : i32 to index
          %get3A_583 = arith.index_cast %add3A_502 : i32 to index
          %get3A_584 = arith.constant 48 : index
          %get3A_585 = tpu.vector_load %arg23[%get3A_582, %get3A_583, %get3A_584] {strides = array<i32>} : memref<2x80x128xf32, #tpu.memory_space<vmem>>, vector<16xf32>,
          %mul3A_586 = arith.mulf %get3A_585, %gather3A_491 : vector<16xf32>
          %swap3A_587 = arith.constant 0 : i32
          %swap3A_588 = arith.index_cast %swap3A_587 : i32 to index
          %swap3A_589 = arith.index_cast %add3A_502 : i32 to index
          %swap3A_590 = arith.constant 48 : index
          %swap3A_591 = tpu.vector_load %arg23[%swap3A_588, %swap3A_589, %swap3A_590] {strides = array<i32>} : memref<2x80x128xf32, #tpu.memory_space<vmem>>, vector<16xf32>,
          tpu.vector_store %arg23[%swap3A_588, %swap3A_589, %swap3A_590], %mul3A_586 {strides = array<i32>} : memref<2x80x128xf32, #tpu.memory_space<vmem>>, vector<16xf32>,
          %add3A_592 = arith.constant 1 : i32
          %add3A_593 = arith.addi %add3A_502, %add3A_592 : i32
          %get3A_594 = arith.constant 0 : i32
          %get3A_595 = arith.index_cast %get3A_594 : i32 to index
          %get3A_596 = arith.index_cast %add3A_593 : i32 to index
          %get3A_597 = arith.constant 48 : index
          %get3A_598 = tpu.vector_load %arg23[%get3A_595, %get3A_596, %get3A_597] {strides = array<i32>} : memref<2x80x128xf32, #tpu.memory_space<vmem>>, vector<16xf32>,
          %mul3A_599 = arith.mulf %get3A_598, %gather3A_499 : vector<16xf32>
          %add3A_600 = arith.constant 1 : i32
          %add3A_601 = arith.addi %add3A_502, %add3A_600 : i32
          %swap3A_602 = arith.constant 0 : i32
          %swap3A_603 = arith.index_cast %swap3A_602 : i32 to index
          %swap3A_604 = arith.index_cast %add3A_601 : i32 to index
          %swap3A_605 = arith.constant 48 : index
          %swap3A_606 = tpu.vector_load %arg23[%swap3A_603, %swap3A_604, %swap3A_605] {strides = array<i32>} : memref<2x80x128xf32, #tpu.memory_space<vmem>>, vector<16xf32>,
          tpu.vector_store %arg23[%swap3A_603, %swap3A_604, %swap3A_605], %mul3A_599 {strides = array<i32>} : memref<2x80x128xf32, #tpu.memory_space<vmem>>, vector<16xf32>,
          %get3A_607 = arith.constant 0 : i32
          %get3A_608 = arith.index_cast %get3A_607 : i32 to index
          %get3A_609 = arith.index_cast %add3A_502 : i32 to index
          %get3A_610 = arith.constant 64 : index
          %get3A_611 = tpu.vector_load %arg23[%get3A_608, %get3A_609, %get3A_610] {strides = array<i32>} : memref<2x80x128xf32, #tpu.memory_space<vmem>>, vector<16xf32>,
          %mul3A_612 = arith.mulf %get3A_611, %gather3A_491 : vector<16xf32>
          %swap3A_613 = arith.constant 0 : i32
          %swap3A_614 = arith.index_cast %swap3A_613 : i32 to index
          %swap3A_615 = arith.index_cast %add3A_502 : i32 to index
          %swap3A_616 = arith.constant 64 : index
          %swap3A_617 = tpu.vector_load %arg23[%swap3A_614, %swap3A_615, %swap3A_616] {strides = array<i32>} : memref<2x80x128xf32, #tpu.memory_space<vmem>>, vector<16xf32>,
          tpu.vector_store %arg23[%swap3A_614, %swap3A_615, %swap3A_616], %mul3A_612 {strides = array<i32>} : memref<2x80x128xf32, #tpu.memory_space<vmem>>, vector<16xf32>,
          %add3A_618 = arith.constant 1 : i32
          %add3A_619 = arith.addi %add3A_502, %add3A_618 : i32
          %get3A_620 = arith.constant 0 : i32
          %get3A_621 = arith.index_cast %get3A_620 : i32 to index
          %get3A_622 = arith.index_cast %add3A_619 : i32 to index
          %get3A_623 = arith.constant 64 : index
          %get3A_624 = tpu.vector_load %arg23[%get3A_621, %get3A_622, %get3A_623] {strides = array<i32>} : memref<2x80x128xf32, #tpu.memory_space<vmem>>, vector<16xf32>,
          %mul3A_625 = arith.mulf %get3A_624, %gather3A_499 : vector<16xf32>
          %add3A_626 = arith.constant 1 : i32
          %add3A_627 = arith.addi %add3A_502, %add3A_626 : i32
          %swap3A_628 = arith.constant 0 : i32
          %swap3A_629 = arith.index_cast %swap3A_628 : i32 to index
          %swap3A_630 = arith.index_cast %add3A_627 : i32 to index
          %swap3A_631 = arith.constant 64 : index
          %swap3A_632 = tpu.vector_load %arg23[%swap3A_629, %swap3A_630, %swap3A_631] {strides = array<i32>} : memref<2x80x128xf32, #tpu.memory_space<vmem>>, vector<16xf32>,
          tpu.vector_store %arg23[%swap3A_629, %swap3A_630, %swap3A_631], %mul3A_625 {strides = array<i32>} : memref<2x80x128xf32, #tpu.memory_space<vmem>>, vector<16xf32>,
          %get3A_633 = arith.constant 0 : i32
          %get3A_634 = arith.index_cast %get3A_633 : i32 to index
          %get3A_635 = arith.index_cast %add3A_502 : i32 to index
          %get3A_636 = arith.constant 80 : index
          %get3A_637 = tpu.vector_load %arg23[%get3A_634, %get3A_635, %get3A_636] {strides = array<i32>} : memref<2x80x128xf32, #tpu.memory_space<vmem>>, vector<16xf32>,
          %mul3A_638 = arith.mulf %get3A_637, %gather3A_491 : vector<16xf32>
          %swap3A_639 = arith.constant 0 : i32
          %swap3A_640 = arith.index_cast %swap3A_639 : i32 to index
          %swap3A_641 = arith.index_cast %add3A_502 : i32 to index
          %swap3A_642 = arith.constant 80 : index
          %swap3A_643 = tpu.vector_load %arg23[%swap3A_640, %swap3A_641, %swap3A_642] {strides = array<i32>} : memref<2x80x128xf32, #tpu.memory_space<vmem>>, vector<16xf32>,
          tpu.vector_store %arg23[%swap3A_640, %swap3A_641, %swap3A_642], %mul3A_638 {strides = array<i32>} : memref<2x80x128xf32, #tpu.memory_space<vmem>>, vector<16xf32>,
          %add3A_644 = arith.constant 1 : i32
          %add3A_645 = arith.addi %add3A_502, %add3A_644 : i32
          %get3A_646 = arith.constant 0 : i32
          %get3A_647 = arith.index_cast %get3A_646 : i32 to index
          %get3A_648 = arith.index_cast %add3A_645 : i32 to index
          %get3A_649 = arith.constant 80 : index
          %get3A_650 = tpu.vector_load %arg23[%get3A_647, %get3A_648, %get3A_649] {strides = array<i32>} : memref<2x80x128xf32, #tpu.memory_space<vmem>>, vector<16xf32>,
          %mul3A_651 = arith.mulf %get3A_650, %gather3A_499 : vector<16xf32>
          %add3A_652 = arith.constant 1 : i32
          %add3A_653 = arith.addi %add3A_502, %add3A_652 : i32
          %swap3A_654 = arith.constant 0 : i32
          %swap3A_655 = arith.index_cast %swap3A_654 : i32 to index
          %swap3A_656 = arith.index_cast %add3A_653 : i32 to index
          %swap3A_657 = arith.constant 80 : index
          %swap3A_658 = tpu.vector_load %arg23[%swap3A_655, %swap3A_656, %swap3A_657] {strides = array<i32>} : memref<2x80x128xf32, #tpu.memory_space<vmem>>, vector<16xf32>,
          tpu.vector_store %arg23[%swap3A_655, %swap3A_656, %swap3A_657], %mul3A_651 {strides = array<i32>} : memref<2x80x128xf32, #tpu.memory_space<vmem>>, vector<16xf32>,
          %get3A_659 = arith.constant 0 : i32
          %get3A_660 = arith.index_cast %get3A_659 : i32 to index
          %get3A_661 = arith.index_cast %add3A_502 : i32 to index
          %get3A_662 = arith.constant 96 : index
          %get3A_663 = tpu.vector_load %arg23[%get3A_660, %get3A_661, %get3A_662] {strides = array<i32>} : memref<2x80x128xf32, #tpu.memory_space<vmem>>, vector<16xf32>,
          %mul3A_664 = arith.mulf %get3A_663, %gather3A_491 : vector<16xf32>
          %swap3A_665 = arith.constant 0 : i32
          %swap3A_666 = arith.index_cast %swap3A_665 : i32 to index
          %swap3A_667 = arith.index_cast %add3A_502 : i32 to index
          %swap3A_668 = arith.constant 96 : index
          %swap3A_669 = tpu.vector_load %arg23[%swap3A_666, %swap3A_667, %swap3A_668] {strides = array<i32>} : memref<2x80x128xf32, #tpu.memory_space<vmem>>, vector<16xf32>,
          tpu.vector_store %arg23[%swap3A_666, %swap3A_667, %swap3A_668], %mul3A_664 {strides = array<i32>} : memref<2x80x128xf32, #tpu.memory_space<vmem>>, vector<16xf32>,
          %add3A_670 = arith.constant 1 : i32
          %add3A_671 = arith.addi %add3A_502, %add3A_670 : i32
          %get3A_672 = arith.constant 0 : i32
          %get3A_673 = arith.index_cast %get3A_672 : i32 to index
          %get3A_674 = arith.index_cast %add3A_671 : i32 to index
          %get3A_675 = arith.constant 96 : index
          %get3A_676 = tpu.vector_load %arg23[%get3A_673, %get3A_674, %get3A_675] {strides = array<i32>} : memref<2x80x128xf32, #tpu.memory_space<vmem>>, vector<16xf32>,
          %mul3A_677 = arith.mulf %get3A_676, %gather3A_499 : vector<16xf32>
          %add3A_678 = arith.constant 1 : i32
          %add3A_679 = arith.addi %add3A_502, %add3A_678 : i32
          %swap3A_680 = arith.constant 0 : i32
          %swap3A_681 = arith.index_cast %swap3A_680 : i32 to index
          %swap3A_682 = arith.index_cast %add3A_679 : i32 to index
          %swap3A_683 = arith.constant 96 : index
          %swap3A_684 = tpu.vector_load %arg23[%swap3A_681, %swap3A_682, %swap3A_683] {strides = array<i32>} : memref<2x80x128xf32, #tpu.memory_space<vmem>>, vector<16xf32>,
          tpu.vector_store %arg23[%swap3A_681, %swap3A_682, %swap3A_683], %mul3A_677 {strides = array<i32>} : memref<2x80x128xf32, #tpu.memory_space<vmem>>, vector<16xf32>,
          %get3A_685 = arith.constant 0 : i32
          %get3A_686 = arith.index_cast %get3A_685 : i32 to index
          %get3A_687 = arith.index_cast %add3A_502 : i32 to index
          %get3A_688 = arith.constant 112 : index
          %get3A_689 = tpu.vector_load %arg23[%get3A_686, %get3A_687, %get3A_688] {strides = array<i32>} : memref<2x80x128xf32, #tpu.memory_space<vmem>>, vector<16xf32>,
          %mul3A_690 = arith.mulf %get3A_689, %gather3A_491 : vector<16xf32>
          %swap3A_691 = arith.constant 0 : i32
          %swap3A_692 = arith.index_cast %swap3A_691 : i32 to index
          %swap3A_693 = arith.index_cast %add3A_502 : i32 to index
          %swap3A_694 = arith.constant 112 : index
          %swap3A_695 = tpu.vector_load %arg23[%swap3A_692, %swap3A_693, %swap3A_694] {strides = array<i32>} : memref<2x80x128xf32, #tpu.memory_space<vmem>>, vector<16xf32>,
          tpu.vector_store %arg23[%swap3A_692, %swap3A_693, %swap3A_694], %mul3A_690 {strides = array<i32>} : memref<2x80x128xf32, #tpu.memory_space<vmem>>, vector<16xf32>,
          %add3A_696 = arith.constant 1 : i32
          %add3A_697 = arith.addi %add3A_502, %add3A_696 : i32
          %get3A_698 = arith.constant 0 : i32
          %get3A_699 = arith.index_cast %get3A_698 : i32 to index
          %get3A_700 = arith.index_cast %add3A_697 : i32 to index
          %get3A_701 = arith.constant 112 : index
          %get3A_702 = tpu.vector_load %arg23[%get3A_699, %get3A_700, %get3A_701] {strides = array<i32>} : memref<2x80x128xf32, #tpu.memory_space<vmem>>, vector<16xf32>,
          %mul3A_703 = arith.mulf %get3A_702, %gather3A_499 : vector<16xf32>
          %add3A_704 = arith.constant 1 : i32
          %add3A_705 = arith.addi %add3A_502, %add3A_704 : i32
          %swap3A_706 = arith.constant 0 : i32
          %swap3A_707 = arith.index_cast %swap3A_706 : i32 to index
          %swap3A_708 = arith.index_cast %add3A_705 : i32 to index
          %swap3A_709 = arith.constant 112 : index
          %swap3A_710 = tpu.vector_load %arg23[%swap3A_707, %swap3A_708, %swap3A_709] {strides = array<i32>} : memref<2x80x128xf32, #tpu.memory_space<vmem>>, vector<16xf32>,
          tpu.vector_store %arg23[%swap3A_707, %swap3A_708, %swap3A_709], %mul3A_703 {strides = array<i32>} : memref<2x80x128xf32, #tpu.memory_space<vmem>>, vector<16xf32>,
        }
        %scan3A_483 = arith.constant 8 : i32
      }
      %scan3A_281 = arith.constant 5 : i32
      %dma_start3A_282 = arith.constant 0 : i32
      %dma_start3A_283 = arith.constant 0 : i32
      %dma_start3A_284 = arith.constant 0 : i32
      %dma_start3A_285 = arith.constant 0 : i32
      %dma_start3A_286 = tpu.memref_slice %arg23[%dma_start3A_282, %dma_start3A_284, %dma_start3A_285] : memref<2x80x128xf32, #tpu.memory_space<vmem>> -> memref<1x80x128xf32, #tpu.memory_space<vmem>>
      %dma_start3A_287 = tpu.memref_squeeze %dma_start3A_286 : memref<1x80x128xf32, #tpu.memory_space<vmem>> -> memref<80x128xf32, #tpu.memory_space<vmem>>
      %dma_start3A_288 = arith.constant 0 : i32
      %dma_start3A_289 = tpu.memref_slice %arg19[%add3A_252, %dma_start3A_283, %dma_start3A_288] : memref<10x1x80xi32, #tpu.memory_space<vmem>> -> memref<1x1x80xi32, #tpu.memory_space<vmem>>
      %dma_start3A_290 = tpu.memref_squeeze %dma_start3A_289 : memref<1x1x80xi32, #tpu.memory_space<vmem>> -> memref<80xi32, #tpu.memory_space<vmem>>
      %dma_start3A_291 = arith.constant 0 : i32
      %dma_start3A_292 = arith.constant 0 : i32
      %dma_start3A_293 = tpu.memref_slice %arg24[%dma_start3A_291, %dma_start3A_292] : memref<10240x128xf32, #tpu.memory_space<vmem_shared>> -> memref<10240x128xf32, #tpu.memory_space<vmem_shared>>
      tpu.enqueue_indirect_dma source(%dma_start3A_287 : memref<80x128xf32, #tpu.memory_space<vmem>>) target(%dma_start3A_293 : memref<10240x128xf32, #tpu.memory_space<vmem_shared>>) offsets(%dma_start3A_290 : memref<80xi32, #tpu.memory_space<vmem>>) semaphore(%arg27 : memref<!tpu.dma_semaphore, #tpu.memory_space<semaphore_mem>>) {add = true}
      %dma_start3A_294 = arith.constant 0 : i32
      %dma_start3A_295 = arith.constant 0 : i32
      %dma_start3A_296 = arith.constant 0 : i32
      %dma_start3A_297 = tpu.memref_slice %arg21[%dma_start3A_294, %dma_start3A_296] : memref<1x80xf32, #tpu.memory_space<vmem>> -> memref<1x80xf32, #tpu.memory_space<vmem>>
      %dma_start3A_298 = tpu.memref_squeeze %dma_start3A_297 : memref<1x80xf32, #tpu.memory_space<vmem>> -> memref<80xf32, #tpu.memory_space<vmem>>
      %dma_start3A_299 = arith.constant 0 : i32
      %dma_start3A_300 = tpu.memref_slice %arg19[%add3A_252, %dma_start3A_295, %dma_start3A_299] : memref<10x1x80xi32, #tpu.memory_space<vmem>> -> memref<1x1x80xi32, #tpu.memory_space<vmem>>
      %dma_start3A_301 = tpu.memref_squeeze %dma_start3A_300 : memref<1x1x80xi32, #tpu.memory_space<vmem>> -> memref<80xi32, #tpu.memory_space<vmem>>
      %dma_start3A_302 = arith.constant 0 : i32
      %dma_start3A_303 = tpu.memref_slice %arg25[%dma_start3A_302] : memref<10240xf32, #tpu.memory_space<vmem_shared>> -> memref<10240xf32, #tpu.memory_space<vmem_shared>>
      tpu.enqueue_indirect_dma source(%dma_start3A_298 : memref<80xf32, #tpu.memory_space<vmem>>) target(%dma_start3A_303 : memref<10240xf32, #tpu.memory_space<vmem_shared>>) offsets(%dma_start3A_301 : memref<80xi32, #tpu.memory_space<vmem>>) semaphore(%arg27 : memref<!tpu.dma_semaphore, #tpu.memory_space<semaphore_mem>>) {add = true}
      %dma_wait3A_304 = arith.constant 0 : i32
      %dma_wait3A_305 = arith.constant 0 : i32
      %dma_wait3A_306 = arith.constant 0 : i32
      %dma_wait3A_307 = arith.constant 0 : i32
      %dma_wait3A_308 = tpu.memref_slice %arg23[%dma_wait3A_304, %dma_wait3A_306, %dma_wait3A_307] : memref<2x80x128xf32, #tpu.memory_space<vmem>> -> memref<1x80x128xf32, #tpu.memory_space<vmem>>
      %dma_wait3A_309 = tpu.memref_squeeze %dma_wait3A_308 : memref<1x80x128xf32, #tpu.memory_space<vmem>> -> memref<80x128xf32, #tpu.memory_space<vmem>>
      %dma_wait3A_310 = arith.constant 0 : i32
      %dma_wait3A_311 = tpu.memref_slice %arg19[%add3A_252, %dma_wait3A_305, %dma_wait3A_310] : memref<10x1x80xi32, #tpu.memory_space<vmem>> -> memref<1x1x80xi32, #tpu.memory_space<vmem>>
      %dma_wait3A_312 = tpu.memref_squeeze %dma_wait3A_311 : memref<1x1x80xi32, #tpu.memory_space<vmem>> -> memref<80xi32, #tpu.memory_space<vmem>>
      %dma_wait3A_313 = arith.constant 0 : i32
      %dma_wait3A_314 = arith.constant 0 : i32
      %dma_wait3A_315 = tpu.memref_slice %arg24[%dma_wait3A_313, %dma_wait3A_314] : memref<10240x128xf32, #tpu.memory_space<vmem_shared>> -> memref<10240x128xf32, #tpu.memory_space<vmem_shared>>
      tpu.wait_indirect_dma semaphore(%arg27 : memref<!tpu.dma_semaphore, #tpu.memory_space<semaphore_mem>>) src(%dma_wait3A_309 : memref<80x128xf32, #tpu.memory_space<vmem>>) dst(%dma_wait3A_315 : memref<10240x128xf32, #tpu.memory_space<vmem_shared>>)
      %dma_wait3A_316 = arith.constant 0 : i32
      %dma_wait3A_317 = arith.constant 0 : i32
      %dma_wait3A_318 = arith.constant 0 : i32
      %dma_wait3A_319 = tpu.memref_slice %arg21[%dma_wait3A_316, %dma_wait3A_318] : memref<1x80xf32, #tpu.memory_space<vmem>> -> memref<1x80xf32, #tpu.memory_space<vmem>>
      %dma_wait3A_320 = tpu.memref_squeeze %dma_wait3A_319 : memref<1x80xf32, #tpu.memory_space<vmem>> -> memref<80xf32, #tpu.memory_space<vmem>>
      %dma_wait3A_321 = arith.constant 0 : i32
      %dma_wait3A_322 = tpu.memref_slice %arg19[%add3A_252, %dma_wait3A_317, %dma_wait3A_321] : memref<10x1x80xi32, #tpu.memory_space<vmem>> -> memref<1x1x80xi32, #tpu.memory_space<vmem>>
      %dma_wait3A_323 = tpu.memref_squeeze %dma_wait3A_322 : memref<1x1x80xi32, #tpu.memory_space<vmem>> -> memref<80xi32, #tpu.memory_space<vmem>>
      %dma_wait3A_324 = arith.constant 0 : i32
      %dma_wait3A_325 = tpu.memref_slice %arg25[%dma_wait3A_324] : memref<10240xf32, #tpu.memory_space<vmem_shared>> -> memref<10240xf32, #tpu.memory_space<vmem_shared>>
      tpu.wait_indirect_dma semaphore(%arg27 : memref<!tpu.dma_semaphore, #tpu.memory_space<semaphore_mem>>) src(%dma_wait3A_320 : memref<80xf32, #tpu.memory_space<vmem>>) dst(%dma_wait3A_325 : memref<10240xf32, #tpu.memory_space<vmem_shared>>)
      %eq3A_326 = arith.constant 3 : i32
      %eq3A_327 = arith.cmpi eq, %rem3A_247, %eq3A_326 : i32
      %add3A_328 = arith.constant 1 : i32
      %add3A_329 = arith.addi %div3A_245, %add3A_328 : i32
      %lt3A_330 = arith.constant 25 : i32
      %lt3A_331 = arith.cmpi slt, %add3A_329, %lt3A_330 : i32
      %and3A_332 = arith.andi %eq3A_327, %lt3A_331 : i1
      %convert_element_type3A_333 = arith.extui %and3A_332 : i1 to i32
      %cond3A_334 = arith.constant 0 : i32
      %cond3A_335 = arith.cmpi ne, %convert_element_type3A_333, %cond3A_334 : i32
      scf.if %cond3A_335 {
        %sub3A = arith.constant 1 : i32
        %sub3A_446 = arith.subi %sub3A, %rem3A_249 : i32
        %mul3A_447 = arith.constant 5 : i32
        %mul3A_448 = arith.muli %sub3A_446, %mul3A_447 : i32
        %dma_wait3A_449 = arith.constant 0 : i32
        %dma_wait3A_450 = arith.constant 0 : i32
        %dma_wait3A_451 = tpu.memref_slice %arg18[%mul3A_448, %dma_wait3A_449, %dma_wait3A_450] : memref<10x1x80xi32, #tpu.memory_space<vmem>> -> memref<5x1x80xi32, #tpu.memory_space<vmem>>
        %dma_wait3A_452 = arith.constant 0 : i32
        %dma_wait3A_453 = arith.constant 0 : i32
        %dma_wait3A_454 = arith.constant 0 : i32
        %dma_wait3A_455 = tpu.memref_slice %arg6[%dma_wait3A_452, %dma_wait3A_453, %dma_wait3A_454] : memref<4000x1x80xi32, #tpu.memory_space<hbm>> -> memref<5x1x80xi32, #tpu.memory_space<hbm>>
        %dma_wait3A_456 = arith.constant 0 : i32
        %dma_wait3A_457 = arith.constant 0 : i32
        %dma_wait3A_458 = tpu.memref_slice %arg18[%mul3A_448, %dma_wait3A_456, %dma_wait3A_457] : memref<10x1x80xi32, #tpu.memory_space<vmem>> -> memref<5x1x80xi32, #tpu.memory_space<vmem>>
        %dma_wait3A_459 = arith.constant 0 : i32
        %dma_wait3A_460 = arith.constant 0 : i32
        %dma_wait3A_461 = arith.constant 0 : i32
        %dma_wait3A_462 = tpu.memref_slice %arg6[%dma_wait3A_459, %dma_wait3A_460, %dma_wait3A_461] : memref<4000x1x80xi32, #tpu.memory_space<hbm>> -> memref<5x1x80xi32, #tpu.memory_space<hbm>>
        tpu.wait_dma2 semaphore(%arg28 : memref<!tpu.dma_semaphore, #tpu.memory_space<semaphore_mem>>) src(%dma_wait3A_462 : memref<5x1x80xi32, #tpu.memory_space<hbm>>) dst(%dma_wait3A_458 : memref<5x1x80xi32, #tpu.memory_space<vmem>>)
        %mul3A_463 = arith.constant 5 : i32
        %mul3A_464 = arith.muli %sub3A_446, %mul3A_463 : i32
        %dma_wait3A_465 = arith.constant 0 : i32
        %dma_wait3A_466 = arith.constant 0 : i32
        %dma_wait3A_467 = tpu.memref_slice %arg19[%mul3A_464, %dma_wait3A_465, %dma_wait3A_466] : memref<10x1x80xi32, #tpu.memory_space<vmem>> -> memref<5x1x80xi32, #tpu.memory_space<vmem>>
        %dma_wait3A_468 = arith.constant 0 : i32
        %dma_wait3A_469 = arith.constant 0 : i32
        %dma_wait3A_470 = arith.constant 0 : i32
        %dma_wait3A_471 = tpu.memref_slice %arg7[%dma_wait3A_468, %dma_wait3A_469, %dma_wait3A_470] : memref<4000x1x80xi32, #tpu.memory_space<hbm>> -> memref<5x1x80xi32, #tpu.memory_space<hbm>>
        %dma_wait3A_472 = arith.constant 0 : i32
        %dma_wait3A_473 = arith.constant 0 : i32
        %dma_wait3A_474 = tpu.memref_slice %arg19[%mul3A_464, %dma_wait3A_472, %dma_wait3A_473] : memref<10x1x80xi32, #tpu.memory_space<vmem>> -> memref<5x1x80xi32, #tpu.memory_space<vmem>>
        %dma_wait3A_475 = arith.constant 0 : i32
        %dma_wait3A_476 = arith.constant 0 : i32
        %dma_wait3A_477 = arith.constant 0 : i32
        %dma_wait3A_478 = tpu.memref_slice %arg7[%dma_wait3A_475, %dma_wait3A_476, %dma_wait3A_477] : memref<4000x1x80xi32, #tpu.memory_space<hbm>> -> memref<5x1x80xi32, #tpu.memory_space<hbm>>
        tpu.wait_dma2 semaphore(%arg28 : memref<!tpu.dma_semaphore, #tpu.memory_space<semaphore_mem>>) src(%dma_wait3A_478 : memref<5x1x80xi32, #tpu.memory_space<hbm>>) dst(%dma_wait3A_474 : memref<5x1x80xi32, #tpu.memory_space<vmem>>)
        %mul3A_479 = arith.constant 5 : i32
        %mul3A_480 = arith.muli %sub3A_446, %mul3A_479 : i32
        %dma_wait3A_481 = arith.constant 0 : i32
        %dma_wait3A_482 = arith.constant 0 : i32
        %dma_wait3A_483 = tpu.memref_slice %arg20[%mul3A_480, %dma_wait3A_481, %dma_wait3A_482] : memref<10x1x80xf32, #tpu.memory_space<vmem>> -> memref<5x1x80xf32, #tpu.memory_space<vmem>>
        %dma_wait3A_484 = arith.constant 0 : i32
        %dma_wait3A_485 = arith.constant 0 : i32
        %dma_wait3A_486 = arith.constant 0 : i32
        %dma_wait3A_487 = tpu.memref_slice %arg8[%dma_wait3A_484, %dma_wait3A_485, %dma_wait3A_486] : memref<4000x1x80xf32, #tpu.memory_space<hbm>> -> memref<5x1x80xf32, #tpu.memory_space<hbm>>
        %dma_wait3A_488 = arith.constant 0 : i32
        %dma_wait3A_489 = arith.constant 0 : i32
        %dma_wait3A_490 = tpu.memref_slice %arg20[%mul3A_480, %dma_wait3A_488, %dma_wait3A_489] : memref<10x1x80xf32, #tpu.memory_space<vmem>> -> memref<5x1x80xf32, #tpu.memory_space<vmem>>
        %dma_wait3A_491 = arith.constant 0 : i32
        %dma_wait3A_492 = arith.constant 0 : i32
        %dma_wait3A_493 = arith.constant 0 : i32
        %dma_wait3A_494 = tpu.memref_slice %arg8[%dma_wait3A_491, %dma_wait3A_492, %dma_wait3A_493] : memref<4000x1x80xf32, #tpu.memory_space<hbm>> -> memref<5x1x80xf32, #tpu.memory_space<hbm>>
        tpu.wait_dma2 semaphore(%arg28 : memref<!tpu.dma_semaphore, #tpu.memory_space<semaphore_mem>>) src(%dma_wait3A_494 : memref<5x1x80xf32, #tpu.memory_space<hbm>>) dst(%dma_wait3A_490 : memref<5x1x80xf32, #tpu.memory_space<vmem>>)
      } else {
      }
      %add3A_336 = arith.constant 2 : i32
      %add3A_337 = arith.addi %mul3A_243, %add3A_336 : i32
      %lt3A_338 = arith.constant 125 : i32
      %lt3A_339 = arith.cmpi slt, %add3A_337, %lt3A_338 : i32
      %convert_element_type3A_340 = arith.extui %lt3A_339 : i1 to i32
      %cond3A_341 = arith.constant 0 : i32
      %cond3A_342 = arith.cmpi ne, %convert_element_type3A_340, %cond3A_341 : i32
      scf.if %cond3A_342 {
        %div3A_446 = arith.constant 5 : i32
        %div3A_447 = arith.divsi %add3A_337, %div3A_446 : i32
        %rem3A_448 = arith.constant 2 : i32
        %rem3A_449 = arith.remsi %div3A_447, %rem3A_448 : i32
        %mul3A_450 = arith.constant 5 : i32
        %mul3A_451 = arith.muli %rem3A_449, %mul3A_450 : i32
        %rem3A_452 = arith.constant 5 : i32
        %rem3A_453 = arith.remsi %add3A_337, %rem3A_452 : i32
        %add3A_454 = arith.addi %mul3A_451, %rem3A_453 : i32
        %dma_start3A_455 = arith.constant 0 : i32
        %dma_start3A_456 = arith.constant 0 : i32
        %dma_start3A_457 = arith.constant 0 : i32
        %dma_start3A_458 = arith.constant 0 : i32
        %dma_start3A_459 = tpu.memref_slice %arg23[%dma_start3A_456, %dma_start3A_457, %dma_start3A_458] : memref<2x80x128xf32, #tpu.memory_space<vmem>> -> memref<1x80x128xf32, #tpu.memory_space<vmem>>
        %dma_start3A_460 = tpu.memref_squeeze %dma_start3A_459 : memref<1x80x128xf32, #tpu.memory_space<vmem>> -> memref<80x128xf32, #tpu.memory_space<vmem>>
        %dma_start3A_461 = arith.constant 0 : i32
        %dma_start3A_462 = tpu.memref_slice %arg18[%add3A_454, %dma_start3A_455, %dma_start3A_461] : memref<10x1x80xi32, #tpu.memory_space<vmem>> -> memref<1x1x80xi32, #tpu.memory_space<vmem>>
        %dma_start3A_463 = tpu.memref_squeeze %dma_start3A_462 : memref<1x1x80xi32, #tpu.memory_space<vmem>> -> memref<80xi32, #tpu.memory_space<vmem>>
        %dma_start3A_464 = arith.constant 0 : i32
        %dma_start3A_465 = arith.constant 0 : i32
        %dma_start3A_466 = tpu.memref_slice %arg2[%dma_start3A_464, %dma_start3A_465] : memref<10240x128xf32, #tpu.memory_space<hbm>> -> memref<10240x128xf32, #tpu.memory_space<hbm>>
        tpu.enqueue_indirect_dma source(%dma_start3A_466 : memref<10240x128xf32, #tpu.memory_space<hbm>>) target(%dma_start3A_460 : memref<80x128xf32, #tpu.memory_space<vmem>>) offsets(%dma_start3A_463 : memref<80xi32, #tpu.memory_space<vmem>>) semaphore(%arg26 : memref<!tpu.dma_semaphore, #tpu.memory_space<semaphore_mem>>)
      } else {
      }
      %mul3A_343 = arith.constant 2 : i32
      %mul3A_344 = arith.muli %mul3A_343, %scan3A_241 : i32
      %add3A_345 = arith.constant 1 : i32
      %add3A_346 = arith.addi %mul3A_344, %add3A_345 : i32
      %div3A_347 = arith.constant 5 : i32
      %div3A_348 = arith.divsi %add3A_346, %div3A_347 : i32
      %rem3A_349 = arith.constant 5 : i32
      %rem3A_350 = arith.remsi %add3A_346, %rem3A_349 : i32
      %rem3A_351 = arith.constant 2 : i32
      %rem3A_352 = arith.remsi %div3A_348, %rem3A_351 : i32
      %mul3A_353 = arith.constant 5 : i32
      %mul3A_354 = arith.muli %rem3A_352, %mul3A_353 : i32
      %add3A_355 = arith.addi %mul3A_354, %rem3A_350 : i32
      %eq3A_356 = arith.constant 0 : i32
      %eq3A_357 = arith.cmpi eq, %rem3A_350, %eq3A_356 : i32
      %add3A_358 = arith.constant 1 : i32
      %add3A_359 = arith.addi %div3A_348, %add3A_358 : i32
      %lt3A_360 = arith.constant 25 : i32
      %lt3A_361 = arith.cmpi slt, %add3A_359, %lt3A_360 : i32
      %and3A_362 = arith.andi %eq3A_357, %lt3A_361 : i1
      %convert_element_type3A_363 = arith.extui %and3A_362 : i1 to i32
      %cond3A_364 = arith.constant 0 : i32
      %cond3A_365 = arith.cmpi ne, %convert_element_type3A_363, %cond3A_364 : i32
      scf.if %cond3A_365 {
        %add3A_446 = arith.constant 1 : i32
        %add3A_447 = arith.addi %div3A_348, %add3A_446 : i32
        %sub3A = arith.constant 1 : i32
        %sub3A_448 = arith.subi %sub3A, %rem3A_352 : i32
        %mul3A_449 = arith.constant 5 : i32
        %mul3A_450 = arith.muli %add3A_447, %mul3A_449 : i32
        %add3A_451 = arith.addi %mul3A_4, %mul3A_450 : i32
        %mul3A_452 = arith.constant 5 : i32
        %mul3A_453 = arith.muli %sub3A_448, %mul3A_452 : i32
        %dma_start3A_454 = arith.constant 0 : i32
        %dma_start3A_455 = arith.constant 0 : i32
        %dma_start3A_456 = tpu.memref_slice %arg18[%mul3A_453, %dma_start3A_454, %dma_start3A_455] : memref<10x1x80xi32, #tpu.memory_space<vmem>> -> memref<5x1x80xi32, #tpu.memory_space<vmem>>
        %dma_start3A_457 = arith.constant 0 : i32
        %dma_start3A_458 = arith.constant 0 : i32
        %dma_start3A_459 = tpu.memref_slice %arg6[%add3A_451, %dma_start3A_457, %dma_start3A_458] : memref<4000x1x80xi32, #tpu.memory_space<hbm>> -> memref<5x1x80xi32, #tpu.memory_space<hbm>>
        %dma_start3A_460 = arith.constant 0 : i32
        %dma_start3A_461 = arith.constant 0 : i32
        %dma_start3A_462 = tpu.memref_slice %arg18[%mul3A_453, %dma_start3A_460, %dma_start3A_461] : memref<10x1x80xi32, #tpu.memory_space<vmem>> -> memref<5x1x80xi32, #tpu.memory_space<vmem>>
        %dma_start3A_463 = arith.constant 0 : i32
        %dma_start3A_464 = arith.constant 0 : i32
        %dma_start3A_465 = tpu.memref_slice %arg6[%add3A_451, %dma_start3A_463, %dma_start3A_464] : memref<4000x1x80xi32, #tpu.memory_space<hbm>> -> memref<5x1x80xi32, #tpu.memory_space<hbm>>
        tpu.enqueue_dma source(%dma_start3A_465 : memref<5x1x80xi32, #tpu.memory_space<hbm>>) target(%dma_start3A_462 : memref<5x1x80xi32, #tpu.memory_space<vmem>>) target_semaphore(%arg28 : memref<!tpu.dma_semaphore, #tpu.memory_space<semaphore_mem>>)
        %mul3A_466 = arith.constant 5 : i32
        %mul3A_467 = arith.muli %sub3A_448, %mul3A_466 : i32
        %dma_start3A_468 = arith.constant 0 : i32
        %dma_start3A_469 = arith.constant 0 : i32
        %dma_start3A_470 = tpu.memref_slice %arg19[%mul3A_467, %dma_start3A_468, %dma_start3A_469] : memref<10x1x80xi32, #tpu.memory_space<vmem>> -> memref<5x1x80xi32, #tpu.memory_space<vmem>>
        %dma_start3A_471 = arith.constant 0 : i32
        %dma_start3A_472 = arith.constant 0 : i32
        %dma_start3A_473 = tpu.memref_slice %arg7[%add3A_451, %dma_start3A_471, %dma_start3A_472] : memref<4000x1x80xi32, #tpu.memory_space<hbm>> -> memref<5x1x80xi32, #tpu.memory_space<hbm>>
        %dma_start3A_474 = arith.constant 0 : i32
        %dma_start3A_475 = arith.constant 0 : i32
        %dma_start3A_476 = tpu.memref_slice %arg19[%mul3A_467, %dma_start3A_474, %dma_start3A_475] : memref<10x1x80xi32, #tpu.memory_space<vmem>> -> memref<5x1x80xi32, #tpu.memory_space<vmem>>
        %dma_start3A_477 = arith.constant 0 : i32
        %dma_start3A_478 = arith.constant 0 : i32
        %dma_start3A_479 = tpu.memref_slice %arg7[%add3A_451, %dma_start3A_477, %dma_start3A_478] : memref<4000x1x80xi32, #tpu.memory_space<hbm>> -> memref<5x1x80xi32, #tpu.memory_space<hbm>>
        tpu.enqueue_dma source(%dma_start3A_479 : memref<5x1x80xi32, #tpu.memory_space<hbm>>) target(%dma_start3A_476 : memref<5x1x80xi32, #tpu.memory_space<vmem>>) target_semaphore(%arg28 : memref<!tpu.dma_semaphore, #tpu.memory_space<semaphore_mem>>)
        %mul3A_480 = arith.constant 5 : i32
        %mul3A_481 = arith.muli %sub3A_448, %mul3A_480 : i32
        %dma_start3A_482 = arith.constant 0 : i32
        %dma_start3A_483 = arith.constant 0 : i32
        %dma_start3A_484 = tpu.memref_slice %arg20[%mul3A_481, %dma_start3A_482, %dma_start3A_483] : memref<10x1x80xf32, #tpu.memory_space<vmem>> -> memref<5x1x80xf32, #tpu.memory_space<vmem>>
        %dma_start3A_485 = arith.constant 0 : i32
        %dma_start3A_486 = arith.constant 0 : i32
        %dma_start3A_487 = tpu.memref_slice %arg8[%add3A_451, %dma_start3A_485, %dma_start3A_486] : memref<4000x1x80xf32, #tpu.memory_space<hbm>> -> memref<5x1x80xf32, #tpu.memory_space<hbm>>
        %dma_start3A_488 = arith.constant 0 : i32
        %dma_start3A_489 = arith.constant 0 : i32
        %dma_start3A_490 = tpu.memref_slice %arg20[%mul3A_481, %dma_start3A_488, %dma_start3A_489] : memref<10x1x80xf32, #tpu.memory_space<vmem>> -> memref<5x1x80xf32, #tpu.memory_space<vmem>>
        %dma_start3A_491 = arith.constant 0 : i32
        %dma_start3A_492 = arith.constant 0 : i32
        %dma_start3A_493 = tpu.memref_slice %arg8[%add3A_451, %dma_start3A_491, %dma_start3A_492] : memref<4000x1x80xf32, #tpu.memory_space<hbm>> -> memref<5x1x80xf32, #tpu.memory_space<hbm>>
        tpu.enqueue_dma source(%dma_start3A_493 : memref<5x1x80xf32, #tpu.memory_space<hbm>>) target(%dma_start3A_490 : memref<5x1x80xf32, #tpu.memory_space<vmem>>) target_semaphore(%arg28 : memref<!tpu.dma_semaphore, #tpu.memory_space<semaphore_mem>>)
      } else {
      }
      %dma_wait3A_366 = arith.constant 0 : i32
      %dma_wait3A_367 = arith.constant 0 : i32
      %dma_wait3A_368 = arith.constant 1 : i32
      %dma_wait3A_369 = arith.constant 0 : i32
      %dma_wait3A_370 = arith.constant 0 : i32
      %dma_wait3A_371 = tpu.memref_slice %arg23[%dma_wait3A_368, %dma_wait3A_369, %dma_wait3A_370] : memref<2x80x128xf32, #tpu.memory_space<vmem>> -> memref<1x80x128xf32, #tpu.memory_space<vmem>>
      %dma_wait3A_372 = tpu.memref_squeeze %dma_wait3A_371 : memref<1x80x128xf32, #tpu.memory_space<vmem>> -> memref<80x128xf32, #tpu.memory_space<vmem>>
      %dma_wait3A_373 = arith.constant 0 : i32
      %dma_wait3A_374 = tpu.memref_slice %arg18[%dma_wait3A_366, %dma_wait3A_367, %dma_wait3A_373] : memref<10x1x80xi32, #tpu.memory_space<vmem>> -> memref<1x1x80xi32, #tpu.memory_space<vmem>>
      %dma_wait3A_375 = tpu.memref_squeeze %dma_wait3A_374 : memref<1x1x80xi32, #tpu.memory_space<vmem>> -> memref<80xi32, #tpu.memory_space<vmem>>
      %dma_wait3A_376 = arith.constant 0 : i32
      %dma_wait3A_377 = arith.constant 0 : i32
      %dma_wait3A_378 = tpu.memref_slice %arg2[%dma_wait3A_376, %dma_wait3A_377] : memref<10240x128xf32, #tpu.memory_space<hbm>> -> memref<10240x128xf32, #tpu.memory_space<hbm>>
      tpu.wait_indirect_dma semaphore(%arg26 : memref<!tpu.dma_semaphore, #tpu.memory_space<semaphore_mem>>) src(%dma_wait3A_378 : memref<10240x128xf32, #tpu.memory_space<hbm>>) dst(%dma_wait3A_372 : memref<80x128xf32, #tpu.memory_space<vmem>>)
      %scan3A_379 = arith.constant 0 : i32
      %scan3A_380 = arith.constant 0 : i32
      %scan3A_381 = arith.constant 5 : i32
      %scan3A_382 = arith.addi %scan3A_380, %scan3A_381 : i32
      %scan3A_383 = arith.constant 1 : i32
      scf.for %scan3A_446 = %scan3A_380 to %scan3A_382 step %scan3A_383  : i32 {
        %mul3A_447 = arith.constant 16 : i32
        %mul3A_448 = arith.muli %scan3A_446, %mul3A_447 : i32
        %get3A_449 = arith.constant 0 : i32
        %get3A_450 = arith.index_cast %add3A_355 : i32 to index
        %get3A_451 = arith.index_cast %get3A_449 : i32 to index
        %get3A_452 = arith.index_cast %mul3A_448 : i32 to index
        %get3A_453 = tpu.vector_load %arg18[%get3A_450, %get3A_451, %get3A_452] {strides = array<i32>} : memref<10x1x80xi32, #tpu.memory_space<vmem>>, vector<16xi32>,
        %get3A_454 = arith.constant 0 : i32
        %get3A_455 = arith.index_cast %add3A_355 : i32 to index
        %get3A_456 = arith.index_cast %get3A_454 : i32 to index
        %get3A_457 = arith.index_cast %mul3A_448 : i32 to index
        %get3A_458 = tpu.vector_load %arg19[%get3A_455, %get3A_456, %get3A_457] {strides = array<i32>} : memref<10x1x80xi32, #tpu.memory_space<vmem>>, vector<16xi32>,
        %gather3A = tpu.vector_load_idx %arg15[%get3A_453] : memref<10240xf32, #tpu.memory_space<vmem>>[vector<16xi32>], vector<16xf32>,
        %gather3A_459 = tpu.vector_load_idx %arg16[%get3A_458] : memref<10240xf32, #tpu.memory_space<vmem>>[vector<16xi32>], vector<16xf32>,
        %add3A_460 = arith.addf %gather3A, %gather3A_459 : vector<16xf32>
        %gt3A_461 = arith.constant 0.000000e+00 : f32
        %gt3A_462 = vector.broadcast %gt3A_461 : f32 to vector<16xf32>
        %gt3A_463 = arith.cmpf ogt, %add3A_460, %gt3A_462 : vector<16xf32>
        %mul3A_464 = arith.constant 2.000000e-01 : f32
        %mul3A_465 = vector.broadcast %mul3A_464 : f32 to vector<16xf32>
        %mul3A_466 = arith.mulf %mul3A_465, %add3A_460 : vector<16xf32>
        %select_n3A_467 = arith.select %gt3A_463, %add3A_460, %mul3A_466 : vector<16xi1>, vector<16xf32>
        %sub3A = vector.broadcast %select_n3A : f32 to vector<16xf32>
        %sub3A_468 = arith.subf %select_n3A_467, %sub3A : vector<16xf32>
        %exp3A = math.exp %sub3A_468 : vector<16xf32>
        %swap3A = arith.constant 0 : i32
        %swap3A_469 = arith.index_cast %swap3A : i32 to index
        %swap3A_470 = arith.index_cast %mul3A_448 : i32 to index
        %swap3A_471 = tpu.vector_load %arg21[%swap3A_469, %swap3A_470] {strides = array<i32>} : memref<1x80xf32, #tpu.memory_space<vmem>>, vector<16xf32>,
        tpu.vector_store %arg21[%swap3A_469, %swap3A_470], %exp3A {strides = array<i32>} : memref<1x80xf32, #tpu.memory_space<vmem>>, vector<16xf32>,
        %get3A_472 = arith.constant 0 : i32
        %get3A_473 = arith.index_cast %add3A_355 : i32 to index
        %get3A_474 = arith.index_cast %get3A_472 : i32 to index
        %get3A_475 = arith.index_cast %mul3A_448 : i32 to index
        %get3A_476 = tpu.vector_load %arg20[%get3A_473, %get3A_474, %get3A_475] {strides = array<i32>} : memref<10x1x80xf32, #tpu.memory_space<vmem>>, vector<16xf32>,
        %mul3A_477 = arith.mulf %exp3A, %get3A_476 : vector<16xf32>
        %scan3A_478 = arith.constant 0 : i32
        %scan3A_479 = arith.constant 0 : i32
        %scan3A_480 = arith.constant 8 : i32
        %scan3A_481 = arith.addi %scan3A_479, %scan3A_480 : i32
        %scan3A_482 = arith.constant 1 : i32
        scf.for %scan3A_484 = %scan3A_479 to %scan3A_481 step %scan3A_482  : i32 {
          %mul3A_485 = arith.constant 2 : i32
          %mul3A_486 = arith.muli %mul3A_485, %scan3A_484 : i32
          %broadcast_in_dim3A = arith.constant 0 : i32
          %broadcast_in_dim3A_487 = vector.broadcast %broadcast_in_dim3A : i32 to vector<16x1xi32>
          %add3A_488 = vector.broadcast %mul3A_486 : i32 to vector<16x1xi32>
          %add3A_489 = arith.addi %broadcast_in_dim3A_487, %add3A_488 : vector<16x1xi32>
          %gather3A_490 = vector.shape_cast %add3A_489 : vector<16x1xi32> to vector<16xi32>
          %gather3A_491 = tpu.dynamic_gather %mul3A_477[%gather3A_490] in [0] : vector<16xf32>, vector<16xi32> -> vector<16xf32>
          %add3A_492 = arith.constant 1 : i32
          %add3A_493 = arith.addi %mul3A_486, %add3A_492 : i32
          %broadcast_in_dim3A_494 = arith.constant 0 : i32
          %broadcast_in_dim3A_495 = vector.broadcast %broadcast_in_dim3A_494 : i32 to vector<16x1xi32>
          %add3A_496 = vector.broadcast %add3A_493 : i32 to vector<16x1xi32>
          %add3A_497 = arith.addi %broadcast_in_dim3A_495, %add3A_496 : vector<16x1xi32>
          %gather3A_498 = vector.shape_cast %add3A_497 : vector<16x1xi32> to vector<16xi32>
          %gather3A_499 = tpu.dynamic_gather %mul3A_477[%gather3A_498] in [0] : vector<16xf32>, vector<16xi32> -> vector<16xf32>
          %mul3A_500 = arith.constant 16 : i32
          %mul3A_501 = arith.muli %scan3A_446, %mul3A_500 : i32
          %add3A_502 = arith.addi %mul3A_501, %mul3A_486 : i32
          %get3A_503 = arith.constant 1 : i32
          %get3A_504 = arith.index_cast %get3A_503 : i32 to index
          %get3A_505 = arith.index_cast %add3A_502 : i32 to index
          %get3A_506 = arith.constant 0 : index
          %get3A_507 = tpu.vector_load %arg23[%get3A_504, %get3A_505, %get3A_506] {strides = array<i32>} : memref<2x80x128xf32, #tpu.memory_space<vmem>>, vector<16xf32>,
          %mul3A_508 = arith.mulf %get3A_507, %gather3A_491 : vector<16xf32>
          %swap3A_509 = arith.constant 1 : i32
          %swap3A_510 = arith.index_cast %swap3A_509 : i32 to index
          %swap3A_511 = arith.index_cast %add3A_502 : i32 to index
          %swap3A_512 = arith.constant 0 : index
          %swap3A_513 = tpu.vector_load %arg23[%swap3A_510, %swap3A_511, %swap3A_512] {strides = array<i32>} : memref<2x80x128xf32, #tpu.memory_space<vmem>>, vector<16xf32>,
          tpu.vector_store %arg23[%swap3A_510, %swap3A_511, %swap3A_512], %mul3A_508 {strides = array<i32>} : memref<2x80x128xf32, #tpu.memory_space<vmem>>, vector<16xf32>,
          %add3A_514 = arith.constant 1 : i32
          %add3A_515 = arith.addi %add3A_502, %add3A_514 : i32
          %get3A_516 = arith.constant 1 : i32
          %get3A_517 = arith.index_cast %get3A_516 : i32 to index
          %get3A_518 = arith.index_cast %add3A_515 : i32 to index
          %get3A_519 = arith.constant 0 : index
          %get3A_520 = tpu.vector_load %arg23[%get3A_517, %get3A_518, %get3A_519] {strides = array<i32>} : memref<2x80x128xf32, #tpu.memory_space<vmem>>, vector<16xf32>,
          %mul3A_521 = arith.mulf %get3A_520, %gather3A_499 : vector<16xf32>
          %add3A_522 = arith.constant 1 : i32
          %add3A_523 = arith.addi %add3A_502, %add3A_522 : i32
          %swap3A_524 = arith.constant 1 : i32
          %swap3A_525 = arith.index_cast %swap3A_524 : i32 to index
          %swap3A_526 = arith.index_cast %add3A_523 : i32 to index
          %swap3A_527 = arith.constant 0 : index
          %swap3A_528 = tpu.vector_load %arg23[%swap3A_525, %swap3A_526, %swap3A_527] {strides = array<i32>} : memref<2x80x128xf32, #tpu.memory_space<vmem>>, vector<16xf32>,
          tpu.vector_store %arg23[%swap3A_525, %swap3A_526, %swap3A_527], %mul3A_521 {strides = array<i32>} : memref<2x80x128xf32, #tpu.memory_space<vmem>>, vector<16xf32>,
          %get3A_529 = arith.constant 1 : i32
          %get3A_530 = arith.index_cast %get3A_529 : i32 to index
          %get3A_531 = arith.index_cast %add3A_502 : i32 to index
          %get3A_532 = arith.constant 16 : index
          %get3A_533 = tpu.vector_load %arg23[%get3A_530, %get3A_531, %get3A_532] {strides = array<i32>} : memref<2x80x128xf32, #tpu.memory_space<vmem>>, vector<16xf32>,
          %mul3A_534 = arith.mulf %get3A_533, %gather3A_491 : vector<16xf32>
          %swap3A_535 = arith.constant 1 : i32
          %swap3A_536 = arith.index_cast %swap3A_535 : i32 to index
          %swap3A_537 = arith.index_cast %add3A_502 : i32 to index
          %swap3A_538 = arith.constant 16 : index
          %swap3A_539 = tpu.vector_load %arg23[%swap3A_536, %swap3A_537, %swap3A_538] {strides = array<i32>} : memref<2x80x128xf32, #tpu.memory_space<vmem>>, vector<16xf32>,
          tpu.vector_store %arg23[%swap3A_536, %swap3A_537, %swap3A_538], %mul3A_534 {strides = array<i32>} : memref<2x80x128xf32, #tpu.memory_space<vmem>>, vector<16xf32>,
          %add3A_540 = arith.constant 1 : i32
          %add3A_541 = arith.addi %add3A_502, %add3A_540 : i32
          %get3A_542 = arith.constant 1 : i32
          %get3A_543 = arith.index_cast %get3A_542 : i32 to index
          %get3A_544 = arith.index_cast %add3A_541 : i32 to index
          %get3A_545 = arith.constant 16 : index
          %get3A_546 = tpu.vector_load %arg23[%get3A_543, %get3A_544, %get3A_545] {strides = array<i32>} : memref<2x80x128xf32, #tpu.memory_space<vmem>>, vector<16xf32>,
          %mul3A_547 = arith.mulf %get3A_546, %gather3A_499 : vector<16xf32>
          %add3A_548 = arith.constant 1 : i32
          %add3A_549 = arith.addi %add3A_502, %add3A_548 : i32
          %swap3A_550 = arith.constant 1 : i32
          %swap3A_551 = arith.index_cast %swap3A_550 : i32 to index
          %swap3A_552 = arith.index_cast %add3A_549 : i32 to index
          %swap3A_553 = arith.constant 16 : index
          %swap3A_554 = tpu.vector_load %arg23[%swap3A_551, %swap3A_552, %swap3A_553] {strides = array<i32>} : memref<2x80x128xf32, #tpu.memory_space<vmem>>, vector<16xf32>,
          tpu.vector_store %arg23[%swap3A_551, %swap3A_552, %swap3A_553], %mul3A_547 {strides = array<i32>} : memref<2x80x128xf32, #tpu.memory_space<vmem>>, vector<16xf32>,
          %get3A_555 = arith.constant 1 : i32
          %get3A_556 = arith.index_cast %get3A_555 : i32 to index
          %get3A_557 = arith.index_cast %add3A_502 : i32 to index
          %get3A_558 = arith.constant 32 : index
          %get3A_559 = tpu.vector_load %arg23[%get3A_556, %get3A_557, %get3A_558] {strides = array<i32>} : memref<2x80x128xf32, #tpu.memory_space<vmem>>, vector<16xf32>,
          %mul3A_560 = arith.mulf %get3A_559, %gather3A_491 : vector<16xf32>
          %swap3A_561 = arith.constant 1 : i32
          %swap3A_562 = arith.index_cast %swap3A_561 : i32 to index
          %swap3A_563 = arith.index_cast %add3A_502 : i32 to index
          %swap3A_564 = arith.constant 32 : index
          %swap3A_565 = tpu.vector_load %arg23[%swap3A_562, %swap3A_563, %swap3A_564] {strides = array<i32>} : memref<2x80x128xf32, #tpu.memory_space<vmem>>, vector<16xf32>,
          tpu.vector_store %arg23[%swap3A_562, %swap3A_563, %swap3A_564], %mul3A_560 {strides = array<i32>} : memref<2x80x128xf32, #tpu.memory_space<vmem>>, vector<16xf32>,
          %add3A_566 = arith.constant 1 : i32
          %add3A_567 = arith.addi %add3A_502, %add3A_566 : i32
          %get3A_568 = arith.constant 1 : i32
          %get3A_569 = arith.index_cast %get3A_568 : i32 to index
          %get3A_570 = arith.index_cast %add3A_567 : i32 to index
          %get3A_571 = arith.constant 32 : index
          %get3A_572 = tpu.vector_load %arg23[%get3A_569, %get3A_570, %get3A_571] {strides = array<i32>} : memref<2x80x128xf32, #tpu.memory_space<vmem>>, vector<16xf32>,
          %mul3A_573 = arith.mulf %get3A_572, %gather3A_499 : vector<16xf32>
          %add3A_574 = arith.constant 1 : i32
          %add3A_575 = arith.addi %add3A_502, %add3A_574 : i32
          %swap3A_576 = arith.constant 1 : i32
          %swap3A_577 = arith.index_cast %swap3A_576 : i32 to index
          %swap3A_578 = arith.index_cast %add3A_575 : i32 to index
          %swap3A_579 = arith.constant 32 : index
          %swap3A_580 = tpu.vector_load %arg23[%swap3A_577, %swap3A_578, %swap3A_579] {strides = array<i32>} : memref<2x80x128xf32, #tpu.memory_space<vmem>>, vector<16xf32>,
          tpu.vector_store %arg23[%swap3A_577, %swap3A_578, %swap3A_579], %mul3A_573 {strides = array<i32>} : memref<2x80x128xf32, #tpu.memory_space<vmem>>, vector<16xf32>,
          %get3A_581 = arith.constant 1 : i32
          %get3A_582 = arith.index_cast %get3A_581 : i32 to index
          %get3A_583 = arith.index_cast %add3A_502 : i32 to index
          %get3A_584 = arith.constant 48 : index
          %get3A_585 = tpu.vector_load %arg23[%get3A_582, %get3A_583, %get3A_584] {strides = array<i32>} : memref<2x80x128xf32, #tpu.memory_space<vmem>>, vector<16xf32>,
          %mul3A_586 = arith.mulf %get3A_585, %gather3A_491 : vector<16xf32>
          %swap3A_587 = arith.constant 1 : i32
          %swap3A_588 = arith.index_cast %swap3A_587 : i32 to index
          %swap3A_589 = arith.index_cast %add3A_502 : i32 to index
          %swap3A_590 = arith.constant 48 : index
          %swap3A_591 = tpu.vector_load %arg23[%swap3A_588, %swap3A_589, %swap3A_590] {strides = array<i32>} : memref<2x80x128xf32, #tpu.memory_space<vmem>>, vector<16xf32>,
          tpu.vector_store %arg23[%swap3A_588, %swap3A_589, %swap3A_590], %mul3A_586 {strides = array<i32>} : memref<2x80x128xf32, #tpu.memory_space<vmem>>, vector<16xf32>,
          %add3A_592 = arith.constant 1 : i32
          %add3A_593 = arith.addi %add3A_502, %add3A_592 : i32
          %get3A_594 = arith.constant 1 : i32
          %get3A_595 = arith.index_cast %get3A_594 : i32 to index
          %get3A_596 = arith.index_cast %add3A_593 : i32 to index
          %get3A_597 = arith.constant 48 : index
          %get3A_598 = tpu.vector_load %arg23[%get3A_595, %get3A_596, %get3A_597] {strides = array<i32>} : memref<2x80x128xf32, #tpu.memory_space<vmem>>, vector<16xf32>,
          %mul3A_599 = arith.mulf %get3A_598, %gather3A_499 : vector<16xf32>
          %add3A_600 = arith.constant 1 : i32
          %add3A_601 = arith.addi %add3A_502, %add3A_600 : i32
          %swap3A_602 = arith.constant 1 : i32
          %swap3A_603 = arith.index_cast %swap3A_602 : i32 to index
          %swap3A_604 = arith.index_cast %add3A_601 : i32 to index
          %swap3A_605 = arith.constant 48 : index
          %swap3A_606 = tpu.vector_load %arg23[%swap3A_603, %swap3A_604, %swap3A_605] {strides = array<i32>} : memref<2x80x128xf32, #tpu.memory_space<vmem>>, vector<16xf32>,
          tpu.vector_store %arg23[%swap3A_603, %swap3A_604, %swap3A_605], %mul3A_599 {strides = array<i32>} : memref<2x80x128xf32, #tpu.memory_space<vmem>>, vector<16xf32>,
          %get3A_607 = arith.constant 1 : i32
          %get3A_608 = arith.index_cast %get3A_607 : i32 to index
          %get3A_609 = arith.index_cast %add3A_502 : i32 to index
          %get3A_610 = arith.constant 64 : index
          %get3A_611 = tpu.vector_load %arg23[%get3A_608, %get3A_609, %get3A_610] {strides = array<i32>} : memref<2x80x128xf32, #tpu.memory_space<vmem>>, vector<16xf32>,
          %mul3A_612 = arith.mulf %get3A_611, %gather3A_491 : vector<16xf32>
          %swap3A_613 = arith.constant 1 : i32
          %swap3A_614 = arith.index_cast %swap3A_613 : i32 to index
          %swap3A_615 = arith.index_cast %add3A_502 : i32 to index
          %swap3A_616 = arith.constant 64 : index
          %swap3A_617 = tpu.vector_load %arg23[%swap3A_614, %swap3A_615, %swap3A_616] {strides = array<i32>} : memref<2x80x128xf32, #tpu.memory_space<vmem>>, vector<16xf32>,
          tpu.vector_store %arg23[%swap3A_614, %swap3A_615, %swap3A_616], %mul3A_612 {strides = array<i32>} : memref<2x80x128xf32, #tpu.memory_space<vmem>>, vector<16xf32>,
          %add3A_618 = arith.constant 1 : i32
          %add3A_619 = arith.addi %add3A_502, %add3A_618 : i32
          %get3A_620 = arith.constant 1 : i32
          %get3A_621 = arith.index_cast %get3A_620 : i32 to index
          %get3A_622 = arith.index_cast %add3A_619 : i32 to index
          %get3A_623 = arith.constant 64 : index
          %get3A_624 = tpu.vector_load %arg23[%get3A_621, %get3A_622, %get3A_623] {strides = array<i32>} : memref<2x80x128xf32, #tpu.memory_space<vmem>>, vector<16xf32>,
          %mul3A_625 = arith.mulf %get3A_624, %gather3A_499 : vector<16xf32>
          %add3A_626 = arith.constant 1 : i32
          %add3A_627 = arith.addi %add3A_502, %add3A_626 : i32
          %swap3A_628 = arith.constant 1 : i32
          %swap3A_629 = arith.index_cast %swap3A_628 : i32 to index
          %swap3A_630 = arith.index_cast %add3A_627 : i32 to index
          %swap3A_631 = arith.constant 64 : index
          %swap3A_632 = tpu.vector_load %arg23[%swap3A_629, %swap3A_630, %swap3A_631] {strides = array<i32>} : memref<2x80x128xf32, #tpu.memory_space<vmem>>, vector<16xf32>,
          tpu.vector_store %arg23[%swap3A_629, %swap3A_630, %swap3A_631], %mul3A_625 {strides = array<i32>} : memref<2x80x128xf32, #tpu.memory_space<vmem>>, vector<16xf32>,
          %get3A_633 = arith.constant 1 : i32
          %get3A_634 = arith.index_cast %get3A_633 : i32 to index
          %get3A_635 = arith.index_cast %add3A_502 : i32 to index
          %get3A_636 = arith.constant 80 : index
          %get3A_637 = tpu.vector_load %arg23[%get3A_634, %get3A_635, %get3A_636] {strides = array<i32>} : memref<2x80x128xf32, #tpu.memory_space<vmem>>, vector<16xf32>,
          %mul3A_638 = arith.mulf %get3A_637, %gather3A_491 : vector<16xf32>
          %swap3A_639 = arith.constant 1 : i32
          %swap3A_640 = arith.index_cast %swap3A_639 : i32 to index
          %swap3A_641 = arith.index_cast %add3A_502 : i32 to index
          %swap3A_642 = arith.constant 80 : index
          %swap3A_643 = tpu.vector_load %arg23[%swap3A_640, %swap3A_641, %swap3A_642] {strides = array<i32>} : memref<2x80x128xf32, #tpu.memory_space<vmem>>, vector<16xf32>,
          tpu.vector_store %arg23[%swap3A_640, %swap3A_641, %swap3A_642], %mul3A_638 {strides = array<i32>} : memref<2x80x128xf32, #tpu.memory_space<vmem>>, vector<16xf32>,
          %add3A_644 = arith.constant 1 : i32
          %add3A_645 = arith.addi %add3A_502, %add3A_644 : i32
          %get3A_646 = arith.constant 1 : i32
          %get3A_647 = arith.index_cast %get3A_646 : i32 to index
          %get3A_648 = arith.index_cast %add3A_645 : i32 to index
          %get3A_649 = arith.constant 80 : index
          %get3A_650 = tpu.vector_load %arg23[%get3A_647, %get3A_648, %get3A_649] {strides = array<i32>} : memref<2x80x128xf32, #tpu.memory_space<vmem>>, vector<16xf32>,
          %mul3A_651 = arith.mulf %get3A_650, %gather3A_499 : vector<16xf32>
          %add3A_652 = arith.constant 1 : i32
          %add3A_653 = arith.addi %add3A_502, %add3A_652 : i32
          %swap3A_654 = arith.constant 1 : i32
          %swap3A_655 = arith.index_cast %swap3A_654 : i32 to index
          %swap3A_656 = arith.index_cast %add3A_653 : i32 to index
          %swap3A_657 = arith.constant 80 : index
          %swap3A_658 = tpu.vector_load %arg23[%swap3A_655, %swap3A_656, %swap3A_657] {strides = array<i32>} : memref<2x80x128xf32, #tpu.memory_space<vmem>>, vector<16xf32>,
          tpu.vector_store %arg23[%swap3A_655, %swap3A_656, %swap3A_657], %mul3A_651 {strides = array<i32>} : memref<2x80x128xf32, #tpu.memory_space<vmem>>, vector<16xf32>,
          %get3A_659 = arith.constant 1 : i32
          %get3A_660 = arith.index_cast %get3A_659 : i32 to index
          %get3A_661 = arith.index_cast %add3A_502 : i32 to index
          %get3A_662 = arith.constant 96 : index
          %get3A_663 = tpu.vector_load %arg23[%get3A_660, %get3A_661, %get3A_662] {strides = array<i32>} : memref<2x80x128xf32, #tpu.memory_space<vmem>>, vector<16xf32>,
          %mul3A_664 = arith.mulf %get3A_663, %gather3A_491 : vector<16xf32>
          %swap3A_665 = arith.constant 1 : i32
          %swap3A_666 = arith.index_cast %swap3A_665 : i32 to index
          %swap3A_667 = arith.index_cast %add3A_502 : i32 to index
          %swap3A_668 = arith.constant 96 : index
          %swap3A_669 = tpu.vector_load %arg23[%swap3A_666, %swap3A_667, %swap3A_668] {strides = array<i32>} : memref<2x80x128xf32, #tpu.memory_space<vmem>>, vector<16xf32>,
          tpu.vector_store %arg23[%swap3A_666, %swap3A_667, %swap3A_668], %mul3A_664 {strides = array<i32>} : memref<2x80x128xf32, #tpu.memory_space<vmem>>, vector<16xf32>,
          %add3A_670 = arith.constant 1 : i32
          %add3A_671 = arith.addi %add3A_502, %add3A_670 : i32
          %get3A_672 = arith.constant 1 : i32
          %get3A_673 = arith.index_cast %get3A_672 : i32 to index
          %get3A_674 = arith.index_cast %add3A_671 : i32 to index
          %get3A_675 = arith.constant 96 : index
          %get3A_676 = tpu.vector_load %arg23[%get3A_673, %get3A_674, %get3A_675] {strides = array<i32>} : memref<2x80x128xf32, #tpu.memory_space<vmem>>, vector<16xf32>,
          %mul3A_677 = arith.mulf %get3A_676, %gather3A_499 : vector<16xf32>
          %add3A_678 = arith.constant 1 : i32
          %add3A_679 = arith.addi %add3A_502, %add3A_678 : i32
          %swap3A_680 = arith.constant 1 : i32
          %swap3A_681 = arith.index_cast %swap3A_680 : i32 to index
          %swap3A_682 = arith.index_cast %add3A_679 : i32 to index
          %swap3A_683 = arith.constant 96 : index
          %swap3A_684 = tpu.vector_load %arg23[%swap3A_681, %swap3A_682, %swap3A_683] {strides = array<i32>} : memref<2x80x128xf32, #tpu.memory_space<vmem>>, vector<16xf32>,
          tpu.vector_store %arg23[%swap3A_681, %swap3A_682, %swap3A_683], %mul3A_677 {strides = array<i32>} : memref<2x80x128xf32, #tpu.memory_space<vmem>>, vector<16xf32>,
          %get3A_685 = arith.constant 1 : i32
          %get3A_686 = arith.index_cast %get3A_685 : i32 to index
          %get3A_687 = arith.index_cast %add3A_502 : i32 to index
          %get3A_688 = arith.constant 112 : index
          %get3A_689 = tpu.vector_load %arg23[%get3A_686, %get3A_687, %get3A_688] {strides = array<i32>} : memref<2x80x128xf32, #tpu.memory_space<vmem>>, vector<16xf32>,
          %mul3A_690 = arith.mulf %get3A_689, %gather3A_491 : vector<16xf32>
          %swap3A_691 = arith.constant 1 : i32
          %swap3A_692 = arith.index_cast %swap3A_691 : i32 to index
          %swap3A_693 = arith.index_cast %add3A_502 : i32 to index
          %swap3A_694 = arith.constant 112 : index
          %swap3A_695 = tpu.vector_load %arg23[%swap3A_692, %swap3A_693, %swap3A_694] {strides = array<i32>} : memref<2x80x128xf32, #tpu.memory_space<vmem>>, vector<16xf32>,
          tpu.vector_store %arg23[%swap3A_692, %swap3A_693, %swap3A_694], %mul3A_690 {strides = array<i32>} : memref<2x80x128xf32, #tpu.memory_space<vmem>>, vector<16xf32>,
          %add3A_696 = arith.constant 1 : i32
          %add3A_697 = arith.addi %add3A_502, %add3A_696 : i32
          %get3A_698 = arith.constant 1 : i32
          %get3A_699 = arith.index_cast %get3A_698 : i32 to index
          %get3A_700 = arith.index_cast %add3A_697 : i32 to index
          %get3A_701 = arith.constant 112 : index
          %get3A_702 = tpu.vector_load %arg23[%get3A_699, %get3A_700, %get3A_701] {strides = array<i32>} : memref<2x80x128xf32, #tpu.memory_space<vmem>>, vector<16xf32>,
          %mul3A_703 = arith.mulf %get3A_702, %gather3A_499 : vector<16xf32>
          %add3A_704 = arith.constant 1 : i32
          %add3A_705 = arith.addi %add3A_502, %add3A_704 : i32
          %swap3A_706 = arith.constant 1 : i32
          %swap3A_707 = arith.index_cast %swap3A_706 : i32 to index
          %swap3A_708 = arith.index_cast %add3A_705 : i32 to index
          %swap3A_709 = arith.constant 112 : index
          %swap3A_710 = tpu.vector_load %arg23[%swap3A_707, %swap3A_708, %swap3A_709] {strides = array<i32>} : memref<2x80x128xf32, #tpu.memory_space<vmem>>, vector<16xf32>,
          tpu.vector_store %arg23[%swap3A_707, %swap3A_708, %swap3A_709], %mul3A_703 {strides = array<i32>} : memref<2x80x128xf32, #tpu.memory_space<vmem>>, vector<16xf32>,
        }
        %scan3A_483 = arith.constant 8 : i32
      }
      %scan3A_384 = arith.constant 5 : i32
      %dma_start3A_385 = arith.constant 1 : i32
      %dma_start3A_386 = arith.constant 0 : i32
      %dma_start3A_387 = arith.constant 0 : i32
      %dma_start3A_388 = arith.constant 0 : i32
      %dma_start3A_389 = tpu.memref_slice %arg23[%dma_start3A_385, %dma_start3A_387, %dma_start3A_388] : memref<2x80x128xf32, #tpu.memory_space<vmem>> -> memref<1x80x128xf32, #tpu.memory_space<vmem>>
      %dma_start3A_390 = tpu.memref_squeeze %dma_start3A_389 : memref<1x80x128xf32, #tpu.memory_space<vmem>> -> memref<80x128xf32, #tpu.memory_space<vmem>>
      %dma_start3A_391 = arith.constant 0 : i32
      %dma_start3A_392 = tpu.memref_slice %arg19[%add3A_355, %dma_start3A_386, %dma_start3A_391] : memref<10x1x80xi32, #tpu.memory_space<vmem>> -> memref<1x1x80xi32, #tpu.memory_space<vmem>>
      %dma_start3A_393 = tpu.memref_squeeze %dma_start3A_392 : memref<1x1x80xi32, #tpu.memory_space<vmem>> -> memref<80xi32, #tpu.memory_space<vmem>>
      %dma_start3A_394 = arith.constant 0 : i32
      %dma_start3A_395 = arith.constant 0 : i32
      %dma_start3A_396 = tpu.memref_slice %arg24[%dma_start3A_394, %dma_start3A_395] : memref<10240x128xf32, #tpu.memory_space<vmem_shared>> -> memref<10240x128xf32, #tpu.memory_space<vmem_shared>>
      tpu.enqueue_indirect_dma source(%dma_start3A_390 : memref<80x128xf32, #tpu.memory_space<vmem>>) target(%dma_start3A_396 : memref<10240x128xf32, #tpu.memory_space<vmem_shared>>) offsets(%dma_start3A_393 : memref<80xi32, #tpu.memory_space<vmem>>) semaphore(%arg27 : memref<!tpu.dma_semaphore, #tpu.memory_space<semaphore_mem>>) {add = true}
      %dma_start3A_397 = arith.constant 0 : i32
      %dma_start3A_398 = arith.constant 0 : i32
      %dma_start3A_399 = arith.constant 0 : i32
      %dma_start3A_400 = tpu.memref_slice %arg21[%dma_start3A_397, %dma_start3A_399] : memref<1x80xf32, #tpu.memory_space<vmem>> -> memref<1x80xf32, #tpu.memory_space<vmem>>
      %dma_start3A_401 = tpu.memref_squeeze %dma_start3A_400 : memref<1x80xf32, #tpu.memory_space<vmem>> -> memref<80xf32, #tpu.memory_space<vmem>>
      %dma_start3A_402 = arith.constant 0 : i32
      %dma_start3A_403 = tpu.memref_slice %arg19[%add3A_355, %dma_start3A_398, %dma_start3A_402] : memref<10x1x80xi32, #tpu.memory_space<vmem>> -> memref<1x1x80xi32, #tpu.memory_space<vmem>>
      %dma_start3A_404 = tpu.memref_squeeze %dma_start3A_403 : memref<1x1x80xi32, #tpu.memory_space<vmem>> -> memref<80xi32, #tpu.memory_space<vmem>>
      %dma_start3A_405 = arith.constant 0 : i32
      %dma_start3A_406 = tpu.memref_slice %arg25[%dma_start3A_405] : memref<10240xf32, #tpu.memory_space<vmem_shared>> -> memref<10240xf32, #tpu.memory_space<vmem_shared>>
      tpu.enqueue_indirect_dma source(%dma_start3A_401 : memref<80xf32, #tpu.memory_space<vmem>>) target(%dma_start3A_406 : memref<10240xf32, #tpu.memory_space<vmem_shared>>) offsets(%dma_start3A_404 : memref<80xi32, #tpu.memory_space<vmem>>) semaphore(%arg27 : memref<!tpu.dma_semaphore, #tpu.memory_space<semaphore_mem>>) {add = true}
      %dma_wait3A_407 = arith.constant 1 : i32
      %dma_wait3A_408 = arith.constant 0 : i32
      %dma_wait3A_409 = arith.constant 0 : i32
      %dma_wait3A_410 = arith.constant 0 : i32
      %dma_wait3A_411 = tpu.memref_slice %arg23[%dma_wait3A_407, %dma_wait3A_409, %dma_wait3A_410] : memref<2x80x128xf32, #tpu.memory_space<vmem>> -> memref<1x80x128xf32, #tpu.memory_space<vmem>>
      %dma_wait3A_412 = tpu.memref_squeeze %dma_wait3A_411 : memref<1x80x128xf32, #tpu.memory_space<vmem>> -> memref<80x128xf32, #tpu.memory_space<vmem>>
      %dma_wait3A_413 = arith.constant 0 : i32
      %dma_wait3A_414 = tpu.memref_slice %arg19[%add3A_355, %dma_wait3A_408, %dma_wait3A_413] : memref<10x1x80xi32, #tpu.memory_space<vmem>> -> memref<1x1x80xi32, #tpu.memory_space<vmem>>
      %dma_wait3A_415 = tpu.memref_squeeze %dma_wait3A_414 : memref<1x1x80xi32, #tpu.memory_space<vmem>> -> memref<80xi32, #tpu.memory_space<vmem>>
      %dma_wait3A_416 = arith.constant 0 : i32
      %dma_wait3A_417 = arith.constant 0 : i32
      %dma_wait3A_418 = tpu.memref_slice %arg24[%dma_wait3A_416, %dma_wait3A_417] : memref<10240x128xf32, #tpu.memory_space<vmem_shared>> -> memref<10240x128xf32, #tpu.memory_space<vmem_shared>>
      tpu.wait_indirect_dma semaphore(%arg27 : memref<!tpu.dma_semaphore, #tpu.memory_space<semaphore_mem>>) src(%dma_wait3A_412 : memref<80x128xf32, #tpu.memory_space<vmem>>) dst(%dma_wait3A_418 : memref<10240x128xf32, #tpu.memory_space<vmem_shared>>)
      %dma_wait3A_419 = arith.constant 0 : i32
      %dma_wait3A_420 = arith.constant 0 : i32
      %dma_wait3A_421 = arith.constant 0 : i32
      %dma_wait3A_422 = tpu.memref_slice %arg21[%dma_wait3A_419, %dma_wait3A_421] : memref<1x80xf32, #tpu.memory_space<vmem>> -> memref<1x80xf32, #tpu.memory_space<vmem>>
      %dma_wait3A_423 = tpu.memref_squeeze %dma_wait3A_422 : memref<1x80xf32, #tpu.memory_space<vmem>> -> memref<80xf32, #tpu.memory_space<vmem>>
      %dma_wait3A_424 = arith.constant 0 : i32
      %dma_wait3A_425 = tpu.memref_slice %arg19[%add3A_355, %dma_wait3A_420, %dma_wait3A_424] : memref<10x1x80xi32, #tpu.memory_space<vmem>> -> memref<1x1x80xi32, #tpu.memory_space<vmem>>
      %dma_wait3A_426 = tpu.memref_squeeze %dma_wait3A_425 : memref<1x1x80xi32, #tpu.memory_space<vmem>> -> memref<80xi32, #tpu.memory_space<vmem>>
      %dma_wait3A_427 = arith.constant 0 : i32
      %dma_wait3A_428 = tpu.memref_slice %arg25[%dma_wait3A_427] : memref<10240xf32, #tpu.memory_space<vmem_shared>> -> memref<10240xf32, #tpu.memory_space<vmem_shared>>
      tpu.wait_indirect_dma semaphore(%arg27 : memref<!tpu.dma_semaphore, #tpu.memory_space<semaphore_mem>>) src(%dma_wait3A_423 : memref<80xf32, #tpu.memory_space<vmem>>) dst(%dma_wait3A_428 : memref<10240xf32, #tpu.memory_space<vmem_shared>>)
      %eq3A_429 = arith.constant 3 : i32
      %eq3A_430 = arith.cmpi eq, %rem3A_350, %eq3A_429 : i32
      %add3A_431 = arith.constant 1 : i32
      %add3A_432 = arith.addi %div3A_348, %add3A_431 : i32
      %lt3A_433 = arith.constant 25 : i32
      %lt3A_434 = arith.cmpi slt, %add3A_432, %lt3A_433 : i32
      %and3A_435 = arith.andi %eq3A_430, %lt3A_434 : i1
      %convert_element_type3A_436 = arith.extui %and3A_435 : i1 to i32
      %cond3A_437 = arith.constant 0 : i32
      %cond3A_438 = arith.cmpi ne, %convert_element_type3A_436, %cond3A_437 : i32
      scf.if %cond3A_438 {
        %sub3A = arith.constant 1 : i32
        %sub3A_446 = arith.subi %sub3A, %rem3A_352 : i32
        %mul3A_447 = arith.constant 5 : i32
        %mul3A_448 = arith.muli %sub3A_446, %mul3A_447 : i32
        %dma_wait3A_449 = arith.constant 0 : i32
        %dma_wait3A_450 = arith.constant 0 : i32
        %dma_wait3A_451 = tpu.memref_slice %arg18[%mul3A_448, %dma_wait3A_449, %dma_wait3A_450] : memref<10x1x80xi32, #tpu.memory_space<vmem>> -> memref<5x1x80xi32, #tpu.memory_space<vmem>>
        %dma_wait3A_452 = arith.constant 0 : i32
        %dma_wait3A_453 = arith.constant 0 : i32
        %dma_wait3A_454 = arith.constant 0 : i32
        %dma_wait3A_455 = tpu.memref_slice %arg6[%dma_wait3A_452, %dma_wait3A_453, %dma_wait3A_454] : memref<4000x1x80xi32, #tpu.memory_space<hbm>> -> memref<5x1x80xi32, #tpu.memory_space<hbm>>
        %dma_wait3A_456 = arith.constant 0 : i32
        %dma_wait3A_457 = arith.constant 0 : i32
        %dma_wait3A_458 = tpu.memref_slice %arg18[%mul3A_448, %dma_wait3A_456, %dma_wait3A_457] : memref<10x1x80xi32, #tpu.memory_space<vmem>> -> memref<5x1x80xi32, #tpu.memory_space<vmem>>
        %dma_wait3A_459 = arith.constant 0 : i32
        %dma_wait3A_460 = arith.constant 0 : i32
        %dma_wait3A_461 = arith.constant 0 : i32
        %dma_wait3A_462 = tpu.memref_slice %arg6[%dma_wait3A_459, %dma_wait3A_460, %dma_wait3A_461] : memref<4000x1x80xi32, #tpu.memory_space<hbm>> -> memref<5x1x80xi32, #tpu.memory_space<hbm>>
        tpu.wait_dma2 semaphore(%arg28 : memref<!tpu.dma_semaphore, #tpu.memory_space<semaphore_mem>>) src(%dma_wait3A_462 : memref<5x1x80xi32, #tpu.memory_space<hbm>>) dst(%dma_wait3A_458 : memref<5x1x80xi32, #tpu.memory_space<vmem>>)
        %mul3A_463 = arith.constant 5 : i32
        %mul3A_464 = arith.muli %sub3A_446, %mul3A_463 : i32
        %dma_wait3A_465 = arith.constant 0 : i32
        %dma_wait3A_466 = arith.constant 0 : i32
        %dma_wait3A_467 = tpu.memref_slice %arg19[%mul3A_464, %dma_wait3A_465, %dma_wait3A_466] : memref<10x1x80xi32, #tpu.memory_space<vmem>> -> memref<5x1x80xi32, #tpu.memory_space<vmem>>
        %dma_wait3A_468 = arith.constant 0 : i32
        %dma_wait3A_469 = arith.constant 0 : i32
        %dma_wait3A_470 = arith.constant 0 : i32
        %dma_wait3A_471 = tpu.memref_slice %arg7[%dma_wait3A_468, %dma_wait3A_469, %dma_wait3A_470] : memref<4000x1x80xi32, #tpu.memory_space<hbm>> -> memref<5x1x80xi32, #tpu.memory_space<hbm>>
        %dma_wait3A_472 = arith.constant 0 : i32
        %dma_wait3A_473 = arith.constant 0 : i32
        %dma_wait3A_474 = tpu.memref_slice %arg19[%mul3A_464, %dma_wait3A_472, %dma_wait3A_473] : memref<10x1x80xi32, #tpu.memory_space<vmem>> -> memref<5x1x80xi32, #tpu.memory_space<vmem>>
        %dma_wait3A_475 = arith.constant 0 : i32
        %dma_wait3A_476 = arith.constant 0 : i32
        %dma_wait3A_477 = arith.constant 0 : i32
        %dma_wait3A_478 = tpu.memref_slice %arg7[%dma_wait3A_475, %dma_wait3A_476, %dma_wait3A_477] : memref<4000x1x80xi32, #tpu.memory_space<hbm>> -> memref<5x1x80xi32, #tpu.memory_space<hbm>>
        tpu.wait_dma2 semaphore(%arg28 : memref<!tpu.dma_semaphore, #tpu.memory_space<semaphore_mem>>) src(%dma_wait3A_478 : memref<5x1x80xi32, #tpu.memory_space<hbm>>) dst(%dma_wait3A_474 : memref<5x1x80xi32, #tpu.memory_space<vmem>>)
        %mul3A_479 = arith.constant 5 : i32
        %mul3A_480 = arith.muli %sub3A_446, %mul3A_479 : i32
        %dma_wait3A_481 = arith.constant 0 : i32
        %dma_wait3A_482 = arith.constant 0 : i32
        %dma_wait3A_483 = tpu.memref_slice %arg20[%mul3A_480, %dma_wait3A_481, %dma_wait3A_482] : memref<10x1x80xf32, #tpu.memory_space<vmem>> -> memref<5x1x80xf32, #tpu.memory_space<vmem>>
        %dma_wait3A_484 = arith.constant 0 : i32
        %dma_wait3A_485 = arith.constant 0 : i32
        %dma_wait3A_486 = arith.constant 0 : i32
        %dma_wait3A_487 = tpu.memref_slice %arg8[%dma_wait3A_484, %dma_wait3A_485, %dma_wait3A_486] : memref<4000x1x80xf32, #tpu.memory_space<hbm>> -> memref<5x1x80xf32, #tpu.memory_space<hbm>>
        %dma_wait3A_488 = arith.constant 0 : i32
        %dma_wait3A_489 = arith.constant 0 : i32
        %dma_wait3A_490 = tpu.memref_slice %arg20[%mul3A_480, %dma_wait3A_488, %dma_wait3A_489] : memref<10x1x80xf32, #tpu.memory_space<vmem>> -> memref<5x1x80xf32, #tpu.memory_space<vmem>>
        %dma_wait3A_491 = arith.constant 0 : i32
        %dma_wait3A_492 = arith.constant 0 : i32
        %dma_wait3A_493 = arith.constant 0 : i32
        %dma_wait3A_494 = tpu.memref_slice %arg8[%dma_wait3A_491, %dma_wait3A_492, %dma_wait3A_493] : memref<4000x1x80xf32, #tpu.memory_space<hbm>> -> memref<5x1x80xf32, #tpu.memory_space<hbm>>
        tpu.wait_dma2 semaphore(%arg28 : memref<!tpu.dma_semaphore, #tpu.memory_space<semaphore_mem>>) src(%dma_wait3A_494 : memref<5x1x80xf32, #tpu.memory_space<hbm>>) dst(%dma_wait3A_490 : memref<5x1x80xf32, #tpu.memory_space<vmem>>)
      } else {
      }
      %add3A_439 = arith.constant 2 : i32
      %add3A_440 = arith.addi %add3A_346, %add3A_439 : i32
      %lt3A_441 = arith.constant 125 : i32
      %lt3A_442 = arith.cmpi slt, %add3A_440, %lt3A_441 : i32
      %convert_element_type3A_443 = arith.extui %lt3A_442 : i1 to i32
      %cond3A_444 = arith.constant 0 : i32
      %cond3A_445 = arith.cmpi ne, %convert_element_type3A_443, %cond3A_444 : i32
      scf.if %cond3A_445 {
        %div3A_446 = arith.constant 5 : i32
        %div3A_447 = arith.divsi %add3A_440, %div3A_446 : i32
        %rem3A_448 = arith.constant 2 : i32
        %rem3A_449 = arith.remsi %div3A_447, %rem3A_448 : i32
        %mul3A_450 = arith.constant 5 : i32
        %mul3A_451 = arith.muli %rem3A_449, %mul3A_450 : i32
        %rem3A_452 = arith.constant 5 : i32
        %rem3A_453 = arith.remsi %add3A_440, %rem3A_452 : i32
        %add3A_454 = arith.addi %mul3A_451, %rem3A_453 : i32
        %dma_start3A_455 = arith.constant 0 : i32
        %dma_start3A_456 = arith.constant 1 : i32
        %dma_start3A_457 = arith.constant 0 : i32
        %dma_start3A_458 = arith.constant 0 : i32
        %dma_start3A_459 = tpu.memref_slice %arg23[%dma_start3A_456, %dma_start3A_457, %dma_start3A_458] : memref<2x80x128xf32, #tpu.memory_space<vmem>> -> memref<1x80x128xf32, #tpu.memory_space<vmem>>
        %dma_start3A_460 = tpu.memref_squeeze %dma_start3A_459 : memref<1x80x128xf32, #tpu.memory_space<vmem>> -> memref<80x128xf32, #tpu.memory_space<vmem>>
        %dma_start3A_461 = arith.constant 0 : i32
        %dma_start3A_462 = tpu.memref_slice %arg18[%add3A_454, %dma_start3A_455, %dma_start3A_461] : memref<10x1x80xi32, #tpu.memory_space<vmem>> -> memref<1x1x80xi32, #tpu.memory_space<vmem>>
        %dma_start3A_463 = tpu.memref_squeeze %dma_start3A_462 : memref<1x1x80xi32, #tpu.memory_space<vmem>> -> memref<80xi32, #tpu.memory_space<vmem>>
        %dma_start3A_464 = arith.constant 0 : i32
        %dma_start3A_465 = arith.constant 0 : i32
        %dma_start3A_466 = tpu.memref_slice %arg2[%dma_start3A_464, %dma_start3A_465] : memref<10240x128xf32, #tpu.memory_space<hbm>> -> memref<10240x128xf32, #tpu.memory_space<hbm>>
        tpu.enqueue_indirect_dma source(%dma_start3A_466 : memref<10240x128xf32, #tpu.memory_space<hbm>>) target(%dma_start3A_460 : memref<80x128xf32, #tpu.memory_space<vmem>>) offsets(%dma_start3A_463 : memref<80xi32, #tpu.memory_space<vmem>>) semaphore(%arg26 : memref<!tpu.dma_semaphore, #tpu.memory_space<semaphore_mem>>)
      } else {
      }
    }
    %scan3A_142 = arith.constant 62 : i32
    %div3A = arith.constant 124 : i32
    %div3A_143 = arith.constant 5 : i32
    %div3A_144 = arith.divsi %div3A, %div3A_143 : i32
    %rem3A = arith.constant 124 : i32
    %rem3A_145 = arith.constant 5 : i32
    %rem3A_146 = arith.remsi %rem3A, %rem3A_145 : i32
    %rem3A_147 = arith.constant 2 : i32
    %rem3A_148 = arith.remsi %div3A_144, %rem3A_147 : i32
    %mul3A_149 = arith.constant 5 : i32
    %mul3A_150 = arith.muli %rem3A_148, %mul3A_149 : i32
    %add3A_151 = arith.addi %mul3A_150, %rem3A_146 : i32
    %eq3A = arith.constant 0 : i32
    %eq3A_152 = arith.cmpi eq, %rem3A_146, %eq3A : i32
    %add3A_153 = arith.constant 1 : i32
    %add3A_154 = arith.addi %div3A_144, %add3A_153 : i32
    %lt3A = arith.constant 25 : i32
    %lt3A_155 = arith.cmpi slt, %add3A_154, %lt3A : i32
    %and3A = arith.andi %eq3A_152, %lt3A_155 : i1
    %convert_element_type3A = arith.extui %and3A : i1 to i32
    %cond3A = arith.constant 0 : i32
    %cond3A_156 = arith.cmpi ne, %convert_element_type3A, %cond3A : i32
    scf.if %cond3A_156 {
      %add3A_241 = arith.constant 1 : i32
      %add3A_242 = arith.addi %div3A_144, %add3A_241 : i32
      %sub3A = arith.constant 1 : i32
      %sub3A_243 = arith.subi %sub3A, %rem3A_148 : i32
      %mul3A_244 = arith.constant 5 : i32
      %mul3A_245 = arith.muli %add3A_242, %mul3A_244 : i32
      %add3A_246 = arith.addi %mul3A_4, %mul3A_245 : i32
      %mul3A_247 = arith.constant 5 : i32
      %mul3A_248 = arith.muli %sub3A_243, %mul3A_247 : i32
      %dma_start3A_249 = arith.constant 0 : i32
      %dma_start3A_250 = arith.constant 0 : i32
      %dma_start3A_251 = tpu.memref_slice %arg18[%mul3A_248, %dma_start3A_249, %dma_start3A_250] : memref<10x1x80xi32, #tpu.memory_space<vmem>> -> memref<5x1x80xi32, #tpu.memory_space<vmem>>
      %dma_start3A_252 = arith.constant 0 : i32
      %dma_start3A_253 = arith.constant 0 : i32
      %dma_start3A_254 = tpu.memref_slice %arg6[%add3A_246, %dma_start3A_252, %dma_start3A_253] : memref<4000x1x80xi32, #tpu.memory_space<hbm>> -> memref<5x1x80xi32, #tpu.memory_space<hbm>>
      %dma_start3A_255 = arith.constant 0 : i32
      %dma_start3A_256 = arith.constant 0 : i32
      %dma_start3A_257 = tpu.memref_slice %arg18[%mul3A_248, %dma_start3A_255, %dma_start3A_256] : memref<10x1x80xi32, #tpu.memory_space<vmem>> -> memref<5x1x80xi32, #tpu.memory_space<vmem>>
      %dma_start3A_258 = arith.constant 0 : i32
      %dma_start3A_259 = arith.constant 0 : i32
      %dma_start3A_260 = tpu.memref_slice %arg6[%add3A_246, %dma_start3A_258, %dma_start3A_259] : memref<4000x1x80xi32, #tpu.memory_space<hbm>> -> memref<5x1x80xi32, #tpu.memory_space<hbm>>
      tpu.enqueue_dma source(%dma_start3A_260 : memref<5x1x80xi32, #tpu.memory_space<hbm>>) target(%dma_start3A_257 : memref<5x1x80xi32, #tpu.memory_space<vmem>>) target_semaphore(%arg28 : memref<!tpu.dma_semaphore, #tpu.memory_space<semaphore_mem>>)
      %mul3A_261 = arith.constant 5 : i32
      %mul3A_262 = arith.muli %sub3A_243, %mul3A_261 : i32
      %dma_start3A_263 = arith.constant 0 : i32
      %dma_start3A_264 = arith.constant 0 : i32
      %dma_start3A_265 = tpu.memref_slice %arg19[%mul3A_262, %dma_start3A_263, %dma_start3A_264] : memref<10x1x80xi32, #tpu.memory_space<vmem>> -> memref<5x1x80xi32, #tpu.memory_space<vmem>>
      %dma_start3A_266 = arith.constant 0 : i32
      %dma_start3A_267 = arith.constant 0 : i32
      %dma_start3A_268 = tpu.memref_slice %arg7[%add3A_246, %dma_start3A_266, %dma_start3A_267] : memref<4000x1x80xi32, #tpu.memory_space<hbm>> -> memref<5x1x80xi32, #tpu.memory_space<hbm>>
      %dma_start3A_269 = arith.constant 0 : i32
      %dma_start3A_270 = arith.constant 0 : i32
      %dma_start3A_271 = tpu.memref_slice %arg19[%mul3A_262, %dma_start3A_269, %dma_start3A_270] : memref<10x1x80xi32, #tpu.memory_space<vmem>> -> memref<5x1x80xi32, #tpu.memory_space<vmem>>
      %dma_start3A_272 = arith.constant 0 : i32
      %dma_start3A_273 = arith.constant 0 : i32
      %dma_start3A_274 = tpu.memref_slice %arg7[%add3A_246, %dma_start3A_272, %dma_start3A_273] : memref<4000x1x80xi32, #tpu.memory_space<hbm>> -> memref<5x1x80xi32, #tpu.memory_space<hbm>>
      tpu.enqueue_dma source(%dma_start3A_274 : memref<5x1x80xi32, #tpu.memory_space<hbm>>) target(%dma_start3A_271 : memref<5x1x80xi32, #tpu.memory_space<vmem>>) target_semaphore(%arg28 : memref<!tpu.dma_semaphore, #tpu.memory_space<semaphore_mem>>)
      %mul3A_275 = arith.constant 5 : i32
      %mul3A_276 = arith.muli %sub3A_243, %mul3A_275 : i32
      %dma_start3A_277 = arith.constant 0 : i32
      %dma_start3A_278 = arith.constant 0 : i32
      %dma_start3A_279 = tpu.memref_slice %arg20[%mul3A_276, %dma_start3A_277, %dma_start3A_278] : memref<10x1x80xf32, #tpu.memory_space<vmem>> -> memref<5x1x80xf32, #tpu.memory_space<vmem>>
      %dma_start3A_280 = arith.constant 0 : i32
      %dma_start3A_281 = arith.constant 0 : i32
      %dma_start3A_282 = tpu.memref_slice %arg8[%add3A_246, %dma_start3A_280, %dma_start3A_281] : memref<4000x1x80xf32, #tpu.memory_space<hbm>> -> memref<5x1x80xf32, #tpu.memory_space<hbm>>
      %dma_start3A_283 = arith.constant 0 : i32
      %dma_start3A_284 = arith.constant 0 : i32
      %dma_start3A_285 = tpu.memref_slice %arg20[%mul3A_276, %dma_start3A_283, %dma_start3A_284] : memref<10x1x80xf32, #tpu.memory_space<vmem>> -> memref<5x1x80xf32, #tpu.memory_space<vmem>>
      %dma_start3A_286 = arith.constant 0 : i32
      %dma_start3A_287 = arith.constant 0 : i32
      %dma_start3A_288 = tpu.memref_slice %arg8[%add3A_246, %dma_start3A_286, %dma_start3A_287] : memref<4000x1x80xf32, #tpu.memory_space<hbm>> -> memref<5x1x80xf32, #tpu.memory_space<hbm>>
      tpu.enqueue_dma source(%dma_start3A_288 : memref<5x1x80xf32, #tpu.memory_space<hbm>>) target(%dma_start3A_285 : memref<5x1x80xf32, #tpu.memory_space<vmem>>) target_semaphore(%arg28 : memref<!tpu.dma_semaphore, #tpu.memory_space<semaphore_mem>>)
    } else {
    }
    %dma_wait3A_157 = arith.constant 0 : i32
    %dma_wait3A_158 = arith.constant 0 : i32
    %dma_wait3A_159 = arith.constant 0 : i32
    %dma_wait3A_160 = arith.constant 0 : i32
    %dma_wait3A_161 = arith.constant 0 : i32
    %dma_wait3A_162 = tpu.memref_slice %arg23[%dma_wait3A_159, %dma_wait3A_160, %dma_wait3A_161] : memref<2x80x128xf32, #tpu.memory_space<vmem>> -> memref<1x80x128xf32, #tpu.memory_space<vmem>>
    %dma_wait3A_163 = tpu.memref_squeeze %dma_wait3A_162 : memref<1x80x128xf32, #tpu.memory_space<vmem>> -> memref<80x128xf32, #tpu.memory_space<vmem>>
    %dma_wait3A_164 = arith.constant 0 : i32
    %dma_wait3A_165 = tpu.memref_slice %arg18[%dma_wait3A_157, %dma_wait3A_158, %dma_wait3A_164] : memref<10x1x80xi32, #tpu.memory_space<vmem>> -> memref<1x1x80xi32, #tpu.memory_space<vmem>>
    %dma_wait3A_166 = tpu.memref_squeeze %dma_wait3A_165 : memref<1x1x80xi32, #tpu.memory_space<vmem>> -> memref<80xi32, #tpu.memory_space<vmem>>
    %dma_wait3A_167 = arith.constant 0 : i32
    %dma_wait3A_168 = arith.constant 0 : i32
    %dma_wait3A_169 = tpu.memref_slice %arg2[%dma_wait3A_167, %dma_wait3A_168] : memref<10240x128xf32, #tpu.memory_space<hbm>> -> memref<10240x128xf32, #tpu.memory_space<hbm>>
    tpu.wait_indirect_dma semaphore(%arg26 : memref<!tpu.dma_semaphore, #tpu.memory_space<semaphore_mem>>) src(%dma_wait3A_169 : memref<10240x128xf32, #tpu.memory_space<hbm>>) dst(%dma_wait3A_163 : memref<80x128xf32, #tpu.memory_space<vmem>>)
    %scan3A_170 = arith.constant 0 : i32
    %scan3A_171 = arith.constant 0 : i32
    %scan3A_172 = arith.constant 5 : i32
    %scan3A_173 = arith.addi %scan3A_171, %scan3A_172 : i32
    %scan3A_174 = arith.constant 1 : i32
    scf.for %scan3A_241 = %scan3A_171 to %scan3A_173 step %scan3A_174  : i32 {
      %mul3A_242 = arith.constant 16 : i32
      %mul3A_243 = arith.muli %scan3A_241, %mul3A_242 : i32
      %get3A_244 = arith.constant 0 : i32
      %get3A_245 = arith.index_cast %add3A_151 : i32 to index
      %get3A_246 = arith.index_cast %get3A_244 : i32 to index
      %get3A_247 = arith.index_cast %mul3A_243 : i32 to index
      %get3A_248 = tpu.vector_load %arg18[%get3A_245, %get3A_246, %get3A_247] {strides = array<i32>} : memref<10x1x80xi32, #tpu.memory_space<vmem>>, vector<16xi32>,
      %get3A_249 = arith.constant 0 : i32
      %get3A_250 = arith.index_cast %add3A_151 : i32 to index
      %get3A_251 = arith.index_cast %get3A_249 : i32 to index
      %get3A_252 = arith.index_cast %mul3A_243 : i32 to index
      %get3A_253 = tpu.vector_load %arg19[%get3A_250, %get3A_251, %get3A_252] {strides = array<i32>} : memref<10x1x80xi32, #tpu.memory_space<vmem>>, vector<16xi32>,
      %gather3A = tpu.vector_load_idx %arg15[%get3A_248] : memref<10240xf32, #tpu.memory_space<vmem>>[vector<16xi32>], vector<16xf32>,
      %gather3A_254 = tpu.vector_load_idx %arg16[%get3A_253] : memref<10240xf32, #tpu.memory_space<vmem>>[vector<16xi32>], vector<16xf32>,
      %add3A_255 = arith.addf %gather3A, %gather3A_254 : vector<16xf32>
      %gt3A_256 = arith.constant 0.000000e+00 : f32
      %gt3A_257 = vector.broadcast %gt3A_256 : f32 to vector<16xf32>
      %gt3A_258 = arith.cmpf ogt, %add3A_255, %gt3A_257 : vector<16xf32>
      %mul3A_259 = arith.constant 2.000000e-01 : f32
      %mul3A_260 = vector.broadcast %mul3A_259 : f32 to vector<16xf32>
      %mul3A_261 = arith.mulf %mul3A_260, %add3A_255 : vector<16xf32>
      %select_n3A_262 = arith.select %gt3A_258, %add3A_255, %mul3A_261 : vector<16xi1>, vector<16xf32>
      %sub3A = vector.broadcast %select_n3A : f32 to vector<16xf32>
      %sub3A_263 = arith.subf %select_n3A_262, %sub3A : vector<16xf32>
      %exp3A = math.exp %sub3A_263 : vector<16xf32>
      %swap3A = arith.constant 0 : i32
      %swap3A_264 = arith.index_cast %swap3A : i32 to index
      %swap3A_265 = arith.index_cast %mul3A_243 : i32 to index
      %swap3A_266 = tpu.vector_load %arg21[%swap3A_264, %swap3A_265] {strides = array<i32>} : memref<1x80xf32, #tpu.memory_space<vmem>>, vector<16xf32>,
      tpu.vector_store %arg21[%swap3A_264, %swap3A_265], %exp3A {strides = array<i32>} : memref<1x80xf32, #tpu.memory_space<vmem>>, vector<16xf32>,
      %get3A_267 = arith.constant 0 : i32
      %get3A_268 = arith.index_cast %add3A_151 : i32 to index
      %get3A_269 = arith.index_cast %get3A_267 : i32 to index
      %get3A_270 = arith.index_cast %mul3A_243 : i32 to index
      %get3A_271 = tpu.vector_load %arg20[%get3A_268, %get3A_269, %get3A_270] {strides = array<i32>} : memref<10x1x80xf32, #tpu.memory_space<vmem>>, vector<16xf32>,
      %mul3A_272 = arith.mulf %exp3A, %get3A_271 : vector<16xf32>
      %scan3A_273 = arith.constant 0 : i32
      %scan3A_274 = arith.constant 0 : i32
      %scan3A_275 = arith.constant 8 : i32
      %scan3A_276 = arith.addi %scan3A_274, %scan3A_275 : i32
      %scan3A_277 = arith.constant 1 : i32
      scf.for %scan3A_279 = %scan3A_274 to %scan3A_276 step %scan3A_277  : i32 {
        %mul3A_280 = arith.constant 2 : i32
        %mul3A_281 = arith.muli %mul3A_280, %scan3A_279 : i32
        %broadcast_in_dim3A = arith.constant 0 : i32
        %broadcast_in_dim3A_282 = vector.broadcast %broadcast_in_dim3A : i32 to vector<16x1xi32>
        %add3A_283 = vector.broadcast %mul3A_281 : i32 to vector<16x1xi32>
        %add3A_284 = arith.addi %broadcast_in_dim3A_282, %add3A_283 : vector<16x1xi32>
        %gather3A_285 = vector.shape_cast %add3A_284 : vector<16x1xi32> to vector<16xi32>
        %gather3A_286 = tpu.dynamic_gather %mul3A_272[%gather3A_285] in [0] : vector<16xf32>, vector<16xi32> -> vector<16xf32>
        %add3A_287 = arith.constant 1 : i32
        %add3A_288 = arith.addi %mul3A_281, %add3A_287 : i32
        %broadcast_in_dim3A_289 = arith.constant 0 : i32
        %broadcast_in_dim3A_290 = vector.broadcast %broadcast_in_dim3A_289 : i32 to vector<16x1xi32>
        %add3A_291 = vector.broadcast %add3A_288 : i32 to vector<16x1xi32>
        %add3A_292 = arith.addi %broadcast_in_dim3A_290, %add3A_291 : vector<16x1xi32>
        %gather3A_293 = vector.shape_cast %add3A_292 : vector<16x1xi32> to vector<16xi32>
        %gather3A_294 = tpu.dynamic_gather %mul3A_272[%gather3A_293] in [0] : vector<16xf32>, vector<16xi32> -> vector<16xf32>
        %mul3A_295 = arith.constant 16 : i32
        %mul3A_296 = arith.muli %scan3A_241, %mul3A_295 : i32
        %add3A_297 = arith.addi %mul3A_296, %mul3A_281 : i32
        %get3A_298 = arith.constant 0 : i32
        %get3A_299 = arith.index_cast %get3A_298 : i32 to index
        %get3A_300 = arith.index_cast %add3A_297 : i32 to index
        %get3A_301 = arith.constant 0 : index
        %get3A_302 = tpu.vector_load %arg23[%get3A_299, %get3A_300, %get3A_301] {strides = array<i32>} : memref<2x80x128xf32, #tpu.memory_space<vmem>>, vector<16xf32>,
        %mul3A_303 = arith.mulf %get3A_302, %gather3A_286 : vector<16xf32>
        %swap3A_304 = arith.constant 0 : i32
        %swap3A_305 = arith.index_cast %swap3A_304 : i32 to index
        %swap3A_306 = arith.index_cast %add3A_297 : i32 to index
        %swap3A_307 = arith.constant 0 : index
        %swap3A_308 = tpu.vector_load %arg23[%swap3A_305, %swap3A_306, %swap3A_307] {strides = array<i32>} : memref<2x80x128xf32, #tpu.memory_space<vmem>>, vector<16xf32>,
        tpu.vector_store %arg23[%swap3A_305, %swap3A_306, %swap3A_307], %mul3A_303 {strides = array<i32>} : memref<2x80x128xf32, #tpu.memory_space<vmem>>, vector<16xf32>,
        %add3A_309 = arith.constant 1 : i32
        %add3A_310 = arith.addi %add3A_297, %add3A_309 : i32
        %get3A_311 = arith.constant 0 : i32
        %get3A_312 = arith.index_cast %get3A_311 : i32 to index
        %get3A_313 = arith.index_cast %add3A_310 : i32 to index
        %get3A_314 = arith.constant 0 : index
        %get3A_315 = tpu.vector_load %arg23[%get3A_312, %get3A_313, %get3A_314] {strides = array<i32>} : memref<2x80x128xf32, #tpu.memory_space<vmem>>, vector<16xf32>,
        %mul3A_316 = arith.mulf %get3A_315, %gather3A_294 : vector<16xf32>
        %add3A_317 = arith.constant 1 : i32
        %add3A_318 = arith.addi %add3A_297, %add3A_317 : i32
        %swap3A_319 = arith.constant 0 : i32
        %swap3A_320 = arith.index_cast %swap3A_319 : i32 to index
        %swap3A_321 = arith.index_cast %add3A_318 : i32 to index
        %swap3A_322 = arith.constant 0 : index
        %swap3A_323 = tpu.vector_load %arg23[%swap3A_320, %swap3A_321, %swap3A_322] {strides = array<i32>} : memref<2x80x128xf32, #tpu.memory_space<vmem>>, vector<16xf32>,
        tpu.vector_store %arg23[%swap3A_320, %swap3A_321, %swap3A_322], %mul3A_316 {strides = array<i32>} : memref<2x80x128xf32, #tpu.memory_space<vmem>>, vector<16xf32>,
        %get3A_324 = arith.constant 0 : i32
        %get3A_325 = arith.index_cast %get3A_324 : i32 to index
        %get3A_326 = arith.index_cast %add3A_297 : i32 to index
        %get3A_327 = arith.constant 16 : index
        %get3A_328 = tpu.vector_load %arg23[%get3A_325, %get3A_326, %get3A_327] {strides = array<i32>} : memref<2x80x128xf32, #tpu.memory_space<vmem>>, vector<16xf32>,
        %mul3A_329 = arith.mulf %get3A_328, %gather3A_286 : vector<16xf32>
        %swap3A_330 = arith.constant 0 : i32
        %swap3A_331 = arith.index_cast %swap3A_330 : i32 to index
        %swap3A_332 = arith.index_cast %add3A_297 : i32 to index
        %swap3A_333 = arith.constant 16 : index
        %swap3A_334 = tpu.vector_load %arg23[%swap3A_331, %swap3A_332, %swap3A_333] {strides = array<i32>} : memref<2x80x128xf32, #tpu.memory_space<vmem>>, vector<16xf32>,
        tpu.vector_store %arg23[%swap3A_331, %swap3A_332, %swap3A_333], %mul3A_329 {strides = array<i32>} : memref<2x80x128xf32, #tpu.memory_space<vmem>>, vector<16xf32>,
        %add3A_335 = arith.constant 1 : i32
        %add3A_336 = arith.addi %add3A_297, %add3A_335 : i32
        %get3A_337 = arith.constant 0 : i32
        %get3A_338 = arith.index_cast %get3A_337 : i32 to index
        %get3A_339 = arith.index_cast %add3A_336 : i32 to index
        %get3A_340 = arith.constant 16 : index
        %get3A_341 = tpu.vector_load %arg23[%get3A_338, %get3A_339, %get3A_340] {strides = array<i32>} : memref<2x80x128xf32, #tpu.memory_space<vmem>>, vector<16xf32>,
        %mul3A_342 = arith.mulf %get3A_341, %gather3A_294 : vector<16xf32>
        %add3A_343 = arith.constant 1 : i32
        %add3A_344 = arith.addi %add3A_297, %add3A_343 : i32
        %swap3A_345 = arith.constant 0 : i32
        %swap3A_346 = arith.index_cast %swap3A_345 : i32 to index
        %swap3A_347 = arith.index_cast %add3A_344 : i32 to index
        %swap3A_348 = arith.constant 16 : index
        %swap3A_349 = tpu.vector_load %arg23[%swap3A_346, %swap3A_347, %swap3A_348] {strides = array<i32>} : memref<2x80x128xf32, #tpu.memory_space<vmem>>, vector<16xf32>,
        tpu.vector_store %arg23[%swap3A_346, %swap3A_347, %swap3A_348], %mul3A_342 {strides = array<i32>} : memref<2x80x128xf32, #tpu.memory_space<vmem>>, vector<16xf32>,
        %get3A_350 = arith.constant 0 : i32
        %get3A_351 = arith.index_cast %get3A_350 : i32 to index
        %get3A_352 = arith.index_cast %add3A_297 : i32 to index
        %get3A_353 = arith.constant 32 : index
        %get3A_354 = tpu.vector_load %arg23[%get3A_351, %get3A_352, %get3A_353] {strides = array<i32>} : memref<2x80x128xf32, #tpu.memory_space<vmem>>, vector<16xf32>,
        %mul3A_355 = arith.mulf %get3A_354, %gather3A_286 : vector<16xf32>
        %swap3A_356 = arith.constant 0 : i32
        %swap3A_357 = arith.index_cast %swap3A_356 : i32 to index
        %swap3A_358 = arith.index_cast %add3A_297 : i32 to index
        %swap3A_359 = arith.constant 32 : index
        %swap3A_360 = tpu.vector_load %arg23[%swap3A_357, %swap3A_358, %swap3A_359] {strides = array<i32>} : memref<2x80x128xf32, #tpu.memory_space<vmem>>, vector<16xf32>,
        tpu.vector_store %arg23[%swap3A_357, %swap3A_358, %swap3A_359], %mul3A_355 {strides = array<i32>} : memref<2x80x128xf32, #tpu.memory_space<vmem>>, vector<16xf32>,
        %add3A_361 = arith.constant 1 : i32
        %add3A_362 = arith.addi %add3A_297, %add3A_361 : i32
        %get3A_363 = arith.constant 0 : i32
        %get3A_364 = arith.index_cast %get3A_363 : i32 to index
        %get3A_365 = arith.index_cast %add3A_362 : i32 to index
        %get3A_366 = arith.constant 32 : index
        %get3A_367 = tpu.vector_load %arg23[%get3A_364, %get3A_365, %get3A_366] {strides = array<i32>} : memref<2x80x128xf32, #tpu.memory_space<vmem>>, vector<16xf32>,
        %mul3A_368 = arith.mulf %get3A_367, %gather3A_294 : vector<16xf32>
        %add3A_369 = arith.constant 1 : i32
        %add3A_370 = arith.addi %add3A_297, %add3A_369 : i32
        %swap3A_371 = arith.constant 0 : i32
        %swap3A_372 = arith.index_cast %swap3A_371 : i32 to index
        %swap3A_373 = arith.index_cast %add3A_370 : i32 to index
        %swap3A_374 = arith.constant 32 : index
        %swap3A_375 = tpu.vector_load %arg23[%swap3A_372, %swap3A_373, %swap3A_374] {strides = array<i32>} : memref<2x80x128xf32, #tpu.memory_space<vmem>>, vector<16xf32>,
        tpu.vector_store %arg23[%swap3A_372, %swap3A_373, %swap3A_374], %mul3A_368 {strides = array<i32>} : memref<2x80x128xf32, #tpu.memory_space<vmem>>, vector<16xf32>,
        %get3A_376 = arith.constant 0 : i32
        %get3A_377 = arith.index_cast %get3A_376 : i32 to index
        %get3A_378 = arith.index_cast %add3A_297 : i32 to index
        %get3A_379 = arith.constant 48 : index
        %get3A_380 = tpu.vector_load %arg23[%get3A_377, %get3A_378, %get3A_379] {strides = array<i32>} : memref<2x80x128xf32, #tpu.memory_space<vmem>>, vector<16xf32>,
        %mul3A_381 = arith.mulf %get3A_380, %gather3A_286 : vector<16xf32>
        %swap3A_382 = arith.constant 0 : i32
        %swap3A_383 = arith.index_cast %swap3A_382 : i32 to index
        %swap3A_384 = arith.index_cast %add3A_297 : i32 to index
        %swap3A_385 = arith.constant 48 : index
        %swap3A_386 = tpu.vector_load %arg23[%swap3A_383, %swap3A_384, %swap3A_385] {strides = array<i32>} : memref<2x80x128xf32, #tpu.memory_space<vmem>>, vector<16xf32>,
        tpu.vector_store %arg23[%swap3A_383, %swap3A_384, %swap3A_385], %mul3A_381 {strides = array<i32>} : memref<2x80x128xf32, #tpu.memory_space<vmem>>, vector<16xf32>,
        %add3A_387 = arith.constant 1 : i32
        %add3A_388 = arith.addi %add3A_297, %add3A_387 : i32
        %get3A_389 = arith.constant 0 : i32
        %get3A_390 = arith.index_cast %get3A_389 : i32 to index
        %get3A_391 = arith.index_cast %add3A_388 : i32 to index
        %get3A_392 = arith.constant 48 : index
        %get3A_393 = tpu.vector_load %arg23[%get3A_390, %get3A_391, %get3A_392] {strides = array<i32>} : memref<2x80x128xf32, #tpu.memory_space<vmem>>, vector<16xf32>,
        %mul3A_394 = arith.mulf %get3A_393, %gather3A_294 : vector<16xf32>
        %add3A_395 = arith.constant 1 : i32
        %add3A_396 = arith.addi %add3A_297, %add3A_395 : i32
        %swap3A_397 = arith.constant 0 : i32
        %swap3A_398 = arith.index_cast %swap3A_397 : i32 to index
        %swap3A_399 = arith.index_cast %add3A_396 : i32 to index
        %swap3A_400 = arith.constant 48 : index
        %swap3A_401 = tpu.vector_load %arg23[%swap3A_398, %swap3A_399, %swap3A_400] {strides = array<i32>} : memref<2x80x128xf32, #tpu.memory_space<vmem>>, vector<16xf32>,
        tpu.vector_store %arg23[%swap3A_398, %swap3A_399, %swap3A_400], %mul3A_394 {strides = array<i32>} : memref<2x80x128xf32, #tpu.memory_space<vmem>>, vector<16xf32>,
        %get3A_402 = arith.constant 0 : i32
        %get3A_403 = arith.index_cast %get3A_402 : i32 to index
        %get3A_404 = arith.index_cast %add3A_297 : i32 to index
        %get3A_405 = arith.constant 64 : index
        %get3A_406 = tpu.vector_load %arg23[%get3A_403, %get3A_404, %get3A_405] {strides = array<i32>} : memref<2x80x128xf32, #tpu.memory_space<vmem>>, vector<16xf32>,
        %mul3A_407 = arith.mulf %get3A_406, %gather3A_286 : vector<16xf32>
        %swap3A_408 = arith.constant 0 : i32
        %swap3A_409 = arith.index_cast %swap3A_408 : i32 to index
        %swap3A_410 = arith.index_cast %add3A_297 : i32 to index
        %swap3A_411 = arith.constant 64 : index
        %swap3A_412 = tpu.vector_load %arg23[%swap3A_409, %swap3A_410, %swap3A_411] {strides = array<i32>} : memref<2x80x128xf32, #tpu.memory_space<vmem>>, vector<16xf32>,
        tpu.vector_store %arg23[%swap3A_409, %swap3A_410, %swap3A_411], %mul3A_407 {strides = array<i32>} : memref<2x80x128xf32, #tpu.memory_space<vmem>>, vector<16xf32>,
        %add3A_413 = arith.constant 1 : i32
        %add3A_414 = arith.addi %add3A_297, %add3A_413 : i32
        %get3A_415 = arith.constant 0 : i32
        %get3A_416 = arith.index_cast %get3A_415 : i32 to index
        %get3A_417 = arith.index_cast %add3A_414 : i32 to index
        %get3A_418 = arith.constant 64 : index
        %get3A_419 = tpu.vector_load %arg23[%get3A_416, %get3A_417, %get3A_418] {strides = array<i32>} : memref<2x80x128xf32, #tpu.memory_space<vmem>>, vector<16xf32>,
        %mul3A_420 = arith.mulf %get3A_419, %gather3A_294 : vector<16xf32>
        %add3A_421 = arith.constant 1 : i32
        %add3A_422 = arith.addi %add3A_297, %add3A_421 : i32
        %swap3A_423 = arith.constant 0 : i32
        %swap3A_424 = arith.index_cast %swap3A_423 : i32 to index
        %swap3A_425 = arith.index_cast %add3A_422 : i32 to index
        %swap3A_426 = arith.constant 64 : index
        %swap3A_427 = tpu.vector_load %arg23[%swap3A_424, %swap3A_425, %swap3A_426] {strides = array<i32>} : memref<2x80x128xf32, #tpu.memory_space<vmem>>, vector<16xf32>,
        tpu.vector_store %arg23[%swap3A_424, %swap3A_425, %swap3A_426], %mul3A_420 {strides = array<i32>} : memref<2x80x128xf32, #tpu.memory_space<vmem>>, vector<16xf32>,
        %get3A_428 = arith.constant 0 : i32
        %get3A_429 = arith.index_cast %get3A_428 : i32 to index
        %get3A_430 = arith.index_cast %add3A_297 : i32 to index
        %get3A_431 = arith.constant 80 : index
        %get3A_432 = tpu.vector_load %arg23[%get3A_429, %get3A_430, %get3A_431] {strides = array<i32>} : memref<2x80x128xf32, #tpu.memory_space<vmem>>, vector<16xf32>,
        %mul3A_433 = arith.mulf %get3A_432, %gather3A_286 : vector<16xf32>
        %swap3A_434 = arith.constant 0 : i32
        %swap3A_435 = arith.index_cast %swap3A_434 : i32 to index
        %swap3A_436 = arith.index_cast %add3A_297 : i32 to index
        %swap3A_437 = arith.constant 80 : index
        %swap3A_438 = tpu.vector_load %arg23[%swap3A_435, %swap3A_436, %swap3A_437] {strides = array<i32>} : memref<2x80x128xf32, #tpu.memory_space<vmem>>, vector<16xf32>,
        tpu.vector_store %arg23[%swap3A_435, %swap3A_436, %swap3A_437], %mul3A_433 {strides = array<i32>} : memref<2x80x128xf32, #tpu.memory_space<vmem>>, vector<16xf32>,
        %add3A_439 = arith.constant 1 : i32
        %add3A_440 = arith.addi %add3A_297, %add3A_439 : i32
        %get3A_441 = arith.constant 0 : i32
        %get3A_442 = arith.index_cast %get3A_441 : i32 to index
        %get3A_443 = arith.index_cast %add3A_440 : i32 to index
        %get3A_444 = arith.constant 80 : index
        %get3A_445 = tpu.vector_load %arg23[%get3A_442, %get3A_443, %get3A_444] {strides = array<i32>} : memref<2x80x128xf32, #tpu.memory_space<vmem>>, vector<16xf32>,
        %mul3A_446 = arith.mulf %get3A_445, %gather3A_294 : vector<16xf32>
        %add3A_447 = arith.constant 1 : i32
        %add3A_448 = arith.addi %add3A_297, %add3A_447 : i32
        %swap3A_449 = arith.constant 0 : i32
        %swap3A_450 = arith.index_cast %swap3A_449 : i32 to index
        %swap3A_451 = arith.index_cast %add3A_448 : i32 to index
        %swap3A_452 = arith.constant 80 : index
        %swap3A_453 = tpu.vector_load %arg23[%swap3A_450, %swap3A_451, %swap3A_452] {strides = array<i32>} : memref<2x80x128xf32, #tpu.memory_space<vmem>>, vector<16xf32>,
        tpu.vector_store %arg23[%swap3A_450, %swap3A_451, %swap3A_452], %mul3A_446 {strides = array<i32>} : memref<2x80x128xf32, #tpu.memory_space<vmem>>, vector<16xf32>,
        %get3A_454 = arith.constant 0 : i32
        %get3A_455 = arith.index_cast %get3A_454 : i32 to index
        %get3A_456 = arith.index_cast %add3A_297 : i32 to index
        %get3A_457 = arith.constant 96 : index
        %get3A_458 = tpu.vector_load %arg23[%get3A_455, %get3A_456, %get3A_457] {strides = array<i32>} : memref<2x80x128xf32, #tpu.memory_space<vmem>>, vector<16xf32>,
        %mul3A_459 = arith.mulf %get3A_458, %gather3A_286 : vector<16xf32>
        %swap3A_460 = arith.constant 0 : i32
        %swap3A_461 = arith.index_cast %swap3A_460 : i32 to index
        %swap3A_462 = arith.index_cast %add3A_297 : i32 to index
        %swap3A_463 = arith.constant 96 : index
        %swap3A_464 = tpu.vector_load %arg23[%swap3A_461, %swap3A_462, %swap3A_463] {strides = array<i32>} : memref<2x80x128xf32, #tpu.memory_space<vmem>>, vector<16xf32>,
        tpu.vector_store %arg23[%swap3A_461, %swap3A_462, %swap3A_463], %mul3A_459 {strides = array<i32>} : memref<2x80x128xf32, #tpu.memory_space<vmem>>, vector<16xf32>,
        %add3A_465 = arith.constant 1 : i32
        %add3A_466 = arith.addi %add3A_297, %add3A_465 : i32
        %get3A_467 = arith.constant 0 : i32
        %get3A_468 = arith.index_cast %get3A_467 : i32 to index
        %get3A_469 = arith.index_cast %add3A_466 : i32 to index
        %get3A_470 = arith.constant 96 : index
        %get3A_471 = tpu.vector_load %arg23[%get3A_468, %get3A_469, %get3A_470] {strides = array<i32>} : memref<2x80x128xf32, #tpu.memory_space<vmem>>, vector<16xf32>,
        %mul3A_472 = arith.mulf %get3A_471, %gather3A_294 : vector<16xf32>
        %add3A_473 = arith.constant 1 : i32
        %add3A_474 = arith.addi %add3A_297, %add3A_473 : i32
        %swap3A_475 = arith.constant 0 : i32
        %swap3A_476 = arith.index_cast %swap3A_475 : i32 to index
        %swap3A_477 = arith.index_cast %add3A_474 : i32 to index
        %swap3A_478 = arith.constant 96 : index
        %swap3A_479 = tpu.vector_load %arg23[%swap3A_476, %swap3A_477, %swap3A_478] {strides = array<i32>} : memref<2x80x128xf32, #tpu.memory_space<vmem>>, vector<16xf32>,
        tpu.vector_store %arg23[%swap3A_476, %swap3A_477, %swap3A_478], %mul3A_472 {strides = array<i32>} : memref<2x80x128xf32, #tpu.memory_space<vmem>>, vector<16xf32>,
        %get3A_480 = arith.constant 0 : i32
        %get3A_481 = arith.index_cast %get3A_480 : i32 to index
        %get3A_482 = arith.index_cast %add3A_297 : i32 to index
        %get3A_483 = arith.constant 112 : index
        %get3A_484 = tpu.vector_load %arg23[%get3A_481, %get3A_482, %get3A_483] {strides = array<i32>} : memref<2x80x128xf32, #tpu.memory_space<vmem>>, vector<16xf32>,
        %mul3A_485 = arith.mulf %get3A_484, %gather3A_286 : vector<16xf32>
        %swap3A_486 = arith.constant 0 : i32
        %swap3A_487 = arith.index_cast %swap3A_486 : i32 to index
        %swap3A_488 = arith.index_cast %add3A_297 : i32 to index
        %swap3A_489 = arith.constant 112 : index
        %swap3A_490 = tpu.vector_load %arg23[%swap3A_487, %swap3A_488, %swap3A_489] {strides = array<i32>} : memref<2x80x128xf32, #tpu.memory_space<vmem>>, vector<16xf32>,
        tpu.vector_store %arg23[%swap3A_487, %swap3A_488, %swap3A_489], %mul3A_485 {strides = array<i32>} : memref<2x80x128xf32, #tpu.memory_space<vmem>>, vector<16xf32>,
        %add3A_491 = arith.constant 1 : i32
        %add3A_492 = arith.addi %add3A_297, %add3A_491 : i32
        %get3A_493 = arith.constant 0 : i32
        %get3A_494 = arith.index_cast %get3A_493 : i32 to index
        %get3A_495 = arith.index_cast %add3A_492 : i32 to index
        %get3A_496 = arith.constant 112 : index
        %get3A_497 = tpu.vector_load %arg23[%get3A_494, %get3A_495, %get3A_496] {strides = array<i32>} : memref<2x80x128xf32, #tpu.memory_space<vmem>>, vector<16xf32>,
        %mul3A_498 = arith.mulf %get3A_497, %gather3A_294 : vector<16xf32>
        %add3A_499 = arith.constant 1 : i32
        %add3A_500 = arith.addi %add3A_297, %add3A_499 : i32
        %swap3A_501 = arith.constant 0 : i32
        %swap3A_502 = arith.index_cast %swap3A_501 : i32 to index
        %swap3A_503 = arith.index_cast %add3A_500 : i32 to index
        %swap3A_504 = arith.constant 112 : index
        %swap3A_505 = tpu.vector_load %arg23[%swap3A_502, %swap3A_503, %swap3A_504] {strides = array<i32>} : memref<2x80x128xf32, #tpu.memory_space<vmem>>, vector<16xf32>,
        tpu.vector_store %arg23[%swap3A_502, %swap3A_503, %swap3A_504], %mul3A_498 {strides = array<i32>} : memref<2x80x128xf32, #tpu.memory_space<vmem>>, vector<16xf32>,
      }
      %scan3A_278 = arith.constant 8 : i32
    }
    %scan3A_175 = arith.constant 5 : i32
    %dma_start3A_176 = arith.constant 0 : i32
    %dma_start3A_177 = arith.constant 0 : i32
    %dma_start3A_178 = arith.constant 0 : i32
    %dma_start3A_179 = arith.constant 0 : i32
    %dma_start3A_180 = tpu.memref_slice %arg23[%dma_start3A_176, %dma_start3A_178, %dma_start3A_179] : memref<2x80x128xf32, #tpu.memory_space<vmem>> -> memref<1x80x128xf32, #tpu.memory_space<vmem>>
    %dma_start3A_181 = tpu.memref_squeeze %dma_start3A_180 : memref<1x80x128xf32, #tpu.memory_space<vmem>> -> memref<80x128xf32, #tpu.memory_space<vmem>>
    %dma_start3A_182 = arith.constant 0 : i32
    %dma_start3A_183 = tpu.memref_slice %arg19[%add3A_151, %dma_start3A_177, %dma_start3A_182] : memref<10x1x80xi32, #tpu.memory_space<vmem>> -> memref<1x1x80xi32, #tpu.memory_space<vmem>>
    %dma_start3A_184 = tpu.memref_squeeze %dma_start3A_183 : memref<1x1x80xi32, #tpu.memory_space<vmem>> -> memref<80xi32, #tpu.memory_space<vmem>>
    %dma_start3A_185 = arith.constant 0 : i32
    %dma_start3A_186 = arith.constant 0 : i32
    %dma_start3A_187 = tpu.memref_slice %arg24[%dma_start3A_185, %dma_start3A_186] : memref<10240x128xf32, #tpu.memory_space<vmem_shared>> -> memref<10240x128xf32, #tpu.memory_space<vmem_shared>>
    tpu.enqueue_indirect_dma source(%dma_start3A_181 : memref<80x128xf32, #tpu.memory_space<vmem>>) target(%dma_start3A_187 : memref<10240x128xf32, #tpu.memory_space<vmem_shared>>) offsets(%dma_start3A_184 : memref<80xi32, #tpu.memory_space<vmem>>) semaphore(%arg27 : memref<!tpu.dma_semaphore, #tpu.memory_space<semaphore_mem>>) {add = true}
    %dma_start3A_188 = arith.constant 0 : i32
    %dma_start3A_189 = arith.constant 0 : i32
    %dma_start3A_190 = arith.constant 0 : i32
    %dma_start3A_191 = tpu.memref_slice %arg21[%dma_start3A_188, %dma_start3A_190] : memref<1x80xf32, #tpu.memory_space<vmem>> -> memref<1x80xf32, #tpu.memory_space<vmem>>
    %dma_start3A_192 = tpu.memref_squeeze %dma_start3A_191 : memref<1x80xf32, #tpu.memory_space<vmem>> -> memref<80xf32, #tpu.memory_space<vmem>>
    %dma_start3A_193 = arith.constant 0 : i32
    %dma_start3A_194 = tpu.memref_slice %arg19[%add3A_151, %dma_start3A_189, %dma_start3A_193] : memref<10x1x80xi32, #tpu.memory_space<vmem>> -> memref<1x1x80xi32, #tpu.memory_space<vmem>>
    %dma_start3A_195 = tpu.memref_squeeze %dma_start3A_194 : memref<1x1x80xi32, #tpu.memory_space<vmem>> -> memref<80xi32, #tpu.memory_space<vmem>>
    %dma_start3A_196 = arith.constant 0 : i32
    %dma_start3A_197 = tpu.memref_slice %arg25[%dma_start3A_196] : memref<10240xf32, #tpu.memory_space<vmem_shared>> -> memref<10240xf32, #tpu.memory_space<vmem_shared>>
    tpu.enqueue_indirect_dma source(%dma_start3A_192 : memref<80xf32, #tpu.memory_space<vmem>>) target(%dma_start3A_197 : memref<10240xf32, #tpu.memory_space<vmem_shared>>) offsets(%dma_start3A_195 : memref<80xi32, #tpu.memory_space<vmem>>) semaphore(%arg27 : memref<!tpu.dma_semaphore, #tpu.memory_space<semaphore_mem>>) {add = true}
    %dma_wait3A_198 = arith.constant 0 : i32
    %dma_wait3A_199 = arith.constant 0 : i32
    %dma_wait3A_200 = arith.constant 0 : i32
    %dma_wait3A_201 = arith.constant 0 : i32
    %dma_wait3A_202 = tpu.memref_slice %arg23[%dma_wait3A_198, %dma_wait3A_200, %dma_wait3A_201] : memref<2x80x128xf32, #tpu.memory_space<vmem>> -> memref<1x80x128xf32, #tpu.memory_space<vmem>>
    %dma_wait3A_203 = tpu.memref_squeeze %dma_wait3A_202 : memref<1x80x128xf32, #tpu.memory_space<vmem>> -> memref<80x128xf32, #tpu.memory_space<vmem>>
    %dma_wait3A_204 = arith.constant 0 : i32
    %dma_wait3A_205 = tpu.memref_slice %arg19[%add3A_151, %dma_wait3A_199, %dma_wait3A_204] : memref<10x1x80xi32, #tpu.memory_space<vmem>> -> memref<1x1x80xi32, #tpu.memory_space<vmem>>
    %dma_wait3A_206 = tpu.memref_squeeze %dma_wait3A_205 : memref<1x1x80xi32, #tpu.memory_space<vmem>> -> memref<80xi32, #tpu.memory_space<vmem>>
    %dma_wait3A_207 = arith.constant 0 : i32
    %dma_wait3A_208 = arith.constant 0 : i32
    %dma_wait3A_209 = tpu.memref_slice %arg24[%dma_wait3A_207, %dma_wait3A_208] : memref<10240x128xf32, #tpu.memory_space<vmem_shared>> -> memref<10240x128xf32, #tpu.memory_space<vmem_shared>>
    tpu.wait_indirect_dma semaphore(%arg27 : memref<!tpu.dma_semaphore, #tpu.memory_space<semaphore_mem>>) src(%dma_wait3A_203 : memref<80x128xf32, #tpu.memory_space<vmem>>) dst(%dma_wait3A_209 : memref<10240x128xf32, #tpu.memory_space<vmem_shared>>)
    %dma_wait3A_210 = arith.constant 0 : i32
    %dma_wait3A_211 = arith.constant 0 : i32
    %dma_wait3A_212 = arith.constant 0 : i32
    %dma_wait3A_213 = tpu.memref_slice %arg21[%dma_wait3A_210, %dma_wait3A_212] : memref<1x80xf32, #tpu.memory_space<vmem>> -> memref<1x80xf32, #tpu.memory_space<vmem>>
    %dma_wait3A_214 = tpu.memref_squeeze %dma_wait3A_213 : memref<1x80xf32, #tpu.memory_space<vmem>> -> memref<80xf32, #tpu.memory_space<vmem>>
    %dma_wait3A_215 = arith.constant 0 : i32
    %dma_wait3A_216 = tpu.memref_slice %arg19[%add3A_151, %dma_wait3A_211, %dma_wait3A_215] : memref<10x1x80xi32, #tpu.memory_space<vmem>> -> memref<1x1x80xi32, #tpu.memory_space<vmem>>
    %dma_wait3A_217 = tpu.memref_squeeze %dma_wait3A_216 : memref<1x1x80xi32, #tpu.memory_space<vmem>> -> memref<80xi32, #tpu.memory_space<vmem>>
    %dma_wait3A_218 = arith.constant 0 : i32
    %dma_wait3A_219 = tpu.memref_slice %arg25[%dma_wait3A_218] : memref<10240xf32, #tpu.memory_space<vmem_shared>> -> memref<10240xf32, #tpu.memory_space<vmem_shared>>
    tpu.wait_indirect_dma semaphore(%arg27 : memref<!tpu.dma_semaphore, #tpu.memory_space<semaphore_mem>>) src(%dma_wait3A_214 : memref<80xf32, #tpu.memory_space<vmem>>) dst(%dma_wait3A_219 : memref<10240xf32, #tpu.memory_space<vmem_shared>>)
    %eq3A_220 = arith.constant 3 : i32
    %eq3A_221 = arith.cmpi eq, %rem3A_146, %eq3A_220 : i32
    %add3A_222 = arith.constant 1 : i32
    %add3A_223 = arith.addi %div3A_144, %add3A_222 : i32
    %lt3A_224 = arith.constant 25 : i32
    %lt3A_225 = arith.cmpi slt, %add3A_223, %lt3A_224 : i32
    %and3A_226 = arith.andi %eq3A_221, %lt3A_225 : i1
    %convert_element_type3A_227 = arith.extui %and3A_226 : i1 to i32
    %cond3A_228 = arith.constant 0 : i32
    %cond3A_229 = arith.cmpi ne, %convert_element_type3A_227, %cond3A_228 : i32
    scf.if %cond3A_229 {
      %sub3A = arith.constant 1 : i32
      %sub3A_241 = arith.subi %sub3A, %rem3A_148 : i32
      %mul3A_242 = arith.constant 5 : i32
      %mul3A_243 = arith.muli %sub3A_241, %mul3A_242 : i32
      %dma_wait3A_244 = arith.constant 0 : i32
      %dma_wait3A_245 = arith.constant 0 : i32
      %dma_wait3A_246 = tpu.memref_slice %arg18[%mul3A_243, %dma_wait3A_244, %dma_wait3A_245] : memref<10x1x80xi32, #tpu.memory_space<vmem>> -> memref<5x1x80xi32, #tpu.memory_space<vmem>>
      %dma_wait3A_247 = arith.constant 0 : i32
      %dma_wait3A_248 = arith.constant 0 : i32
      %dma_wait3A_249 = arith.constant 0 : i32
      %dma_wait3A_250 = tpu.memref_slice %arg6[%dma_wait3A_247, %dma_wait3A_248, %dma_wait3A_249] : memref<4000x1x80xi32, #tpu.memory_space<hbm>> -> memref<5x1x80xi32, #tpu.memory_space<hbm>>
      %dma_wait3A_251 = arith.constant 0 : i32
      %dma_wait3A_252 = arith.constant 0 : i32
      %dma_wait3A_253 = tpu.memref_slice %arg18[%mul3A_243, %dma_wait3A_251, %dma_wait3A_252] : memref<10x1x80xi32, #tpu.memory_space<vmem>> -> memref<5x1x80xi32, #tpu.memory_space<vmem>>
      %dma_wait3A_254 = arith.constant 0 : i32
      %dma_wait3A_255 = arith.constant 0 : i32
      %dma_wait3A_256 = arith.constant 0 : i32
      %dma_wait3A_257 = tpu.memref_slice %arg6[%dma_wait3A_254, %dma_wait3A_255, %dma_wait3A_256] : memref<4000x1x80xi32, #tpu.memory_space<hbm>> -> memref<5x1x80xi32, #tpu.memory_space<hbm>>
      tpu.wait_dma2 semaphore(%arg28 : memref<!tpu.dma_semaphore, #tpu.memory_space<semaphore_mem>>) src(%dma_wait3A_257 : memref<5x1x80xi32, #tpu.memory_space<hbm>>) dst(%dma_wait3A_253 : memref<5x1x80xi32, #tpu.memory_space<vmem>>)
      %mul3A_258 = arith.constant 5 : i32
      %mul3A_259 = arith.muli %sub3A_241, %mul3A_258 : i32
      %dma_wait3A_260 = arith.constant 0 : i32
      %dma_wait3A_261 = arith.constant 0 : i32
      %dma_wait3A_262 = tpu.memref_slice %arg19[%mul3A_259, %dma_wait3A_260, %dma_wait3A_261] : memref<10x1x80xi32, #tpu.memory_space<vmem>> -> memref<5x1x80xi32, #tpu.memory_space<vmem>>
      %dma_wait3A_263 = arith.constant 0 : i32
      %dma_wait3A_264 = arith.constant 0 : i32
      %dma_wait3A_265 = arith.constant 0 : i32
      %dma_wait3A_266 = tpu.memref_slice %arg7[%dma_wait3A_263, %dma_wait3A_264, %dma_wait3A_265] : memref<4000x1x80xi32, #tpu.memory_space<hbm>> -> memref<5x1x80xi32, #tpu.memory_space<hbm>>
      %dma_wait3A_267 = arith.constant 0 : i32
      %dma_wait3A_268 = arith.constant 0 : i32
      %dma_wait3A_269 = tpu.memref_slice %arg19[%mul3A_259, %dma_wait3A_267, %dma_wait3A_268] : memref<10x1x80xi32, #tpu.memory_space<vmem>> -> memref<5x1x80xi32, #tpu.memory_space<vmem>>
      %dma_wait3A_270 = arith.constant 0 : i32
      %dma_wait3A_271 = arith.constant 0 : i32
      %dma_wait3A_272 = arith.constant 0 : i32
      %dma_wait3A_273 = tpu.memref_slice %arg7[%dma_wait3A_270, %dma_wait3A_271, %dma_wait3A_272] : memref<4000x1x80xi32, #tpu.memory_space<hbm>> -> memref<5x1x80xi32, #tpu.memory_space<hbm>>
      tpu.wait_dma2 semaphore(%arg28 : memref<!tpu.dma_semaphore, #tpu.memory_space<semaphore_mem>>) src(%dma_wait3A_273 : memref<5x1x80xi32, #tpu.memory_space<hbm>>) dst(%dma_wait3A_269 : memref<5x1x80xi32, #tpu.memory_space<vmem>>)
      %mul3A_274 = arith.constant 5 : i32
      %mul3A_275 = arith.muli %sub3A_241, %mul3A_274 : i32
      %dma_wait3A_276 = arith.constant 0 : i32
      %dma_wait3A_277 = arith.constant 0 : i32
      %dma_wait3A_278 = tpu.memref_slice %arg20[%mul3A_275, %dma_wait3A_276, %dma_wait3A_277] : memref<10x1x80xf32, #tpu.memory_space<vmem>> -> memref<5x1x80xf32, #tpu.memory_space<vmem>>
      %dma_wait3A_279 = arith.constant 0 : i32
      %dma_wait3A_280 = arith.constant 0 : i32
      %dma_wait3A_281 = arith.constant 0 : i32
      %dma_wait3A_282 = tpu.memref_slice %arg8[%dma_wait3A_279, %dma_wait3A_280, %dma_wait3A_281] : memref<4000x1x80xf32, #tpu.memory_space<hbm>> -> memref<5x1x80xf32, #tpu.memory_space<hbm>>
      %dma_wait3A_283 = arith.constant 0 : i32
      %dma_wait3A_284 = arith.constant 0 : i32
      %dma_wait3A_285 = tpu.memref_slice %arg20[%mul3A_275, %dma_wait3A_283, %dma_wait3A_284] : memref<10x1x80xf32, #tpu.memory_space<vmem>> -> memref<5x1x80xf32, #tpu.memory_space<vmem>>
      %dma_wait3A_286 = arith.constant 0 : i32
      %dma_wait3A_287 = arith.constant 0 : i32
      %dma_wait3A_288 = arith.constant 0 : i32
      %dma_wait3A_289 = tpu.memref_slice %arg8[%dma_wait3A_286, %dma_wait3A_287, %dma_wait3A_288] : memref<4000x1x80xf32, #tpu.memory_space<hbm>> -> memref<5x1x80xf32, #tpu.memory_space<hbm>>
      tpu.wait_dma2 semaphore(%arg28 : memref<!tpu.dma_semaphore, #tpu.memory_space<semaphore_mem>>) src(%dma_wait3A_289 : memref<5x1x80xf32, #tpu.memory_space<hbm>>) dst(%dma_wait3A_285 : memref<5x1x80xf32, #tpu.memory_space<vmem>>)
    } else {
    }
    %barrier3A_230 = arith.constant 0 : index
    tpu.barrier barrier_id(%barrier3A_230)
    %eq3A_231 = arith.constant 0 : i32
    %eq3A_232 = arith.cmpi eq, %arg0, %eq3A_231 : i32
    %convert_element_type3A_233 = arith.extui %eq3A_232 : i1 to i32
    %cond3A_234 = arith.constant 0 : i32
    %cond3A_235 = arith.cmpi ne, %convert_element_type3A_233, %cond3A_234 : i32
    scf.if %cond3A_235 {
      %mul3A_241 = arith.constant 640 : i32
      %mul3A_242 = arith.muli %arg1, %mul3A_241 : i32
      %mul3A_243 = arith.constant 640 : i32
      %mul3A_244 = arith.muli %arg1, %mul3A_243 : i32
      "tpu.region"() ({
        %run_scoped3A = tpu.sem_alloc : memref<!tpu.dma_semaphore, #tpu.memory_space<semaphore_mem>>
        %dma_start3A_249 = arith.constant 0 : i32
        %dma_start3A_250 = tpu.memref_slice %arg11[%mul3A_244, %dma_start3A_249] : memref<10240x128xf32, #tpu.memory_space<hbm>> -> memref<640x128xf32, #tpu.memory_space<hbm>>
        %dma_start3A_251 = arith.constant 0 : i32
        %dma_start3A_252 = tpu.memref_slice %arg24[%mul3A_242, %dma_start3A_251] : memref<10240x128xf32, #tpu.memory_space<vmem_shared>> -> memref<640x128xf32, #tpu.memory_space<vmem_shared>>
        tpu.enqueue_dma source(%dma_start3A_252 : memref<640x128xf32, #tpu.memory_space<vmem_shared>>) target(%dma_start3A_250 : memref<640x128xf32, #tpu.memory_space<hbm>>) target_semaphore(%run_scoped3A : memref<!tpu.dma_semaphore, #tpu.memory_space<semaphore_mem>>)
        %dma_wait3A_253 = arith.constant 0 : i32
        %dma_wait3A_254 = tpu.memref_slice %arg11[%mul3A_244, %dma_wait3A_253] : memref<10240x128xf32, #tpu.memory_space<hbm>> -> memref<640x128xf32, #tpu.memory_space<hbm>>
        %dma_wait3A_255 = arith.constant 0 : i32
        %dma_wait3A_256 = tpu.memref_slice %arg24[%mul3A_242, %dma_wait3A_255] : memref<10240x128xf32, #tpu.memory_space<vmem_shared>> -> memref<640x128xf32, #tpu.memory_space<vmem_shared>>
        tpu.wait_dma2 semaphore(%run_scoped3A : memref<!tpu.dma_semaphore, #tpu.memory_space<semaphore_mem>>) src(%dma_wait3A_256 : memref<640x128xf32, #tpu.memory_space<vmem_shared>>) dst(%dma_wait3A_254 : memref<640x128xf32, #tpu.memory_space<hbm>>)
        tpu.yield
      }) : () -> ()
      %mul3A_245 = arith.constant 640 : i32
      %mul3A_246 = arith.muli %arg1, %mul3A_245 : i32
      %mul3A_247 = arith.constant 640 : i32
      %mul3A_248 = arith.muli %arg1, %mul3A_247 : i32
      "tpu.region"() ({
        %run_scoped3A = tpu.sem_alloc : memref<!tpu.dma_semaphore, #tpu.memory_space<semaphore_mem>>
        %dma_start3A_249 = tpu.memref_slice %arg13[%mul3A_248] : memref<10240xf32, #tpu.memory_space<hbm>> -> memref<640xf32, #tpu.memory_space<hbm>>
        %dma_start3A_250 = tpu.memref_slice %arg25[%mul3A_246] : memref<10240xf32, #tpu.memory_space<vmem_shared>> -> memref<640xf32, #tpu.memory_space<vmem_shared>>
        tpu.enqueue_dma source(%dma_start3A_250 : memref<640xf32, #tpu.memory_space<vmem_shared>>) target(%dma_start3A_249 : memref<640xf32, #tpu.memory_space<hbm>>) target_semaphore(%run_scoped3A : memref<!tpu.dma_semaphore, #tpu.memory_space<semaphore_mem>>)
        %dma_wait3A_251 = tpu.memref_slice %arg13[%mul3A_248] : memref<10240xf32, #tpu.memory_space<hbm>> -> memref<640xf32, #tpu.memory_space<hbm>>
        %dma_wait3A_252 = tpu.memref_slice %arg25[%mul3A_246] : memref<10240xf32, #tpu.memory_space<vmem_shared>> -> memref<640xf32, #tpu.memory_space<vmem_shared>>
        tpu.wait_dma2 semaphore(%run_scoped3A : memref<!tpu.dma_semaphore, #tpu.memory_space<semaphore_mem>>) src(%dma_wait3A_252 : memref<640xf32, #tpu.memory_space<vmem_shared>>) dst(%dma_wait3A_251 : memref<640xf32, #tpu.memory_space<hbm>>)
        tpu.yield
      }) : () -> ()
    } else {
    }
    %eq3A_236 = arith.constant 1 : i32
    %eq3A_237 = arith.cmpi eq, %arg0, %eq3A_236 : i32
    %convert_element_type3A_238 = arith.extui %eq3A_237 : i1 to i32
    %cond3A_239 = arith.constant 0 : i32
    %cond3A_240 = arith.cmpi ne, %convert_element_type3A_238, %cond3A_239 : i32
    scf.if %cond3A_240 {
      %mul3A_241 = arith.constant 640 : i32
      %mul3A_242 = arith.muli %arg1, %mul3A_241 : i32
      %mul3A_243 = arith.constant 640 : i32
      %mul3A_244 = arith.muli %arg1, %mul3A_243 : i32
      "tpu.region"() ({
        %run_scoped3A = tpu.sem_alloc : memref<!tpu.dma_semaphore, #tpu.memory_space<semaphore_mem>>
        %dma_start3A_249 = arith.constant 0 : i32
        %dma_start3A_250 = tpu.memref_slice %arg12[%mul3A_244, %dma_start3A_249] : memref<10240x128xf32, #tpu.memory_space<hbm>> -> memref<640x128xf32, #tpu.memory_space<hbm>>
        %dma_start3A_251 = arith.constant 0 : i32
        %dma_start3A_252 = tpu.memref_slice %arg24[%mul3A_242, %dma_start3A_251] : memref<10240x128xf32, #tpu.memory_space<vmem_shared>> -> memref<640x128xf32, #tpu.memory_space<vmem_shared>>
        tpu.enqueue_dma source(%dma_start3A_252 : memref<640x128xf32, #tpu.memory_space<vmem_shared>>) target(%dma_start3A_250 : memref<640x128xf32, #tpu.memory_space<hbm>>) target_semaphore(%run_scoped3A : memref<!tpu.dma_semaphore, #tpu.memory_space<semaphore_mem>>)
        %dma_wait3A_253 = arith.constant 0 : i32
        %dma_wait3A_254 = tpu.memref_slice %arg12[%mul3A_244, %dma_wait3A_253] : memref<10240x128xf32, #tpu.memory_space<hbm>> -> memref<640x128xf32, #tpu.memory_space<hbm>>
        %dma_wait3A_255 = arith.constant 0 : i32
        %dma_wait3A_256 = tpu.memref_slice %arg24[%mul3A_242, %dma_wait3A_255] : memref<10240x128xf32, #tpu.memory_space<vmem_shared>> -> memref<640x128xf32, #tpu.memory_space<vmem_shared>>
        tpu.wait_dma2 semaphore(%run_scoped3A : memref<!tpu.dma_semaphore, #tpu.memory_space<semaphore_mem>>) src(%dma_wait3A_256 : memref<640x128xf32, #tpu.memory_space<vmem_shared>>) dst(%dma_wait3A_254 : memref<640x128xf32, #tpu.memory_space<hbm>>)
        tpu.yield
      }) : () -> ()
      %mul3A_245 = arith.constant 640 : i32
      %mul3A_246 = arith.muli %arg1, %mul3A_245 : i32
      %mul3A_247 = arith.constant 640 : i32
      %mul3A_248 = arith.muli %arg1, %mul3A_247 : i32
      "tpu.region"() ({
        %run_scoped3A = tpu.sem_alloc : memref<!tpu.dma_semaphore, #tpu.memory_space<semaphore_mem>>
        %dma_start3A_249 = tpu.memref_slice %arg14[%mul3A_248] : memref<10240xf32, #tpu.memory_space<hbm>> -> memref<640xf32, #tpu.memory_space<hbm>>
        %dma_start3A_250 = tpu.memref_slice %arg25[%mul3A_246] : memref<10240xf32, #tpu.memory_space<vmem_shared>> -> memref<640xf32, #tpu.memory_space<vmem_shared>>
        tpu.enqueue_dma source(%dma_start3A_250 : memref<640xf32, #tpu.memory_space<vmem_shared>>) target(%dma_start3A_249 : memref<640xf32, #tpu.memory_space<hbm>>) target_semaphore(%run_scoped3A : memref<!tpu.dma_semaphore, #tpu.memory_space<semaphore_mem>>)
        %dma_wait3A_251 = tpu.memref_slice %arg14[%mul3A_248] : memref<10240xf32, #tpu.memory_space<hbm>> -> memref<640xf32, #tpu.memory_space<hbm>>
        %dma_wait3A_252 = tpu.memref_slice %arg25[%mul3A_246] : memref<10240xf32, #tpu.memory_space<vmem_shared>> -> memref<640xf32, #tpu.memory_space<vmem_shared>>
        tpu.wait_dma2 semaphore(%run_scoped3A : memref<!tpu.dma_semaphore, #tpu.memory_space<semaphore_mem>>) src(%dma_wait3A_252 : memref<640xf32, #tpu.memory_space<vmem_shared>>) dst(%dma_wait3A_251 : memref<640xf32, #tpu.memory_space<hbm>>)
        tpu.yield
      }) : () -> ()
    } else {
    }
    return
  }
}

module attributes {stable_mosaic.version = 14 : i64} {
  func.func @_tc_feats_body(%arg0: i32, %arg1: memref<1024x128xf32, #tpu.memory_space<vmem>>, %arg2: memref<128x128xf32, #tpu.memory_space<vmem>>, %arg3: memref<2x128xf32, #tpu.memory_space<vmem>>, %arg4: memref<1024x128xf32, #tpu.memory_space<vmem>>, %arg5: memref<2x1024xf32, #tpu.memory_space<vmem>>, %arg6: memref<2x128xf32, #tpu.memory_space<vmem>>) attributes {dimension_semantics = [#tpu.dimension_semantics<arbitrary>], iteration_bounds = array<i64: 10>, scalar_prefetch = 0 : i64, scratch_operands = 0 : i64, tpu.core_type = #tpu.core_type<tc>, window_params = [{transform_indices = @transform_0, window_bounds = array<i64: 1024, 128>}, {pipeline_mode = #tpu.pipeline_mode<synchronous>, transform_indices = @transform_1, window_bounds = array<i64: 128, 128>}, {pipeline_mode = #tpu.pipeline_mode<synchronous>, transform_indices = @transform_2, window_bounds = array<i64: 2, 128>}, {transform_indices = @transform_3, window_bounds = array<i64: 1024, 128>}, {transform_indices = @transform_4, window_bounds = array<i64: 2, 1024>}, {pipeline_mode = #tpu.pipeline_mode<synchronous>, transform_indices = @transform_5, window_bounds = array<i64: 2, 128>}]} {
    %get3A = arith.constant 0 : index
    %get3A_0 = arith.constant 0 : index
    %get3A_1 = vector.load %arg1[%get3A, %get3A_0] : memref<1024x128xf32, #tpu.memory_space<vmem>>, vector<1024x128xf32>
    %get3A_2 = arith.constant 0 : index
    %get3A_3 = arith.constant 0 : index
    %get3A_4 = vector.load %arg2[%get3A_2, %get3A_3] : memref<128x128xf32, #tpu.memory_space<vmem>>, vector<128x128xf32>
    %dot_general3A = arith.constant dense<0.000000e+00> : vector<1024x128xf32>
    %dot_general3A_5 = tpu.matmul %get3A_1, %get3A_4, %dot_general3A {dimension_numbers = #tpu.dot_dimension_numbers<[1], [0], [0], [1], [0, 0, 1, 1], [], []>, transpose_lhs_hint = false} : vector<1024x128xf32>, vector<128x128xf32>, vector<1024x128xf32> -> vector<1024x128xf32>
    %swap3A = arith.constant 0 : index
    %swap3A_6 = arith.constant 0 : index
    %swap3A_7 = vector.load %arg4[%swap3A, %swap3A_6] : memref<1024x128xf32, #tpu.memory_space<vmem>>, vector<1024x128xf32>
    tpu.vector_store %arg4[%swap3A, %swap3A_6], %dot_general3A_5 {strides = array<i32>} : memref<1024x128xf32, #tpu.memory_space<vmem>>, vector<1024x128xf32>,
    %get3A_8 = arith.constant 0 : index
    %get3A_9 = arith.constant 0 : index
    %get3A_10 = vector.load %arg3[%get3A_8, %get3A_9] : memref<2x128xf32, #tpu.memory_space<vmem>>, vector<2x128xf32>
    %dot_general3A_11 = arith.constant dense<0.000000e+00> : vector<2x1024xf32>
    %dot_general3A_12 = tpu.matmul %get3A_10, %dot_general3A_5, %dot_general3A_11 {dimension_numbers = #tpu.dot_dimension_numbers<[1], [1], [0], [0], [0, 0, 1, 0], [], []>, transpose_lhs_hint = false} : vector<2x128xf32>, vector<1024x128xf32>, vector<2x1024xf32> -> vector<2x1024xf32>
    %swap3A_13 = arith.constant 0 : index
    %swap3A_14 = arith.constant 0 : index
    %swap3A_15 = vector.load %arg5[%swap3A_13, %swap3A_14] : memref<2x1024xf32, #tpu.memory_space<vmem>>, vector<2x1024xf32>
    tpu.vector_store %arg5[%swap3A_13, %swap3A_14], %dot_general3A_12 {strides = array<i32>} : memref<2x1024xf32, #tpu.memory_space<vmem>>, vector<2x1024xf32>,
    %eq3A = arith.constant 0 : i32
    %eq3A_16 = arith.cmpi eq, %arg0, %eq3A : i32
    %convert_element_type3A = arith.extui %eq3A_16 : i1 to i32
    %cond3A = arith.constant 0 : i32
    %cond3A_17 = arith.cmpi ne, %convert_element_type3A, %cond3A : i32
    scf.if %cond3A_17 {
      %broadcast_in_dim3A_27 = arith.constant 0xFF800000 : f32
      %broadcast_in_dim3A_28 = vector.broadcast %broadcast_in_dim3A_27 : f32 to vector<2x128xf32>
      %swap3A_29 = arith.constant 0 : index
      %swap3A_30 = arith.constant 0 : index
      %swap3A_31 = vector.load %arg6[%swap3A_29, %swap3A_30] : memref<2x128xf32, #tpu.memory_space<vmem>>, vector<2x128xf32>
      tpu.vector_store %arg6[%swap3A_29, %swap3A_30], %broadcast_in_dim3A_28 {strides = array<i32>} : memref<2x128xf32, #tpu.memory_space<vmem>>, vector<2x128xf32>,
    } else {
    }
    %reduce_max3A = arith.constant dense<0xFF800000> : vector<2xf32>
    %reduce_max3A_18 = vector.multi_reduction <maximumf>, %dot_general3A_12, %reduce_max3A [1] : vector<2x1024xf32> to vector<2xf32>
    %broadcast_in_dim3A = vector.shape_cast %reduce_max3A_18 : vector<2xf32> to vector<2x1xf32>
    %get3A_19 = arith.constant 0 : index
    %get3A_20 = arith.constant 0 : index
    %get3A_21 = vector.load %arg6[%get3A_19, %get3A_20] : memref<2x128xf32, #tpu.memory_space<vmem>>, vector<2x128xf32>
    %broadcast_in_dim3A_22 = vector.shape_cast %broadcast_in_dim3A : vector<2x1xf32> to vector<2x1xf32>
    %broadcast_in_dim3A_23 = vector.broadcast %broadcast_in_dim3A_22 : vector<2x1xf32> to vector<2x128xf32>
    %max3A = arith.maximumf %get3A_21, %broadcast_in_dim3A_23 : vector<2x128xf32>
    %swap3A_24 = arith.constant 0 : index
    %swap3A_25 = arith.constant 0 : index
    %swap3A_26 = vector.load %arg6[%swap3A_24, %swap3A_25] : memref<2x128xf32, #tpu.memory_space<vmem>>, vector<2x128xf32>
    tpu.vector_store %arg6[%swap3A_24, %swap3A_25], %max3A {strides = array<i32>} : memref<2x128xf32, #tpu.memory_space<vmem>>, vector<2x128xf32>,
    return
  }
  func.func @transform_0(%arg0: i32) -> (i32, i32) {
    %c0_i32 = arith.constant 0 : i32
    %c0_i32_0 = arith.constant 0 : i32
    return %arg0, %c0_i32 : i32, i32
  }
  func.func @transform_1(%arg0: i32) -> (i32, i32) {
    %c0_i32 = arith.constant 0 : i32
    %c0_i32_0 = arith.constant 0 : i32
    %c0_i32_1 = arith.constant 0 : i32
    return %c0_i32, %c0_i32_0 : i32, i32
  }
  func.func @transform_2(%arg0: i32) -> (i32, i32) {
    %c0_i32 = arith.constant 0 : i32
    %c0_i32_0 = arith.constant 0 : i32
    %c0_i32_1 = arith.constant 0 : i32
    return %c0_i32, %c0_i32_0 : i32, i32
  }
  func.func @transform_3(%arg0: i32) -> (i32, i32) {
    %c0_i32 = arith.constant 0 : i32
    %c0_i32_0 = arith.constant 0 : i32
    return %arg0, %c0_i32 : i32, i32
  }
  func.func @transform_4(%arg0: i32) -> (i32, i32) {
    %c0_i32 = arith.constant 0 : i32
    %c0_i32_0 = arith.constant 0 : i32
    return %c0_i32, %arg0 : i32, i32
  }
  func.func @transform_5(%arg0: i32) -> (i32, i32) {
    %c0_i32 = arith.constant 0 : i32
    %c0_i32_0 = arith.constant 0 : i32
    %c0_i32_1 = arith.constant 0 : i32
    return %c0_i32, %c0_i32_0 : i32, i32
  }
}

module attributes {stable_mosaic.version = 14 : i64} {
  func.func @_tc_mid_body(%arg0: i32, %arg1: memref<1024x128xf32, #tpu.memory_space<vmem>>, %arg2: memref<1024x128xf32, #tpu.memory_space<vmem>>, %arg3: memref<1024x1xf32, #tpu.memory_space<vmem>>, %arg4: memref<1024x1xf32, #tpu.memory_space<vmem>>, %arg5: memref<1x128xf32, #tpu.memory_space<vmem>>, %arg6: memref<128x128xf32, #tpu.memory_space<vmem>>, %arg7: memref<2x128xf32, #tpu.memory_space<vmem>>, %arg8: memref<1024x128xf32, #tpu.memory_space<vmem>>, %arg9: memref<2x1024xf32, #tpu.memory_space<vmem>>, %arg10: memref<2x128xf32, #tpu.memory_space<vmem>>) attributes {dimension_semantics = [#tpu.dimension_semantics<arbitrary>], iteration_bounds = array<i64: 10>, scalar_prefetch = 0 : i64, scratch_operands = 0 : i64, tpu.core_type = #tpu.core_type<tc>, window_params = [{transform_indices = @transform_0, window_bounds = array<i64: 1024, 128>}, {transform_indices = @transform_1, window_bounds = array<i64: 1024, 128>}, {transform_indices = @transform_2, window_bounds = array<i64: 1024, 1>}, {transform_indices = @transform_3, window_bounds = array<i64: 1024, 1>}, {pipeline_mode = #tpu.pipeline_mode<synchronous>, transform_indices = @transform_4, window_bounds = array<i64: 1, 128>}, {pipeline_mode = #tpu.pipeline_mode<synchronous>, transform_indices = @transform_5, window_bounds = array<i64: 128, 128>}, {pipeline_mode = #tpu.pipeline_mode<synchronous>, transform_indices = @transform_6, window_bounds = array<i64: 2, 128>}, {transform_indices = @transform_7, window_bounds = array<i64: 1024, 128>}, {transform_indices = @transform_8, window_bounds = array<i64: 2, 1024>}, {pipeline_mode = #tpu.pipeline_mode<synchronous>, transform_indices = @transform_9, window_bounds = array<i64: 2, 128>}]} {
    %get3A = arith.constant 0 : index
    %get3A_0 = arith.constant 0 : index
    %get3A_1 = vector.load %arg3[%get3A, %get3A_0] : memref<1024x1xf32, #tpu.memory_space<vmem>>, vector<1024x1xf32>
    %get3A_2 = arith.constant 0 : index
    %get3A_3 = arith.constant 0 : index
    %get3A_4 = vector.load %arg4[%get3A_2, %get3A_3] : memref<1024x1xf32, #tpu.memory_space<vmem>>, vector<1024x1xf32>
    %add3A = arith.addf %get3A_1, %get3A_4 : vector<1024x1xf32>
    %add3A_5 = arith.constant 1.000000e-16 : f32
    %add3A_6 = vector.broadcast %add3A_5 : f32 to vector<1024x1xf32>
    %add3A_7 = arith.addf %add3A, %add3A_6 : vector<1024x1xf32>
    %get3A_8 = arith.constant 0 : index
    %get3A_9 = arith.constant 0 : index
    %get3A_10 = vector.load %arg1[%get3A_8, %get3A_9] : memref<1024x128xf32, #tpu.memory_space<vmem>>, vector<1024x128xf32>
    %get3A_11 = arith.constant 0 : index
    %get3A_12 = arith.constant 0 : index
    %get3A_13 = vector.load %arg2[%get3A_11, %get3A_12] : memref<1024x128xf32, #tpu.memory_space<vmem>>, vector<1024x128xf32>
    %add3A_14 = arith.addf %get3A_10, %get3A_13 : vector<1024x128xf32>
    %div3A = vector.broadcast %add3A_7 : vector<1024x1xf32> to vector<1024x128xf32>
    %div3A_15 = arith.divf %add3A_14, %div3A : vector<1024x128xf32>
    %get3A_16 = arith.constant 0 : index
    %get3A_17 = arith.constant 0 : index
    %get3A_18 = vector.load %arg5[%get3A_16, %get3A_17] : memref<1x128xf32, #tpu.memory_space<vmem>>, vector<1x128xf32>
    %add3A_19 = vector.broadcast %get3A_18 : vector<1x128xf32> to vector<1024x128xf32>
    %add3A_20 = arith.addf %div3A_15, %add3A_19 : vector<1024x128xf32>
    %max3A = arith.constant 0.000000e+00 : f32
    %max3A_21 = vector.broadcast %max3A : f32 to vector<1024x128xf32>
    %max3A_22 = arith.maximumf %add3A_20, %max3A_21 : vector<1024x128xf32>
    %get3A_23 = arith.constant 0 : index
    %get3A_24 = arith.constant 0 : index
    %get3A_25 = vector.load %arg6[%get3A_23, %get3A_24] : memref<128x128xf32, #tpu.memory_space<vmem>>, vector<128x128xf32>
    %dot_general3A = arith.constant dense<0.000000e+00> : vector<1024x128xf32>
    %dot_general3A_26 = tpu.matmul %max3A_22, %get3A_25, %dot_general3A {dimension_numbers = #tpu.dot_dimension_numbers<[1], [0], [0], [1], [0, 0, 1, 1], [], []>, transpose_lhs_hint = false} : vector<1024x128xf32>, vector<128x128xf32>, vector<1024x128xf32> -> vector<1024x128xf32>
    %swap3A = arith.constant 0 : index
    %swap3A_27 = arith.constant 0 : index
    %swap3A_28 = vector.load %arg8[%swap3A, %swap3A_27] : memref<1024x128xf32, #tpu.memory_space<vmem>>, vector<1024x128xf32>
    tpu.vector_store %arg8[%swap3A, %swap3A_27], %dot_general3A_26 {strides = array<i32>} : memref<1024x128xf32, #tpu.memory_space<vmem>>, vector<1024x128xf32>,
    %get3A_29 = arith.constant 0 : index
    %get3A_30 = arith.constant 0 : index
    %get3A_31 = vector.load %arg7[%get3A_29, %get3A_30] : memref<2x128xf32, #tpu.memory_space<vmem>>, vector<2x128xf32>
    %dot_general3A_32 = arith.constant dense<0.000000e+00> : vector<2x1024xf32>
    %dot_general3A_33 = tpu.matmul %get3A_31, %dot_general3A_26, %dot_general3A_32 {dimension_numbers = #tpu.dot_dimension_numbers<[1], [1], [0], [0], [0, 0, 1, 0], [], []>, transpose_lhs_hint = false} : vector<2x128xf32>, vector<1024x128xf32>, vector<2x1024xf32> -> vector<2x1024xf32>
    %swap3A_34 = arith.constant 0 : index
    %swap3A_35 = arith.constant 0 : index
    %swap3A_36 = vector.load %arg9[%swap3A_34, %swap3A_35] : memref<2x1024xf32, #tpu.memory_space<vmem>>, vector<2x1024xf32>
    tpu.vector_store %arg9[%swap3A_34, %swap3A_35], %dot_general3A_33 {strides = array<i32>} : memref<2x1024xf32, #tpu.memory_space<vmem>>, vector<2x1024xf32>,
    %eq3A = arith.constant 0 : i32
    %eq3A_37 = arith.cmpi eq, %arg0, %eq3A : i32
    %convert_element_type3A = arith.extui %eq3A_37 : i1 to i32
    %cond3A = arith.constant 0 : i32
    %cond3A_38 = arith.cmpi ne, %convert_element_type3A, %cond3A : i32
    scf.if %cond3A_38 {
      %broadcast_in_dim3A_49 = arith.constant 0xFF800000 : f32
      %broadcast_in_dim3A_50 = vector.broadcast %broadcast_in_dim3A_49 : f32 to vector<2x128xf32>
      %swap3A_51 = arith.constant 0 : index
      %swap3A_52 = arith.constant 0 : index
      %swap3A_53 = vector.load %arg10[%swap3A_51, %swap3A_52] : memref<2x128xf32, #tpu.memory_space<vmem>>, vector<2x128xf32>
      tpu.vector_store %arg10[%swap3A_51, %swap3A_52], %broadcast_in_dim3A_50 {strides = array<i32>} : memref<2x128xf32, #tpu.memory_space<vmem>>, vector<2x128xf32>,
    } else {
    }
    %reduce_max3A = arith.constant dense<0xFF800000> : vector<2xf32>
    %reduce_max3A_39 = vector.multi_reduction <maximumf>, %dot_general3A_33, %reduce_max3A [1] : vector<2x1024xf32> to vector<2xf32>
    %broadcast_in_dim3A = vector.shape_cast %reduce_max3A_39 : vector<2xf32> to vector<2x1xf32>
    %get3A_40 = arith.constant 0 : index
    %get3A_41 = arith.constant 0 : index
    %get3A_42 = vector.load %arg10[%get3A_40, %get3A_41] : memref<2x128xf32, #tpu.memory_space<vmem>>, vector<2x128xf32>
    %broadcast_in_dim3A_43 = vector.shape_cast %broadcast_in_dim3A : vector<2x1xf32> to vector<2x1xf32>
    %broadcast_in_dim3A_44 = vector.broadcast %broadcast_in_dim3A_43 : vector<2x1xf32> to vector<2x128xf32>
    %max3A_45 = arith.maximumf %get3A_42, %broadcast_in_dim3A_44 : vector<2x128xf32>
    %swap3A_46 = arith.constant 0 : index
    %swap3A_47 = arith.constant 0 : index
    %swap3A_48 = vector.load %arg10[%swap3A_46, %swap3A_47] : memref<2x128xf32, #tpu.memory_space<vmem>>, vector<2x128xf32>
    tpu.vector_store %arg10[%swap3A_46, %swap3A_47], %max3A_45 {strides = array<i32>} : memref<2x128xf32, #tpu.memory_space<vmem>>, vector<2x128xf32>,
    return
  }
  func.func @transform_0(%arg0: i32) -> (i32, i32) {
    %c0_i32 = arith.constant 0 : i32
    %c0_i32_0 = arith.constant 0 : i32
    return %arg0, %c0_i32 : i32, i32
  }
  func.func @transform_1(%arg0: i32) -> (i32, i32) {
    %c0_i32 = arith.constant 0 : i32
    %c0_i32_0 = arith.constant 0 : i32
    return %arg0, %c0_i32 : i32, i32
  }
  func.func @transform_2(%arg0: i32) -> (i32, i32) {
    %c0_i32 = arith.constant 0 : i32
    %c0_i32_0 = arith.constant 0 : i32
    return %arg0, %c0_i32 : i32, i32
  }
  func.func @transform_3(%arg0: i32) -> (i32, i32) {
    %c0_i32 = arith.constant 0 : i32
    %c0_i32_0 = arith.constant 0 : i32
    return %arg0, %c0_i32 : i32, i32
  }
  func.func @transform_4(%arg0: i32) -> (i32, i32) {
    %c0_i32 = arith.constant 0 : i32
    %c0_i32_0 = arith.constant 0 : i32
    %c0_i32_1 = arith.constant 0 : i32
    return %c0_i32, %c0_i32_0 : i32, i32
  }
  func.func @transform_5(%arg0: i32) -> (i32, i32) {
    %c0_i32 = arith.constant 0 : i32
    %c0_i32_0 = arith.constant 0 : i32
    %c0_i32_1 = arith.constant 0 : i32
    return %c0_i32, %c0_i32_0 : i32, i32
  }
  func.func @transform_6(%arg0: i32) -> (i32, i32) {
    %c0_i32 = arith.constant 0 : i32
    %c0_i32_0 = arith.constant 0 : i32
    %c0_i32_1 = arith.constant 0 : i32
    return %c0_i32, %c0_i32_0 : i32, i32
  }
  func.func @transform_7(%arg0: i32) -> (i32, i32) {
    %c0_i32 = arith.constant 0 : i32
    %c0_i32_0 = arith.constant 0 : i32
    return %arg0, %c0_i32 : i32, i32
  }
  func.func @transform_8(%arg0: i32) -> (i32, i32) {
    %c0_i32 = arith.constant 0 : i32
    %c0_i32_0 = arith.constant 0 : i32
    return %c0_i32, %arg0 : i32, i32
  }
  func.func @transform_9(%arg0: i32) -> (i32, i32) {
    %c0_i32 = arith.constant 0 : i32
    %c0_i32_0 = arith.constant 0 : i32
    %c0_i32_1 = arith.constant 0 : i32
    return %c0_i32, %c0_i32_0 : i32, i32
  }
}

module attributes {stable_mosaic.version = 14 : i64} {
  func.func @_tc_fin_body(%arg0: i32, %arg1: memref<1024x128xf32, #tpu.memory_space<vmem>>, %arg2: memref<1024x128xf32, #tpu.memory_space<vmem>>, %arg3: memref<1024x1xf32, #tpu.memory_space<vmem>>, %arg4: memref<1024x1xf32, #tpu.memory_space<vmem>>, %arg5: memref<1x64xf32, #tpu.memory_space<vmem>>, %arg6: memref<1024x64xf32, #tpu.memory_space<vmem>>) attributes {dimension_semantics = [#tpu.dimension_semantics<arbitrary>], iteration_bounds = array<i64: 10>, scalar_prefetch = 0 : i64, scratch_operands = 0 : i64, tpu.core_type = #tpu.core_type<tc>, window_params = [{transform_indices = @transform_0, window_bounds = array<i64: 1024, 128>}, {transform_indices = @transform_1, window_bounds = array<i64: 1024, 128>}, {transform_indices = @transform_2, window_bounds = array<i64: 1024, 1>}, {transform_indices = @transform_3, window_bounds = array<i64: 1024, 1>}, {pipeline_mode = #tpu.pipeline_mode<synchronous>, transform_indices = @transform_4, window_bounds = array<i64: 1, 64>}, {transform_indices = @transform_5, window_bounds = array<i64: 1024, 64>}]} {
    %get3A = arith.constant 0 : index
    %get3A_0 = arith.constant 0 : index
    %get3A_1 = vector.load %arg3[%get3A, %get3A_0] : memref<1024x1xf32, #tpu.memory_space<vmem>>, vector<1024x1xf32>
    %get3A_2 = arith.constant 0 : index
    %get3A_3 = arith.constant 0 : index
    %get3A_4 = vector.load %arg4[%get3A_2, %get3A_3] : memref<1024x1xf32, #tpu.memory_space<vmem>>, vector<1024x1xf32>
    %add3A = arith.addf %get3A_1, %get3A_4 : vector<1024x1xf32>
    %add3A_5 = arith.constant 1.000000e-16 : f32
    %add3A_6 = vector.broadcast %add3A_5 : f32 to vector<1024x1xf32>
    %add3A_7 = arith.addf %add3A, %add3A_6 : vector<1024x1xf32>
    %get3A_8 = arith.constant 0 : index
    %get3A_9 = arith.constant 0 : index
    %get3A_10 = vector.load %arg1[%get3A_8, %get3A_9] : memref<1024x128xf32, #tpu.memory_space<vmem>>, vector<1024x64xf32>
    %get3A_11 = arith.constant 0 : index
    %get3A_12 = arith.constant 0 : index
    %get3A_13 = vector.load %arg2[%get3A_11, %get3A_12] : memref<1024x128xf32, #tpu.memory_space<vmem>>, vector<1024x64xf32>
    %add3A_14 = arith.addf %get3A_10, %get3A_13 : vector<1024x64xf32>
    %div3A = vector.broadcast %add3A_7 : vector<1024x1xf32> to vector<1024x64xf32>
    %div3A_15 = arith.divf %add3A_14, %div3A : vector<1024x64xf32>
    %get3A_16 = arith.constant 0 : index
    %get3A_17 = arith.constant 0 : index
    %get3A_18 = vector.load %arg5[%get3A_16, %get3A_17] : memref<1x64xf32, #tpu.memory_space<vmem>>, vector<1x64xf32>
    %add3A_19 = vector.broadcast %get3A_18 : vector<1x64xf32> to vector<1024x64xf32>
    %add3A_20 = arith.addf %div3A_15, %add3A_19 : vector<1024x64xf32>
    %swap3A = arith.constant 0 : index
    %swap3A_21 = arith.constant 0 : index
    %swap3A_22 = vector.load %arg6[%swap3A, %swap3A_21] : memref<1024x64xf32, #tpu.memory_space<vmem>>, vector<1024x64xf32>
    tpu.vector_store %arg6[%swap3A, %swap3A_21], %add3A_20 {strides = array<i32>} : memref<1024x64xf32, #tpu.memory_space<vmem>>, vector<1024x64xf32>,
    return
  }
  func.func @transform_0(%arg0: i32) -> (i32, i32) {
    %c0_i32 = arith.constant 0 : i32
    %c0_i32_0 = arith.constant 0 : i32
    return %arg0, %c0_i32 : i32, i32
  }
  func.func @transform_1(%arg0: i32) -> (i32, i32) {
    %c0_i32 = arith.constant 0 : i32
    %c0_i32_0 = arith.constant 0 : i32
    return %arg0, %c0_i32 : i32, i32
  }
  func.func @transform_2(%arg0: i32) -> (i32, i32) {
    %c0_i32 = arith.constant 0 : i32
    %c0_i32_0 = arith.constant 0 : i32
    return %arg0, %c0_i32 : i32, i32
  }
  func.func @transform_3(%arg0: i32) -> (i32, i32) {
    %c0_i32 = arith.constant 0 : i32
    %c0_i32_0 = arith.constant 0 : i32
    return %arg0, %c0_i32 : i32, i32
  }
  func.func @transform_4(%arg0: i32) -> (i32, i32) {
    %c0_i32 = arith.constant 0 : i32
    %c0_i32_0 = arith.constant 0 : i32
    %c0_i32_1 = arith.constant 0 : i32
    return %c0_i32, %c0_i32_0 : i32, i32
  }
  func.func @transform_5(%arg0: i32) -> (i32, i32) {
    %c0_i32 = arith.constant 0 : i32
    %c0_i32_0 = arith.constant 0 : i32
    return %arg0, %c0_i32 : i32, i32
  }
}

</mosaic_0001>

<sc_bundles>
// kernel: kernel.10.cloned.1.call-start
scs
__scs_entry_jumppad:
0x0: {  	(pc) =	sbr.rel $0x88, $3  }
0x1: {  	(tag) =	ssettag $0x0;
	lr =	simm.s32 $0x1  }
0x2: {  	[smem:$0x3F96] =	sst lr;
	_ =	strace $0xD0000000  }
0x3: {  	_ = 	snop  }
0x4: {  	_ = 	snop  }
0x5: {  	_ = 	snop  }
0x6: {  	_ = 	snop  }
0x7: {  	_ = 	snop  }
__scs_overlays_trampoline_lowered:
0x8: {  	[smem:$0x3FA5] =	sst s0  }
0x9: {  	[smem:$0x3FA6] =	sst s1  }
0xa: {  	[smem:$0x3FA7] =	sst s2  }
0xb: {  	[smem:$0x3FA8] =	sst s3  }
0xc: {  	[smem:$0x3FA9] =	sst s4  }
0xd: {  	[smem:$0x3FAA] =	sst s5  }
0xe: {  	[smem:$0x3FAB] =	sst s6  }
0xf: {  	[smem:$0x3FAC] =	sst s7  }
0x10: {  	[smem:$0x3FAD] =	sst s8  }
0x11: {  	[smem:$0x3FAE] =	sst s9;
	s0 =	simm.s32 @!p0 $0x0  }
0x12: {  	s1 =	sld [smem:$0x3F94];
	s0 =	simm.s32 @p0 $0x1  }
0x13: {  	[smem:$0x3FAF] =	sst s0;
	s0 =	simm.s32 @!p1 $0x0  }
0x14: {  	s2 =	sld [smem:$0x3F93];
	s0 =	simm.s32 @p1 $0x1  }
0x15: {  	[smem:$0x3FB0] =	sst s0;
	s0 =	simm.s32 @!p2 $0x0  }
0x16: {  	s3 =	sld [smem:$0x3FDB];
	s0 =	simm.s32 @p2 $0x1  }
0x17: {  	s4 =	simm.s32 $0x1BF5;
	[smem:$0x3FB2] =	sst s0  }
0x18: {  	s0 =	sld [smem:$0x3F95];
	_ =	swait.ge [sflag:s4], $0x0  }
0x19: {  	s7 =	sld [smem:$0x3F96]  }
0x1a: {  	s8 =	sadd.s32 $0xFFFFE003, lr  }
0x1b: {  	s9 =	sadd.s32 $0xFFFFFEF7, lr;
	s5 =	simm.s32 $0xFFFFFFFF;
	p2 =	slt.u32 s8, $0xFFFFF086  }
0x1c: {  	p1 =	slt.u32 s9, $0xF7A;
	s5 =	simm.s32 @!p2 $0x0  }
0x1d: {  	s5 =	simm.s32 @p1 $0x1;
	p0 =	seq.s32 s7, s2  }
0x1e: {  	s7 =	smul.u32 @!p0 $0xF7A, s2;
	p2 =	seq.s32 @!p0 s5, $0x0  }
0x1f: {  	s9 =	smul.u32 $0xF7A, s1;
	s8 =	simm.s32 @!p0 $0x1BF5;
	p2 =	por !p2, p0  }
0x20: {  	[sflag:s8] =	ssyncset.s32 @!p0 $0xFFFFF086;
	s6 =	sadd.s32 @!p0 s3, s7;
	s7 =	simm.s32 @!p0 $0x108  }
0x21: {  	s3 =	sadd.s32 s3, s9;
	s6 =	sadd.s32 @!p0 $0x88, s6;
	s7 =	simm.s32 @p2 $0x1082  }
0x22: {  	[simem:s7], [sflag:s8] =	dma.local @!p0 [hbm:s6], $0xF7A  }
0x23: {  	s9 =	sor.u32 $0xD0000000, s2;
	s6 =	simm.s32 $0x108;
	_ =	swait.ge @!p0 [sflag:s8], $0x0  }
0x24: {  	s3 =	sadd.s32 $0x88, s3;
	s6 =	simm.s32 @!p1 $0x1082;
	[sflag:s4] =	ssyncset.s32 $0xFFFFF086  }
0x25: {  	[simem:s6], [sflag:s4] =	dma.local [hbm:s3], $0xF7A  }
0x26: {  	[smem:$0x3F96] =	sst s1;
	(tag) =	ssettag s2;
	_ =	strace s9  }
0x27: {  	s1 =	sld [smem:$0x3FA6]  }
0x28: {  	s2 =	sld [smem:$0x3FA7]  }
0x29: {  	s4 =	sld [smem:$0x3FA9]  }
0x2a: {  	p0 =	seq.s32 s5, $0x0;
	s5 =	sld [smem:$0x3FAA]  }
0x2b: {  	s6 =	sld [smem:$0x3FAB]  }
0x2c: {  	s7 =	sld [smem:$0x3FAC]  }
0x2d: {  	s3 =	simm.s32 $0x108;
	s8 =	sld [smem:$0x3FAD]  }
0x2e: {  	s3 =	simm.s32 @!p0 $0x1082;
	s9 =	sld [smem:$0x3FAE]  }
0x2f: {  	lr =	sadd.s32 s0, s3;
	s0 =	sld [smem:$0x3FA5]  }
0x30: {  	s3 =	sld [smem:$0x3FA8]  }
0x31: {  	[smem:$0x3FB1] =	sst s10  }
0x32: {  	s10 =	sld [smem:$0x3FAF];
	_ =	sdelay $0x3  }
0x33: {  	p0 =	seq.s32 s10, $0x1;
	s10 =	sld [smem:$0x3FB1];
	_ =	sdelay $0x3  }
0x34: {  	[smem:$0x3FB1] =	sst s10  }
0x35: {  	s10 =	sld [smem:$0x3FB0];
	_ =	sdelay $0x3  }
0x36: {  	p1 =	seq.s32 s10, $0x1;
	s10 =	sld [smem:$0x3FB1];
	_ =	sdelay $0x3  }
0x37: {  	[smem:$0x3FB1] =	sst s10  }
0x38: {  	s10 =	sld [smem:$0x3FB2]  }
0x39: {  	_ = 	snop;
	(pc) =	sbr.ind lr, $3  }
0x3a: {  	_ = 	snop  }
0x3b: {  	_ = 	snop  }
0x3c: {  	p2 =	seq.s32 s10, $0x1;
	s10 =	sld [smem:$0x3FB1]  }
0x3d: {  	_ =	shalt  }
0x3e: {  	_ =	shalt  }
0x3f: {  	_ =	shalt  }
0x40: {  	_ =	shalt  }
0x41: {  	_ =	shalt  }
0x42: {  	_ =	shalt  }
0x43: {  	_ =	shalt  }
0x44: {  	_ =	shalt  }
0x45: {  	_ =	shalt  }
0x46: {  	_ =	shalt  }
0x47: {  	_ =	shalt  }
0x48: {  	_ =	shalt  }
0x49: {  	_ =	shalt  }
0x4a: {  	_ =	shalt  }
0x4b: {  	_ =	shalt  }
0x4c: {  	_ =	shalt  }
0x4d: {  	_ =	shalt  }
0x4e: {  	_ =	shalt  }
0x4f: {  	_ =	shalt  }
0x50: {  	_ =	shalt  }
0x51: {  	_ =	shalt  }
0x52: {  	_ =	shalt  }
0x53: {  	_ =	shalt  }
0x54: {  	_ =	shalt  }
0x55: {  	_ =	shalt  }
0x56: {  	_ =	shalt  }
0x57: {  	_ =	shalt  }
0x58: {  	_ =	shalt  }
0x59: {  	_ =	shalt  }
0x5a: {  	_ =	shalt  }
0x5b: {  	_ =	shalt  }
0x5c: {  	_ =	shalt  }
0x5d: {  	_ =	shalt  }
0x5e: {  	_ =	shalt  }
0x5f: {  	_ =	shalt  }
0x60: {  	_ =	shalt  }
0x61: {  	_ =	shalt  }
0x62: {  	_ =	shalt  }
0x63: {  	_ =	shalt  }
0x64: {  	_ =	shalt  }
0x65: {  	_ =	shalt  }
0x66: {  	_ =	shalt  }
0x67: {  	_ =	shalt  }
0x68: {  	_ =	shalt  }
0x69: {  	_ =	shalt  }
0x6a: {  	_ =	shalt  }
0x6b: {  	_ =	shalt  }
0x6c: {  	_ =	shalt  }
0x6d: {  	_ =	shalt  }
0x6e: {  	_ =	shalt  }
0x6f: {  	_ =	shalt  }
0x70: {  	_ =	shalt  }
0x71: {  	_ =	shalt  }
0x72: {  	_ =	shalt  }
0x73: {  	_ =	shalt  }
0x74: {  	_ =	shalt  }
0x75: {  	_ =	shalt  }
0x76: {  	_ =	shalt  }
0x77: {  	_ =	shalt  }
0x78: {  	_ =	shalt  }
0x79: {  	_ =	shalt  }
0x7a: {  	_ =	shalt  }
0x7b: {  	_ =	shalt  }
0x7c: {  	_ =	shalt  }
0x7d: {  	_ =	shalt  }
0x7e: {  	_ =	shalt  }
0x7f: {  	_ =	shalt  }
0x80: {  	_ =	shalt  }
0x81: {  	_ =	shalt  }
0x82: {  	_ =	shalt  }
0x83: {  	_ =	shalt  }
0x84: {  	_ =	shalt  }
0x85: {  	_ =	shalt  }
0x86: {  	_ =	shalt  }
0x87: {  	_ =	shalt  }
.Lfunc_end0:
.L_simem_size_0:
called_computation.1_lowered:
.L_overlay_start_0:
0x88: {  	s2 =	sld [smem:$0x3FD9]  }
0x89: {  	s3 =	sld [smem:$0x3FFE];
	_ =	sdelay $0x1  }
0x8a: {  	s1 =	srdreg.scid  }
0x8b: {  	s0 =	sand.u32 $0x1, s1  }
0x8c: {  	s17 =	sshll.u32 s0, $0xA;
	s2 =	sadd.s32 s3, s2  }
0x8d: {  	s2 =	sadd.s32 s2, s17  }
0x8e: {  	[smem:$0x3FBD] =	sst s2  }
0x8f: {  	_ = 	snop  }
0x90: {  	s2 =	sld [smem:$0x3FD0];
	(tm) =	ssettm $0x1  }
0x91: {  	s18 =	sld [smem:$0x3FFB];
	_ =	sdelay $0x3  }
0x92: {  	_ =	strace s18  }
0x93: {  	s3 =	sld [smem:$0x3FFC];
	_ =	sdelay $0x3  }
0x94: {  	_ =	strace s3  }
0x95: {  	s3 =	sld [smem:$0x3FFD];
	_ =	sdelay $0x3  }
0x96: {  	_ =	strace s3  }
0x97: {  	_ =	strace $0x8FFFFFFF  }
0x98: {  	s19 =	sld [smem:$0x3FDB];
	_ =	sdelay $0x1  }
0x99: {  	s4 =	simm.s32 $_scs_section_size  }
0x9a: {  	s5 =	simm.s32 $_size__tile_overlayer_lowered;
	s6 =	simm.s32 $_tile_overlayer_lowered  }
0x9b: {  	s22 =	simm.s32 $0x1BFF;
	s21 =	sshll.u32 s6, $0x1;
	s3 =	sadd.s32 s4, s19  }
0x9c: {  	s7 =	simm.s32 $0x0;
	s20 =	sshll.u32 s5, $0x1;
	s5 =	sadd.s32 s21, s3  }
0x9d: {  	[timem:s7], [sflag:s22] =	dma.local [hbm:s5], s20  }
0x9e: {  	_ =	swait.ge [sflag:s22], s20  }
0x9f: {  	s4 =	ssub.s32 $0x0, s20;
	[sflag:s22] =	ssyncset.done $0x0  }
0xa0: {  	[sflag:s22] =	ssyncadd.s32 s4;
	_ =	sdelay $0x1  }
0xa1: {  	s23 =	simm.s32 $0x1B8B  }
0xa2: {  	_ =	swait.ge [sflag:s23], $0x1  }
0xa3: {  	[sflag:s23] =	ssyncset.done $0x0  }
0xa4: {  	s25 =	simm.s32 $0x1B8E;
	s24 =	sld [smem:$0x3FFE];
	[sflag:s23] =	ssyncadd.s32 $0xFFFFFFFF  }
0xa5: {  	s26 =	simm.s32 $execute0_lowered;
	[smem:$0x3FD2] =	sst s25  }
0xa6: {  	s5 =	sshll.u32 s26, $0x1;
	_ =	strace $0x80000049;
	[dreg:$0x1] =	wrdreg $0xFFFFFFFF  }
0xa7: {  	s28 =	simm.s32 $_size_execute0_lowered;
	s3 =	sadd.s32 s3, s5;
	[dreg:$0x0] =	wrdreg $0x0  }
0xa8: {  	s5 =	sshll.u32 s28, $0x1;
	[dreg:$0x2] =	wrdreg s3  }
0xa9: {  	[dreg:$0x3] =	wrdreg s5  }
0xaa: {  	[dreg:$0x4] =	wrdreg $0xC0  }
0xab: {  	_ =	task [dreg:s7], $0x5FFFF  }
0xac: {  	[dreg:$0x1] =	wrdreg $0xFFFFFFFF  }
0xad: {  	[dreg:$0x0] =	wrdreg $0x60  }
0xae: {  	[dreg:$0x2] =	wrdreg s24  }
0xaf: {  	[dreg:$0x3] =	wrdreg s2  }
0xb0: {  	[dreg:$0x4] =	wrdreg $0xB0800  }
0xb1: {  	[dreg:$0x5] =	wrdreg $0x1F0800  }
0xb2: {  	[dreg:$0x6] =	wrdreg $0x9  }
0xb3: {  	_ =	task.clear_ibuf [dreg:s7], $0x7FFFF;
	_ =	strace $0x90000049  }
0xb4: {  	s29 =	simm.s32 $0x9;
	_ =	strace $0x8000004B  }
0xb5: {  	_ =	swait.ge [sflag:s29], $0x1  }
0xb6: {  	[sflag:s29] =	ssyncadd.s32 $0xFFFFFFFF  }
0xb7: {  	_ =	strace $0x9000004B  }
0xb8: {  	_ =	sfence  }
0xb9: {  	s30 =	sld [smem:$0x0];
	_ =	sdelay $0x2  }
0xba: {  	s31 =	sshll.u32 s1, $0xD;
	s1 =	sshrl.u32 s1, $0x2  }
0xbb: {  	s3 =	sand.u32 $0x4000, s31;
	s1 =	sadd.s32 s1, s30  }
0xbc: {  	s0 =	sor.u32 s3, s0;
	s1 =	sshll.u32 s1, $0x11  }
0xbd: {  	s0 =	sor.u32 s1, s0  }
0xbe: {  	s0 =	sadd.s32 $0x8F2B, s0  }
0xbf: {  	[sflag:s0] =	ssyncadd.remote.s32 $0x1  }
0xc0: {  	_ =	sfence.sel $0xFFFF  }
0xc1: {  	[dreg:$0x0] =	wrdreg $0xFFFFFFFF;
	(pc) =	sbr.abs _section_cstart, $3  }
0xc2: {  	[dreg:$0x1] =	wrdreg $0xFFFFFFFF  }
0xc3: {  	_ =	task.clear_ibuf [dreg:s7], $0x2FFFF;
	_ =	strace $0x9FFFFFFF  }
0xc4: {  	(tm) =	ssettm $0x7FFFFFFF  }
0xc5: {  	_ =	shalt  }
tec
execute0_lowered:
.L_overlay_start_1:
0x0: {  	(tag) =	ssettag $0x1  }
0x1: {  	s0 =	rddreg [dreg:$0x0]  }
0x2: {  	s1 =	rddreg [dreg:$0x1]  }
0x3: {  	s2 =	rddreg [dreg:$0x2]  }
0x4: {  	s3 =	rddreg [dreg:$0x3];
	s4 =	simm.s32 $0x0  }
0x5: {  	s6 =	srdreg.scid;
	s18 =	stileid.u32;
	s31 =	simm.s32 $0x3  }
0x6: {  	s29 =	simm.s32 $0x8880;
	s30 =	simm.s32 $0x1;
	[smem:$0x7FF] =	sst s4  }
0x7: {  	s5 =	sadd.s32 $0x23000, s0;
	s13 =	sadd.s32 $0x4B800, s0;
	s14 =	sadd.s32 $0x4B200, s0  }
0x8: {  	s15 =	sadd.s32 $0x4B000, s0;
	s9 =	sadd.s32 $0x13600, s0;
	s10 =	sadd.s32 $0x3C00, s0  }
0x9: {  	s16 =	sadd.s32 $0x4C000, s0;
	_ =	strace $0x8000004A;
	[dreg:$0x5] =	wrdreg s13  }
0xa: {  	s17 =	sadd.s32 $0x4BE00, s0;
	s7 =	sadd.s32 $0x4F400, s0;
	[dreg:$0x6] =	wrdreg s14  }
0xb: {  	s8 =	sadd.s32 $0x77400, s0;
	s6 =	sand.u32 $0x1, s6;
	[dreg:$0x7] =	wrdreg s15  }
0xc: {  	s11 =	sadd.s32 $0x4E800, s0;
	s0 =	sadd.s32 $0x4EE00, s0;
	[dreg:$0x8] =	wrdreg s16  }
0xd: {  	s19 =	sshll.u32 s18, $0x6;
	s24 =	smul.u32 $0x2800, s18;
	[dreg:$0x9] =	wrdreg s17  }
0xe: {  	s12 =	sshll.u32 s6, $0x4;
	s13 =	ssub.s32 $0x2, s6;
	s14 =	smul.u32 $0x50000, s18  }
0xf: {  	s17 =	smul.u32 $0x280, s18;
	p0 =	seq.s32 s6, $0x1;
	s6 =	simm.s32 $0x2  }
0x10: {  	s12 =	sor.u32 s18, s12;
	s15 =	sshrl.u32 s13, $0x1;
	s7 =	smov.u32 @p0 s8  }
0x11: {  	s11 =	smov.u32 @p0 s0;
	s8 =	simm.s32 $0x0;
	s16 =	smul.u32 $0x7D, s12  }
0x12: {  	s13 =	ssub.s32 s13, s15;
	s14 =	sshrl.u32 s14, $0x2;
	s20 =	sadd.s32 s17, s3  }
0x13: {  	s12 =	smul.u32 $0x7D0, s12;
	s0 =	sadd.s32 s7, s24;
	[dreg:$0xb] =	wrdreg s20  }
0x14: {  	s15 =	sor.u32 $0x1C04, s19;
	s14 =	sadd.s32 s14, s2;
	[dreg:$0x10] =	wrdreg s0  }
0x15: {  	s25 =	sshrl.u32 s17, $0x3;
	s26 =	smax.u32 s13, $0x1;
	[dreg:$0xa] =	wrdreg s14  }
0x16: {  	s24 =	simm.s32 $0x4;
	s28 =	sadd.s32 s11, s25;
	[dreg:$0xf] =	wrdreg s26  }
0x17: {  	s25 =	simm.s32 $0x2800;
	s21 =	sadd.s32 s1, s12;
	[dreg:$0x11] =	wrdreg s28  }
0x18: {  	s0 =	simm.s32 $0x50;
	s22 =	sadd.s32 s9, s12;
	[dreg:$0xc] =	wrdreg s21  }
0x19: {  	s13 =	simm.s32 $0x6080;
	s23 =	sadd.s32 s10, s12;
	[dreg:$0xd] =	wrdreg s22  }
0x1a: {  	s20 =	sadd.s32 $0x5, s16;
	s26 =	simm.s32 $0x6000;
	[dreg:$0xe] =	wrdreg s23  }
.LBB2_1:
0x1b: {  	s4 =	rddreg [dreg:$0xa]  }
0x1c: {  	s21 =	rddreg [dreg:$0x8];
	s11 =	sshrl.u32 s4, $0x3  }
0x1d: {  	[spmem:s11], [sflag:s15] =	dma.local [hbm:s21], $0x2800  }
0x1e: {  	_ =	swait.ge [sflag:s24], $0x2800  }
0x1f: {  	[sflag:s24] =	ssyncset.done $0x0;
	s22 =	rddreg [dreg:$0xb]  }
0x20: {  	s23 =	rddreg [dreg:$0x9];
	[sflag:s24] =	ssyncadd.s32 $0xFFFFD800;
	s12 =	sshrl.u32 s22, $0x3  }
0x21: {  	[spmem:s12], [sflag:s15] =	dma.local [hbm:s23], $0x50  }
0x22: {  	_ =	swait.ge [sflag:s24], $0x50  }
0x23: {  	[sflag:s24] =	ssyncset.done $0x0  }
0x24: {  	s28 =	simm.s32 $0x0;
	s7 =	rddreg [dreg:$0x5];
	[sflag:s24] =	ssyncadd.s32 $0xFFFFFFB0  }
0x25: {  	[tilespmem:s28], [sflag:$0x4] =	stream.linear.gather [hbm4b:s7+s28], $0x2800, $0x38;
	[tilespmem:$0x1F300] =	vst v63  }
0x26: {  	_ =	swait.ge [sflag:s24], $0x2800  }
0x27: {  	[sflag:s24] =	ssyncset.done $0x0  }
0x28: {  	s16 =	rddreg [dreg:$0x6];
	[sflag:s24] =	ssyncadd.s32 $0xFFFFD800  }
0x29: {  	[tilespmem:s25], [sflag:$0x4] =	stream.linear.gather [hbm4b:s16+s28], $0x2800, $0x38;
	[tilespmem:$0x1F300] =	vst v63  }
0x2a: {  	_ =	swait.ge [sflag:s24], $0x2800  }
0x2b: {  	[sflag:s24] =	ssyncset.done $0x0  }
0x2c: {  	s14 =	simm.s32 $0x5000;
	s17 =	rddreg [dreg:$0x7];
	[sflag:s24] =	ssyncadd.s32 $0xFFFFD800  }
0x2d: {  	[tilespmem:s14], [sflag:$0x4] =	stream.linear.gather [hbm4b:s17+s28], $0x100, $0x38;
	[tilespmem:$0x1F300] =	vst v63  }
0x2e: {  	_ =	swait.ge [sflag:s24], $0x100  }
0x2f: {  	[sflag:s24] =	ssyncset.done $0x0  }
0x30: {  	[sflag:s24] =	ssyncadd.s32 $0xFFFFFF00  }
0x31: {  	[bflag:$0x0] =	sbarrier.arrive $0xFFFF  }
0x32: {  	v0 =	vld [tilespmem:$0x5000]  }
0x33: {  	v1 =	vld [tilespmem:$0x5080];
	_ =	sdelay $0x3  }
0x34: {  	(v2sf) =	vpush v0, $0x0  }
0x35: {  	(v2sf) =	vpush v1, $0x0;
	_ =	sdelay $0x7  }
0x36: {  	s17 =	simm.s32 $0x5100;
	s18 =	rddreg [dreg:$0xc]  }
0x37: {  	[tilespmem:s17], [sflag:$0x3] =	stream.linear.gather [hbm4b:s18+s28], $0x280, $0x38;
	[tilespmem:$0x1F300] =	vst v63  }
0x38: {  	s16 =	simm.s32 $0x5600;
	s21 =	rddreg [dreg:$0xd]  }
0x39: {  	[tilespmem:s16], [sflag:$0x3] =	stream.linear.gather [hbm4b:s21+s28], $0x280, $0x38;
	[tilespmem:$0x1F300] =	vst v63  }
0x3a: {  	s23 =	rddreg [dreg:$0xe];
	s18 =	simm.s32 $0x5B00  }
0x3b: {  	[tilespmem:s18], [sflag:$0x3] =	stream.linear.gather [hbm4b:s23+s28], $0x280, $0x38;
	[tilespmem:$0x1F300] =	vst v63  }
0x3c: {  	s19 =	spop (v2sf)  }
0x3d: {  	s22 =	spop (v2sf)  }
0x3e: {  	_ =	swait.ge [sflag:s31], $0x280  }
0x3f: {  	[sflag:s31] =	ssyncset.done $0x0  }
0x40: {  	[sflag:s31] =	ssyncadd.s32 $0xFFFFFD80  }
0x41: {  	_ =	swait.ge [sflag:s31], $0x280  }
0x42: {  	s7 =	sadd.f32 s22, s19;
	[sflag:s31] =	ssyncset.done $0x0  }
0x43: {  	[sflag:s31] =	ssyncadd.s32 $0xFFFFFD80  }
0x44: {  	p0 =	sgt.f32 s7, $0.0e+00;
	s14 =	smul.f32 $2.000000030e-01, s7;
	_ =	swait.ge [sflag:s31], $0x280  }
.Ltmp0:
0x45: {  	[sflag:s31] =	ssyncset.done $0x0;
	(pc) =	sbr.rel .LBB2_2-.Ltmp0, $4  }
0x46: {  	s14 =	smov.u32 @p0 s7;
	[sflag:s31] =	ssyncadd.s32 $0xFFFFFD80  }
0x47: {  	[tilespmem:s13], [sflag:$0x1] =	stream.indirect.gather [hbm4b:s5+s0], $0x80, s17, s0, $0xb8;
	[tilespmem:$0x1F300] =	vst v63  }
0x48: {  	s28 =	simm.s32 $0x5180;
	v0 =	vmov s14;
	s14 =	simm.s32 $0x0  }
0x49: {  	[tilespmem:s29], [sflag:$0x1] =	stream.indirect.gather [hbm4b:s5+s0], $0x80, s28, s0, $0xb8;
	[tilespmem:$0x1F300] =	vst v63  }
.LBB2_11:
0x4a: {  	_ =	swait.ge [sflag:s31], $0x280  }
0x4b: {  	[sflag:s31] =	ssyncset.done $0x0  }
0x4c: {  	[sflag:s31] =	ssyncadd.s32 $0xFFFFFD80  }
0x4d: {  	_ =	swait.ge [sflag:s31], $0x280  }
0x4e: {  	[sflag:s31] =	ssyncset.done $0x0  }
0x4f: {  	[sflag:s31] =	ssyncadd.s32 $0xFFFFFD80  }
0x50: {  	_ =	swait.ge [sflag:s31], $0x280  }
0x51: {  	[sflag:s31] =	ssyncset.done $0x0  }
0x52: {  	[sflag:s31] =	ssyncadd.s32 $0xFFFFFD80  }
.LBB2_13:
0x53: {  	s4 =	sadd.s32 $0x3, s16  }
0x54: {  	s7 =	smulhi.u32 $0x66666667, s4;
	_ =	sdelay $0x1  }
0x55: {  	s7 =	sshrl.u32 s7, $0x2  }
0x56: {  	s7 =	smul.u32 $0xA, s7;
	_ =	sdelay $0x1  }
0x57: {  	s4 =	ssub.s32 s4, s7  }
0x58: {  	s4 =	sshll.u32 s4, $0x7  }
0x59: {  	s14 =	sadd.s32 $0x1, s14;
	s4 =	sadd.s32 $0x5100, s4  }
0x5a: {  	[tilespmem:s29], [sflag:$0x1] =	stream.indirect.gather [hbm4b:s5+s0], $0x80, s4, s0, $0xb8;
	[tilespmem:$0x1F300] =	vst v63  }
.LBB2_2:
0x5b: {  	s7 =	smul.u32 $0x19A, s14;
	_ =	sdelay $0x1  }
0x5c: {  	s16 =	sshrl.u32 s7, $0xA  }
0x5d: {  	s16 =	sand.u32 $0x3F, s16  }
0x5e: {  	s17 =	smul.u32 $0x5, s16  }
0x5f: {  	s16 =	sshll.u32 s14, $0x1  }
0x60: {  	p0 =	sgt.u32 s14, $0x3B;
	s17 =	ssub.s32 s16, s17  }
0x61: {  	s17 =	sand.u32 @!p0 $0xFF, s17  }
0x62: {  	p1 =	sne.s32 @!p0 s17, $0x0  }
0x63: {  	p1 =	por p1, p0  }
0x64: {  	s18 =	smul.u32 @!p1 $0xCD, s16;
	_ =	sdelay $0x1  }
0x65: {  	s18 =	sshrl.u32 @!p1 s18, $0xA  }
0x66: {  	s19 =	sand.u32 @!p1 $0x3F, s18  }
0x67: {  	s18 =	sxor.u32 @!p1 $0xFFFFFFFF, s18;
	s19 =	smul.u32 @!p1 $0x5, s19  }
0x68: {  	s18 =	sand.u32 @!p1 $0x1, s18  }
0x69: {  	s7 =	sshrl.u32 s7, $0xB;
	s18 =	smul.u32 @!p1 $0x280, s18;
	s19 =	sadd.s32 @!p1 s19, s20  }
0x6a: {  	s7 =	sand.u32 $0x1F, s7;
	s19 =	sshll.u32 @!p1 s19, $0x4  }
0x6b: {  	s23 =	simm.s32 @!p1 $0x0;
	s21 =	sadd.s32 @!p1 $0x5100, s18;
	s22 =	sadd.s32 @!p1 s1, s19  }
0x6c: {  	[tilespmem:s21], [sflag:$0x3] =	stream.linear.gather @!p1 [hbm4b:s22+s23], $0x280, $0x38;
	[tilespmem:$0x1F300] =	vst v63  }
0x6d: {  	s7 =	smul.u32 $0xA, s7;
	s21 =	sadd.s32 @!p1 $0x5600, s18;
	s22 =	sadd.s32 @!p1 s9, s19  }
0x6e: {  	[tilespmem:s21], [sflag:$0x3] =	stream.linear.gather @!p1 [hbm4b:s22+s23], $0x280, $0x38;
	[tilespmem:$0x1F300] =	vst v63  }
0x6f: {  	s7 =	ssub.s32 s16, s7;
	s18 =	sadd.s32 @!p1 $0x5B00, s18;
	s19 =	sadd.s32 @!p1 s10, s19  }
0x70: {  	[tilespmem:s18], [sflag:$0x3] =	stream.linear.gather @!p1 [hbm4b:s19+s23], $0x280, $0x38;
	[tilespmem:$0x1F300] =	vst v63  }
0x71: {  	s7 =	sand.u32 $0xFE, s7;
	_ =	swait.ge [sflag:s30], $0x2800  }
0x72: {  	s28 =	simm.s32 $0x6100;
	s18 =	sshll.u32 s7, $0x7;
	[sflag:s30] =	ssyncset.done $0x0  }
0x73: {  	s21 =	simm.s32 $0x0;
	s19 =	simm.s32 $0x0;
	v1 =	vmov s18;
	[sflag:s30] =	ssyncadd.s32 $0xFFFFD800  }
.LBB2_3:
0x74: {  	_ =	sdelay $0x2  }
0x75: {  	s7 =	sshll.u32 s21, $0x4  }
0x76: {  	v2 =	vld.idx.msk [tilespmem:v1+s7+$0x5100 ss:$0x1], $0xffff  }
0x77: {  	v3 =	vld.idx.msk [tilespmem:v1+s7+$0x5600 ss:$0x1], $0xffff;
	_ =	sdelay $0x6  }
0x78: {  	v2 =	vld.idx.msk [tilespmem:v2+s19+$0x0], $0xffff  }
0x79: {  	v3 =	vld.idx.msk [tilespmem:v3+s25+$0x0], $0xffff;
	_ =	sdelay $0x4  }
0x7a: {  	v2 =	vadd.f32 v3, v2;
	_ =	sdelay $0x1  }
0x7b: {  	v3 =	vmul.f32 $2.000000030e-01, v2  }
0x7c: {  	vm0 =	vgt.f32 v2, $0.0e+00  }
0x7d: {  	v2 =	vsel vm0, v2, v3  }
0x7e: {  	v2 =	vsub.f32 v2, v0;
	_ =	sdelay $0x1  }
0x7f: {  	v2 =	vmul.f32 $1.442695020e+00, v2;
	_ =	sdelay $0x1  }
0x80: {  	(erf) = vpow2.f32 v2;
	_ =	sdelay $0x8  }
0x81: {  	v2 =	vpop (erf)  }
0x82: {  	[tilespmem:s7+$0x6000] =	vst v2  }
0x83: {  	v3 =	vld.idx.msk [tilespmem:v1+s7+$0x5B00 ss:$0x1], $0xffff;
	_ =	sdelay $0x3  }
0x84: {  	v6 =	vld [tilespmem:s28+$0xFFFFFF80]  }
0x85: {  	v9 =	vld [tilespmem:s28+$0x0];
	v4 =	vmul.f32 v2, v3  }
0x86: {  	s23 =	simm.s32 $0x1;
	v11 =	vld [tilespmem:s28+$0xFFFFFF90];
	v2 =	vmov s19  }
0x87: {  	v5 =	vld [tilespmem:s28+$0x10];
	v3 =	vmov s23;
	v2 =	vperm.xlane v4, v2  }
0x88: {  	v7 =	vld [tilespmem:s28+$0xFFFFFFA0];
	v3 =	vperm.xlane v4, v3  }
0x89: {  	v8 =	vld [tilespmem:s28+$0x20];
	v12 =	vmul.f32 v6, v2  }
0x8a: {  	v6 =	vld [tilespmem:s28+$0xFFFFFFB0];
	v10 =	vmul.f32 v9, v3  }
0x8b: {  	s22 =	smov.u32 s28;
	s7 =	simm.s32 $0x2;
	s23 =	sadd.s32 $0x100, s28;
	v11 =	vmul.f32 v11, v2;
	v9 =	vld [tilespmem:s28+$0x30];
	[tilespmem:s28+$0xFFFFFF80] =	vst v12  }
.LBB2_4:
0x8c: {  	v12 =	vld [tilespmem:s23+$0xFFFFFF80];
	p1 =	sne.s32 s7, $0xE;
	[tilespmem:s22+$0x0] =	vst v10;
	v5 =	vmul.f32 v5, v3  }
0x8d: {  	v10 =	vld [tilespmem:s23+$0x0];
	[tilespmem:s22+$0xFFFFFF90] =	vst v11;
	v7 =	vmul.f32 v7, v2  }
0x8e: {  	s4 =	sadd.s32 $0x1, s7;
	v11 =	vmov s7;
	v13 =	vld [tilespmem:s23+$0xFFFFFF90];
	[tilespmem:s22+$0x10] =	vst v5;
	v8 =	vmul.f32 v8, v3  }
.Ltmp1:
0x8f: {  	v14 =	vmov s4;
	v5 =	vld [tilespmem:s23+$0x10];
	[tilespmem:s22+$0xFFFFFFA0] =	vst v7;
	v6 =	vmul.f32 v6, v2;
	v2 =	vperm.xlane v4, v11;
	(pc) =	sbr.rel @p1 .LBB2_4-.Ltmp1, $4  }
0x90: {  	v7 =	vld [tilespmem:s23+$0xFFFFFFA0];
	[tilespmem:s22+$0x20] =	vst v8;
	v9 =	vmul.f32 v9, v3;
	v3 =	vperm.xlane v4, v14  }
0x91: {  	v11 =	vmul.f32 v12, v2;
	v8 =	vld [tilespmem:s23+$0x20];
	[tilespmem:s22+$0xFFFFFFB0] =	vst v6  }
0x92: {  	v10 =	vmul.f32 v10, v3;
	v6 =	vld [tilespmem:s23+$0xFFFFFFB0];
	[tilespmem:s22+$0x30] =	vst v9;
	s22 =	smov.u32 s23  }
0x93: {  	s7 =	sadd.s32 $0x2, s7;
	s23 =	sadd.s32 $0x100, s23;
	[tilespmem:s22+$0xFFFFFF80] =	vst v11;
	v11 =	vmul.f32 v13, v2;
	v9 =	vld [tilespmem:s22+$0x30]  }
0x94: {  	[tilespmem:s22+$0x0] =	vst v10;
	v4 =	vmul.f32 v5, v3;
	s21 =	sadd.s32 $0x1, s21  }
0x95: {  	[tilespmem:s22+$0xFFFFFF90] =	vst v11;
	v62 =	vmul.f32 v7, v2;
	p1 =	sne.s32 s21, $0x5  }
.Ltmp2:
0x96: {  	[tilespmem:s22+$0x10] =	vst v4;
	v63 =	vmul.f32 v8, v3;
	(pc) =	sbr.rel @p1 .LBB2_3-.Ltmp2, $4  }
0x97: {  	[tilespmem:s22+$0xFFFFFFA0] =	vst v62;
	v2 =	vmul.f32 v6, v2  }
0x98: {  	[tilespmem:s22+$0x20] =	vst v63;
	v3 =	vmul.f32 v9, v3  }
0x99: {  	[tilespmem:s22+$0xFFFFFFB0] =	vst v2  }
0x9a: {  	s28 =	sadd.s32 $0x800, s28;
	[tilespmem:s22+$0x30] =	vst v3  }
0x9b: {  	s4 =	sadd.s32 $0x5600, s18  }
0x9c: {  	[spmem:s2] =	stream.indirect.scatter.add.f32 [tilespmem:s13], [sflag:$0x2], $0x80, s4, s0, $0xb8;
	[tilespmem:$0x1F300] =	vst v63  }
0x9d: {  	_ = 	snop  }
0x9e: {  	[spmem:s3] =	stream.indirect.scatter.add.f32 [tilespmem:s26], [sflag:$0x2], $0x1, s4, s0, $0xb8;
	[tilespmem:$0x1F300] =	vst v63  }
0x9f: {  	_ =	swait.ge [sflag:s6], $0x2800  }
0xa0: {  	[sflag:s6] =	ssyncset.done $0x0  }
0xa1: {  	p1 =	sne.s32 @!p0 s17, $0x3;
	[sflag:s6] =	ssyncadd.s32 $0xFFFFD800  }
0xa2: {  	s7 =	sor.u32 $0x1, s16;
	s28 =	sadd.s32 $0x2, s16;
	_ =	swait.ge [sflag:s6], $0x50  }
0xa3: {  	p2 =	por p1, p0;
	s19 =	smulhi.u32 $0x66666667, s7;
	[sflag:s6] =	ssyncset.done $0x0  }
0xa4: {  	s22 =	smulhi.u32 $0x66666667, s28;
	s4 =	simm.s32 @!p2 $0x3;
	[sflag:s6] =	ssyncadd.s32 $0xFFFFFFB0  }
0xa5: {  	s21 =	sshrl.u32 s19, $0x1;
	_ =	swait.ge @!p2 [sflag:s4], $0x280  }
0xa6: {  	s17 =	sshrl.u32 s22, $0x2;
	s21 =	smul.u32 $0x5, s21;
	[sflag:s4] =	ssyncset.done @!p2 $0x0  }
0xa7: {  	s22 =	smul.u32 $0xA, s17;
	[sflag:s4] =	ssyncadd.s32 @!p2 $0xFFFFFD80  }
0xa8: {  	s17 =	ssub.s32 s7, s21;
	_ =	swait.ge @!p2 [sflag:s4], $0x280  }
0xa9: {  	s18 =	ssub.s32 s28, s22;
	p1 =	sne.s32 @!p0 s17, $0x0;
	[sflag:s4] =	ssyncset.done @!p2 $0x0  }
0xaa: {  	s18 =	sshll.u32 s18, $0x7;
	p1 =	por p1, p0;
	[sflag:s4] =	ssyncadd.s32 @!p2 $0xFFFFFD80  }
0xab: {  	s23 =	sadd.s32 $0x5100, s18;
	s18 =	smulhi.u32 @!p1 $0x66666667, s7;
	_ =	swait.ge @!p2 [sflag:s4], $0x280  }
0xac: {  	[sflag:s4] =	ssyncset.done @!p2 $0x0  }
0xad: {  	[sflag:s4] =	ssyncadd.s32 @!p2 $0xFFFFFD80;
	s4 =	sshrl.u32 @!p1 s18, $0x1  }
0xae: {  	[tilespmem:s13], [sflag:$0x1] =	stream.indirect.gather [hbm4b:s5+s0], $0x80, s23, s0, $0xb8;
	[tilespmem:$0x1F300] =	vst v63  }
0xaf: {  	s18 =	smul.u32 @!p1 $0x5, s4  }
0xb0: {  	s4 =	sxor.u32 @!p1 $0xFFFFFFFF, s4  }
0xb1: {  	s4 =	sand.u32 @!p1 $0x1, s4;
	s18 =	sadd.s32 @!p1 s18, s20  }
0xb2: {  	s4 =	smul.u32 @!p1 $0x280, s4;
	s18 =	sshll.u32 @!p1 s18, $0x4  }
0xb3: {  	s18 =	sand.u32 @!p1 $0x1FFFFFF0, s18  }
0xb4: {  	s23 =	simm.s32 @!p1 $0x0;
	s21 =	sadd.s32 @!p1 $0x5100, s4;
	s22 =	sadd.s32 @!p1 s1, s18  }
0xb5: {  	[tilespmem:s21], [sflag:$0x3] =	stream.linear.gather @!p1 [hbm4b:s22+s23], $0x280, $0x38;
	[tilespmem:$0x1F300] =	vst v63  }
0xb6: {  	s19 =	sshrl.u32 s19, $0x2;
	s21 =	sadd.s32 @!p1 $0x5600, s4;
	s22 =	sadd.s32 @!p1 s9, s18  }
0xb7: {  	[tilespmem:s21], [sflag:$0x3] =	stream.linear.gather @!p1 [hbm4b:s22+s23], $0x280, $0x38;
	[tilespmem:$0x1F300] =	vst v63  }
0xb8: {  	s19 =	smul.u32 $0xA, s19;
	s4 =	sadd.s32 @!p1 $0x5B00, s4;
	s18 =	sadd.s32 @!p1 s10, s18  }
0xb9: {  	[tilespmem:s4], [sflag:$0x3] =	stream.linear.gather @!p1 [hbm4b:s18+s23], $0x280, $0x38;
	[tilespmem:$0x1F300] =	vst v63  }
0xba: {  	s28 =	ssub.s32 s7, s19;
	_ =	swait.ge [sflag:s30], $0x2800  }
0xbb: {  	s19 =	simm.s32 $0x0;
	s18 =	sshll.u32 s28, $0x7;
	[sflag:s30] =	ssyncset.done $0x0  }
0xbc: {  	s22 =	simm.s32 $0x8930;
	s21 =	simm.s32 $0x0;
	v1 =	vmov s18;
	[sflag:s30] =	ssyncadd.s32 $0xFFFFD800  }
.LBB2_7:
0xbd: {  	_ =	sdelay $0x2  }
0xbe: {  	s4 =	sshll.u32 s21, $0x4  }
0xbf: {  	v2 =	vld.idx.msk [tilespmem:v1+s4+$0x5100 ss:$0x1], $0xffff  }
0xc0: {  	v3 =	vld.idx.msk [tilespmem:v1+s4+$0x5600 ss:$0x1], $0xffff;
	_ =	sdelay $0x6  }
0xc1: {  	v2 =	vld.idx.msk [tilespmem:v2+s19+$0x0], $0xffff  }
0xc2: {  	v3 =	vld.idx.msk [tilespmem:v3+s25+$0x0], $0xffff;
	_ =	sdelay $0x4  }
0xc3: {  	v2 =	vadd.f32 v3, v2;
	_ =	sdelay $0x1  }
0xc4: {  	v3 =	vmul.f32 $2.000000030e-01, v2  }
0xc5: {  	vm0 =	vgt.f32 v2, $0.0e+00  }
0xc6: {  	v2 =	vsel vm0, v2, v3  }
0xc7: {  	v2 =	vsub.f32 v2, v0;
	_ =	sdelay $0x1  }
0xc8: {  	v2 =	vmul.f32 $1.442695020e+00, v2;
	_ =	sdelay $0x1  }
0xc9: {  	(erf) = vpow2.f32 v2;
	_ =	sdelay $0x8  }
0xca: {  	v2 =	vpop (erf)  }
0xcb: {  	[tilespmem:s4+$0x6000] =	vst v2  }
0xcc: {  	v3 =	vld.idx.msk [tilespmem:v1+s4+$0x5B00 ss:$0x1], $0xffff;
	_ =	sdelay $0x3  }
0xcd: {  	v5 =	vld [tilespmem:s22+$0xFFFFFF50]  }
0xce: {  	v10 =	vld [tilespmem:s22+$0xFFFFFFD0];
	v4 =	vmul.f32 v2, v3  }
0xcf: {  	s23 =	simm.s32 $0x1;
	v6 =	vld [tilespmem:s22+$0xFFFFFF60];
	v2 =	vmov s19  }
0xd0: {  	v8 =	vmov s23;
	v7 =	vld [tilespmem:s22+$0xFFFFFFE0];
	v3 =	vperm.xlane v4, v2  }
0xd1: {  	v9 =	vld [tilespmem:s22+$0xFFFFFF70];
	v2 =	vperm.xlane v4, v8  }
0xd2: {  	v8 =	vld [tilespmem:s22+$0xFFFFFF80];
	v11 =	vmul.f32 v5, v3  }
0xd3: {  	s28 =	smov.u32 s22;
	s7 =	smov.u32 s22;
	s23 =	simm.s32 $0x2;
	v10 =	vmul.f32 v10, v2;
	v5 =	vld [tilespmem:s22+$0x0]  }
.LBB2_8:
0xd4: {  	p1 =	sne.s32 s23, $0xE;
	[tilespmem:s28+$0xFFFFFF50] =	vst v11;
	v6 =	vmul.f32 v6, v3;
	v11 =	vld [tilespmem:s28+$0xFFFFFFF0];
	s7 =	sadd.s32 $0x100, s7  }
0xd5: {  	v12 =	vld [tilespmem:s7+$0xFFFFFF50];
	[tilespmem:s28+$0xFFFFFFD0] =	vst v10;
	v7 =	vmul.f32 v7, v2  }
0xd6: {  	v10 =	vld [tilespmem:s7+$0xFFFFFFD0];
	[tilespmem:s28+$0xFFFFFF60] =	vst v6;
	v9 =	vmul.f32 v9, v3  }
.Ltmp3:
0xd7: {  	v13 =	vmov s23;
	s4 =	sadd.s32 $0x1, s23;
	v6 =	vld [tilespmem:s7+$0xFFFFFF60];
	[tilespmem:s28+$0xFFFFFFE0] =	vst v7;
	v8 =	vmul.f32 v8, v3;
	(pc) =	sbr.rel @p1 .LBB2_8-.Ltmp3, $4  }
0xd8: {  	v3 =	vperm.xlane v4, v13;
	v13 =	vmov s4;
	v7 =	vld [tilespmem:s7+$0xFFFFFFE0];
	[tilespmem:s28+$0xFFFFFF70] =	vst v9;
	v5 =	vmul.f32 v5, v2  }
0xd9: {  	v9 =	vld [tilespmem:s7+$0xFFFFFF70];
	v14 =	vmul.f32 v11, v2;
	v2 =	vperm.xlane v4, v13;
	[tilespmem:s28+$0xFFFFFF80] =	vst v8  }
0xda: {  	v11 =	vmul.f32 v12, v3;
	v8 =	vld [tilespmem:s7+$0xFFFFFF80];
	[tilespmem:s28+$0x0] =	vst v5  }
0xdb: {  	s23 =	sadd.s32 $0x2, s23;
	v10 =	vmul.f32 v10, v2;
	v5 =	vld [tilespmem:s7+$0x0];
	[tilespmem:s28+$0xFFFFFFF0] =	vst v14;
	s28 =	smov.u32 s7  }
0xdc: {  	[tilespmem:s28+$0xFFFFFF50] =	vst v11;
	v4 =	vmul.f32 v6, v3;
	v61 =	vld [tilespmem:s28+$0xFFFFFFF0]  }
0xdd: {  	s21 =	sadd.s32 $0x1, s21;
	[tilespmem:s28+$0xFFFFFFD0] =	vst v10;
	v7 =	vmul.f32 v7, v2  }
0xde: {  	p1 =	sne.s32 s21, $0x5;
	[tilespmem:s28+$0xFFFFFF60] =	vst v4;
	v62 =	vmul.f32 v9, v3  }
.Ltmp4:
0xdf: {  	[tilespmem:s28+$0xFFFFFFE0] =	vst v7;
	v3 =	vmul.f32 v8, v3;
	(pc) =	sbr.rel @p1 .LBB2_7-.Ltmp4, $4  }
0xe0: {  	[tilespmem:s28+$0xFFFFFF70] =	vst v62;
	v63 =	vmul.f32 v5, v2  }
0xe1: {  	v2 =	vmul.f32 v61, v2;
	[tilespmem:s28+$0xFFFFFF80] =	vst v3  }
0xe2: {  	[tilespmem:s28+$0x0] =	vst v63  }
0xe3: {  	s22 =	sadd.s32 $0x800, s22;
	[tilespmem:s28+$0xFFFFFFF0] =	vst v2  }
0xe4: {  	s4 =	sand.u32 $0x3FFFFF80, s18  }
0xe5: {  	s4 =	sadd.s32 $0x5600, s4  }
0xe6: {  	[spmem:s2] =	stream.indirect.scatter.add.f32 [tilespmem:s29], [sflag:$0x2], $0x80, s4, s0, $0xb8;
	[tilespmem:$0x1F300] =	vst v63  }
0xe7: {  	p1 =	sne.s32 @!p0 s17, $0x3  }
0xe8: {  	[spmem:s3] =	stream.indirect.scatter.add.f32 [tilespmem:s26], [sflag:$0x2], $0x1, s4, s0, $0xb8;
	[tilespmem:$0x1F300] =	vst v63  }
0xe9: {  	p0 =	por p0, p1;
	_ =	swait.ge [sflag:s6], $0x2800  }
.Ltmp5:
0xea: {  	[sflag:s6] =	ssyncset.done $0x0;
	(pc) =	sbr.rel @!p0 .LBB2_11-.Ltmp5, $4  }
0xeb: {  	[sflag:s6] =	ssyncadd.s32 $0xFFFFD800  }
0xec: {  	_ =	swait.ge [sflag:s6], $0x50  }
0xed: {  	[sflag:s6] =	ssyncset.done $0x0  }
0xee: {  	[sflag:s6] =	ssyncadd.s32 $0xFFFFFFB0  }
0xef: {  	p0 =	seq.s32 s14, $0x3D  }
.Ltmp6:
0xf0: {  	_ = 	snop;
	(pc) =	sbr.rel @!p0 .LBB2_13-.Ltmp6, $1  }
0xf1: {  	_ =	sdelay $0x3  }
0xf2: {  	_ =	swait.ge [sflag:s30], $0x2800  }
0xf3: {  	s14 =	simm.s32 $0x0;
	[sflag:s30] =	ssyncset.done $0x0  }
0xf4: {  	s16 =	simm.s32 $0x6100;
	s17 =	simm.s32 $0x0;
	[sflag:s30] =	ssyncadd.s32 $0xFFFFD800  }
.LBB2_15:
0xf5: {  	s4 =	sshll.u32 s17, $0x4  }
0xf6: {  	v1 =	vld [tilespmem:s4+$0x5300]  }
0xf7: {  	v2 =	vld [tilespmem:s4+$0x5800];
	_ =	sdelay $0x6  }
0xf8: {  	v1 =	vld.idx.msk [tilespmem:v1+s14+$0x0], $0xffff  }
0xf9: {  	v2 =	vld.idx.msk [tilespmem:v2+s25+$0x0], $0xffff;
	_ =	sdelay $0x4  }
0xfa: {  	v1 =	vadd.f32 v2, v1;
	_ =	sdelay $0x1  }
0xfb: {  	v2 =	vmul.f32 $2.000000030e-01, v1  }
0xfc: {  	vm0 =	vgt.f32 v1, $0.0e+00  }
0xfd: {  	v1 =	vsel vm0, v1, v2  }
0xfe: {  	v1 =	vsub.f32 v1, v0;
	_ =	sdelay $0x1  }
0xff: {  	v1 =	vmul.f32 $1.442695020e+00, v1;
	_ =	sdelay $0x1  }
0x100: {  	(erf) = vpow2.f32 v1;
	_ =	sdelay $0x6  }
0x101: {  	v1 =	vld [tilespmem:s4+$0x5D00];
	_ =	sdelay $0x1  }
0x102: {  	v2 =	vpop (erf)  }
0x103: {  	[tilespmem:s4+$0x6000] =	vst v2  }
0x104: {  	v5 =	vld [tilespmem:s16+$0xFFFFFF80]  }
0x105: {  	v3 =	vmul.f32 v2, v1;
	v8 =	vld [tilespmem:s16+$0x0]  }
0x106: {  	s28 =	simm.s32 $0x1;
	v1 =	vmov s14;
	v10 =	vld [tilespmem:s16+$0xFFFFFF90]  }
0x107: {  	v2 =	vmov s28;
	v4 =	vld [tilespmem:s16+$0x10];
	v1 =	vperm.xlane v3, v1  }
0x108: {  	v6 =	vld [tilespmem:s16+$0xFFFFFFA0];
	v2 =	vperm.xlane v3, v2  }
0x109: {  	v7 =	vld [tilespmem:s16+$0x20];
	v11 =	vmul.f32 v5, v1  }
0x10a: {  	v5 =	vld [tilespmem:s16+$0xFFFFFFB0];
	v9 =	vmul.f32 v8, v2  }
0x10b: {  	s19 =	sadd.s32 $0x100, s16;
	s7 =	simm.s32 $0x2;
	s18 =	smov.u32 s16;
	v10 =	vmul.f32 v10, v1;
	v8 =	vld [tilespmem:s16+$0x30];
	[tilespmem:s16+$0xFFFFFF80] =	vst v11  }
.LBB2_16:
0x10c: {  	v11 =	vld [tilespmem:s19+$0xFFFFFF80];
	p0 =	sne.s32 s7, $0xE;
	[tilespmem:s18+$0x0] =	vst v9;
	v4 =	vmul.f32 v4, v2  }
0x10d: {  	v9 =	vld [tilespmem:s19+$0x0];
	[tilespmem:s18+$0xFFFFFF90] =	vst v10;
	v6 =	vmul.f32 v6, v1  }
0x10e: {  	s4 =	sadd.s32 $0x1, s7;
	v10 =	vmov s7;
	v12 =	vld [tilespmem:s19+$0xFFFFFF90];
	[tilespmem:s18+$0x10] =	vst v4;
	v7 =	vmul.f32 v7, v2  }
.Ltmp7:
0x10f: {  	v13 =	vmov s4;
	v4 =	vld [tilespmem:s19+$0x10];
	[tilespmem:s18+$0xFFFFFFA0] =	vst v6;
	v5 =	vmul.f32 v5, v1;
	v1 =	vperm.xlane v3, v10;
	(pc) =	sbr.rel @p0 .LBB2_16-.Ltmp7, $4  }
0x110: {  	v6 =	vld [tilespmem:s19+$0xFFFFFFA0];
	[tilespmem:s18+$0x20] =	vst v7;
	v8 =	vmul.f32 v8, v2;
	v2 =	vperm.xlane v3, v13  }
0x111: {  	v10 =	vmul.f32 v11, v1;
	v7 =	vld [tilespmem:s19+$0x20];
	[tilespmem:s18+$0xFFFFFFB0] =	vst v5  }
0x112: {  	v9 =	vmul.f32 v9, v2;
	v5 =	vld [tilespmem:s19+$0xFFFFFFB0];
	[tilespmem:s18+$0x30] =	vst v8;
	s18 =	smov.u32 s19  }
0x113: {  	s7 =	sadd.s32 $0x2, s7;
	s19 =	sadd.s32 $0x100, s19;
	[tilespmem:s18+$0xFFFFFF80] =	vst v10;
	v10 =	vmul.f32 v12, v1;
	v8 =	vld [tilespmem:s18+$0x30]  }
0x114: {  	[tilespmem:s18+$0x0] =	vst v9;
	v3 =	vmul.f32 v4, v2;
	s17 =	sadd.s32 $0x1, s17  }
0x115: {  	[tilespmem:s18+$0xFFFFFF90] =	vst v10;
	v63 =	vmul.f32 v6, v1;
	p0 =	sne.s32 s17, $0x5  }
.Ltmp8:
0x116: {  	[tilespmem:s18+$0x10] =	vst v3;
	v3 =	vmul.f32 v7, v2;
	(pc) =	sbr.rel @p0 .LBB2_15-.Ltmp8, $4  }
0x117: {  	[tilespmem:s18+$0xFFFFFFA0] =	vst v63;
	v1 =	vmul.f32 v5, v1  }
0x118: {  	[tilespmem:s18+$0x20] =	vst v3;
	v2 =	vmul.f32 v8, v2  }
0x119: {  	[tilespmem:s18+$0xFFFFFFB0] =	vst v1  }
0x11a: {  	s16 =	sadd.s32 $0x800, s16;
	[tilespmem:s18+$0x30] =	vst v2  }
0x11b: {  	s4 =	simm.s32 $0x5800  }
0x11c: {  	[spmem:s2] =	stream.indirect.scatter.add.f32 [tilespmem:s13], [sflag:$0x2], $0x80, s4, s0, $0xb8;
	[tilespmem:$0x1F300] =	vst v63  }
0x11d: {  	_ = 	snop  }
0x11e: {  	[spmem:s3] =	stream.indirect.scatter.add.f32 [tilespmem:s26], [sflag:$0x2], $0x1, s4, s0, $0xb8;
	[tilespmem:$0x1F300] =	vst v63  }
0x11f: {  	_ =	swait.ge [sflag:s6], $0x2800  }
0x120: {  	[sflag:s6] =	ssyncset.done $0x0  }
0x121: {  	[sflag:s6] =	ssyncadd.s32 $0xFFFFD800  }
0x122: {  	_ =	swait.ge [sflag:s6], $0x50  }
0x123: {  	[sflag:s6] =	ssyncset.done $0x0  }
0x124: {  	[sflag:s6] =	ssyncadd.s32 $0xFFFFFFB0  }
0x125: {  	[bflag:$0x0] =	sbarrier.arrive $0xFFFF  }
0x126: {  	s22 =	rddreg [dreg:$0x10]  }
0x127: {  	[hbm:s22], [sflag:s15] =	dma.local [spmem:s11], $0x2800  }
0x128: {  	_ =	swait.ge [sflag:s24], $0x2800  }
0x129: {  	[sflag:s24] =	ssyncset.done $0x0  }
0x12a: {  	s23 =	rddreg [dreg:$0x11];
	[sflag:s24] =	ssyncadd.s32 $0xFFFFD800  }
0x12b: {  	[hbm:s23], [sflag:s15] =	dma.local [spmem:s12], $0x50  }
0x12c: {  	_ =	swait.ge [sflag:s24], $0x50  }
0x12d: {  	s8 =	sadd.s32 $0x1, s8;
	s28 =	rddreg [dreg:$0xf]  }
0x12e: {  	p0 =	sne.s32 s8, s28  }
.Ltmp9:
0x12f: {  	_ = 	snop;
	(pc) =	sbr.rel @p0 .LBB2_1-.Ltmp9, $3  }
0x130: {  	_ =	sdelay $0x1  }
0x131: {  	[sflag:s24] =	ssyncset.done $0x0  }
0x132: {  	[sflag:s24] =	ssyncadd.s32 $0xFFFFFFB0  }
0x133: {  	_ =	sfence.sel $0x180000  }
0x134: {  	[bflag:$0x0] =	sbarrier.arrive $0xFFFF  }
0x135: {  	_ =	strace $0x9000004A  }
0x136: {  	s0 =	stileid.u32;
	[bflag:$0x2] =	sbarrier.arrive $0xFFFF  }
0x137: {  	p0 =	sne.s32 s0, $0x0;
	s0 =	rddreg [dreg:$0x4]  }
0x138: {  	s0 =	sadd.s32 @!p0 $0x100000, s0  }
0x139: {  	[sflag:s0] =	ssyncadd.tile.s32 @!p0 $0x1;
	_ =	shalt  }
.Lfunc_end2:
_tile_overlayer_lowered:
.L_overlay_start_2:
0x13a: {  	(tag) =	ssettag $0x2  }
0x13b: {  	s0 =	rddreg [dreg:$0x0];
	s2 =	stileid.u32  }
0x13c: {  	s1 =	rddreg [dreg:$0x1];
	p0 =	sne.s32 s2, $0x0  }
0x13d: {  	s3 =	rddreg [dreg:$0x2];
	[bflag:$0x3] =	sbarrier.arrive $0xFFFF;
	s2 =	simm.s32 @!p0 $0x1C04  }
0x13e: {  	[timem:s3], [sflag:s2] =	dma.local @!p0 [hbm:s0], s1  }
0x13f: {  	s0 =	simm.s32 @!p0 $0x4  }
0x140: {  	_ =	swait.ge @!p0 [sflag:s0], s1  }
0x141: {  	s1 =	ssub.s32 @!p0 $0x0, s1;
	[sflag:s0] =	ssyncset.done @!p0 $0x0  }
0x142: {  	[sflag:s0] =	ssyncadd.s32 @!p0 s1  }
0x143: {  	[bflag:$0x3] =	sbarrier.arrive $0xFFFF  }
0x144: {  	_ =	shalt  }

// kernel: kernel.7.cloned.1.call-start
scs
__scs_entry_jumppad:
0x0: {  	(pc) =	sbr.rel $0x88, $3  }
0x1: {  	(tag) =	ssettag $0x0;
	lr =	simm.s32 $0x1  }
0x2: {  	[smem:$0x3F96] =	sst lr;
	_ =	strace $0xD0000000  }
0x3: {  	_ = 	snop  }
0x4: {  	_ = 	snop  }
0x5: {  	_ = 	snop  }
0x6: {  	_ = 	snop  }
0x7: {  	_ = 	snop  }
__scs_overlays_trampoline_lowered:
0x8: {  	[smem:$0x3FA5] =	sst s0  }
0x9: {  	[smem:$0x3FA6] =	sst s1  }
0xa: {  	[smem:$0x3FA7] =	sst s2  }
0xb: {  	[smem:$0x3FA8] =	sst s3  }
0xc: {  	[smem:$0x3FA9] =	sst s4  }
0xd: {  	[smem:$0x3FAA] =	sst s5  }
0xe: {  	[smem:$0x3FAB] =	sst s6  }
0xf: {  	[smem:$0x3FAC] =	sst s7  }
0x10: {  	[smem:$0x3FAD] =	sst s8  }
0x11: {  	[smem:$0x3FAE] =	sst s9;
	s0 =	simm.s32 @!p0 $0x0  }
0x12: {  	s1 =	sld [smem:$0x3F94];
	s0 =	simm.s32 @p0 $0x1  }
0x13: {  	[smem:$0x3FAF] =	sst s0;
	s0 =	simm.s32 @!p1 $0x0  }
0x14: {  	s2 =	sld [smem:$0x3F93];
	s0 =	simm.s32 @p1 $0x1  }
0x15: {  	[smem:$0x3FB0] =	sst s0;
	s0 =	simm.s32 @!p2 $0x0  }
0x16: {  	s3 =	sld [smem:$0x3FDB];
	s0 =	simm.s32 @p2 $0x1  }
0x17: {  	s4 =	simm.s32 $0x1BF5;
	[smem:$0x3FB2] =	sst s0  }
0x18: {  	s0 =	sld [smem:$0x3F95];
	_ =	swait.ge [sflag:s4], $0x0  }
0x19: {  	s7 =	sld [smem:$0x3F96]  }
0x1a: {  	s8 =	sadd.s32 $0xFFFFE003, lr  }
0x1b: {  	s9 =	sadd.s32 $0xFFFFFEF7, lr;
	s5 =	simm.s32 $0xFFFFFFFF;
	p2 =	slt.u32 s8, $0xFFFFF086  }
0x1c: {  	p1 =	slt.u32 s9, $0xF7A;
	s5 =	simm.s32 @!p2 $0x0  }
0x1d: {  	s5 =	simm.s32 @p1 $0x1;
	p0 =	seq.s32 s7, s2  }
0x1e: {  	s7 =	smul.u32 @!p0 $0xF7A, s2;
	p2 =	seq.s32 @!p0 s5, $0x0  }
0x1f: {  	s9 =	smul.u32 $0xF7A, s1;
	s8 =	simm.s32 @!p0 $0x1BF5;
	p2 =	por !p2, p0  }
0x20: {  	[sflag:s8] =	ssyncset.s32 @!p0 $0xFFFFF086;
	s6 =	sadd.s32 @!p0 s3, s7;
	s7 =	simm.s32 @!p0 $0x108  }
0x21: {  	s3 =	sadd.s32 s3, s9;
	s6 =	sadd.s32 @!p0 $0x88, s6;
	s7 =	simm.s32 @p2 $0x1082  }
0x22: {  	[simem:s7], [sflag:s8] =	dma.local @!p0 [hbm:s6], $0xF7A  }
0x23: {  	s9 =	sor.u32 $0xD0000000, s2;
	s6 =	simm.s32 $0x108;
	_ =	swait.ge @!p0 [sflag:s8], $0x0  }
0x24: {  	s3 =	sadd.s32 $0x88, s3;
	s6 =	simm.s32 @!p1 $0x1082;
	[sflag:s4] =	ssyncset.s32 $0xFFFFF086  }
0x25: {  	[simem:s6], [sflag:s4] =	dma.local [hbm:s3], $0xF7A  }
0x26: {  	[smem:$0x3F96] =	sst s1;
	(tag) =	ssettag s2;
	_ =	strace s9  }
0x27: {  	s1 =	sld [smem:$0x3FA6]  }
0x28: {  	s2 =	sld [smem:$0x3FA7]  }
0x29: {  	s4 =	sld [smem:$0x3FA9]  }
0x2a: {  	p0 =	seq.s32 s5, $0x0;
	s5 =	sld [smem:$0x3FAA]  }
0x2b: {  	s6 =	sld [smem:$0x3FAB]  }
0x2c: {  	s7 =	sld [smem:$0x3FAC]  }
0x2d: {  	s3 =	simm.s32 $0x108;
	s8 =	sld [smem:$0x3FAD]  }
0x2e: {  	s3 =	simm.s32 @!p0 $0x1082;
	s9 =	sld [smem:$0x3FAE]  }
0x2f: {  	lr =	sadd.s32 s0, s3;
	s0 =	sld [smem:$0x3FA5]  }
0x30: {  	s3 =	sld [smem:$0x3FA8]  }
0x31: {  	[smem:$0x3FB1] =	sst s10  }
0x32: {  	s10 =	sld [smem:$0x3FAF];
	_ =	sdelay $0x3  }
0x33: {  	p0 =	seq.s32 s10, $0x1;
	s10 =	sld [smem:$0x3FB1];
	_ =	sdelay $0x3  }
0x34: {  	[smem:$0x3FB1] =	sst s10  }
0x35: {  	s10 =	sld [smem:$0x3FB0];
	_ =	sdelay $0x3  }
0x36: {  	p1 =	seq.s32 s10, $0x1;
	s10 =	sld [smem:$0x3FB1];
	_ =	sdelay $0x3  }
0x37: {  	[smem:$0x3FB1] =	sst s10  }
0x38: {  	s10 =	sld [smem:$0x3FB2]  }
0x39: {  	_ = 	snop;
	(pc) =	sbr.ind lr, $3  }
0x3a: {  	_ = 	snop  }
0x3b: {  	_ = 	snop  }
0x3c: {  	p2 =	seq.s32 s10, $0x1;
	s10 =	sld [smem:$0x3FB1]  }
0x3d: {  	_ =	shalt  }
0x3e: {  	_ =	shalt  }
0x3f: {  	_ =	shalt  }
0x40: {  	_ =	shalt  }
0x41: {  	_ =	shalt  }
0x42: {  	_ =	shalt  }
0x43: {  	_ =	shalt  }
0x44: {  	_ =	shalt  }
0x45: {  	_ =	shalt  }
0x46: {  	_ =	shalt  }
0x47: {  	_ =	shalt  }
0x48: {  	_ =	shalt  }
0x49: {  	_ =	shalt  }
0x4a: {  	_ =	shalt  }
0x4b: {  	_ =	shalt  }
0x4c: {  	_ =	shalt  }
0x4d: {  	_ =	shalt  }
0x4e: {  	_ =	shalt  }
0x4f: {  	_ =	shalt  }
0x50: {  	_ =	shalt  }
0x51: {  	_ =	shalt  }
0x52: {  	_ =	shalt  }
0x53: {  	_ =	shalt  }
0x54: {  	_ =	shalt  }
0x55: {  	_ =	shalt  }
0x56: {  	_ =	shalt  }
0x57: {  	_ =	shalt  }
0x58: {  	_ =	shalt  }
0x59: {  	_ =	shalt  }
0x5a: {  	_ =	shalt  }
0x5b: {  	_ =	shalt  }
0x5c: {  	_ =	shalt  }
0x5d: {  	_ =	shalt  }
0x5e: {  	_ =	shalt  }
0x5f: {  	_ =	shalt  }
0x60: {  	_ =	shalt  }
0x61: {  	_ =	shalt  }
0x62: {  	_ =	shalt  }
0x63: {  	_ =	shalt  }
0x64: {  	_ =	shalt  }
0x65: {  	_ =	shalt  }
0x66: {  	_ =	shalt  }
0x67: {  	_ =	shalt  }
0x68: {  	_ =	shalt  }
0x69: {  	_ =	shalt  }
0x6a: {  	_ =	shalt  }
0x6b: {  	_ =	shalt  }
0x6c: {  	_ =	shalt  }
0x6d: {  	_ =	shalt  }
0x6e: {  	_ =	shalt  }
0x6f: {  	_ =	shalt  }
0x70: {  	_ =	shalt  }
0x71: {  	_ =	shalt  }
0x72: {  	_ =	shalt  }
0x73: {  	_ =	shalt  }
0x74: {  	_ =	shalt  }
0x75: {  	_ =	shalt  }
0x76: {  	_ =	shalt  }
0x77: {  	_ =	shalt  }
0x78: {  	_ =	shalt  }
0x79: {  	_ =	shalt  }
0x7a: {  	_ =	shalt  }
0x7b: {  	_ =	shalt  }
0x7c: {  	_ =	shalt  }
0x7d: {  	_ =	shalt  }
0x7e: {  	_ =	shalt  }
0x7f: {  	_ =	shalt  }
0x80: {  	_ =	shalt  }
0x81: {  	_ =	shalt  }
0x82: {  	_ =	shalt  }
0x83: {  	_ =	shalt  }
0x84: {  	_ =	shalt  }
0x85: {  	_ =	shalt  }
0x86: {  	_ =	shalt  }
0x87: {  	_ =	shalt  }
.Lfunc_end0:
.L_simem_size_0:
called_computation_lowered:
.L_overlay_start_0:
0x88: {  	s2 =	sld [smem:$0x3FD9]  }
0x89: {  	s3 =	sld [smem:$0x3FFE];
	_ =	sdelay $0x1  }
0x8a: {  	s1 =	srdreg.scid  }
0x8b: {  	s0 =	sand.u32 $0x1, s1  }
0x8c: {  	s17 =	sshll.u32 s0, $0xA;
	s2 =	sadd.s32 s3, s2  }
0x8d: {  	s2 =	sadd.s32 s2, s17  }
0x8e: {  	[smem:$0x3FBD] =	sst s2  }
0x8f: {  	_ = 	snop  }
0x90: {  	s2 =	sld [smem:$0x3FD0];
	(tm) =	ssettm $0x1  }
0x91: {  	s18 =	sld [smem:$0x3FFB];
	_ =	sdelay $0x3  }
0x92: {  	_ =	strace s18  }
0x93: {  	s3 =	sld [smem:$0x3FFC];
	_ =	sdelay $0x3  }
0x94: {  	_ =	strace s3  }
0x95: {  	s3 =	sld [smem:$0x3FFD];
	_ =	sdelay $0x3  }
0x96: {  	_ =	strace s3  }
0x97: {  	_ =	strace $0x8FFFFFFF  }
0x98: {  	s19 =	sld [smem:$0x3FDB];
	_ =	sdelay $0x1  }
0x99: {  	s4 =	simm.s32 $_scs_section_size  }
0x9a: {  	s5 =	simm.s32 $_size__tile_overlayer_lowered;
	s6 =	simm.s32 $_tile_overlayer_lowered  }
0x9b: {  	s22 =	simm.s32 $0x1BFF;
	s21 =	sshll.u32 s6, $0x1;
	s3 =	sadd.s32 s4, s19  }
0x9c: {  	s7 =	simm.s32 $0x0;
	s20 =	sshll.u32 s5, $0x1;
	s5 =	sadd.s32 s21, s3  }
0x9d: {  	[timem:s7], [sflag:s22] =	dma.local [hbm:s5], s20  }
0x9e: {  	_ =	swait.ge [sflag:s22], s20  }
0x9f: {  	s4 =	ssub.s32 $0x0, s20;
	[sflag:s22] =	ssyncset.done $0x0  }
0xa0: {  	[sflag:s22] =	ssyncadd.s32 s4;
	_ =	sdelay $0x1  }
0xa1: {  	s23 =	simm.s32 $0x1B8B  }
0xa2: {  	_ =	swait.ge [sflag:s23], $0x1  }
0xa3: {  	[sflag:s23] =	ssyncset.done $0x0  }
0xa4: {  	s25 =	simm.s32 $0x1B8E;
	s24 =	sld [smem:$0x3FFE];
	[sflag:s23] =	ssyncadd.s32 $0xFFFFFFFF  }
0xa5: {  	s26 =	simm.s32 $execute0_lowered;
	[smem:$0x3FD2] =	sst s25  }
0xa6: {  	s5 =	sshll.u32 s26, $0x1;
	_ =	strace $0x80000046;
	[dreg:$0x1] =	wrdreg $0xFFFFFFFF  }
0xa7: {  	s28 =	simm.s32 $_size_execute0_lowered;
	s3 =	sadd.s32 s3, s5;
	[dreg:$0x0] =	wrdreg $0x0  }
0xa8: {  	s5 =	sshll.u32 s28, $0x1;
	[dreg:$0x2] =	wrdreg s3  }
0xa9: {  	[dreg:$0x3] =	wrdreg s5  }
0xaa: {  	[dreg:$0x4] =	wrdreg $0xC0  }
0xab: {  	_ =	task [dreg:s7], $0x5FFFF  }
0xac: {  	[dreg:$0x1] =	wrdreg $0xFFFFFFFF  }
0xad: {  	[dreg:$0x0] =	wrdreg $0x60  }
0xae: {  	[dreg:$0x2] =	wrdreg s24  }
0xaf: {  	[dreg:$0x3] =	wrdreg s2  }
0xb0: {  	[dreg:$0x4] =	wrdreg $0xB0800  }
0xb1: {  	[dreg:$0x5] =	wrdreg $0x1F0800  }
0xb2: {  	[dreg:$0x6] =	wrdreg $0x9  }
0xb3: {  	_ =	task.clear_ibuf [dreg:s7], $0x7FFFF;
	_ =	strace $0x90000046  }
0xb4: {  	s29 =	simm.s32 $0x9;
	_ =	strace $0x80000048  }
0xb5: {  	_ =	swait.ge [sflag:s29], $0x1  }
0xb6: {  	[sflag:s29] =	ssyncadd.s32 $0xFFFFFFFF  }
0xb7: {  	_ =	strace $0x90000048  }
0xb8: {  	_ =	sfence  }
0xb9: {  	s30 =	sld [smem:$0x0];
	_ =	sdelay $0x2  }
0xba: {  	s31 =	sshll.u32 s1, $0xD;
	s1 =	sshrl.u32 s1, $0x2  }
0xbb: {  	s3 =	sand.u32 $0x4000, s31;
	s1 =	sadd.s32 s1, s30  }
0xbc: {  	s0 =	sor.u32 s3, s0;
	s1 =	sshll.u32 s1, $0x11  }
0xbd: {  	s0 =	sor.u32 s1, s0  }
0xbe: {  	s0 =	sadd.s32 $0x8F2B, s0  }
0xbf: {  	[sflag:s0] =	ssyncadd.remote.s32 $0x1  }
0xc0: {  	_ =	sfence.sel $0xFFFF  }
0xc1: {  	[dreg:$0x0] =	wrdreg $0xFFFFFFFF;
	(pc) =	sbr.abs _section_cstart, $3  }
0xc2: {  	[dreg:$0x1] =	wrdreg $0xFFFFFFFF  }
0xc3: {  	_ =	task.clear_ibuf [dreg:s7], $0x2FFFF;
	_ =	strace $0x9FFFFFFF  }
0xc4: {  	(tm) =	ssettm $0x7FFFFFFF  }
0xc5: {  	_ =	shalt  }
tec
execute0_lowered:
.L_overlay_start_1:
0x0: {  	(tag) =	ssettag $0x1  }
0x1: {  	s0 =	rddreg [dreg:$0x0]  }
0x2: {  	s1 =	rddreg [dreg:$0x1]  }
0x3: {  	s2 =	rddreg [dreg:$0x2]  }
0x4: {  	s3 =	rddreg [dreg:$0x3];
	s4 =	simm.s32 $0x0  }
0x5: {  	s6 =	srdreg.scid;
	s18 =	stileid.u32;
	s31 =	simm.s32 $0x3  }
0x6: {  	s29 =	simm.s32 $0x8880;
	s30 =	simm.s32 $0x1;
	[smem:$0x7FF] =	sst s4  }
0x7: {  	s5 =	sadd.s32 $0x23000, s0;
	s13 =	sadd.s32 $0x4B800, s0;
	s14 =	sadd.s32 $0x4B200, s0  }
0x8: {  	s15 =	sadd.s32 $0x4B000, s0;
	s9 =	sadd.s32 $0x13600, s0;
	s10 =	sadd.s32 $0x3C00, s0  }
0x9: {  	s16 =	sadd.s32 $0x4C000, s0;
	_ =	strace $0x80000047;
	[dreg:$0x5] =	wrdreg s13  }
0xa: {  	s17 =	sadd.s32 $0x4BE00, s0;
	s7 =	sadd.s32 $0x4F400, s0;
	[dreg:$0x6] =	wrdreg s14  }
0xb: {  	s8 =	sadd.s32 $0x77400, s0;
	s6 =	sand.u32 $0x1, s6;
	[dreg:$0x7] =	wrdreg s15  }
0xc: {  	s11 =	sadd.s32 $0x4E800, s0;
	s0 =	sadd.s32 $0x4EE00, s0;
	[dreg:$0x8] =	wrdreg s16  }
0xd: {  	s19 =	sshll.u32 s18, $0x6;
	s24 =	smul.u32 $0x2800, s18;
	[dreg:$0x9] =	wrdreg s17  }
0xe: {  	s12 =	sshll.u32 s6, $0x4;
	s13 =	ssub.s32 $0x2, s6;
	s14 =	smul.u32 $0x50000, s18  }
0xf: {  	s17 =	smul.u32 $0x280, s18;
	p0 =	seq.s32 s6, $0x1;
	s6 =	simm.s32 $0x2  }
0x10: {  	s12 =	sor.u32 s18, s12;
	s15 =	sshrl.u32 s13, $0x1;
	s7 =	smov.u32 @p0 s8  }
0x11: {  	s11 =	smov.u32 @p0 s0;
	s8 =	simm.s32 $0x0;
	s16 =	smul.u32 $0x7D, s12  }
0x12: {  	s13 =	ssub.s32 s13, s15;
	s14 =	sshrl.u32 s14, $0x2;
	s20 =	sadd.s32 s17, s3  }
0x13: {  	s12 =	smul.u32 $0x7D0, s12;
	s0 =	sadd.s32 s7, s24;
	[dreg:$0xb] =	wrdreg s20  }
0x14: {  	s15 =	sor.u32 $0x1C04, s19;
	s14 =	sadd.s32 s14, s2;
	[dreg:$0x10] =	wrdreg s0  }
0x15: {  	s25 =	sshrl.u32 s17, $0x3;
	s26 =	smax.u32 s13, $0x1;
	[dreg:$0xa] =	wrdreg s14  }
0x16: {  	s24 =	simm.s32 $0x4;
	s28 =	sadd.s32 s11, s25;
	[dreg:$0xf] =	wrdreg s26  }
0x17: {  	s25 =	simm.s32 $0x2800;
	s21 =	sadd.s32 s1, s12;
	[dreg:$0x11] =	wrdreg s28  }
0x18: {  	s0 =	simm.s32 $0x50;
	s22 =	sadd.s32 s9, s12;
	[dreg:$0xc] =	wrdreg s21  }
0x19: {  	s13 =	simm.s32 $0x6080;
	s23 =	sadd.s32 s10, s12;
	[dreg:$0xd] =	wrdreg s22  }
0x1a: {  	s20 =	sadd.s32 $0x5, s16;
	s26 =	simm.s32 $0x6000;
	[dreg:$0xe] =	wrdreg s23  }
.LBB2_1:
0x1b: {  	s4 =	rddreg [dreg:$0xa]  }
0x1c: {  	s21 =	rddreg [dreg:$0x8];
	s11 =	sshrl.u32 s4, $0x3  }
0x1d: {  	[spmem:s11], [sflag:s15] =	dma.local [hbm:s21], $0x2800  }
0x1e: {  	_ =	swait.ge [sflag:s24], $0x2800  }
0x1f: {  	[sflag:s24] =	ssyncset.done $0x0;
	s22 =	rddreg [dreg:$0xb]  }
0x20: {  	s23 =	rddreg [dreg:$0x9];
	[sflag:s24] =	ssyncadd.s32 $0xFFFFD800;
	s12 =	sshrl.u32 s22, $0x3  }
0x21: {  	[spmem:s12], [sflag:s15] =	dma.local [hbm:s23], $0x50  }
0x22: {  	_ =	swait.ge [sflag:s24], $0x50  }
0x23: {  	[sflag:s24] =	ssyncset.done $0x0  }
0x24: {  	s28 =	simm.s32 $0x0;
	s7 =	rddreg [dreg:$0x5];
	[sflag:s24] =	ssyncadd.s32 $0xFFFFFFB0  }
0x25: {  	[tilespmem:s28], [sflag:$0x4] =	stream.linear.gather [hbm4b:s7+s28], $0x2800, $0x38;
	[tilespmem:$0x1F300] =	vst v63  }
0x26: {  	_ =	swait.ge [sflag:s24], $0x2800  }
0x27: {  	[sflag:s24] =	ssyncset.done $0x0  }
0x28: {  	s16 =	rddreg [dreg:$0x6];
	[sflag:s24] =	ssyncadd.s32 $0xFFFFD800  }
0x29: {  	[tilespmem:s25], [sflag:$0x4] =	stream.linear.gather [hbm4b:s16+s28], $0x2800, $0x38;
	[tilespmem:$0x1F300] =	vst v63  }
0x2a: {  	_ =	swait.ge [sflag:s24], $0x2800  }
0x2b: {  	[sflag:s24] =	ssyncset.done $0x0  }
0x2c: {  	s14 =	simm.s32 $0x5000;
	s17 =	rddreg [dreg:$0x7];
	[sflag:s24] =	ssyncadd.s32 $0xFFFFD800  }
0x2d: {  	[tilespmem:s14], [sflag:$0x4] =	stream.linear.gather [hbm4b:s17+s28], $0x100, $0x38;
	[tilespmem:$0x1F300] =	vst v63  }
0x2e: {  	_ =	swait.ge [sflag:s24], $0x100  }
0x2f: {  	[sflag:s24] =	ssyncset.done $0x0  }
0x30: {  	[sflag:s24] =	ssyncadd.s32 $0xFFFFFF00  }
0x31: {  	[bflag:$0x0] =	sbarrier.arrive $0xFFFF  }
0x32: {  	v0 =	vld [tilespmem:$0x5000]  }
0x33: {  	v1 =	vld [tilespmem:$0x5080];
	_ =	sdelay $0x3  }
0x34: {  	(v2sf) =	vpush v0, $0x0  }
0x35: {  	(v2sf) =	vpush v1, $0x0;
	_ =	sdelay $0x7  }
0x36: {  	s17 =	simm.s32 $0x5100;
	s18 =	rddreg [dreg:$0xc]  }
0x37: {  	[tilespmem:s17], [sflag:$0x3] =	stream.linear.gather [hbm4b:s18+s28], $0x280, $0x38;
	[tilespmem:$0x1F300] =	vst v63  }
0x38: {  	s16 =	simm.s32 $0x5600;
	s21 =	rddreg [dreg:$0xd]  }
0x39: {  	[tilespmem:s16], [sflag:$0x3] =	stream.linear.gather [hbm4b:s21+s28], $0x280, $0x38;
	[tilespmem:$0x1F300] =	vst v63  }
0x3a: {  	s23 =	rddreg [dreg:$0xe];
	s18 =	simm.s32 $0x5B00  }
0x3b: {  	[tilespmem:s18], [sflag:$0x3] =	stream.linear.gather [hbm4b:s23+s28], $0x280, $0x38;
	[tilespmem:$0x1F300] =	vst v63  }
0x3c: {  	s19 =	spop (v2sf)  }
0x3d: {  	s22 =	spop (v2sf)  }
0x3e: {  	_ =	swait.ge [sflag:s31], $0x280  }
0x3f: {  	[sflag:s31] =	ssyncset.done $0x0  }
0x40: {  	[sflag:s31] =	ssyncadd.s32 $0xFFFFFD80  }
0x41: {  	_ =	swait.ge [sflag:s31], $0x280  }
0x42: {  	s7 =	sadd.f32 s22, s19;
	[sflag:s31] =	ssyncset.done $0x0  }
0x43: {  	[sflag:s31] =	ssyncadd.s32 $0xFFFFFD80  }
0x44: {  	p0 =	sgt.f32 s7, $0.0e+00;
	s14 =	smul.f32 $2.000000030e-01, s7;
	_ =	swait.ge [sflag:s31], $0x280  }
.Ltmp0:
0x45: {  	[sflag:s31] =	ssyncset.done $0x0;
	(pc) =	sbr.rel .LBB2_2-.Ltmp0, $4  }
0x46: {  	s14 =	smov.u32 @p0 s7;
	[sflag:s31] =	ssyncadd.s32 $0xFFFFFD80  }
0x47: {  	[tilespmem:s13], [sflag:$0x1] =	stream.indirect.gather [hbm4b:s5+s0], $0x80, s17, s0, $0xb8;
	[tilespmem:$0x1F300] =	vst v63  }
0x48: {  	s28 =	simm.s32 $0x5180;
	v0 =	vmov s14;
	s14 =	simm.s32 $0x0  }
0x49: {  	[tilespmem:s29], [sflag:$0x1] =	stream.indirect.gather [hbm4b:s5+s0], $0x80, s28, s0, $0xb8;
	[tilespmem:$0x1F300] =	vst v63  }
.LBB2_11:
0x4a: {  	_ =	swait.ge [sflag:s31], $0x280  }
0x4b: {  	[sflag:s31] =	ssyncset.done $0x0  }
0x4c: {  	[sflag:s31] =	ssyncadd.s32 $0xFFFFFD80  }
0x4d: {  	_ =	swait.ge [sflag:s31], $0x280  }
0x4e: {  	[sflag:s31] =	ssyncset.done $0x0  }
0x4f: {  	[sflag:s31] =	ssyncadd.s32 $0xFFFFFD80  }
0x50: {  	_ =	swait.ge [sflag:s31], $0x280  }
0x51: {  	[sflag:s31] =	ssyncset.done $0x0  }
0x52: {  	[sflag:s31] =	ssyncadd.s32 $0xFFFFFD80  }
.LBB2_13:
0x53: {  	s4 =	sadd.s32 $0x3, s16  }
0x54: {  	s7 =	smulhi.u32 $0x66666667, s4;
	_ =	sdelay $0x1  }
0x55: {  	s7 =	sshrl.u32 s7, $0x2  }
0x56: {  	s7 =	smul.u32 $0xA, s7;
	_ =	sdelay $0x1  }
0x57: {  	s4 =	ssub.s32 s4, s7  }
0x58: {  	s4 =	sshll.u32 s4, $0x7  }
0x59: {  	s14 =	sadd.s32 $0x1, s14;
	s4 =	sadd.s32 $0x5100, s4  }
0x5a: {  	[tilespmem:s29], [sflag:$0x1] =	stream.indirect.gather [hbm4b:s5+s0], $0x80, s4, s0, $0xb8;
	[tilespmem:$0x1F300] =	vst v63  }
.LBB2_2:
0x5b: {  	s7 =	smul.u32 $0x19A, s14;
	_ =	sdelay $0x1  }
0x5c: {  	s16 =	sshrl.u32 s7, $0xA  }
0x5d: {  	s16 =	sand.u32 $0x3F, s16  }
0x5e: {  	s17 =	smul.u32 $0x5, s16  }
0x5f: {  	s16 =	sshll.u32 s14, $0x1  }
0x60: {  	p0 =	sgt.u32 s14, $0x3B;
	s17 =	ssub.s32 s16, s17  }
0x61: {  	s17 =	sand.u32 @!p0 $0xFF, s17  }
0x62: {  	p1 =	sne.s32 @!p0 s17, $0x0  }
0x63: {  	p1 =	por p1, p0  }
0x64: {  	s18 =	smul.u32 @!p1 $0xCD, s16;
	_ =	sdelay $0x1  }
0x65: {  	s18 =	sshrl.u32 @!p1 s18, $0xA  }
0x66: {  	s19 =	sand.u32 @!p1 $0x3F, s18  }
0x67: {  	s18 =	sxor.u32 @!p1 $0xFFFFFFFF, s18;
	s19 =	smul.u32 @!p1 $0x5, s19  }
0x68: {  	s18 =	sand.u32 @!p1 $0x1, s18  }
0x69: {  	s7 =	sshrl.u32 s7, $0xB;
	s18 =	smul.u32 @!p1 $0x280, s18;
	s19 =	sadd.s32 @!p1 s19, s20  }
0x6a: {  	s7 =	sand.u32 $0x1F, s7;
	s19 =	sshll.u32 @!p1 s19, $0x4  }
0x6b: {  	s23 =	simm.s32 @!p1 $0x0;
	s21 =	sadd.s32 @!p1 $0x5100, s18;
	s22 =	sadd.s32 @!p1 s1, s19  }
0x6c: {  	[tilespmem:s21], [sflag:$0x3] =	stream.linear.gather @!p1 [hbm4b:s22+s23], $0x280, $0x38;
	[tilespmem:$0x1F300] =	vst v63  }
0x6d: {  	s7 =	smul.u32 $0xA, s7;
	s21 =	sadd.s32 @!p1 $0x5600, s18;
	s22 =	sadd.s32 @!p1 s9, s19  }
0x6e: {  	[tilespmem:s21], [sflag:$0x3] =	stream.linear.gather @!p1 [hbm4b:s22+s23], $0x280, $0x38;
	[tilespmem:$0x1F300] =	vst v63  }
0x6f: {  	s7 =	ssub.s32 s16, s7;
	s18 =	sadd.s32 @!p1 $0x5B00, s18;
	s19 =	sadd.s32 @!p1 s10, s19  }
0x70: {  	[tilespmem:s18], [sflag:$0x3] =	stream.linear.gather @!p1 [hbm4b:s19+s23], $0x280, $0x38;
	[tilespmem:$0x1F300] =	vst v63  }
0x71: {  	s7 =	sand.u32 $0xFE, s7;
	_ =	swait.ge [sflag:s30], $0x2800  }
0x72: {  	s28 =	simm.s32 $0x0;
	s18 =	sshll.u32 s7, $0x7;
	[sflag:s30] =	ssyncset.done $0x0  }
0x73: {  	s21 =	simm.s32 $0x0;
	s7 =	simm.s32 $0x6100;
	v1 =	vmov s18;
	[sflag:s30] =	ssyncadd.s32 $0xFFFFD800  }
.LBB2_3:
0x74: {  	_ =	sdelay $0x2  }
0x75: {  	s19 =	sshll.u32 s21, $0x4  }
0x76: {  	v2 =	vld.idx.msk [tilespmem:v1+s19+$0x5100 ss:$0x1], $0xffff  }
0x77: {  	v3 =	vld.idx.msk [tilespmem:v1+s19+$0x5600 ss:$0x1], $0xffff;
	_ =	sdelay $0x6  }
0x78: {  	v2 =	vld.idx.msk [tilespmem:v2+s28+$0x0], $0xffff  }
0x79: {  	v3 =	vld.idx.msk [tilespmem:v3+s25+$0x0], $0xffff;
	_ =	sdelay $0x4  }
0x7a: {  	v2 =	vadd.f32 v3, v2;
	_ =	sdelay $0x1  }
0x7b: {  	v3 =	vmul.f32 $2.000000030e-01, v2  }
0x7c: {  	vm0 =	vgt.f32 v2, $0.0e+00  }
0x7d: {  	v2 =	vsel vm0, v2, v3  }
0x7e: {  	v2 =	vsub.f32 v2, v0;
	_ =	sdelay $0x1  }
0x7f: {  	v2 =	vmul.f32 $1.442695020e+00, v2;
	_ =	sdelay $0x1  }
0x80: {  	(erf) = vpow2.f32 v2;
	_ =	sdelay $0x8  }
0x81: {  	v2 =	vpop (erf)  }
0x82: {  	[tilespmem:s19+$0x6000] =	vst v2  }
0x83: {  	v3 =	vld.idx.msk [tilespmem:v1+s19+$0x5B00 ss:$0x1], $0xffff;
	_ =	sdelay $0x3  }
0x84: {  	v5 =	vld [tilespmem:s7+$0xFFFFFF80]  }
0x85: {  	v6 =	vld [tilespmem:s7+$0x0];
	v4 =	vmul.f32 v2, v3  }
0x86: {  	s23 =	simm.s32 $0x1;
	v7 =	vld [tilespmem:s7+$0xFFFFFF90];
	v2 =	vmov s28  }
0x87: {  	v8 =	vld [tilespmem:s7+$0x10];
	v3 =	vmov s23;
	v2 =	vperm.xlane v4, v2  }
0x88: {  	v9 =	vld [tilespmem:s7+$0xFFFFFFA0];
	v3 =	vperm.xlane v4, v3  }
0x89: {  	v10 =	vld [tilespmem:s7+$0x20];
	v5 =	vmul.f32 v5, v2  }
0x8a: {  	v11 =	vld [tilespmem:s7+$0xFFFFFFB0];
	v6 =	vmul.f32 v6, v3  }
0x8b: {  	v12 =	vld [tilespmem:s7+$0x30];
	[tilespmem:s7+$0xFFFFFF80] =	vst v5;
	v5 =	vmul.f32 v7, v2  }
0x8c: {  	v13 =	vld [tilespmem:s7+$0xFFFFFFC0];
	[tilespmem:s7+$0x0] =	vst v6;
	v6 =	vmul.f32 v8, v3  }
0x8d: {  	v14 =	vld [tilespmem:s7+$0x40];
	[tilespmem:s7+$0xFFFFFF90] =	vst v5;
	v5 =	vmul.f32 v9, v2  }
0x8e: {  	[tilespmem:s7+$0x10] =	vst v6;
	v6 =	vmul.f32 v10, v3;
	v9 =	vld [tilespmem:s7+$0xFFFFFFD0]  }
0x8f: {  	v7 =	vld [tilespmem:s7+$0x50];
	[tilespmem:s7+$0xFFFFFFA0] =	vst v5;
	v5 =	vmul.f32 v11, v2  }
0x90: {  	v8 =	vld [tilespmem:s7+$0xFFFFFFE0];
	[tilespmem:s7+$0x20] =	vst v6;
	v6 =	vmul.f32 v12, v3  }
0x91: {  	v11 =	vmul.f32 v13, v2;
	[tilespmem:s7+$0xFFFFFFB0] =	vst v5;
	v5 =	vld [tilespmem:s7+$0x60]  }
0x92: {  	s22 =	smov.u32 s7;
	s19 =	smov.u32 s7;
	s23 =	simm.s32 $0x2;
	v10 =	vmul.f32 v14, v3;
	[tilespmem:s7+$0x30] =	vst v6;
	v6 =	vld [tilespmem:s7+$0x70]  }
.LBB2_4:
0x93: {  	p1 =	sne.s32 s23, $0xE;
	[tilespmem:s19+$0xFFFFFFC0] =	vst v11;
	v9 =	vmul.f32 v9, v2;
	v11 =	vld [tilespmem:s19+$0xFFFFFFF0];
	s22 =	sadd.s32 $0x100, s22  }
0x94: {  	v12 =	vld [tilespmem:s22+$0xFFFFFF80];
	[tilespmem:s19+$0x40] =	vst v10;
	v7 =	vmul.f32 v7, v3  }
0x95: {  	v10 =	vld [tilespmem:s22+$0x0];
	[tilespmem:s19+$0xFFFFFFD0] =	vst v9;
	v8 =	vmul.f32 v8, v2  }
0x96: {  	s4 =	sadd.s32 $0x1, s23;
	v9 =	vmov s23;
	v13 =	vld [tilespmem:s22+$0xFFFFFF90];
	[tilespmem:s19+$0x50] =	vst v7;
	v5 =	vmul.f32 v5, v3  }
0x97: {  	v7 =	vperm.xlane v4, v9;
	v9 =	vmov s4;
	v14 =	vld [tilespmem:s22+$0x10];
	[tilespmem:s19+$0xFFFFFFE0] =	vst v8;
	v6 =	vmul.f32 v6, v3  }
0x98: {  	v3 =	vperm.xlane v4, v9;
	v8 =	vld [tilespmem:s22+$0xFFFFFFA0];
	[tilespmem:s19+$0x60] =	vst v5;
	v5 =	vmul.f32 v11, v2  }
0x99: {  	v2 =	vmov v7;
	v9 =	vmul.f32 v12, v7;
	v11 =	vld [tilespmem:s22+$0x20];
	[tilespmem:s19+$0x70] =	vst v6  }
0x9a: {  	v6 =	vmul.f32 v10, v3;
	v7 =	vld [tilespmem:s22+$0xFFFFFFB0];
	[tilespmem:s19+$0xFFFFFFF0] =	vst v5;
	s19 =	smov.u32 s22  }
0x9b: {  	[tilespmem:s22+$0xFFFFFF80] =	vst v9;
	v5 =	vmul.f32 v13, v2;
	v10 =	vld [tilespmem:s22+$0x30]  }
0x9c: {  	[tilespmem:s22+$0x0] =	vst v6;
	v6 =	vmul.f32 v14, v3;
	v12 =	vld [tilespmem:s22+$0xFFFFFFC0]  }
0x9d: {  	[tilespmem:s22+$0xFFFFFF90] =	vst v5;
	v5 =	vmul.f32 v8, v2;
	v13 =	vld [tilespmem:s22+$0x40]  }
.Ltmp1:
0x9e: {  	[tilespmem:s22+$0x10] =	vst v6;
	v6 =	vmul.f32 v11, v3;
	v9 =	vld [tilespmem:s22+$0xFFFFFFD0];
	(pc) =	sbr.rel @p1 .LBB2_4-.Ltmp1, $4  }
0x9f: {  	[tilespmem:s22+$0xFFFFFFA0] =	vst v5;
	v5 =	vmul.f32 v7, v2;
	v7 =	vld [tilespmem:s22+$0x50]  }
0xa0: {  	[tilespmem:s22+$0x20] =	vst v6;
	v6 =	vmul.f32 v10, v3;
	v8 =	vld [tilespmem:s22+$0xFFFFFFE0]  }
0xa1: {  	[tilespmem:s22+$0xFFFFFFB0] =	vst v5;
	v11 =	vmul.f32 v12, v2;
	v5 =	vld [tilespmem:s22+$0x60]  }
0xa2: {  	s23 =	sadd.s32 $0x2, s23;
	[tilespmem:s22+$0x30] =	vst v6;
	v10 =	vmul.f32 v13, v3;
	v6 =	vld [tilespmem:s22+$0x70]  }
0xa3: {  	[tilespmem:s19+$0xFFFFFFC0] =	vst v11;
	v4 =	vmul.f32 v9, v2;
	v62 =	vld [tilespmem:s19+$0xFFFFFFF0]  }
0xa4: {  	s21 =	sadd.s32 $0x1, s21;
	[tilespmem:s19+$0x40] =	vst v10;
	v7 =	vmul.f32 v7, v3  }
0xa5: {  	p1 =	sne.s32 s21, $0x5;
	[tilespmem:s19+$0xFFFFFFD0] =	vst v4;
	v63 =	vmul.f32 v8, v2  }
.Ltmp2:
0xa6: {  	[tilespmem:s19+$0x50] =	vst v7;
	v5 =	vmul.f32 v5, v3;
	(pc) =	sbr.rel @p1 .LBB2_3-.Ltmp2, $4  }
0xa7: {  	[tilespmem:s19+$0xFFFFFFE0] =	vst v63;
	v3 =	vmul.f32 v6, v3  }
0xa8: {  	[tilespmem:s19+$0x60] =	vst v5;
	v2 =	vmul.f32 v62, v2  }
0xa9: {  	[tilespmem:s19+$0x70] =	vst v3  }
0xaa: {  	s7 =	sadd.s32 $0x800, s7;
	[tilespmem:s19+$0xFFFFFFF0] =	vst v2  }
0xab: {  	s4 =	sadd.s32 $0x5600, s18  }
0xac: {  	[spmem:s2] =	stream.indirect.scatter.add.f32 [tilespmem:s13], [sflag:$0x2], $0x80, s4, s0, $0xb8;
	[tilespmem:$0x1F300] =	vst v63  }
0xad: {  	_ = 	snop  }
0xae: {  	[spmem:s3] =	stream.indirect.scatter.add.f32 [tilespmem:s26], [sflag:$0x2], $0x1, s4, s0, $0xb8;
	[tilespmem:$0x1F300] =	vst v63  }
0xaf: {  	_ =	swait.ge [sflag:s6], $0x2800  }
0xb0: {  	[sflag:s6] =	ssyncset.done $0x0  }
0xb1: {  	p1 =	sne.s32 @!p0 s17, $0x3;
	[sflag:s6] =	ssyncadd.s32 $0xFFFFD800  }
0xb2: {  	s7 =	sor.u32 $0x1, s16;
	s18 =	sadd.s32 $0x2, s16;
	_ =	swait.ge [sflag:s6], $0x50  }
0xb3: {  	p2 =	por p1, p0;
	s19 =	smulhi.u32 $0x66666667, s7;
	[sflag:s6] =	ssyncset.done $0x0  }
0xb4: {  	s23 =	smulhi.u32 $0x66666667, s18;
	s4 =	simm.s32 @!p2 $0x3;
	[sflag:s6] =	ssyncadd.s32 $0xFFFFFFB0  }
0xb5: {  	s21 =	sshrl.u32 s19, $0x1;
	_ =	swait.ge @!p2 [sflag:s4], $0x280  }
0xb6: {  	s17 =	sshrl.u32 s23, $0x2;
	s21 =	smul.u32 $0x5, s21;
	[sflag:s4] =	ssyncset.done @!p2 $0x0  }
0xb7: {  	s22 =	smul.u32 $0xA, s17;
	[sflag:s4] =	ssyncadd.s32 @!p2 $0xFFFFFD80  }
0xb8: {  	s17 =	ssub.s32 s7, s21;
	_ =	swait.ge @!p2 [sflag:s4], $0x280  }
0xb9: {  	s18 =	ssub.s32 s18, s22;
	p1 =	sne.s32 @!p0 s17, $0x0;
	[sflag:s4] =	ssyncset.done @!p2 $0x0  }
0xba: {  	s18 =	sshll.u32 s18, $0x7;
	p1 =	por p1, p0;
	[sflag:s4] =	ssyncadd.s32 @!p2 $0xFFFFFD80  }
0xbb: {  	s22 =	sadd.s32 $0x5100, s18;
	s18 =	smulhi.u32 @!p1 $0x66666667, s7;
	_ =	swait.ge @!p2 [sflag:s4], $0x280  }
0xbc: {  	[sflag:s4] =	ssyncset.done @!p2 $0x0  }
0xbd: {  	[sflag:s4] =	ssyncadd.s32 @!p2 $0xFFFFFD80;
	s4 =	sshrl.u32 @!p1 s18, $0x1  }
0xbe: {  	[tilespmem:s13], [sflag:$0x1] =	stream.indirect.gather [hbm4b:s5+s0], $0x80, s22, s0, $0xb8;
	[tilespmem:$0x1F300] =	vst v63  }
0xbf: {  	s18 =	smul.u32 @!p1 $0x5, s4  }
0xc0: {  	s4 =	sxor.u32 @!p1 $0xFFFFFFFF, s4  }
0xc1: {  	s4 =	sand.u32 @!p1 $0x1, s4;
	s18 =	sadd.s32 @!p1 s18, s20  }
0xc2: {  	s4 =	smul.u32 @!p1 $0x280, s4;
	s18 =	sshll.u32 @!p1 s18, $0x4  }
0xc3: {  	s18 =	sand.u32 @!p1 $0x1FFFFFF0, s18  }
0xc4: {  	s23 =	simm.s32 @!p1 $0x0;
	s21 =	sadd.s32 @!p1 $0x5100, s4;
	s22 =	sadd.s32 @!p1 s1, s18  }
0xc5: {  	[tilespmem:s21], [sflag:$0x3] =	stream.linear.gather @!p1 [hbm4b:s22+s23], $0x280, $0x38;
	[tilespmem:$0x1F300] =	vst v63  }
0xc6: {  	s19 =	sshrl.u32 s19, $0x2;
	s21 =	sadd.s32 @!p1 $0x5600, s4;
	s22 =	sadd.s32 @!p1 s9, s18  }
0xc7: {  	[tilespmem:s21], [sflag:$0x3] =	stream.linear.gather @!p1 [hbm4b:s22+s23], $0x280, $0x38;
	[tilespmem:$0x1F300] =	vst v63  }
0xc8: {  	s19 =	smul.u32 $0xA, s19;
	s4 =	sadd.s32 @!p1 $0x5B00, s4;
	s18 =	sadd.s32 @!p1 s10, s18  }
0xc9: {  	[tilespmem:s4], [sflag:$0x3] =	stream.linear.gather @!p1 [hbm4b:s18+s23], $0x280, $0x38;
	[tilespmem:$0x1F300] =	vst v63  }
0xca: {  	s23 =	ssub.s32 s7, s19;
	_ =	swait.ge [sflag:s30], $0x2800  }
0xcb: {  	s28 =	simm.s32 $0x0;
	s18 =	sshll.u32 s23, $0x7;
	[sflag:s30] =	ssyncset.done $0x0  }
0xcc: {  	s21 =	simm.s32 $0x0;
	s19 =	simm.s32 $0x8970;
	v1 =	vmov s18;
	[sflag:s30] =	ssyncadd.s32 $0xFFFFD800  }
.LBB2_7:
0xcd: {  	_ =	sdelay $0x2  }
0xce: {  	s4 =	sshll.u32 s21, $0x4  }
0xcf: {  	v2 =	vld.idx.msk [tilespmem:v1+s4+$0x5100 ss:$0x1], $0xffff  }
0xd0: {  	v3 =	vld.idx.msk [tilespmem:v1+s4+$0x5600 ss:$0x1], $0xffff;
	_ =	sdelay $0x6  }
0xd1: {  	v2 =	vld.idx.msk [tilespmem:v2+s28+$0x0], $0xffff  }
0xd2: {  	v3 =	vld.idx.msk [tilespmem:v3+s25+$0x0], $0xffff;
	_ =	sdelay $0x4  }
0xd3: {  	v2 =	vadd.f32 v3, v2;
	_ =	sdelay $0x1  }
0xd4: {  	v3 =	vmul.f32 $2.000000030e-01, v2  }
0xd5: {  	vm0 =	vgt.f32 v2, $0.0e+00  }
0xd6: {  	v2 =	vsel vm0, v2, v3  }
0xd7: {  	v2 =	vsub.f32 v2, v0;
	_ =	sdelay $0x1  }
0xd8: {  	v2 =	vmul.f32 $1.442695020e+00, v2;
	_ =	sdelay $0x1  }
0xd9: {  	(erf) = vpow2.f32 v2;
	_ =	sdelay $0x8  }
0xda: {  	v2 =	vpop (erf)  }
0xdb: {  	[tilespmem:s4+$0x6000] =	vst v2  }
0xdc: {  	v3 =	vld.idx.msk [tilespmem:v1+s4+$0x5B00 ss:$0x1], $0xffff;
	_ =	sdelay $0x3  }
0xdd: {  	v5 =	vld [tilespmem:s19+$0xFFFFFF10]  }
0xde: {  	v6 =	vld [tilespmem:s19+$0xFFFFFF90];
	v4 =	vmul.f32 v2, v3  }
0xdf: {  	s23 =	simm.s32 $0x1;
	v7 =	vld [tilespmem:s19+$0xFFFFFF20];
	v2 =	vmov s28  }
0xe0: {  	v8 =	vld [tilespmem:s19+$0xFFFFFFA0];
	v3 =	vperm.xlane v4, v2;
	v2 =	vmov s23  }
0xe1: {  	v9 =	vld [tilespmem:s19+$0xFFFFFF30];
	v2 =	vperm.xlane v4, v2  }
0xe2: {  	v10 =	vld [tilespmem:s19+$0xFFFFFFB0];
	v5 =	vmul.f32 v5, v3  }
0xe3: {  	v11 =	vld [tilespmem:s19+$0xFFFFFF40];
	v6 =	vmul.f32 v6, v2  }
0xe4: {  	v12 =	vld [tilespmem:s19+$0xFFFFFFC0];
	[tilespmem:s19+$0xFFFFFF10] =	vst v5;
	v5 =	vmul.f32 v7, v3  }
0xe5: {  	v13 =	vld [tilespmem:s19+$0xFFFFFF50];
	[tilespmem:s19+$0xFFFFFF90] =	vst v6;
	v6 =	vmul.f32 v8, v2  }
0xe6: {  	v14 =	vld [tilespmem:s19+$0xFFFFFFD0];
	[tilespmem:s19+$0xFFFFFF20] =	vst v5;
	v5 =	vmul.f32 v9, v3  }
0xe7: {  	v9 =	vld [tilespmem:s19+$0xFFFFFF60];
	[tilespmem:s19+$0xFFFFFFA0] =	vst v6;
	v6 =	vmul.f32 v10, v2  }
0xe8: {  	v7 =	vld [tilespmem:s19+$0xFFFFFFE0];
	[tilespmem:s19+$0xFFFFFF30] =	vst v5;
	v5 =	vmul.f32 v11, v3  }
0xe9: {  	v8 =	vld [tilespmem:s19+$0xFFFFFF70];
	[tilespmem:s19+$0xFFFFFFB0] =	vst v6;
	v6 =	vmul.f32 v12, v2  }
0xea: {  	v11 =	vmul.f32 v13, v3;
	[tilespmem:s19+$0xFFFFFF40] =	vst v5;
	v5 =	vld [tilespmem:s19+$0xFFFFFF80]  }
0xeb: {  	s22 =	smov.u32 s19;
	s7 =	smov.u32 s19;
	s23 =	simm.s32 $0x2;
	v10 =	vmul.f32 v14, v2;
	[tilespmem:s19+$0xFFFFFFC0] =	vst v6;
	v6 =	vld [tilespmem:s19+$0x0]  }
.LBB2_8:
0xec: {  	p1 =	sne.s32 s23, $0xE;
	[tilespmem:s22+$0xFFFFFF50] =	vst v11;
	v9 =	vmul.f32 v9, v3;
	v11 =	vld [tilespmem:s22+$0xFFFFFFF0];
	s7 =	sadd.s32 $0x100, s7  }
0xed: {  	v12 =	vld [tilespmem:s7+$0xFFFFFF10];
	[tilespmem:s22+$0xFFFFFFD0] =	vst v10;
	v7 =	vmul.f32 v7, v2  }
0xee: {  	v10 =	vld [tilespmem:s7+$0xFFFFFF90];
	[tilespmem:s22+$0xFFFFFF60] =	vst v9;
	v8 =	vmul.f32 v8, v3  }
0xef: {  	s4 =	sadd.s32 $0x1, s23;
	v9 =	vmov s23;
	v13 =	vld [tilespmem:s7+$0xFFFFFF20];
	[tilespmem:s22+$0xFFFFFFE0] =	vst v7;
	v5 =	vmul.f32 v5, v3  }
0xf0: {  	v3 =	vperm.xlane v4, v9;
	v7 =	vmov s4;
	v9 =	vld [tilespmem:s7+$0xFFFFFFA0];
	[tilespmem:s22+$0xFFFFFF70] =	vst v8;
	v6 =	vmul.f32 v6, v2  }
0xf1: {  	v8 =	vld [tilespmem:s7+$0xFFFFFF30];
	v11 =	vmul.f32 v11, v2;
	v2 =	vperm.xlane v4, v7;
	[tilespmem:s22+$0xFFFFFF80] =	vst v5  }
0xf2: {  	v5 =	vmul.f32 v12, v3;
	v7 =	vld [tilespmem:s7+$0xFFFFFFB0];
	[tilespmem:s22+$0x0] =	vst v6  }
0xf3: {  	v6 =	vmul.f32 v10, v2;
	v10 =	vld [tilespmem:s7+$0xFFFFFF40];
	[tilespmem:s22+$0xFFFFFFF0] =	vst v11;
	s22 =	smov.u32 s7  }
0xf4: {  	[tilespmem:s7+$0xFFFFFF10] =	vst v5;
	v5 =	vmul.f32 v13, v3;
	v11 =	vld [tilespmem:s7+$0xFFFFFFC0]  }
0xf5: {  	[tilespmem:s7+$0xFFFFFF90] =	vst v6;
	v6 =	vmul.f32 v9, v2;
	v12 =	vld [tilespmem:s7+$0xFFFFFF50]  }
0xf6: {  	[tilespmem:s7+$0xFFFFFF20] =	vst v5;
	v5 =	vmul.f32 v8, v3;
	v13 =	vld [tilespmem:s7+$0xFFFFFFD0]  }
.Ltmp3:
0xf7: {  	[tilespmem:s7+$0xFFFFFFA0] =	vst v6;
	v6 =	vmul.f32 v7, v2;
	v9 =	vld [tilespmem:s7+$0xFFFFFF60];
	(pc) =	sbr.rel @p1 .LBB2_8-.Ltmp3, $4  }
0xf8: {  	[tilespmem:s7+$0xFFFFFF30] =	vst v5;
	v5 =	vmul.f32 v10, v3;
	v7 =	vld [tilespmem:s7+$0xFFFFFFE0]  }
0xf9: {  	[tilespmem:s7+$0xFFFFFFB0] =	vst v6;
	v6 =	vmul.f32 v11, v2;
	v8 =	vld [tilespmem:s7+$0xFFFFFF70]  }
0xfa: {  	[tilespmem:s7+$0xFFFFFF40] =	vst v5;
	v11 =	vmul.f32 v12, v3;
	v5 =	vld [tilespmem:s7+$0xFFFFFF80]  }
0xfb: {  	s23 =	sadd.s32 $0x2, s23;
	[tilespmem:s7+$0xFFFFFFC0] =	vst v6;
	v10 =	vmul.f32 v13, v2;
	v6 =	vld [tilespmem:s7+$0x0]  }
0xfc: {  	[tilespmem:s22+$0xFFFFFF50] =	vst v11;
	v4 =	vmul.f32 v9, v3;
	v61 =	vld [tilespmem:s22+$0xFFFFFFF0]  }
0xfd: {  	s21 =	sadd.s32 $0x1, s21;
	[tilespmem:s22+$0xFFFFFFD0] =	vst v10;
	v7 =	vmul.f32 v7, v2  }
0xfe: {  	p1 =	sne.s32 s21, $0x5;
	[tilespmem:s22+$0xFFFFFF60] =	vst v4;
	v62 =	vmul.f32 v8, v3  }
.Ltmp4:
0xff: {  	[tilespmem:s22+$0xFFFFFFE0] =	vst v7;
	v3 =	vmul.f32 v5, v3;
	(pc) =	sbr.rel @p1 .LBB2_7-.Ltmp4, $4  }
0x100: {  	[tilespmem:s22+$0xFFFFFF70] =	vst v62;
	v63 =	vmul.f32 v6, v2  }
0x101: {  	v2 =	vmul.f32 v61, v2;
	[tilespmem:s22+$0xFFFFFF80] =	vst v3  }
0x102: {  	[tilespmem:s22+$0x0] =	vst v63  }
0x103: {  	s19 =	sadd.s32 $0x800, s19;
	[tilespmem:s22+$0xFFFFFFF0] =	vst v2  }
0x104: {  	s4 =	sand.u32 $0x3FFFFF80, s18  }
0x105: {  	s4 =	sadd.s32 $0x5600, s4  }
0x106: {  	[spmem:s2] =	stream.indirect.scatter.add.f32 [tilespmem:s29], [sflag:$0x2], $0x80, s4, s0, $0xb8;
	[tilespmem:$0x1F300] =	vst v63  }
0x107: {  	p1 =	sne.s32 @!p0 s17, $0x3  }
0x108: {  	[spmem:s3] =	stream.indirect.scatter.add.f32 [tilespmem:s26], [sflag:$0x2], $0x1, s4, s0, $0xb8;
	[tilespmem:$0x1F300] =	vst v63  }
0x109: {  	p0 =	por p0, p1;
	_ =	swait.ge [sflag:s6], $0x2800  }
.Ltmp5:
0x10a: {  	[sflag:s6] =	ssyncset.done $0x0;
	(pc) =	sbr.rel @!p0 .LBB2_11-.Ltmp5, $4  }
0x10b: {  	[sflag:s6] =	ssyncadd.s32 $0xFFFFD800  }
0x10c: {  	_ =	swait.ge [sflag:s6], $0x50  }
0x10d: {  	[sflag:s6] =	ssyncset.done $0x0  }
0x10e: {  	[sflag:s6] =	ssyncadd.s32 $0xFFFFFFB0  }
0x10f: {  	p0 =	seq.s32 s14, $0x3D  }
.Ltmp6:
0x110: {  	_ = 	snop;
	(pc) =	sbr.rel @!p0 .LBB2_13-.Ltmp6, $1  }
0x111: {  	_ =	sdelay $0x3  }
0x112: {  	_ =	swait.ge [sflag:s30], $0x2800  }
0x113: {  	s14 =	simm.s32 $0x0;
	[sflag:s30] =	ssyncset.done $0x0  }
0x114: {  	s16 =	simm.s32 $0x6100;
	s17 =	simm.s32 $0x0;
	[sflag:s30] =	ssyncadd.s32 $0xFFFFD800  }
.LBB2_15:
0x115: {  	s4 =	sshll.u32 s17, $0x4  }
0x116: {  	v1 =	vld [tilespmem:s4+$0x5300]  }
0x117: {  	v2 =	vld [tilespmem:s4+$0x5800];
	_ =	sdelay $0x6  }
0x118: {  	v1 =	vld.idx.msk [tilespmem:v1+s14+$0x0], $0xffff  }
0x119: {  	v2 =	vld.idx.msk [tilespmem:v2+s25+$0x0], $0xffff;
	_ =	sdelay $0x4  }
0x11a: {  	v1 =	vadd.f32 v2, v1;
	_ =	sdelay $0x1  }
0x11b: {  	v2 =	vmul.f32 $2.000000030e-01, v1  }
0x11c: {  	vm0 =	vgt.f32 v1, $0.0e+00  }
0x11d: {  	v1 =	vsel vm0, v1, v2  }
0x11e: {  	v1 =	vsub.f32 v1, v0;
	_ =	sdelay $0x1  }
0x11f: {  	v1 =	vmul.f32 $1.442695020e+00, v1;
	_ =	sdelay $0x1  }
0x120: {  	(erf) = vpow2.f32 v1;
	_ =	sdelay $0x6  }
0x121: {  	v1 =	vld [tilespmem:s4+$0x5D00];
	_ =	sdelay $0x1  }
0x122: {  	v2 =	vpop (erf)  }
0x123: {  	[tilespmem:s4+$0x6000] =	vst v2  }
0x124: {  	v4 =	vld [tilespmem:s16+$0xFFFFFF80]  }
0x125: {  	v3 =	vmul.f32 v2, v1;
	v5 =	vld [tilespmem:s16+$0x0]  }
0x126: {  	s28 =	simm.s32 $0x1;
	v1 =	vmov s14;
	v6 =	vld [tilespmem:s16+$0xFFFFFF90]  }
0x127: {  	v2 =	vmov s28;
	v7 =	vld [tilespmem:s16+$0x10];
	v1 =	vperm.xlane v3, v1  }
0x128: {  	v8 =	vld [tilespmem:s16+$0xFFFFFFA0];
	v2 =	vperm.xlane v3, v2  }
0x129: {  	v9 =	vld [tilespmem:s16+$0x20];
	v4 =	vmul.f32 v4, v1  }
0x12a: {  	v10 =	vld [tilespmem:s16+$0xFFFFFFB0];
	v5 =	vmul.f32 v5, v2  }
0x12b: {  	v11 =	vld [tilespmem:s16+$0x30];
	[tilespmem:s16+$0xFFFFFF80] =	vst v4;
	v4 =	vmul.f32 v6, v1  }
0x12c: {  	v12 =	vld [tilespmem:s16+$0xFFFFFFC0];
	[tilespmem:s16+$0x0] =	vst v5;
	v5 =	vmul.f32 v7, v2  }
0x12d: {  	v13 =	vld [tilespmem:s16+$0x40];
	[tilespmem:s16+$0xFFFFFF90] =	vst v4;
	v4 =	vmul.f32 v8, v1  }
0x12e: {  	[tilespmem:s16+$0x10] =	vst v5;
	v5 =	vmul.f32 v9, v2;
	v8 =	vld [tilespmem:s16+$0xFFFFFFD0]  }
0x12f: {  	v6 =	vld [tilespmem:s16+$0x50];
	[tilespmem:s16+$0xFFFFFFA0] =	vst v4;
	v4 =	vmul.f32 v10, v1  }
0x130: {  	v7 =	vld [tilespmem:s16+$0xFFFFFFE0];
	[tilespmem:s16+$0x20] =	vst v5;
	v5 =	vmul.f32 v11, v2  }
0x131: {  	v10 =	vmul.f32 v12, v1;
	[tilespmem:s16+$0xFFFFFFB0] =	vst v4;
	v4 =	vld [tilespmem:s16+$0x60]  }
0x132: {  	s19 =	simm.s32 $0x2;
	s18 =	smov.u32 s16;
	s7 =	smov.u32 s16;
	v9 =	vmul.f32 v13, v2;
	[tilespmem:s16+$0x30] =	vst v5;
	v5 =	vld [tilespmem:s16+$0x70]  }
.LBB2_16:
0x133: {  	p0 =	sne.s32 s19, $0xE;
	[tilespmem:s18+$0xFFFFFFC0] =	vst v10;
	v8 =	vmul.f32 v8, v1;
	v10 =	vld [tilespmem:s18+$0xFFFFFFF0];
	s7 =	sadd.s32 $0x100, s7  }
0x134: {  	v11 =	vld [tilespmem:s7+$0xFFFFFF80];
	[tilespmem:s18+$0x40] =	vst v9;
	v6 =	vmul.f32 v6, v2  }
0x135: {  	v9 =	vld [tilespmem:s7+$0x0];
	[tilespmem:s18+$0xFFFFFFD0] =	vst v8;
	v7 =	vmul.f32 v7, v1  }
0x136: {  	s4 =	sadd.s32 $0x1, s19;
	v8 =	vmov s19;
	v12 =	vld [tilespmem:s7+$0xFFFFFF90];
	[tilespmem:s18+$0x50] =	vst v6;
	v4 =	vmul.f32 v4, v2  }
0x137: {  	v6 =	vperm.xlane v3, v8;
	v8 =	vmov s4;
	v13 =	vld [tilespmem:s7+$0x10];
	[tilespmem:s18+$0xFFFFFFE0] =	vst v7;
	v5 =	vmul.f32 v5, v2  }
0x138: {  	v2 =	vperm.xlane v3, v8;
	v7 =	vld [tilespmem:s7+$0xFFFFFFA0];
	[tilespmem:s18+$0x60] =	vst v4;
	v4 =	vmul.f32 v10, v1  }
0x139: {  	v1 =	vmov v6;
	v8 =	vmul.f32 v11, v6;
	v10 =	vld [tilespmem:s7+$0x20];
	[tilespmem:s18+$0x70] =	vst v5  }
0x13a: {  	v5 =	vmul.f32 v9, v2;
	v6 =	vld [tilespmem:s7+$0xFFFFFFB0];
	[tilespmem:s18+$0xFFFFFFF0] =	vst v4;
	s18 =	smov.u32 s7  }
0x13b: {  	[tilespmem:s7+$0xFFFFFF80] =	vst v8;
	v4 =	vmul.f32 v12, v1;
	v9 =	vld [tilespmem:s7+$0x30]  }
0x13c: {  	[tilespmem:s7+$0x0] =	vst v5;
	v5 =	vmul.f32 v13, v2;
	v11 =	vld [tilespmem:s7+$0xFFFFFFC0]  }
0x13d: {  	[tilespmem:s7+$0xFFFFFF90] =	vst v4;
	v4 =	vmul.f32 v7, v1;
	v12 =	vld [tilespmem:s7+$0x40]  }
.Ltmp7:
0x13e: {  	[tilespmem:s7+$0x10] =	vst v5;
	v5 =	vmul.f32 v10, v2;
	v8 =	vld [tilespmem:s7+$0xFFFFFFD0];
	(pc) =	sbr.rel @p0 .LBB2_16-.Ltmp7, $4  }
0x13f: {  	[tilespmem:s7+$0xFFFFFFA0] =	vst v4;
	v4 =	vmul.f32 v6, v1;
	v6 =	vld [tilespmem:s7+$0x50]  }
0x140: {  	[tilespmem:s7+$0x20] =	vst v5;
	v5 =	vmul.f32 v9, v2;
	v7 =	vld [tilespmem:s7+$0xFFFFFFE0]  }
0x141: {  	[tilespmem:s7+$0xFFFFFFB0] =	vst v4;
	v10 =	vmul.f32 v11, v1;
	v4 =	vld [tilespmem:s7+$0x60]  }
0x142: {  	s19 =	sadd.s32 $0x2, s19;
	[tilespmem:s7+$0x30] =	vst v5;
	v9 =	vmul.f32 v12, v2;
	v5 =	vld [tilespmem:s7+$0x70]  }
0x143: {  	[tilespmem:s18+$0xFFFFFFC0] =	vst v10;
	v3 =	vmul.f32 v8, v1;
	v63 =	vld [tilespmem:s18+$0xFFFFFFF0]  }
0x144: {  	s17 =	sadd.s32 $0x1, s17;
	[tilespmem:s18+$0x40] =	vst v9;
	v6 =	vmul.f32 v6, v2  }
0x145: {  	p0 =	sne.s32 s17, $0x5;
	[tilespmem:s18+$0xFFFFFFD0] =	vst v3;
	v3 =	vmul.f32 v7, v1  }
.Ltmp8:
0x146: {  	[tilespmem:s18+$0x50] =	vst v6;
	v4 =	vmul.f32 v4, v2;
	(pc) =	sbr.rel @p0 .LBB2_15-.Ltmp8, $4  }
0x147: {  	[tilespmem:s18+$0xFFFFFFE0] =	vst v3;
	v2 =	vmul.f32 v5, v2  }
0x148: {  	[tilespmem:s18+$0x60] =	vst v4;
	v1 =	vmul.f32 v63, v1  }
0x149: {  	[tilespmem:s18+$0x70] =	vst v2  }
0x14a: {  	s16 =	sadd.s32 $0x800, s16;
	[tilespmem:s18+$0xFFFFFFF0] =	vst v1  }
0x14b: {  	s4 =	simm.s32 $0x5800  }
0x14c: {  	[spmem:s2] =	stream.indirect.scatter.add.f32 [tilespmem:s13], [sflag:$0x2], $0x80, s4, s0, $0xb8;
	[tilespmem:$0x1F300] =	vst v63  }
0x14d: {  	_ = 	snop  }
0x14e: {  	[spmem:s3] =	stream.indirect.scatter.add.f32 [tilespmem:s26], [sflag:$0x2], $0x1, s4, s0, $0xb8;
	[tilespmem:$0x1F300] =	vst v63  }
0x14f: {  	_ =	swait.ge [sflag:s6], $0x2800  }
0x150: {  	[sflag:s6] =	ssyncset.done $0x0  }
0x151: {  	[sflag:s6] =	ssyncadd.s32 $0xFFFFD800  }
0x152: {  	_ =	swait.ge [sflag:s6], $0x50  }
0x153: {  	[sflag:s6] =	ssyncset.done $0x0  }
0x154: {  	[sflag:s6] =	ssyncadd.s32 $0xFFFFFFB0  }
0x155: {  	[bflag:$0x0] =	sbarrier.arrive $0xFFFF  }
0x156: {  	s22 =	rddreg [dreg:$0x10]  }
0x157: {  	[hbm:s22], [sflag:s15] =	dma.local [spmem:s11], $0x2800  }
0x158: {  	_ =	swait.ge [sflag:s24], $0x2800  }
0x159: {  	[sflag:s24] =	ssyncset.done $0x0  }
0x15a: {  	s23 =	rddreg [dreg:$0x11];
	[sflag:s24] =	ssyncadd.s32 $0xFFFFD800  }
0x15b: {  	[hbm:s23], [sflag:s15] =	dma.local [spmem:s12], $0x50  }
0x15c: {  	_ =	swait.ge [sflag:s24], $0x50  }
0x15d: {  	s8 =	sadd.s32 $0x1, s8;
	s28 =	rddreg [dreg:$0xf]  }
0x15e: {  	p0 =	sne.s32 s8, s28  }
.Ltmp9:
0x15f: {  	_ = 	snop;
	(pc) =	sbr.rel @p0 .LBB2_1-.Ltmp9, $3  }
0x160: {  	_ =	sdelay $0x1  }
0x161: {  	[sflag:s24] =	ssyncset.done $0x0  }
0x162: {  	[sflag:s24] =	ssyncadd.s32 $0xFFFFFFB0  }
0x163: {  	_ =	sfence.sel $0x180000  }
0x164: {  	[bflag:$0x0] =	sbarrier.arrive $0xFFFF  }
0x165: {  	_ =	strace $0x90000047  }
0x166: {  	s0 =	stileid.u32;
	[bflag:$0x2] =	sbarrier.arrive $0xFFFF  }
0x167: {  	p0 =	sne.s32 s0, $0x0;
	s0 =	rddreg [dreg:$0x4]  }
0x168: {  	s0 =	sadd.s32 @!p0 $0x100000, s0  }
0x169: {  	[sflag:s0] =	ssyncadd.tile.s32 @!p0 $0x1;
	_ =	shalt  }
.Lfunc_end2:
_tile_overlayer_lowered:
.L_overlay_start_2:
0x16a: {  	(tag) =	ssettag $0x2  }
0x16b: {  	s0 =	rddreg [dreg:$0x0];
	s2 =	stileid.u32  }
0x16c: {  	s1 =	rddreg [dreg:$0x1];
	p0 =	sne.s32 s2, $0x0  }
0x16d: {  	s3 =	rddreg [dreg:$0x2];
	[bflag:$0x3] =	sbarrier.arrive $0xFFFF;
	s2 =	simm.s32 @!p0 $0x1C04  }
0x16e: {  	[timem:s3], [sflag:s2] =	dma.local @!p0 [hbm:s0], s1  }
0x16f: {  	s0 =	simm.s32 @!p0 $0x4  }
0x170: {  	_ =	swait.ge @!p0 [sflag:s0], s1  }
0x171: {  	s1 =	ssub.s32 @!p0 $0x0, s1;
	[sflag:s0] =	ssyncset.done @!p0 $0x0  }
0x172: {  	[sflag:s0] =	ssyncadd.s32 @!p0 s1  }
0x173: {  	[bflag:$0x3] =	sbarrier.arrive $0xFFFF  }
0x174: {  	_ =	shalt  }

</sc_bundles>
